<compile_context>
chip_gen: v7x
topology: tpu7x:2x2x1
jax: 0.10.2.dev20260603
libtpu: 0.0.44.dev20260713+nightly
codegen_flags: <defaults>
</compile_context>

<pallas_src>
import functools

import jax
import jax.numpy as jnp
from jax import lax
from jax.experimental import pallas as pl
from jax.experimental.pallas import tpu as pltpu
from jax.experimental.pallas import tpu_sc as plsc

NC = 2
NS = 16
L = 16
NW = NC * NS
BATCH = 16384
BPW = BATCH // NW
NCHUNK = 4
CHUNK = BPW // NCHUNK
DIM = 64
ROW = 2 * DIM


def _body(users_hbm, items_hbm, user_hbm, item_hbm, out_hbm,
          ud_v, id_v, ugidx_v, vgidx_v, uhalf_v, vhalf_v,
          urows_v, vrows_v, out_v, sem0, sem1):
    cid = lax.axis_index("c")
    sid = lax.axis_index("s")
    wid = sid * NC + cid
    base = wid * BPW

    pltpu.sync_copy(users_hbm.at[pl.ds(base, BPW)], ud_v)
    pltpu.sync_copy(items_hbm.at[pl.ds(base, BPW)], id_v)

    iota = lax.iota(jnp.int32, L)

    for j in range(NCHUNK):
        urow = ugidx_v.at[j]
        irow = vgidx_v.at[j]
        for k in range(CHUNK // L):
            off = j * CHUNK + k * L
            u16 = ud_v[pl.ds(off, L)]
            i16 = id_v[pl.ds(off, L)]
            urow[pl.ds(k * L, L)] = ((u16 >> 13) << 12) | (u16 & 4095)
            irow[pl.ds(k * L, L)] = ((i16 >> 13) << 12) | (i16 & 4095)
            uhalf_v[pl.ds(off, L)] = ((u16 >> 12) & 1) << 6
            vhalf_v[pl.ds(off, L)] = ((i16 >> 12) & 1) << 6

    sems = (sem0, sem1)

    def fire(j):
        b = j % 2
        return (
            pltpu.async_copy(user_hbm.at[ugidx_v.at[j]], urows_v.at[b],
                             sems[b]),
            pltpu.async_copy(item_hbm.at[vgidx_v.at[j]], vrows_v.at[b],
                             sems[b]),
        )

    copies = [None] * NCHUNK
    copies[0] = fire(0)
    for j in range(NCHUNK):
        if j + 1 < NCHUNK:
            copies[j + 1] = fire(j + 1)
        copies[j][0].wait()
        copies[j][1].wait()

        jb = j % 2
        jsplat = jnp.full((L,), jb, jnp.int32)

        def grp(g, _, j=j, jsplat=jsplat):
            rows = iota + g * L
            uh = uhalf_v[pl.ds(j * CHUNK + g * L, L)]
            vh = vhalf_v[pl.ds(j * CHUNK + g * L, L)]
            def dblk(d0, accs):
                accs = list(accs)
                for t in range(DIM // 2):
                    didx = (iota + (d0 * (DIM // 2) + t)) & (DIM - 1)
                    uu = plsc.load_gather(urows_v, [jsplat, rows, uh + didx])
                    vv = plsc.load_gather(vrows_v, [jsplat, rows, vh + didx])
                    accs[t % 4] = accs[t % 4] + uu * vv
                return tuple(accs)

            accs = lax.fori_loop(
                0, 2, dblk,
                tuple(jnp.zeros((L,), jnp.float32) for _ in range(4)))
            acc = (accs[0] + accs[1]) + (accs[2] + accs[3])
            res = 1.0 / (1.0 + jnp.exp(-acc))
            out_v[pl.ds(j * CHUNK + g * L, L)] = res
            return 0

        lax.fori_loop(0, CHUNK // L, grp, 0)

    pltpu.sync_copy(out_v, out_hbm.at[pl.ds(base, BPW)])


CB = 8192
NBLK = (100000 + CB - 1) // CB


def _convert_body(dt_ref, ut_ref, it_ref, us_ref, is_ref, u2_ref, i2_ref):
    h = CB // 2
    eye = jax.lax.broadcasted_iota(jnp.int32, (2 * DIM, 2 * DIM), 0)
    eye = (eye == jax.lax.broadcasted_iota(jnp.int32, (2 * DIM, 2 * DIM), 1))
    eye = eye.astype(jnp.float32)
    x = jnp.concatenate([ut_ref[...], it_ref[...]], axis=0)
    y = jax.lax.dot_general(
        x, eye, (((0,), (0,)), ((), ())),
        preferred_element_type=jnp.float32)
    u2_ref[:, 0:DIM] = y[0:h, 0:DIM]
    u2_ref[:, DIM:2 * DIM] = y[h:CB, 0:DIM]
    i2_ref[:, 0:DIM] = y[0:h, DIM:2 * DIM]
    i2_ref[:, DIM:2 * DIM] = y[h:CB, DIM:2 * DIM]

    @pl.when(pl.program_id(0) == 0)
    def _():
        us_ref[...] = dt_ref[0, :]
        is_ref[...] = dt_ref[1, :]


def _convert(dt, ut, it):
    in_spec = pl.BlockSpec((DIM, CB), lambda t: (0, t))
    out_spec = pl.BlockSpec((CB // 2, 2 * DIM), lambda t: (t, 0))
    return pl.pallas_call(
        _convert_body,
        grid=(NBLK,),
        in_specs=[pl.BlockSpec((2, BATCH), lambda t: (0, 0)),
                  in_spec, in_spec],
        out_specs=[pl.BlockSpec((BATCH,), lambda t: (0,)),
                   pl.BlockSpec((BATCH,), lambda t: (0,)),
                   out_spec, out_spec],
        out_shape=[jax.ShapeDtypeStruct((BATCH,), jnp.int32)] * 2
        + [jax.ShapeDtypeStruct((NBLK * CB // 2, 2 * DIM),
                                jnp.float32)] * 2,
        compiler_params=pltpu.CompilerParams(
            fuse_transposed_lhs_in_matmul=True),
    )(dt, ut, it)


@jax.jit
def kernel(data, user_embeds, item_embeds):
    mesh = plsc.VectorSubcoreMesh(core_axis_name="c", subcore_axis_name="s")
    f = functools.partial(
        pl.kernel,
        out_type=jax.ShapeDtypeStruct((BATCH,), jnp.float32),
        mesh=mesh,
        scratch_types=[
            pltpu.VMEM((BPW,), jnp.int32),
            pltpu.VMEM((BPW,), jnp.int32),
            pltpu.VMEM((NCHUNK, CHUNK), jnp.int32),
            pltpu.VMEM((NCHUNK, CHUNK), jnp.int32),
            pltpu.VMEM((BPW,), jnp.int32),
            pltpu.VMEM((BPW,), jnp.int32),
            pltpu.VMEM((2, CHUNK, ROW), jnp.float32),
            pltpu.VMEM((2, CHUNK, ROW), jnp.float32),
            pltpu.VMEM((BPW,), jnp.float32),
            pltpu.SemaphoreType.DMA,
            pltpu.SemaphoreType.DMA,
        ],
        compiler_params=pltpu.CompilerParams(
            needs_layout_passes=False, use_tc_tiling_on_sc=True),
    )(_body)
    us, its, u2, i2 = _convert(data.T, user_embeds.T, item_embeds.T)
    return f(us, its, u2, i2)

# --- scband reference (transcript-rebuilt; emitter-appended) ---
"""Pipeline reference for scband-ultra-gcn-65292092834261 (READ-ONLY COPY).

The authoritative reference and input builder live on the scoring server;
editing this copy changes nothing except your own understanding.
"""

import jax, jax.numpy as jnp
import numpy as np

USER_NUM = 100000
ITEM_NUM = 100000
EMBED_DIM = 64
BATCH = 16384


def setup_inputs(seed: int = 0) -> dict:
    key = jax.random.key(seed)
    k_data, k_u, k_i = jax.random.split(key, 3)
    data = jax.random.randint(k_data, (BATCH, 2), 0, USER_NUM, dtype=jnp.int64 if jax.config.jax_enable_x64 else jnp.int32).astype(jnp.int32)
    # xavier_normal init: std = sqrt(2 / (fan_in + fan_out))
    std_u = float(np.sqrt(2.0 / (USER_NUM + EMBED_DIM)))
    std_i = float(np.sqrt(2.0 / (ITEM_NUM + EMBED_DIM)))
    user_embeds = jax.random.normal(k_u, (USER_NUM, EMBED_DIM), dtype=jnp.float32) * std_u
    item_embeds = jax.random.normal(k_i, (ITEM_NUM, EMBED_DIM), dtype=jnp.float32) * std_i
    return {"data": data, "user_embeds": user_embeds, "item_embeds": item_embeds}


def reference(data, user_embeds, item_embeds):
    users = data[:, 0]
    items = data[:, 1]
    u = jnp.take(user_embeds, users, axis=0)
    v = jnp.take(item_embeds, items, axis=0)
    logits = jnp.sum(u * v, axis=-1)
    return jax.nn.sigmoid(logits)

if __name__ == "__main__":
    import jax
    _d = setup_inputs()
    print(jax.jit(kernel)(*tuple(_d.values())))

</pallas_src>

<mosaic_0001>
#map = affine_map<(d0, d1) -> (0)>
#map1 = affine_map<(d0, d1) -> (0, 0)>
module attributes {stable_mosaic.version = 14 : i64} {
  func.func @_body(%arg0: i32, %arg1: i32, %arg2: memref<16384xi32, #tpu.memory_space<hbm>>, %arg3: memref<16384xi32, #tpu.memory_space<hbm>>, %arg4: memref<53248x128xf32, #tpu.memory_space<hbm>>, %arg5: memref<53248x128xf32, #tpu.memory_space<hbm>>, %arg6: memref<16384xf32, #tpu.memory_space<hbm>>, %arg7: memref<512xi32, #tpu.memory_space<vmem>>, %arg8: memref<512xi32, #tpu.memory_space<vmem>>, %arg9: memref<4x128xi32, #tpu.memory_space<vmem>>, %arg10: memref<4x128xi32, #tpu.memory_space<vmem>>, %arg11: memref<512xi32, #tpu.memory_space<vmem>>, %arg12: memref<512xi32, #tpu.memory_space<vmem>>, %arg13: memref<2x128x128xf32, #tpu.memory_space<vmem>>, %arg14: memref<2x128x128xf32, #tpu.memory_space<vmem>>, %arg15: memref<512xf32, #tpu.memory_space<vmem>>, %arg16: memref<!tpu.dma_semaphore, #tpu.memory_space<semaphore_mem>>, %arg17: memref<!tpu.dma_semaphore, #tpu.memory_space<semaphore_mem>>) attributes {dimension_semantics = [#tpu.dimension_semantics<core_parallel>, #tpu.dimension_semantics<subcore_parallel>], iteration_bounds = array<i64: 2, 16>, scalar_prefetch = 0 : i64, scratch_operands = 11 : i64, tpu.core_type = #tpu.core_type<sc_vector_subcore>, window_params = [{transform_indices = #map}, {transform_indices = #map}, {transform_indices = #map1}, {transform_indices = #map1}, {transform_indices = #map}]} {
    %mul3A = arith.constant 2 : i32
    %mul3A_0 = arith.muli %arg1, %mul3A : i32
    %add3A = arith.addi %mul3A_0, %arg0 : i32
    %mul3A_1 = arith.constant 512 : i32
    %mul3A_2 = arith.muli %add3A, %mul3A_1 : i32
    "tpu.region"() ({
      %run_scoped3A = tpu.sem_alloc : memref<!tpu.dma_semaphore, #tpu.memory_space<semaphore_mem>>
      %dma_start3A_2077 = tpu.memref_slice %arg2[%mul3A_2] : memref<16384xi32, #tpu.memory_space<hbm>> -> memref<512xi32, #tpu.memory_space<hbm>>
      %dma_start3A_2078 = tpu.memref_slice %arg2[%mul3A_2] : memref<16384xi32, #tpu.memory_space<hbm>> -> memref<512xi32, #tpu.memory_space<hbm>>
      tpu.enqueue_dma source(%dma_start3A_2078 : memref<512xi32, #tpu.memory_space<hbm>>) target(%arg7 : memref<512xi32, #tpu.memory_space<vmem>>) target_semaphore(%run_scoped3A : memref<!tpu.dma_semaphore, #tpu.memory_space<semaphore_mem>>)
      %dma_wait3A_2079 = tpu.memref_slice %arg2[%mul3A_2] : memref<16384xi32, #tpu.memory_space<hbm>> -> memref<512xi32, #tpu.memory_space<hbm>>
      %dma_wait3A_2080 = tpu.memref_slice %arg2[%mul3A_2] : memref<16384xi32, #tpu.memory_space<hbm>> -> memref<512xi32, #tpu.memory_space<hbm>>
      tpu.wait_dma2 semaphore(%run_scoped3A : memref<!tpu.dma_semaphore, #tpu.memory_space<semaphore_mem>>) src(%dma_wait3A_2080 : memref<512xi32, #tpu.memory_space<hbm>>) dst(%arg7 : memref<512xi32, #tpu.memory_space<vmem>>)
      tpu.yield
    }) : () -> ()
    "tpu.region"() ({
      %run_scoped3A = tpu.sem_alloc : memref<!tpu.dma_semaphore, #tpu.memory_space<semaphore_mem>>
      %dma_start3A_2077 = tpu.memref_slice %arg3[%mul3A_2] : memref<16384xi32, #tpu.memory_space<hbm>> -> memref<512xi32, #tpu.memory_space<hbm>>
      %dma_start3A_2078 = tpu.memref_slice %arg3[%mul3A_2] : memref<16384xi32, #tpu.memory_space<hbm>> -> memref<512xi32, #tpu.memory_space<hbm>>
      tpu.enqueue_dma source(%dma_start3A_2078 : memref<512xi32, #tpu.memory_space<hbm>>) target(%arg8 : memref<512xi32, #tpu.memory_space<vmem>>) target_semaphore(%run_scoped3A : memref<!tpu.dma_semaphore, #tpu.memory_space<semaphore_mem>>)
      %dma_wait3A_2079 = tpu.memref_slice %arg3[%mul3A_2] : memref<16384xi32, #tpu.memory_space<hbm>> -> memref<512xi32, #tpu.memory_space<hbm>>
      %dma_wait3A_2080 = tpu.memref_slice %arg3[%mul3A_2] : memref<16384xi32, #tpu.memory_space<hbm>> -> memref<512xi32, #tpu.memory_space<hbm>>
      tpu.wait_dma2 semaphore(%run_scoped3A : memref<!tpu.dma_semaphore, #tpu.memory_space<semaphore_mem>>) src(%dma_wait3A_2080 : memref<512xi32, #tpu.memory_space<hbm>>) dst(%arg8 : memref<512xi32, #tpu.memory_space<vmem>>)
      tpu.yield
    }) : () -> ()
    %iota3A = tpu.iota {dimensions = array<i32: 0>} : vector<16xi32>
    %get3A = arith.constant 0 : index
    %get3A_3 = tpu.vector_load %arg7[%get3A] {strides = array<i32>} : memref<512xi32, #tpu.memory_space<vmem>>, vector<16xi32>,
    %get3A_4 = arith.constant 0 : index
    %get3A_5 = tpu.vector_load %arg8[%get3A_4] {strides = array<i32>} : memref<512xi32, #tpu.memory_space<vmem>>, vector<16xi32>,
    %shift_right_arithmetic3A = arith.constant 13 : i32
    %shift_right_arithmetic3A_6 = vector.broadcast %shift_right_arithmetic3A : i32 to vector<16xi32>
    %shift_right_arithmetic3A_7 = arith.shrsi %get3A_3, %shift_right_arithmetic3A_6 : vector<16xi32>
    %shift_left3A = arith.constant 12 : i32
    %shift_left3A_8 = vector.broadcast %shift_left3A : i32 to vector<16xi32>
    %shift_left3A_9 = arith.shli %shift_right_arithmetic3A_7, %shift_left3A_8 : vector<16xi32>
    %and3A = arith.constant 4095 : i32
    %and3A_10 = vector.broadcast %and3A : i32 to vector<16xi32>
    %and3A_11 = arith.andi %get3A_3, %and3A_10 : vector<16xi32>
    %or3A = arith.ori %shift_left3A_9, %and3A_11 : vector<16xi32>
    %swap3A = arith.constant 0 : i32
    %swap3A_12 = arith.constant 0 : i32
    %swap3A_13 = tpu.memref_slice %arg9[%swap3A, %swap3A_12] : memref<4x128xi32, #tpu.memory_space<vmem>> -> memref<1x128xi32, #tpu.memory_space<vmem>>
    %swap3A_14 = tpu.memref_squeeze %swap3A_13 : memref<1x128xi32, #tpu.memory_space<vmem>> -> memref<128xi32, #tpu.memory_space<vmem>>
    %swap3A_15 = arith.constant 0 : index
    %swap3A_16 = tpu.vector_load %swap3A_14[%swap3A_15] {strides = array<i32>} : memref<128xi32, #tpu.memory_space<vmem>>, vector<16xi32>,
    tpu.vector_store %swap3A_14[%swap3A_15], %or3A {strides = array<i32>} : memref<128xi32, #tpu.memory_space<vmem>>, vector<16xi32>,
    %shift_right_arithmetic3A_17 = arith.constant 13 : i32
    %shift_right_arithmetic3A_18 = vector.broadcast %shift_right_arithmetic3A_17 : i32 to vector<16xi32>
    %shift_right_arithmetic3A_19 = arith.shrsi %get3A_5, %shift_right_arithmetic3A_18 : vector<16xi32>
    %shift_left3A_20 = arith.constant 12 : i32
    %shift_left3A_21 = vector.broadcast %shift_left3A_20 : i32 to vector<16xi32>
    %shift_left3A_22 = arith.shli %shift_right_arithmetic3A_19, %shift_left3A_21 : vector<16xi32>
    %and3A_23 = arith.constant 4095 : i32
    %and3A_24 = vector.broadcast %and3A_23 : i32 to vector<16xi32>
    %and3A_25 = arith.andi %get3A_5, %and3A_24 : vector<16xi32>
    %or3A_26 = arith.ori %shift_left3A_22, %and3A_25 : vector<16xi32>
    %swap3A_27 = arith.constant 0 : i32
    %swap3A_28 = arith.constant 0 : i32
    %swap3A_29 = tpu.memref_slice %arg10[%swap3A_27, %swap3A_28] : memref<4x128xi32, #tpu.memory_space<vmem>> -> memref<1x128xi32, #tpu.memory_space<vmem>>
    %swap3A_30 = tpu.memref_squeeze %swap3A_29 : memref<1x128xi32, #tpu.memory_space<vmem>> -> memref<128xi32, #tpu.memory_space<vmem>>
    %swap3A_31 = arith.constant 0 : index
    %swap3A_32 = tpu.vector_load %swap3A_30[%swap3A_31] {strides = array<i32>} : memref<128xi32, #tpu.memory_space<vmem>>, vector<16xi32>,
    tpu.vector_store %swap3A_30[%swap3A_31], %or3A_26 {strides = array<i32>} : memref<128xi32, #tpu.memory_space<vmem>>, vector<16xi32>,
    %shift_right_arithmetic3A_33 = arith.constant 12 : i32
    %shift_right_arithmetic3A_34 = vector.broadcast %shift_right_arithmetic3A_33 : i32 to vector<16xi32>
    %shift_right_arithmetic3A_35 = arith.shrsi %get3A_3, %shift_right_arithmetic3A_34 : vector<16xi32>
    %and3A_36 = arith.constant 1 : i32
    %and3A_37 = vector.broadcast %and3A_36 : i32 to vector<16xi32>
    %and3A_38 = arith.andi %shift_right_arithmetic3A_35, %and3A_37 : vector<16xi32>
    %shift_left3A_39 = arith.constant 6 : i32
    %shift_left3A_40 = vector.broadcast %shift_left3A_39 : i32 to vector<16xi32>
    %shift_left3A_41 = arith.shli %and3A_38, %shift_left3A_40 : vector<16xi32>
    %swap3A_42 = arith.constant 0 : index
    %swap3A_43 = tpu.vector_load %arg11[%swap3A_42] {strides = array<i32>} : memref<512xi32, #tpu.memory_space<vmem>>, vector<16xi32>,
    tpu.vector_store %arg11[%swap3A_42], %shift_left3A_41 {strides = array<i32>} : memref<512xi32, #tpu.memory_space<vmem>>, vector<16xi32>,
    %shift_right_arithmetic3A_44 = arith.constant 12 : i32
    %shift_right_arithmetic3A_45 = vector.broadcast %shift_right_arithmetic3A_44 : i32 to vector<16xi32>
    %shift_right_arithmetic3A_46 = arith.shrsi %get3A_5, %shift_right_arithmetic3A_45 : vector<16xi32>
    %and3A_47 = arith.constant 1 : i32
    %and3A_48 = vector.broadcast %and3A_47 : i32 to vector<16xi32>
    %and3A_49 = arith.andi %shift_right_arithmetic3A_46, %and3A_48 : vector<16xi32>
    %shift_left3A_50 = arith.constant 6 : i32
    %shift_left3A_51 = vector.broadcast %shift_left3A_50 : i32 to vector<16xi32>
    %shift_left3A_52 = arith.shli %and3A_49, %shift_left3A_51 : vector<16xi32>
    %swap3A_53 = arith.constant 0 : index
    %swap3A_54 = tpu.vector_load %arg12[%swap3A_53] {strides = array<i32>} : memref<512xi32, #tpu.memory_space<vmem>>, vector<16xi32>,
    tpu.vector_store %arg12[%swap3A_53], %shift_left3A_52 {strides = array<i32>} : memref<512xi32, #tpu.memory_space<vmem>>, vector<16xi32>,
    %get3A_55 = arith.constant 16 : index
    %get3A_56 = tpu.vector_load %arg7[%get3A_55] {strides = array<i32>} : memref<512xi32, #tpu.memory_space<vmem>>, vector<16xi32>,
    %get3A_57 = arith.constant 16 : index
    %get3A_58 = tpu.vector_load %arg8[%get3A_57] {strides = array<i32>} : memref<512xi32, #tpu.memory_space<vmem>>, vector<16xi32>,
    %shift_right_arithmetic3A_59 = arith.constant 13 : i32
    %shift_right_arithmetic3A_60 = vector.broadcast %shift_right_arithmetic3A_59 : i32 to vector<16xi32>
    %shift_right_arithmetic3A_61 = arith.shrsi %get3A_56, %shift_right_arithmetic3A_60 : vector<16xi32>
    %shift_left3A_62 = arith.constant 12 : i32
    %shift_left3A_63 = vector.broadcast %shift_left3A_62 : i32 to vector<16xi32>
    %shift_left3A_64 = arith.shli %shift_right_arithmetic3A_61, %shift_left3A_63 : vector<16xi32>
    %and3A_65 = arith.constant 4095 : i32
    %and3A_66 = vector.broadcast %and3A_65 : i32 to vector<16xi32>
    %and3A_67 = arith.andi %get3A_56, %and3A_66 : vector<16xi32>
    %or3A_68 = arith.ori %shift_left3A_64, %and3A_67 : vector<16xi32>
    %swap3A_69 = arith.constant 0 : i32
    %swap3A_70 = arith.constant 0 : i32
    %swap3A_71 = tpu.memref_slice %arg9[%swap3A_69, %swap3A_70] : memref<4x128xi32, #tpu.memory_space<vmem>> -> memref<1x128xi32, #tpu.memory_space<vmem>>
    %swap3A_72 = tpu.memref_squeeze %swap3A_71 : memref<1x128xi32, #tpu.memory_space<vmem>> -> memref<128xi32, #tpu.memory_space<vmem>>
    %swap3A_73 = arith.constant 16 : index
    %swap3A_74 = tpu.vector_load %swap3A_72[%swap3A_73] {strides = array<i32>} : memref<128xi32, #tpu.memory_space<vmem>>, vector<16xi32>,
    tpu.vector_store %swap3A_72[%swap3A_73], %or3A_68 {strides = array<i32>} : memref<128xi32, #tpu.memory_space<vmem>>, vector<16xi32>,
    %shift_right_arithmetic3A_75 = arith.constant 13 : i32
    %shift_right_arithmetic3A_76 = vector.broadcast %shift_right_arithmetic3A_75 : i32 to vector<16xi32>
    %shift_right_arithmetic3A_77 = arith.shrsi %get3A_58, %shift_right_arithmetic3A_76 : vector<16xi32>
    %shift_left3A_78 = arith.constant 12 : i32
    %shift_left3A_79 = vector.broadcast %shift_left3A_78 : i32 to vector<16xi32>
    %shift_left3A_80 = arith.shli %shift_right_arithmetic3A_77, %shift_left3A_79 : vector<16xi32>
    %and3A_81 = arith.constant 4095 : i32
    %and3A_82 = vector.broadcast %and3A_81 : i32 to vector<16xi32>
    %and3A_83 = arith.andi %get3A_58, %and3A_82 : vector<16xi32>
    %or3A_84 = arith.ori %shift_left3A_80, %and3A_83 : vector<16xi32>
    %swap3A_85 = arith.constant 0 : i32
    %swap3A_86 = arith.constant 0 : i32
    %swap3A_87 = tpu.memref_slice %arg10[%swap3A_85, %swap3A_86] : memref<4x128xi32, #tpu.memory_space<vmem>> -> memref<1x128xi32, #tpu.memory_space<vmem>>
    %swap3A_88 = tpu.memref_squeeze %swap3A_87 : memref<1x128xi32, #tpu.memory_space<vmem>> -> memref<128xi32, #tpu.memory_space<vmem>>
    %swap3A_89 = arith.constant 16 : index
    %swap3A_90 = tpu.vector_load %swap3A_88[%swap3A_89] {strides = array<i32>} : memref<128xi32, #tpu.memory_space<vmem>>, vector<16xi32>,
    tpu.vector_store %swap3A_88[%swap3A_89], %or3A_84 {strides = array<i32>} : memref<128xi32, #tpu.memory_space<vmem>>, vector<16xi32>,
    %shift_right_arithmetic3A_91 = arith.constant 12 : i32
    %shift_right_arithmetic3A_92 = vector.broadcast %shift_right_arithmetic3A_91 : i32 to vector<16xi32>
    %shift_right_arithmetic3A_93 = arith.shrsi %get3A_56, %shift_right_arithmetic3A_92 : vector<16xi32>
    %and3A_94 = arith.constant 1 : i32
    %and3A_95 = vector.broadcast %and3A_94 : i32 to vector<16xi32>
    %and3A_96 = arith.andi %shift_right_arithmetic3A_93, %and3A_95 : vector<16xi32>
    %shift_left3A_97 = arith.constant 6 : i32
    %shift_left3A_98 = vector.broadcast %shift_left3A_97 : i32 to vector<16xi32>
    %shift_left3A_99 = arith.shli %and3A_96, %shift_left3A_98 : vector<16xi32>
    %swap3A_100 = arith.constant 16 : index
    %swap3A_101 = tpu.vector_load %arg11[%swap3A_100] {strides = array<i32>} : memref<512xi32, #tpu.memory_space<vmem>>, vector<16xi32>,
    tpu.vector_store %arg11[%swap3A_100], %shift_left3A_99 {strides = array<i32>} : memref<512xi32, #tpu.memory_space<vmem>>, vector<16xi32>,
    %shift_right_arithmetic3A_102 = arith.constant 12 : i32
    %shift_right_arithmetic3A_103 = vector.broadcast %shift_right_arithmetic3A_102 : i32 to vector<16xi32>
    %shift_right_arithmetic3A_104 = arith.shrsi %get3A_58, %shift_right_arithmetic3A_103 : vector<16xi32>
    %and3A_105 = arith.constant 1 : i32
    %and3A_106 = vector.broadcast %and3A_105 : i32 to vector<16xi32>
    %and3A_107 = arith.andi %shift_right_arithmetic3A_104, %and3A_106 : vector<16xi32>
    %shift_left3A_108 = arith.constant 6 : i32
    %shift_left3A_109 = vector.broadcast %shift_left3A_108 : i32 to vector<16xi32>
    %shift_left3A_110 = arith.shli %and3A_107, %shift_left3A_109 : vector<16xi32>
    %swap3A_111 = arith.constant 16 : index
    %swap3A_112 = tpu.vector_load %arg12[%swap3A_111] {strides = array<i32>} : memref<512xi32, #tpu.memory_space<vmem>>, vector<16xi32>,
    tpu.vector_store %arg12[%swap3A_111], %shift_left3A_110 {strides = array<i32>} : memref<512xi32, #tpu.memory_space<vmem>>, vector<16xi32>,
    %get3A_113 = arith.constant 32 : index
    %get3A_114 = tpu.vector_load %arg7[%get3A_113] {strides = array<i32>} : memref<512xi32, #tpu.memory_space<vmem>>, vector<16xi32>,
    %get3A_115 = arith.constant 32 : index
    %get3A_116 = tpu.vector_load %arg8[%get3A_115] {strides = array<i32>} : memref<512xi32, #tpu.memory_space<vmem>>, vector<16xi32>,
    %shift_right_arithmetic3A_117 = arith.constant 13 : i32
    %shift_right_arithmetic3A_118 = vector.broadcast %shift_right_arithmetic3A_117 : i32 to vector<16xi32>
    %shift_right_arithmetic3A_119 = arith.shrsi %get3A_114, %shift_right_arithmetic3A_118 : vector<16xi32>
    %shift_left3A_120 = arith.constant 12 : i32
    %shift_left3A_121 = vector.broadcast %shift_left3A_120 : i32 to vector<16xi32>
    %shift_left3A_122 = arith.shli %shift_right_arithmetic3A_119, %shift_left3A_121 : vector<16xi32>
    %and3A_123 = arith.constant 4095 : i32
    %and3A_124 = vector.broadcast %and3A_123 : i32 to vector<16xi32>
    %and3A_125 = arith.andi %get3A_114, %and3A_124 : vector<16xi32>
    %or3A_126 = arith.ori %shift_left3A_122, %and3A_125 : vector<16xi32>
    %swap3A_127 = arith.constant 0 : i32
    %swap3A_128 = arith.constant 0 : i32
    %swap3A_129 = tpu.memref_slice %arg9[%swap3A_127, %swap3A_128] : memref<4x128xi32, #tpu.memory_space<vmem>> -> memref<1x128xi32, #tpu.memory_space<vmem>>
    %swap3A_130 = tpu.memref_squeeze %swap3A_129 : memref<1x128xi32, #tpu.memory_space<vmem>> -> memref<128xi32, #tpu.memory_space<vmem>>
    %swap3A_131 = arith.constant 32 : index
    %swap3A_132 = tpu.vector_load %swap3A_130[%swap3A_131] {strides = array<i32>} : memref<128xi32, #tpu.memory_space<vmem>>, vector<16xi32>,
    tpu.vector_store %swap3A_130[%swap3A_131], %or3A_126 {strides = array<i32>} : memref<128xi32, #tpu.memory_space<vmem>>, vector<16xi32>,
    %shift_right_arithmetic3A_133 = arith.constant 13 : i32
    %shift_right_arithmetic3A_134 = vector.broadcast %shift_right_arithmetic3A_133 : i32 to vector<16xi32>
    %shift_right_arithmetic3A_135 = arith.shrsi %get3A_116, %shift_right_arithmetic3A_134 : vector<16xi32>
    %shift_left3A_136 = arith.constant 12 : i32
    %shift_left3A_137 = vector.broadcast %shift_left3A_136 : i32 to vector<16xi32>
    %shift_left3A_138 = arith.shli %shift_right_arithmetic3A_135, %shift_left3A_137 : vector<16xi32>
    %and3A_139 = arith.constant 4095 : i32
    %and3A_140 = vector.broadcast %and3A_139 : i32 to vector<16xi32>
    %and3A_141 = arith.andi %get3A_116, %and3A_140 : vector<16xi32>
    %or3A_142 = arith.ori %shift_left3A_138, %and3A_141 : vector<16xi32>
    %swap3A_143 = arith.constant 0 : i32
    %swap3A_144 = arith.constant 0 : i32
    %swap3A_145 = tpu.memref_slice %arg10[%swap3A_143, %swap3A_144] : memref<4x128xi32, #tpu.memory_space<vmem>> -> memref<1x128xi32, #tpu.memory_space<vmem>>
    %swap3A_146 = tpu.memref_squeeze %swap3A_145 : memref<1x128xi32, #tpu.memory_space<vmem>> -> memref<128xi32, #tpu.memory_space<vmem>>
    %swap3A_147 = arith.constant 32 : index
    %swap3A_148 = tpu.vector_load %swap3A_146[%swap3A_147] {strides = array<i32>} : memref<128xi32, #tpu.memory_space<vmem>>, vector<16xi32>,
    tpu.vector_store %swap3A_146[%swap3A_147], %or3A_142 {strides = array<i32>} : memref<128xi32, #tpu.memory_space<vmem>>, vector<16xi32>,
    %shift_right_arithmetic3A_149 = arith.constant 12 : i32
    %shift_right_arithmetic3A_150 = vector.broadcast %shift_right_arithmetic3A_149 : i32 to vector<16xi32>
    %shift_right_arithmetic3A_151 = arith.shrsi %get3A_114, %shift_right_arithmetic3A_150 : vector<16xi32>
    %and3A_152 = arith.constant 1 : i32
    %and3A_153 = vector.broadcast %and3A_152 : i32 to vector<16xi32>
    %and3A_154 = arith.andi %shift_right_arithmetic3A_151, %and3A_153 : vector<16xi32>
    %shift_left3A_155 = arith.constant 6 : i32
    %shift_left3A_156 = vector.broadcast %shift_left3A_155 : i32 to vector<16xi32>
    %shift_left3A_157 = arith.shli %and3A_154, %shift_left3A_156 : vector<16xi32>
    %swap3A_158 = arith.constant 32 : index
    %swap3A_159 = tpu.vector_load %arg11[%swap3A_158] {strides = array<i32>} : memref<512xi32, #tpu.memory_space<vmem>>, vector<16xi32>,
    tpu.vector_store %arg11[%swap3A_158], %shift_left3A_157 {strides = array<i32>} : memref<512xi32, #tpu.memory_space<vmem>>, vector<16xi32>,
    %shift_right_arithmetic3A_160 = arith.constant 12 : i32
    %shift_right_arithmetic3A_161 = vector.broadcast %shift_right_arithmetic3A_160 : i32 to vector<16xi32>
    %shift_right_arithmetic3A_162 = arith.shrsi %get3A_116, %shift_right_arithmetic3A_161 : vector<16xi32>
    %and3A_163 = arith.constant 1 : i32
    %and3A_164 = vector.broadcast %and3A_163 : i32 to vector<16xi32>
    %and3A_165 = arith.andi %shift_right_arithmetic3A_162, %and3A_164 : vector<16xi32>
    %shift_left3A_166 = arith.constant 6 : i32
    %shift_left3A_167 = vector.broadcast %shift_left3A_166 : i32 to vector<16xi32>
    %shift_left3A_168 = arith.shli %and3A_165, %shift_left3A_167 : vector<16xi32>
    %swap3A_169 = arith.constant 32 : index
    %swap3A_170 = tpu.vector_load %arg12[%swap3A_169] {strides = array<i32>} : memref<512xi32, #tpu.memory_space<vmem>>, vector<16xi32>,
    tpu.vector_store %arg12[%swap3A_169], %shift_left3A_168 {strides = array<i32>} : memref<512xi32, #tpu.memory_space<vmem>>, vector<16xi32>,
    %get3A_171 = arith.constant 48 : index
    %get3A_172 = tpu.vector_load %arg7[%get3A_171] {strides = array<i32>} : memref<512xi32, #tpu.memory_space<vmem>>, vector<16xi32>,
    %get3A_173 = arith.constant 48 : index
    %get3A_174 = tpu.vector_load %arg8[%get3A_173] {strides = array<i32>} : memref<512xi32, #tpu.memory_space<vmem>>, vector<16xi32>,
    %shift_right_arithmetic3A_175 = arith.constant 13 : i32
    %shift_right_arithmetic3A_176 = vector.broadcast %shift_right_arithmetic3A_175 : i32 to vector<16xi32>
    %shift_right_arithmetic3A_177 = arith.shrsi %get3A_172, %shift_right_arithmetic3A_176 : vector<16xi32>
    %shift_left3A_178 = arith.constant 12 : i32
    %shift_left3A_179 = vector.broadcast %shift_left3A_178 : i32 to vector<16xi32>
    %shift_left3A_180 = arith.shli %shift_right_arithmetic3A_177, %shift_left3A_179 : vector<16xi32>
    %and3A_181 = arith.constant 4095 : i32
    %and3A_182 = vector.broadcast %and3A_181 : i32 to vector<16xi32>
    %and3A_183 = arith.andi %get3A_172, %and3A_182 : vector<16xi32>
    %or3A_184 = arith.ori %shift_left3A_180, %and3A_183 : vector<16xi32>
    %swap3A_185 = arith.constant 0 : i32
    %swap3A_186 = arith.constant 0 : i32
    %swap3A_187 = tpu.memref_slice %arg9[%swap3A_185, %swap3A_186] : memref<4x128xi32, #tpu.memory_space<vmem>> -> memref<1x128xi32, #tpu.memory_space<vmem>>
    %swap3A_188 = tpu.memref_squeeze %swap3A_187 : memref<1x128xi32, #tpu.memory_space<vmem>> -> memref<128xi32, #tpu.memory_space<vmem>>
    %swap3A_189 = arith.constant 48 : index
    %swap3A_190 = tpu.vector_load %swap3A_188[%swap3A_189] {strides = array<i32>} : memref<128xi32, #tpu.memory_space<vmem>>, vector<16xi32>,
    tpu.vector_store %swap3A_188[%swap3A_189], %or3A_184 {strides = array<i32>} : memref<128xi32, #tpu.memory_space<vmem>>, vector<16xi32>,
    %shift_right_arithmetic3A_191 = arith.constant 13 : i32
    %shift_right_arithmetic3A_192 = vector.broadcast %shift_right_arithmetic3A_191 : i32 to vector<16xi32>
    %shift_right_arithmetic3A_193 = arith.shrsi %get3A_174, %shift_right_arithmetic3A_192 : vector<16xi32>
    %shift_left3A_194 = arith.constant 12 : i32
    %shift_left3A_195 = vector.broadcast %shift_left3A_194 : i32 to vector<16xi32>
    %shift_left3A_196 = arith.shli %shift_right_arithmetic3A_193, %shift_left3A_195 : vector<16xi32>
    %and3A_197 = arith.constant 4095 : i32
    %and3A_198 = vector.broadcast %and3A_197 : i32 to vector<16xi32>
    %and3A_199 = arith.andi %get3A_174, %and3A_198 : vector<16xi32>
    %or3A_200 = arith.ori %shift_left3A_196, %and3A_199 : vector<16xi32>
    %swap3A_201 = arith.constant 0 : i32
    %swap3A_202 = arith.constant 0 : i32
    %swap3A_203 = tpu.memref_slice %arg10[%swap3A_201, %swap3A_202] : memref<4x128xi32, #tpu.memory_space<vmem>> -> memref<1x128xi32, #tpu.memory_space<vmem>>
    %swap3A_204 = tpu.memref_squeeze %swap3A_203 : memref<1x128xi32, #tpu.memory_space<vmem>> -> memref<128xi32, #tpu.memory_space<vmem>>
    %swap3A_205 = arith.constant 48 : index
    %swap3A_206 = tpu.vector_load %swap3A_204[%swap3A_205] {strides = array<i32>} : memref<128xi32, #tpu.memory_space<vmem>>, vector<16xi32>,
    tpu.vector_store %swap3A_204[%swap3A_205], %or3A_200 {strides = array<i32>} : memref<128xi32, #tpu.memory_space<vmem>>, vector<16xi32>,
    %shift_right_arithmetic3A_207 = arith.constant 12 : i32
    %shift_right_arithmetic3A_208 = vector.broadcast %shift_right_arithmetic3A_207 : i32 to vector<16xi32>
    %shift_right_arithmetic3A_209 = arith.shrsi %get3A_172, %shift_right_arithmetic3A_208 : vector<16xi32>
    %and3A_210 = arith.constant 1 : i32
    %and3A_211 = vector.broadcast %and3A_210 : i32 to vector<16xi32>
    %and3A_212 = arith.andi %shift_right_arithmetic3A_209, %and3A_211 : vector<16xi32>
    %shift_left3A_213 = arith.constant 6 : i32
    %shift_left3A_214 = vector.broadcast %shift_left3A_213 : i32 to vector<16xi32>
    %shift_left3A_215 = arith.shli %and3A_212, %shift_left3A_214 : vector<16xi32>
    %swap3A_216 = arith.constant 48 : index
    %swap3A_217 = tpu.vector_load %arg11[%swap3A_216] {strides = array<i32>} : memref<512xi32, #tpu.memory_space<vmem>>, vector<16xi32>,
    tpu.vector_store %arg11[%swap3A_216], %shift_left3A_215 {strides = array<i32>} : memref<512xi32, #tpu.memory_space<vmem>>, vector<16xi32>,
    %shift_right_arithmetic3A_218 = arith.constant 12 : i32
    %shift_right_arithmetic3A_219 = vector.broadcast %shift_right_arithmetic3A_218 : i32 to vector<16xi32>
    %shift_right_arithmetic3A_220 = arith.shrsi %get3A_174, %shift_right_arithmetic3A_219 : vector<16xi32>
    %and3A_221 = arith.constant 1 : i32
    %and3A_222 = vector.broadcast %and3A_221 : i32 to vector<16xi32>
    %and3A_223 = arith.andi %shift_right_arithmetic3A_220, %and3A_222 : vector<16xi32>
    %shift_left3A_224 = arith.constant 6 : i32
    %shift_left3A_225 = vector.broadcast %shift_left3A_224 : i32 to vector<16xi32>
    %shift_left3A_226 = arith.shli %and3A_223, %shift_left3A_225 : vector<16xi32>
    %swap3A_227 = arith.constant 48 : index
    %swap3A_228 = tpu.vector_load %arg12[%swap3A_227] {strides = array<i32>} : memref<512xi32, #tpu.memory_space<vmem>>, vector<16xi32>,
    tpu.vector_store %arg12[%swap3A_227], %shift_left3A_226 {strides = array<i32>} : memref<512xi32, #tpu.memory_space<vmem>>, vector<16xi32>,
    %get3A_229 = arith.constant 64 : index
    %get3A_230 = tpu.vector_load %arg7[%get3A_229] {strides = array<i32>} : memref<512xi32, #tpu.memory_space<vmem>>, vector<16xi32>,
    %get3A_231 = arith.constant 64 : index
    %get3A_232 = tpu.vector_load %arg8[%get3A_231] {strides = array<i32>} : memref<512xi32, #tpu.memory_space<vmem>>, vector<16xi32>,
    %shift_right_arithmetic3A_233 = arith.constant 13 : i32
    %shift_right_arithmetic3A_234 = vector.broadcast %shift_right_arithmetic3A_233 : i32 to vector<16xi32>
    %shift_right_arithmetic3A_235 = arith.shrsi %get3A_230, %shift_right_arithmetic3A_234 : vector<16xi32>
    %shift_left3A_236 = arith.constant 12 : i32
    %shift_left3A_237 = vector.broadcast %shift_left3A_236 : i32 to vector<16xi32>
    %shift_left3A_238 = arith.shli %shift_right_arithmetic3A_235, %shift_left3A_237 : vector<16xi32>
    %and3A_239 = arith.constant 4095 : i32
    %and3A_240 = vector.broadcast %and3A_239 : i32 to vector<16xi32>
    %and3A_241 = arith.andi %get3A_230, %and3A_240 : vector<16xi32>
    %or3A_242 = arith.ori %shift_left3A_238, %and3A_241 : vector<16xi32>
    %swap3A_243 = arith.constant 0 : i32
    %swap3A_244 = arith.constant 0 : i32
    %swap3A_245 = tpu.memref_slice %arg9[%swap3A_243, %swap3A_244] : memref<4x128xi32, #tpu.memory_space<vmem>> -> memref<1x128xi32, #tpu.memory_space<vmem>>
    %swap3A_246 = tpu.memref_squeeze %swap3A_245 : memref<1x128xi32, #tpu.memory_space<vmem>> -> memref<128xi32, #tpu.memory_space<vmem>>
    %swap3A_247 = arith.constant 64 : index
    %swap3A_248 = tpu.vector_load %swap3A_246[%swap3A_247] {strides = array<i32>} : memref<128xi32, #tpu.memory_space<vmem>>, vector<16xi32>,
    tpu.vector_store %swap3A_246[%swap3A_247], %or3A_242 {strides = array<i32>} : memref<128xi32, #tpu.memory_space<vmem>>, vector<16xi32>,
    %shift_right_arithmetic3A_249 = arith.constant 13 : i32
    %shift_right_arithmetic3A_250 = vector.broadcast %shift_right_arithmetic3A_249 : i32 to vector<16xi32>
    %shift_right_arithmetic3A_251 = arith.shrsi %get3A_232, %shift_right_arithmetic3A_250 : vector<16xi32>
    %shift_left3A_252 = arith.constant 12 : i32
    %shift_left3A_253 = vector.broadcast %shift_left3A_252 : i32 to vector<16xi32>
    %shift_left3A_254 = arith.shli %shift_right_arithmetic3A_251, %shift_left3A_253 : vector<16xi32>
    %and3A_255 = arith.constant 4095 : i32
    %and3A_256 = vector.broadcast %and3A_255 : i32 to vector<16xi32>
    %and3A_257 = arith.andi %get3A_232, %and3A_256 : vector<16xi32>
    %or3A_258 = arith.ori %shift_left3A_254, %and3A_257 : vector<16xi32>
    %swap3A_259 = arith.constant 0 : i32
    %swap3A_260 = arith.constant 0 : i32
    %swap3A_261 = tpu.memref_slice %arg10[%swap3A_259, %swap3A_260] : memref<4x128xi32, #tpu.memory_space<vmem>> -> memref<1x128xi32, #tpu.memory_space<vmem>>
    %swap3A_262 = tpu.memref_squeeze %swap3A_261 : memref<1x128xi32, #tpu.memory_space<vmem>> -> memref<128xi32, #tpu.memory_space<vmem>>
    %swap3A_263 = arith.constant 64 : index
    %swap3A_264 = tpu.vector_load %swap3A_262[%swap3A_263] {strides = array<i32>} : memref<128xi32, #tpu.memory_space<vmem>>, vector<16xi32>,
    tpu.vector_store %swap3A_262[%swap3A_263], %or3A_258 {strides = array<i32>} : memref<128xi32, #tpu.memory_space<vmem>>, vector<16xi32>,
    %shift_right_arithmetic3A_265 = arith.constant 12 : i32
    %shift_right_arithmetic3A_266 = vector.broadcast %shift_right_arithmetic3A_265 : i32 to vector<16xi32>
    %shift_right_arithmetic3A_267 = arith.shrsi %get3A_230, %shift_right_arithmetic3A_266 : vector<16xi32>
    %and3A_268 = arith.constant 1 : i32
    %and3A_269 = vector.broadcast %and3A_268 : i32 to vector<16xi32>
    %and3A_270 = arith.andi %shift_right_arithmetic3A_267, %and3A_269 : vector<16xi32>
    %shift_left3A_271 = arith.constant 6 : i32
    %shift_left3A_272 = vector.broadcast %shift_left3A_271 : i32 to vector<16xi32>
    %shift_left3A_273 = arith.shli %and3A_270, %shift_left3A_272 : vector<16xi32>
    %swap3A_274 = arith.constant 64 : index
    %swap3A_275 = tpu.vector_load %arg11[%swap3A_274] {strides = array<i32>} : memref<512xi32, #tpu.memory_space<vmem>>, vector<16xi32>,
    tpu.vector_store %arg11[%swap3A_274], %shift_left3A_273 {strides = array<i32>} : memref<512xi32, #tpu.memory_space<vmem>>, vector<16xi32>,
    %shift_right_arithmetic3A_276 = arith.constant 12 : i32
    %shift_right_arithmetic3A_277 = vector.broadcast %shift_right_arithmetic3A_276 : i32 to vector<16xi32>
    %shift_right_arithmetic3A_278 = arith.shrsi %get3A_232, %shift_right_arithmetic3A_277 : vector<16xi32>
    %and3A_279 = arith.constant 1 : i32
    %and3A_280 = vector.broadcast %and3A_279 : i32 to vector<16xi32>
    %and3A_281 = arith.andi %shift_right_arithmetic3A_278, %and3A_280 : vector<16xi32>
    %shift_left3A_282 = arith.constant 6 : i32
    %shift_left3A_283 = vector.broadcast %shift_left3A_282 : i32 to vector<16xi32>
    %shift_left3A_284 = arith.shli %and3A_281, %shift_left3A_283 : vector<16xi32>
    %swap3A_285 = arith.constant 64 : index
    %swap3A_286 = tpu.vector_load %arg12[%swap3A_285] {strides = array<i32>} : memref<512xi32, #tpu.memory_space<vmem>>, vector<16xi32>,
    tpu.vector_store %arg12[%swap3A_285], %shift_left3A_284 {strides = array<i32>} : memref<512xi32, #tpu.memory_space<vmem>>, vector<16xi32>,
    %get3A_287 = arith.constant 80 : index
    %get3A_288 = tpu.vector_load %arg7[%get3A_287] {strides = array<i32>} : memref<512xi32, #tpu.memory_space<vmem>>, vector<16xi32>,
    %get3A_289 = arith.constant 80 : index
    %get3A_290 = tpu.vector_load %arg8[%get3A_289] {strides = array<i32>} : memref<512xi32, #tpu.memory_space<vmem>>, vector<16xi32>,
    %shift_right_arithmetic3A_291 = arith.constant 13 : i32
    %shift_right_arithmetic3A_292 = vector.broadcast %shift_right_arithmetic3A_291 : i32 to vector<16xi32>
    %shift_right_arithmetic3A_293 = arith.shrsi %get3A_288, %shift_right_arithmetic3A_292 : vector<16xi32>
    %shift_left3A_294 = arith.constant 12 : i32
    %shift_left3A_295 = vector.broadcast %shift_left3A_294 : i32 to vector<16xi32>
    %shift_left3A_296 = arith.shli %shift_right_arithmetic3A_293, %shift_left3A_295 : vector<16xi32>
    %and3A_297 = arith.constant 4095 : i32
    %and3A_298 = vector.broadcast %and3A_297 : i32 to vector<16xi32>
    %and3A_299 = arith.andi %get3A_288, %and3A_298 : vector<16xi32>
    %or3A_300 = arith.ori %shift_left3A_296, %and3A_299 : vector<16xi32>
    %swap3A_301 = arith.constant 0 : i32
    %swap3A_302 = arith.constant 0 : i32
    %swap3A_303 = tpu.memref_slice %arg9[%swap3A_301, %swap3A_302] : memref<4x128xi32, #tpu.memory_space<vmem>> -> memref<1x128xi32, #tpu.memory_space<vmem>>
    %swap3A_304 = tpu.memref_squeeze %swap3A_303 : memref<1x128xi32, #tpu.memory_space<vmem>> -> memref<128xi32, #tpu.memory_space<vmem>>
    %swap3A_305 = arith.constant 80 : index
    %swap3A_306 = tpu.vector_load %swap3A_304[%swap3A_305] {strides = array<i32>} : memref<128xi32, #tpu.memory_space<vmem>>, vector<16xi32>,
    tpu.vector_store %swap3A_304[%swap3A_305], %or3A_300 {strides = array<i32>} : memref<128xi32, #tpu.memory_space<vmem>>, vector<16xi32>,
    %shift_right_arithmetic3A_307 = arith.constant 13 : i32
    %shift_right_arithmetic3A_308 = vector.broadcast %shift_right_arithmetic3A_307 : i32 to vector<16xi32>
    %shift_right_arithmetic3A_309 = arith.shrsi %get3A_290, %shift_right_arithmetic3A_308 : vector<16xi32>
    %shift_left3A_310 = arith.constant 12 : i32
    %shift_left3A_311 = vector.broadcast %shift_left3A_310 : i32 to vector<16xi32>
    %shift_left3A_312 = arith.shli %shift_right_arithmetic3A_309, %shift_left3A_311 : vector<16xi32>
    %and3A_313 = arith.constant 4095 : i32
    %and3A_314 = vector.broadcast %and3A_313 : i32 to vector<16xi32>
    %and3A_315 = arith.andi %get3A_290, %and3A_314 : vector<16xi32>
    %or3A_316 = arith.ori %shift_left3A_312, %and3A_315 : vector<16xi32>
    %swap3A_317 = arith.constant 0 : i32
    %swap3A_318 = arith.constant 0 : i32
    %swap3A_319 = tpu.memref_slice %arg10[%swap3A_317, %swap3A_318] : memref<4x128xi32, #tpu.memory_space<vmem>> -> memref<1x128xi32, #tpu.memory_space<vmem>>
    %swap3A_320 = tpu.memref_squeeze %swap3A_319 : memref<1x128xi32, #tpu.memory_space<vmem>> -> memref<128xi32, #tpu.memory_space<vmem>>
    %swap3A_321 = arith.constant 80 : index
    %swap3A_322 = tpu.vector_load %swap3A_320[%swap3A_321] {strides = array<i32>} : memref<128xi32, #tpu.memory_space<vmem>>, vector<16xi32>,
    tpu.vector_store %swap3A_320[%swap3A_321], %or3A_316 {strides = array<i32>} : memref<128xi32, #tpu.memory_space<vmem>>, vector<16xi32>,
    %shift_right_arithmetic3A_323 = arith.constant 12 : i32
    %shift_right_arithmetic3A_324 = vector.broadcast %shift_right_arithmetic3A_323 : i32 to vector<16xi32>
    %shift_right_arithmetic3A_325 = arith.shrsi %get3A_288, %shift_right_arithmetic3A_324 : vector<16xi32>
    %and3A_326 = arith.constant 1 : i32
    %and3A_327 = vector.broadcast %and3A_326 : i32 to vector<16xi32>
    %and3A_328 = arith.andi %shift_right_arithmetic3A_325, %and3A_327 : vector<16xi32>
    %shift_left3A_329 = arith.constant 6 : i32
    %shift_left3A_330 = vector.broadcast %shift_left3A_329 : i32 to vector<16xi32>
    %shift_left3A_331 = arith.shli %and3A_328, %shift_left3A_330 : vector<16xi32>
    %swap3A_332 = arith.constant 80 : index
    %swap3A_333 = tpu.vector_load %arg11[%swap3A_332] {strides = array<i32>} : memref<512xi32, #tpu.memory_space<vmem>>, vector<16xi32>,
    tpu.vector_store %arg11[%swap3A_332], %shift_left3A_331 {strides = array<i32>} : memref<512xi32, #tpu.memory_space<vmem>>, vector<16xi32>,
    %shift_right_arithmetic3A_334 = arith.constant 12 : i32
    %shift_right_arithmetic3A_335 = vector.broadcast %shift_right_arithmetic3A_334 : i32 to vector<16xi32>
    %shift_right_arithmetic3A_336 = arith.shrsi %get3A_290, %shift_right_arithmetic3A_335 : vector<16xi32>
    %and3A_337 = arith.constant 1 : i32
    %and3A_338 = vector.broadcast %and3A_337 : i32 to vector<16xi32>
    %and3A_339 = arith.andi %shift_right_arithmetic3A_336, %and3A_338 : vector<16xi32>
    %shift_left3A_340 = arith.constant 6 : i32
    %shift_left3A_341 = vector.broadcast %shift_left3A_340 : i32 to vector<16xi32>
    %shift_left3A_342 = arith.shli %and3A_339, %shift_left3A_341 : vector<16xi32>
    %swap3A_343 = arith.constant 80 : index
    %swap3A_344 = tpu.vector_load %arg12[%swap3A_343] {strides = array<i32>} : memref<512xi32, #tpu.memory_space<vmem>>, vector<16xi32>,
    tpu.vector_store %arg12[%swap3A_343], %shift_left3A_342 {strides = array<i32>} : memref<512xi32, #tpu.memory_space<vmem>>, vector<16xi32>,
    %get3A_345 = arith.constant 96 : index
    %get3A_346 = tpu.vector_load %arg7[%get3A_345] {strides = array<i32>} : memref<512xi32, #tpu.memory_space<vmem>>, vector<16xi32>,
    %get3A_347 = arith.constant 96 : index
    %get3A_348 = tpu.vector_load %arg8[%get3A_347] {strides = array<i32>} : memref<512xi32, #tpu.memory_space<vmem>>, vector<16xi32>,
    %shift_right_arithmetic3A_349 = arith.constant 13 : i32
    %shift_right_arithmetic3A_350 = vector.broadcast %shift_right_arithmetic3A_349 : i32 to vector<16xi32>
    %shift_right_arithmetic3A_351 = arith.shrsi %get3A_346, %shift_right_arithmetic3A_350 : vector<16xi32>
    %shift_left3A_352 = arith.constant 12 : i32
    %shift_left3A_353 = vector.broadcast %shift_left3A_352 : i32 to vector<16xi32>
    %shift_left3A_354 = arith.shli %shift_right_arithmetic3A_351, %shift_left3A_353 : vector<16xi32>
    %and3A_355 = arith.constant 4095 : i32
    %and3A_356 = vector.broadcast %and3A_355 : i32 to vector<16xi32>
    %and3A_357 = arith.andi %get3A_346, %and3A_356 : vector<16xi32>
    %or3A_358 = arith.ori %shift_left3A_354, %and3A_357 : vector<16xi32>
    %swap3A_359 = arith.constant 0 : i32
    %swap3A_360 = arith.constant 0 : i32
    %swap3A_361 = tpu.memref_slice %arg9[%swap3A_359, %swap3A_360] : memref<4x128xi32, #tpu.memory_space<vmem>> -> memref<1x128xi32, #tpu.memory_space<vmem>>
    %swap3A_362 = tpu.memref_squeeze %swap3A_361 : memref<1x128xi32, #tpu.memory_space<vmem>> -> memref<128xi32, #tpu.memory_space<vmem>>
    %swap3A_363 = arith.constant 96 : index
    %swap3A_364 = tpu.vector_load %swap3A_362[%swap3A_363] {strides = array<i32>} : memref<128xi32, #tpu.memory_space<vmem>>, vector<16xi32>,
    tpu.vector_store %swap3A_362[%swap3A_363], %or3A_358 {strides = array<i32>} : memref<128xi32, #tpu.memory_space<vmem>>, vector<16xi32>,
    %shift_right_arithmetic3A_365 = arith.constant 13 : i32
    %shift_right_arithmetic3A_366 = vector.broadcast %shift_right_arithmetic3A_365 : i32 to vector<16xi32>
    %shift_right_arithmetic3A_367 = arith.shrsi %get3A_348, %shift_right_arithmetic3A_366 : vector<16xi32>
    %shift_left3A_368 = arith.constant 12 : i32
    %shift_left3A_369 = vector.broadcast %shift_left3A_368 : i32 to vector<16xi32>
    %shift_left3A_370 = arith.shli %shift_right_arithmetic3A_367, %shift_left3A_369 : vector<16xi32>
    %and3A_371 = arith.constant 4095 : i32
    %and3A_372 = vector.broadcast %and3A_371 : i32 to vector<16xi32>
    %and3A_373 = arith.andi %get3A_348, %and3A_372 : vector<16xi32>
    %or3A_374 = arith.ori %shift_left3A_370, %and3A_373 : vector<16xi32>
    %swap3A_375 = arith.constant 0 : i32
    %swap3A_376 = arith.constant 0 : i32
    %swap3A_377 = tpu.memref_slice %arg10[%swap3A_375, %swap3A_376] : memref<4x128xi32, #tpu.memory_space<vmem>> -> memref<1x128xi32, #tpu.memory_space<vmem>>
    %swap3A_378 = tpu.memref_squeeze %swap3A_377 : memref<1x128xi32, #tpu.memory_space<vmem>> -> memref<128xi32, #tpu.memory_space<vmem>>
    %swap3A_379 = arith.constant 96 : index
    %swap3A_380 = tpu.vector_load %swap3A_378[%swap3A_379] {strides = array<i32>} : memref<128xi32, #tpu.memory_space<vmem>>, vector<16xi32>,
    tpu.vector_store %swap3A_378[%swap3A_379], %or3A_374 {strides = array<i32>} : memref<128xi32, #tpu.memory_space<vmem>>, vector<16xi32>,
    %shift_right_arithmetic3A_381 = arith.constant 12 : i32
    %shift_right_arithmetic3A_382 = vector.broadcast %shift_right_arithmetic3A_381 : i32 to vector<16xi32>
    %shift_right_arithmetic3A_383 = arith.shrsi %get3A_346, %shift_right_arithmetic3A_382 : vector<16xi32>
    %and3A_384 = arith.constant 1 : i32
    %and3A_385 = vector.broadcast %and3A_384 : i32 to vector<16xi32>
    %and3A_386 = arith.andi %shift_right_arithmetic3A_383, %and3A_385 : vector<16xi32>
    %shift_left3A_387 = arith.constant 6 : i32
    %shift_left3A_388 = vector.broadcast %shift_left3A_387 : i32 to vector<16xi32>
    %shift_left3A_389 = arith.shli %and3A_386, %shift_left3A_388 : vector<16xi32>
    %swap3A_390 = arith.constant 96 : index
    %swap3A_391 = tpu.vector_load %arg11[%swap3A_390] {strides = array<i32>} : memref<512xi32, #tpu.memory_space<vmem>>, vector<16xi32>,
    tpu.vector_store %arg11[%swap3A_390], %shift_left3A_389 {strides = array<i32>} : memref<512xi32, #tpu.memory_space<vmem>>, vector<16xi32>,
    %shift_right_arithmetic3A_392 = arith.constant 12 : i32
    %shift_right_arithmetic3A_393 = vector.broadcast %shift_right_arithmetic3A_392 : i32 to vector<16xi32>
    %shift_right_arithmetic3A_394 = arith.shrsi %get3A_348, %shift_right_arithmetic3A_393 : vector<16xi32>
    %and3A_395 = arith.constant 1 : i32
    %and3A_396 = vector.broadcast %and3A_395 : i32 to vector<16xi32>
    %and3A_397 = arith.andi %shift_right_arithmetic3A_394, %and3A_396 : vector<16xi32>
    %shift_left3A_398 = arith.constant 6 : i32
    %shift_left3A_399 = vector.broadcast %shift_left3A_398 : i32 to vector<16xi32>
    %shift_left3A_400 = arith.shli %and3A_397, %shift_left3A_399 : vector<16xi32>
    %swap3A_401 = arith.constant 96 : index
    %swap3A_402 = tpu.vector_load %arg12[%swap3A_401] {strides = array<i32>} : memref<512xi32, #tpu.memory_space<vmem>>, vector<16xi32>,
    tpu.vector_store %arg12[%swap3A_401], %shift_left3A_400 {strides = array<i32>} : memref<512xi32, #tpu.memory_space<vmem>>, vector<16xi32>,
    %get3A_403 = arith.constant 112 : index
    %get3A_404 = tpu.vector_load %arg7[%get3A_403] {strides = array<i32>} : memref<512xi32, #tpu.memory_space<vmem>>, vector<16xi32>,
    %get3A_405 = arith.constant 112 : index
    %get3A_406 = tpu.vector_load %arg8[%get3A_405] {strides = array<i32>} : memref<512xi32, #tpu.memory_space<vmem>>, vector<16xi32>,
    %shift_right_arithmetic3A_407 = arith.constant 13 : i32
    %shift_right_arithmetic3A_408 = vector.broadcast %shift_right_arithmetic3A_407 : i32 to vector<16xi32>
    %shift_right_arithmetic3A_409 = arith.shrsi %get3A_404, %shift_right_arithmetic3A_408 : vector<16xi32>
    %shift_left3A_410 = arith.constant 12 : i32
    %shift_left3A_411 = vector.broadcast %shift_left3A_410 : i32 to vector<16xi32>
    %shift_left3A_412 = arith.shli %shift_right_arithmetic3A_409, %shift_left3A_411 : vector<16xi32>
    %and3A_413 = arith.constant 4095 : i32
    %and3A_414 = vector.broadcast %and3A_413 : i32 to vector<16xi32>
    %and3A_415 = arith.andi %get3A_404, %and3A_414 : vector<16xi32>
    %or3A_416 = arith.ori %shift_left3A_412, %and3A_415 : vector<16xi32>
    %swap3A_417 = arith.constant 0 : i32
    %swap3A_418 = arith.constant 0 : i32
    %swap3A_419 = tpu.memref_slice %arg9[%swap3A_417, %swap3A_418] : memref<4x128xi32, #tpu.memory_space<vmem>> -> memref<1x128xi32, #tpu.memory_space<vmem>>
    %swap3A_420 = tpu.memref_squeeze %swap3A_419 : memref<1x128xi32, #tpu.memory_space<vmem>> -> memref<128xi32, #tpu.memory_space<vmem>>
    %swap3A_421 = arith.constant 112 : index
    %swap3A_422 = tpu.vector_load %swap3A_420[%swap3A_421] {strides = array<i32>} : memref<128xi32, #tpu.memory_space<vmem>>, vector<16xi32>,
    tpu.vector_store %swap3A_420[%swap3A_421], %or3A_416 {strides = array<i32>} : memref<128xi32, #tpu.memory_space<vmem>>, vector<16xi32>,
    %shift_right_arithmetic3A_423 = arith.constant 13 : i32
    %shift_right_arithmetic3A_424 = vector.broadcast %shift_right_arithmetic3A_423 : i32 to vector<16xi32>
    %shift_right_arithmetic3A_425 = arith.shrsi %get3A_406, %shift_right_arithmetic3A_424 : vector<16xi32>
    %shift_left3A_426 = arith.constant 12 : i32
    %shift_left3A_427 = vector.broadcast %shift_left3A_426 : i32 to vector<16xi32>
    %shift_left3A_428 = arith.shli %shift_right_arithmetic3A_425, %shift_left3A_427 : vector<16xi32>
    %and3A_429 = arith.constant 4095 : i32
    %and3A_430 = vector.broadcast %and3A_429 : i32 to vector<16xi32>
    %and3A_431 = arith.andi %get3A_406, %and3A_430 : vector<16xi32>
    %or3A_432 = arith.ori %shift_left3A_428, %and3A_431 : vector<16xi32>
    %swap3A_433 = arith.constant 0 : i32
    %swap3A_434 = arith.constant 0 : i32
    %swap3A_435 = tpu.memref_slice %arg10[%swap3A_433, %swap3A_434] : memref<4x128xi32, #tpu.memory_space<vmem>> -> memref<1x128xi32, #tpu.memory_space<vmem>>
    %swap3A_436 = tpu.memref_squeeze %swap3A_435 : memref<1x128xi32, #tpu.memory_space<vmem>> -> memref<128xi32, #tpu.memory_space<vmem>>
    %swap3A_437 = arith.constant 112 : index
    %swap3A_438 = tpu.vector_load %swap3A_436[%swap3A_437] {strides = array<i32>} : memref<128xi32, #tpu.memory_space<vmem>>, vector<16xi32>,
    tpu.vector_store %swap3A_436[%swap3A_437], %or3A_432 {strides = array<i32>} : memref<128xi32, #tpu.memory_space<vmem>>, vector<16xi32>,
    %shift_right_arithmetic3A_439 = arith.constant 12 : i32
    %shift_right_arithmetic3A_440 = vector.broadcast %shift_right_arithmetic3A_439 : i32 to vector<16xi32>
    %shift_right_arithmetic3A_441 = arith.shrsi %get3A_404, %shift_right_arithmetic3A_440 : vector<16xi32>
    %and3A_442 = arith.constant 1 : i32
    %and3A_443 = vector.broadcast %and3A_442 : i32 to vector<16xi32>
    %and3A_444 = arith.andi %shift_right_arithmetic3A_441, %and3A_443 : vector<16xi32>
    %shift_left3A_445 = arith.constant 6 : i32
    %shift_left3A_446 = vector.broadcast %shift_left3A_445 : i32 to vector<16xi32>
    %shift_left3A_447 = arith.shli %and3A_444, %shift_left3A_446 : vector<16xi32>
    %swap3A_448 = arith.constant 112 : index
    %swap3A_449 = tpu.vector_load %arg11[%swap3A_448] {strides = array<i32>} : memref<512xi32, #tpu.memory_space<vmem>>, vector<16xi32>,
    tpu.vector_store %arg11[%swap3A_448], %shift_left3A_447 {strides = array<i32>} : memref<512xi32, #tpu.memory_space<vmem>>, vector<16xi32>,
    %shift_right_arithmetic3A_450 = arith.constant 12 : i32
    %shift_right_arithmetic3A_451 = vector.broadcast %shift_right_arithmetic3A_450 : i32 to vector<16xi32>
    %shift_right_arithmetic3A_452 = arith.shrsi %get3A_406, %shift_right_arithmetic3A_451 : vector<16xi32>
    %and3A_453 = arith.constant 1 : i32
    %and3A_454 = vector.broadcast %and3A_453 : i32 to vector<16xi32>
    %and3A_455 = arith.andi %shift_right_arithmetic3A_452, %and3A_454 : vector<16xi32>
    %shift_left3A_456 = arith.constant 6 : i32
    %shift_left3A_457 = vector.broadcast %shift_left3A_456 : i32 to vector<16xi32>
    %shift_left3A_458 = arith.shli %and3A_455, %shift_left3A_457 : vector<16xi32>
    %swap3A_459 = arith.constant 112 : index
    %swap3A_460 = tpu.vector_load %arg12[%swap3A_459] {strides = array<i32>} : memref<512xi32, #tpu.memory_space<vmem>>, vector<16xi32>,
    tpu.vector_store %arg12[%swap3A_459], %shift_left3A_458 {strides = array<i32>} : memref<512xi32, #tpu.memory_space<vmem>>, vector<16xi32>,
    %get3A_461 = arith.constant 128 : index
    %get3A_462 = tpu.vector_load %arg7[%get3A_461] {strides = array<i32>} : memref<512xi32, #tpu.memory_space<vmem>>, vector<16xi32>,
    %get3A_463 = arith.constant 128 : index
    %get3A_464 = tpu.vector_load %arg8[%get3A_463] {strides = array<i32>} : memref<512xi32, #tpu.memory_space<vmem>>, vector<16xi32>,
    %shift_right_arithmetic3A_465 = arith.constant 13 : i32
    %shift_right_arithmetic3A_466 = vector.broadcast %shift_right_arithmetic3A_465 : i32 to vector<16xi32>
    %shift_right_arithmetic3A_467 = arith.shrsi %get3A_462, %shift_right_arithmetic3A_466 : vector<16xi32>
    %shift_left3A_468 = arith.constant 12 : i32
    %shift_left3A_469 = vector.broadcast %shift_left3A_468 : i32 to vector<16xi32>
    %shift_left3A_470 = arith.shli %shift_right_arithmetic3A_467, %shift_left3A_469 : vector<16xi32>
    %and3A_471 = arith.constant 4095 : i32
    %and3A_472 = vector.broadcast %and3A_471 : i32 to vector<16xi32>
    %and3A_473 = arith.andi %get3A_462, %and3A_472 : vector<16xi32>
    %or3A_474 = arith.ori %shift_left3A_470, %and3A_473 : vector<16xi32>
    %swap3A_475 = arith.constant 1 : i32
    %swap3A_476 = arith.constant 0 : i32
    %swap3A_477 = tpu.memref_slice %arg9[%swap3A_475, %swap3A_476] : memref<4x128xi32, #tpu.memory_space<vmem>> -> memref<1x128xi32, #tpu.memory_space<vmem>>
    %swap3A_478 = tpu.memref_squeeze %swap3A_477 : memref<1x128xi32, #tpu.memory_space<vmem>> -> memref<128xi32, #tpu.memory_space<vmem>>
    %swap3A_479 = arith.constant 0 : index
    %swap3A_480 = tpu.vector_load %swap3A_478[%swap3A_479] {strides = array<i32>} : memref<128xi32, #tpu.memory_space<vmem>>, vector<16xi32>,
    tpu.vector_store %swap3A_478[%swap3A_479], %or3A_474 {strides = array<i32>} : memref<128xi32, #tpu.memory_space<vmem>>, vector<16xi32>,
    %shift_right_arithmetic3A_481 = arith.constant 13 : i32
    %shift_right_arithmetic3A_482 = vector.broadcast %shift_right_arithmetic3A_481 : i32 to vector<16xi32>
    %shift_right_arithmetic3A_483 = arith.shrsi %get3A_464, %shift_right_arithmetic3A_482 : vector<16xi32>
    %shift_left3A_484 = arith.constant 12 : i32
    %shift_left3A_485 = vector.broadcast %shift_left3A_484 : i32 to vector<16xi32>
    %shift_left3A_486 = arith.shli %shift_right_arithmetic3A_483, %shift_left3A_485 : vector<16xi32>
    %and3A_487 = arith.constant 4095 : i32
    %and3A_488 = vector.broadcast %and3A_487 : i32 to vector<16xi32>
    %and3A_489 = arith.andi %get3A_464, %and3A_488 : vector<16xi32>
    %or3A_490 = arith.ori %shift_left3A_486, %and3A_489 : vector<16xi32>
    %swap3A_491 = arith.constant 1 : i32
    %swap3A_492 = arith.constant 0 : i32
    %swap3A_493 = tpu.memref_slice %arg10[%swap3A_491, %swap3A_492] : memref<4x128xi32, #tpu.memory_space<vmem>> -> memref<1x128xi32, #tpu.memory_space<vmem>>
    %swap3A_494 = tpu.memref_squeeze %swap3A_493 : memref<1x128xi32, #tpu.memory_space<vmem>> -> memref<128xi32, #tpu.memory_space<vmem>>
    %swap3A_495 = arith.constant 0 : index
    %swap3A_496 = tpu.vector_load %swap3A_494[%swap3A_495] {strides = array<i32>} : memref<128xi32, #tpu.memory_space<vmem>>, vector<16xi32>,
    tpu.vector_store %swap3A_494[%swap3A_495], %or3A_490 {strides = array<i32>} : memref<128xi32, #tpu.memory_space<vmem>>, vector<16xi32>,
    %shift_right_arithmetic3A_497 = arith.constant 12 : i32
    %shift_right_arithmetic3A_498 = vector.broadcast %shift_right_arithmetic3A_497 : i32 to vector<16xi32>
    %shift_right_arithmetic3A_499 = arith.shrsi %get3A_462, %shift_right_arithmetic3A_498 : vector<16xi32>
    %and3A_500 = arith.constant 1 : i32
    %and3A_501 = vector.broadcast %and3A_500 : i32 to vector<16xi32>
    %and3A_502 = arith.andi %shift_right_arithmetic3A_499, %and3A_501 : vector<16xi32>
    %shift_left3A_503 = arith.constant 6 : i32
    %shift_left3A_504 = vector.broadcast %shift_left3A_503 : i32 to vector<16xi32>
    %shift_left3A_505 = arith.shli %and3A_502, %shift_left3A_504 : vector<16xi32>
    %swap3A_506 = arith.constant 128 : index
    %swap3A_507 = tpu.vector_load %arg11[%swap3A_506] {strides = array<i32>} : memref<512xi32, #tpu.memory_space<vmem>>, vector<16xi32>,
    tpu.vector_store %arg11[%swap3A_506], %shift_left3A_505 {strides = array<i32>} : memref<512xi32, #tpu.memory_space<vmem>>, vector<16xi32>,
    %shift_right_arithmetic3A_508 = arith.constant 12 : i32
    %shift_right_arithmetic3A_509 = vector.broadcast %shift_right_arithmetic3A_508 : i32 to vector<16xi32>
    %shift_right_arithmetic3A_510 = arith.shrsi %get3A_464, %shift_right_arithmetic3A_509 : vector<16xi32>
    %and3A_511 = arith.constant 1 : i32
    %and3A_512 = vector.broadcast %and3A_511 : i32 to vector<16xi32>
    %and3A_513 = arith.andi %shift_right_arithmetic3A_510, %and3A_512 : vector<16xi32>
    %shift_left3A_514 = arith.constant 6 : i32
    %shift_left3A_515 = vector.broadcast %shift_left3A_514 : i32 to vector<16xi32>
    %shift_left3A_516 = arith.shli %and3A_513, %shift_left3A_515 : vector<16xi32>
    %swap3A_517 = arith.constant 128 : index
    %swap3A_518 = tpu.vector_load %arg12[%swap3A_517] {strides = array<i32>} : memref<512xi32, #tpu.memory_space<vmem>>, vector<16xi32>,
    tpu.vector_store %arg12[%swap3A_517], %shift_left3A_516 {strides = array<i32>} : memref<512xi32, #tpu.memory_space<vmem>>, vector<16xi32>,
    %get3A_519 = arith.constant 144 : index
    %get3A_520 = tpu.vector_load %arg7[%get3A_519] {strides = array<i32>} : memref<512xi32, #tpu.memory_space<vmem>>, vector<16xi32>,
    %get3A_521 = arith.constant 144 : index
    %get3A_522 = tpu.vector_load %arg8[%get3A_521] {strides = array<i32>} : memref<512xi32, #tpu.memory_space<vmem>>, vector<16xi32>,
    %shift_right_arithmetic3A_523 = arith.constant 13 : i32
    %shift_right_arithmetic3A_524 = vector.broadcast %shift_right_arithmetic3A_523 : i32 to vector<16xi32>
    %shift_right_arithmetic3A_525 = arith.shrsi %get3A_520, %shift_right_arithmetic3A_524 : vector<16xi32>
    %shift_left3A_526 = arith.constant 12 : i32
    %shift_left3A_527 = vector.broadcast %shift_left3A_526 : i32 to vector<16xi32>
    %shift_left3A_528 = arith.shli %shift_right_arithmetic3A_525, %shift_left3A_527 : vector<16xi32>
    %and3A_529 = arith.constant 4095 : i32
    %and3A_530 = vector.broadcast %and3A_529 : i32 to vector<16xi32>
    %and3A_531 = arith.andi %get3A_520, %and3A_530 : vector<16xi32>
    %or3A_532 = arith.ori %shift_left3A_528, %and3A_531 : vector<16xi32>
    %swap3A_533 = arith.constant 1 : i32
    %swap3A_534 = arith.constant 0 : i32
    %swap3A_535 = tpu.memref_slice %arg9[%swap3A_533, %swap3A_534] : memref<4x128xi32, #tpu.memory_space<vmem>> -> memref<1x128xi32, #tpu.memory_space<vmem>>
    %swap3A_536 = tpu.memref_squeeze %swap3A_535 : memref<1x128xi32, #tpu.memory_space<vmem>> -> memref<128xi32, #tpu.memory_space<vmem>>
    %swap3A_537 = arith.constant 16 : index
    %swap3A_538 = tpu.vector_load %swap3A_536[%swap3A_537] {strides = array<i32>} : memref<128xi32, #tpu.memory_space<vmem>>, vector<16xi32>,
    tpu.vector_store %swap3A_536[%swap3A_537], %or3A_532 {strides = array<i32>} : memref<128xi32, #tpu.memory_space<vmem>>, vector<16xi32>,
    %shift_right_arithmetic3A_539 = arith.constant 13 : i32
    %shift_right_arithmetic3A_540 = vector.broadcast %shift_right_arithmetic3A_539 : i32 to vector<16xi32>
    %shift_right_arithmetic3A_541 = arith.shrsi %get3A_522, %shift_right_arithmetic3A_540 : vector<16xi32>
    %shift_left3A_542 = arith.constant 12 : i32
    %shift_left3A_543 = vector.broadcast %shift_left3A_542 : i32 to vector<16xi32>
    %shift_left3A_544 = arith.shli %shift_right_arithmetic3A_541, %shift_left3A_543 : vector<16xi32>
    %and3A_545 = arith.constant 4095 : i32
    %and3A_546 = vector.broadcast %and3A_545 : i32 to vector<16xi32>
    %and3A_547 = arith.andi %get3A_522, %and3A_546 : vector<16xi32>
    %or3A_548 = arith.ori %shift_left3A_544, %and3A_547 : vector<16xi32>
    %swap3A_549 = arith.constant 1 : i32
    %swap3A_550 = arith.constant 0 : i32
    %swap3A_551 = tpu.memref_slice %arg10[%swap3A_549, %swap3A_550] : memref<4x128xi32, #tpu.memory_space<vmem>> -> memref<1x128xi32, #tpu.memory_space<vmem>>
    %swap3A_552 = tpu.memref_squeeze %swap3A_551 : memref<1x128xi32, #tpu.memory_space<vmem>> -> memref<128xi32, #tpu.memory_space<vmem>>
    %swap3A_553 = arith.constant 16 : index
    %swap3A_554 = tpu.vector_load %swap3A_552[%swap3A_553] {strides = array<i32>} : memref<128xi32, #tpu.memory_space<vmem>>, vector<16xi32>,
    tpu.vector_store %swap3A_552[%swap3A_553], %or3A_548 {strides = array<i32>} : memref<128xi32, #tpu.memory_space<vmem>>, vector<16xi32>,
    %shift_right_arithmetic3A_555 = arith.constant 12 : i32
    %shift_right_arithmetic3A_556 = vector.broadcast %shift_right_arithmetic3A_555 : i32 to vector<16xi32>
    %shift_right_arithmetic3A_557 = arith.shrsi %get3A_520, %shift_right_arithmetic3A_556 : vector<16xi32>
    %and3A_558 = arith.constant 1 : i32
    %and3A_559 = vector.broadcast %and3A_558 : i32 to vector<16xi32>
    %and3A_560 = arith.andi %shift_right_arithmetic3A_557, %and3A_559 : vector<16xi32>
    %shift_left3A_561 = arith.constant 6 : i32
    %shift_left3A_562 = vector.broadcast %shift_left3A_561 : i32 to vector<16xi32>
    %shift_left3A_563 = arith.shli %and3A_560, %shift_left3A_562 : vector<16xi32>
    %swap3A_564 = arith.constant 144 : index
    %swap3A_565 = tpu.vector_load %arg11[%swap3A_564] {strides = array<i32>} : memref<512xi32, #tpu.memory_space<vmem>>, vector<16xi32>,
    tpu.vector_store %arg11[%swap3A_564], %shift_left3A_563 {strides = array<i32>} : memref<512xi32, #tpu.memory_space<vmem>>, vector<16xi32>,
    %shift_right_arithmetic3A_566 = arith.constant 12 : i32
    %shift_right_arithmetic3A_567 = vector.broadcast %shift_right_arithmetic3A_566 : i32 to vector<16xi32>
    %shift_right_arithmetic3A_568 = arith.shrsi %get3A_522, %shift_right_arithmetic3A_567 : vector<16xi32>
    %and3A_569 = arith.constant 1 : i32
    %and3A_570 = vector.broadcast %and3A_569 : i32 to vector<16xi32>
    %and3A_571 = arith.andi %shift_right_arithmetic3A_568, %and3A_570 : vector<16xi32>
    %shift_left3A_572 = arith.constant 6 : i32
    %shift_left3A_573 = vector.broadcast %shift_left3A_572 : i32 to vector<16xi32>
    %shift_left3A_574 = arith.shli %and3A_571, %shift_left3A_573 : vector<16xi32>
    %swap3A_575 = arith.constant 144 : index
    %swap3A_576 = tpu.vector_load %arg12[%swap3A_575] {strides = array<i32>} : memref<512xi32, #tpu.memory_space<vmem>>, vector<16xi32>,
    tpu.vector_store %arg12[%swap3A_575], %shift_left3A_574 {strides = array<i32>} : memref<512xi32, #tpu.memory_space<vmem>>, vector<16xi32>,
    %get3A_577 = arith.constant 160 : index
    %get3A_578 = tpu.vector_load %arg7[%get3A_577] {strides = array<i32>} : memref<512xi32, #tpu.memory_space<vmem>>, vector<16xi32>,
    %get3A_579 = arith.constant 160 : index
    %get3A_580 = tpu.vector_load %arg8[%get3A_579] {strides = array<i32>} : memref<512xi32, #tpu.memory_space<vmem>>, vector<16xi32>,
    %shift_right_arithmetic3A_581 = arith.constant 13 : i32
    %shift_right_arithmetic3A_582 = vector.broadcast %shift_right_arithmetic3A_581 : i32 to vector<16xi32>
    %shift_right_arithmetic3A_583 = arith.shrsi %get3A_578, %shift_right_arithmetic3A_582 : vector<16xi32>
    %shift_left3A_584 = arith.constant 12 : i32
    %shift_left3A_585 = vector.broadcast %shift_left3A_584 : i32 to vector<16xi32>
    %shift_left3A_586 = arith.shli %shift_right_arithmetic3A_583, %shift_left3A_585 : vector<16xi32>
    %and3A_587 = arith.constant 4095 : i32
    %and3A_588 = vector.broadcast %and3A_587 : i32 to vector<16xi32>
    %and3A_589 = arith.andi %get3A_578, %and3A_588 : vector<16xi32>
    %or3A_590 = arith.ori %shift_left3A_586, %and3A_589 : vector<16xi32>
    %swap3A_591 = arith.constant 1 : i32
    %swap3A_592 = arith.constant 0 : i32
    %swap3A_593 = tpu.memref_slice %arg9[%swap3A_591, %swap3A_592] : memref<4x128xi32, #tpu.memory_space<vmem>> -> memref<1x128xi32, #tpu.memory_space<vmem>>
    %swap3A_594 = tpu.memref_squeeze %swap3A_593 : memref<1x128xi32, #tpu.memory_space<vmem>> -> memref<128xi32, #tpu.memory_space<vmem>>
    %swap3A_595 = arith.constant 32 : index
    %swap3A_596 = tpu.vector_load %swap3A_594[%swap3A_595] {strides = array<i32>} : memref<128xi32, #tpu.memory_space<vmem>>, vector<16xi32>,
    tpu.vector_store %swap3A_594[%swap3A_595], %or3A_590 {strides = array<i32>} : memref<128xi32, #tpu.memory_space<vmem>>, vector<16xi32>,
    %shift_right_arithmetic3A_597 = arith.constant 13 : i32
    %shift_right_arithmetic3A_598 = vector.broadcast %shift_right_arithmetic3A_597 : i32 to vector<16xi32>
    %shift_right_arithmetic3A_599 = arith.shrsi %get3A_580, %shift_right_arithmetic3A_598 : vector<16xi32>
    %shift_left3A_600 = arith.constant 12 : i32
    %shift_left3A_601 = vector.broadcast %shift_left3A_600 : i32 to vector<16xi32>
    %shift_left3A_602 = arith.shli %shift_right_arithmetic3A_599, %shift_left3A_601 : vector<16xi32>
    %and3A_603 = arith.constant 4095 : i32
    %and3A_604 = vector.broadcast %and3A_603 : i32 to vector<16xi32>
    %and3A_605 = arith.andi %get3A_580, %and3A_604 : vector<16xi32>
    %or3A_606 = arith.ori %shift_left3A_602, %and3A_605 : vector<16xi32>
    %swap3A_607 = arith.constant 1 : i32
    %swap3A_608 = arith.constant 0 : i32
    %swap3A_609 = tpu.memref_slice %arg10[%swap3A_607, %swap3A_608] : memref<4x128xi32, #tpu.memory_space<vmem>> -> memref<1x128xi32, #tpu.memory_space<vmem>>
    %swap3A_610 = tpu.memref_squeeze %swap3A_609 : memref<1x128xi32, #tpu.memory_space<vmem>> -> memref<128xi32, #tpu.memory_space<vmem>>
    %swap3A_611 = arith.constant 32 : index
    %swap3A_612 = tpu.vector_load %swap3A_610[%swap3A_611] {strides = array<i32>} : memref<128xi32, #tpu.memory_space<vmem>>, vector<16xi32>,
    tpu.vector_store %swap3A_610[%swap3A_611], %or3A_606 {strides = array<i32>} : memref<128xi32, #tpu.memory_space<vmem>>, vector<16xi32>,
    %shift_right_arithmetic3A_613 = arith.constant 12 : i32
    %shift_right_arithmetic3A_614 = vector.broadcast %shift_right_arithmetic3A_613 : i32 to vector<16xi32>
    %shift_right_arithmetic3A_615 = arith.shrsi %get3A_578, %shift_right_arithmetic3A_614 : vector<16xi32>
    %and3A_616 = arith.constant 1 : i32
    %and3A_617 = vector.broadcast %and3A_616 : i32 to vector<16xi32>
    %and3A_618 = arith.andi %shift_right_arithmetic3A_615, %and3A_617 : vector<16xi32>
    %shift_left3A_619 = arith.constant 6 : i32
    %shift_left3A_620 = vector.broadcast %shift_left3A_619 : i32 to vector<16xi32>
    %shift_left3A_621 = arith.shli %and3A_618, %shift_left3A_620 : vector<16xi32>
    %swap3A_622 = arith.constant 160 : index
    %swap3A_623 = tpu.vector_load %arg11[%swap3A_622] {strides = array<i32>} : memref<512xi32, #tpu.memory_space<vmem>>, vector<16xi32>,
    tpu.vector_store %arg11[%swap3A_622], %shift_left3A_621 {strides = array<i32>} : memref<512xi32, #tpu.memory_space<vmem>>, vector<16xi32>,
    %shift_right_arithmetic3A_624 = arith.constant 12 : i32
    %shift_right_arithmetic3A_625 = vector.broadcast %shift_right_arithmetic3A_624 : i32 to vector<16xi32>
    %shift_right_arithmetic3A_626 = arith.shrsi %get3A_580, %shift_right_arithmetic3A_625 : vector<16xi32>
    %and3A_627 = arith.constant 1 : i32
    %and3A_628 = vector.broadcast %and3A_627 : i32 to vector<16xi32>
    %and3A_629 = arith.andi %shift_right_arithmetic3A_626, %and3A_628 : vector<16xi32>
    %shift_left3A_630 = arith.constant 6 : i32
    %shift_left3A_631 = vector.broadcast %shift_left3A_630 : i32 to vector<16xi32>
    %shift_left3A_632 = arith.shli %and3A_629, %shift_left3A_631 : vector<16xi32>
    %swap3A_633 = arith.constant 160 : index
    %swap3A_634 = tpu.vector_load %arg12[%swap3A_633] {strides = array<i32>} : memref<512xi32, #tpu.memory_space<vmem>>, vector<16xi32>,
    tpu.vector_store %arg12[%swap3A_633], %shift_left3A_632 {strides = array<i32>} : memref<512xi32, #tpu.memory_space<vmem>>, vector<16xi32>,
    %get3A_635 = arith.constant 176 : index
    %get3A_636 = tpu.vector_load %arg7[%get3A_635] {strides = array<i32>} : memref<512xi32, #tpu.memory_space<vmem>>, vector<16xi32>,
    %get3A_637 = arith.constant 176 : index
    %get3A_638 = tpu.vector_load %arg8[%get3A_637] {strides = array<i32>} : memref<512xi32, #tpu.memory_space<vmem>>, vector<16xi32>,
    %shift_right_arithmetic3A_639 = arith.constant 13 : i32
    %shift_right_arithmetic3A_640 = vector.broadcast %shift_right_arithmetic3A_639 : i32 to vector<16xi32>
    %shift_right_arithmetic3A_641 = arith.shrsi %get3A_636, %shift_right_arithmetic3A_640 : vector<16xi32>
    %shift_left3A_642 = arith.constant 12 : i32
    %shift_left3A_643 = vector.broadcast %shift_left3A_642 : i32 to vector<16xi32>
    %shift_left3A_644 = arith.shli %shift_right_arithmetic3A_641, %shift_left3A_643 : vector<16xi32>
    %and3A_645 = arith.constant 4095 : i32
    %and3A_646 = vector.broadcast %and3A_645 : i32 to vector<16xi32>
    %and3A_647 = arith.andi %get3A_636, %and3A_646 : vector<16xi32>
    %or3A_648 = arith.ori %shift_left3A_644, %and3A_647 : vector<16xi32>
    %swap3A_649 = arith.constant 1 : i32
    %swap3A_650 = arith.constant 0 : i32
    %swap3A_651 = tpu.memref_slice %arg9[%swap3A_649, %swap3A_650] : memref<4x128xi32, #tpu.memory_space<vmem>> -> memref<1x128xi32, #tpu.memory_space<vmem>>
    %swap3A_652 = tpu.memref_squeeze %swap3A_651 : memref<1x128xi32, #tpu.memory_space<vmem>> -> memref<128xi32, #tpu.memory_space<vmem>>
    %swap3A_653 = arith.constant 48 : index
    %swap3A_654 = tpu.vector_load %swap3A_652[%swap3A_653] {strides = array<i32>} : memref<128xi32, #tpu.memory_space<vmem>>, vector<16xi32>,
    tpu.vector_store %swap3A_652[%swap3A_653], %or3A_648 {strides = array<i32>} : memref<128xi32, #tpu.memory_space<vmem>>, vector<16xi32>,
    %shift_right_arithmetic3A_655 = arith.constant 13 : i32
    %shift_right_arithmetic3A_656 = vector.broadcast %shift_right_arithmetic3A_655 : i32 to vector<16xi32>
    %shift_right_arithmetic3A_657 = arith.shrsi %get3A_638, %shift_right_arithmetic3A_656 : vector<16xi32>
    %shift_left3A_658 = arith.constant 12 : i32
    %shift_left3A_659 = vector.broadcast %shift_left3A_658 : i32 to vector<16xi32>
    %shift_left3A_660 = arith.shli %shift_right_arithmetic3A_657, %shift_left3A_659 : vector<16xi32>
    %and3A_661 = arith.constant 4095 : i32
    %and3A_662 = vector.broadcast %and3A_661 : i32 to vector<16xi32>
    %and3A_663 = arith.andi %get3A_638, %and3A_662 : vector<16xi32>
    %or3A_664 = arith.ori %shift_left3A_660, %and3A_663 : vector<16xi32>
    %swap3A_665 = arith.constant 1 : i32
    %swap3A_666 = arith.constant 0 : i32
    %swap3A_667 = tpu.memref_slice %arg10[%swap3A_665, %swap3A_666] : memref<4x128xi32, #tpu.memory_space<vmem>> -> memref<1x128xi32, #tpu.memory_space<vmem>>
    %swap3A_668 = tpu.memref_squeeze %swap3A_667 : memref<1x128xi32, #tpu.memory_space<vmem>> -> memref<128xi32, #tpu.memory_space<vmem>>
    %swap3A_669 = arith.constant 48 : index
    %swap3A_670 = tpu.vector_load %swap3A_668[%swap3A_669] {strides = array<i32>} : memref<128xi32, #tpu.memory_space<vmem>>, vector<16xi32>,
    tpu.vector_store %swap3A_668[%swap3A_669], %or3A_664 {strides = array<i32>} : memref<128xi32, #tpu.memory_space<vmem>>, vector<16xi32>,
    %shift_right_arithmetic3A_671 = arith.constant 12 : i32
    %shift_right_arithmetic3A_672 = vector.broadcast %shift_right_arithmetic3A_671 : i32 to vector<16xi32>
    %shift_right_arithmetic3A_673 = arith.shrsi %get3A_636, %shift_right_arithmetic3A_672 : vector<16xi32>
    %and3A_674 = arith.constant 1 : i32
    %and3A_675 = vector.broadcast %and3A_674 : i32 to vector<16xi32>
    %and3A_676 = arith.andi %shift_right_arithmetic3A_673, %and3A_675 : vector<16xi32>
    %shift_left3A_677 = arith.constant 6 : i32
    %shift_left3A_678 = vector.broadcast %shift_left3A_677 : i32 to vector<16xi32>
    %shift_left3A_679 = arith.shli %and3A_676, %shift_left3A_678 : vector<16xi32>
    %swap3A_680 = arith.constant 176 : index
    %swap3A_681 = tpu.vector_load %arg11[%swap3A_680] {strides = array<i32>} : memref<512xi32, #tpu.memory_space<vmem>>, vector<16xi32>,
    tpu.vector_store %arg11[%swap3A_680], %shift_left3A_679 {strides = array<i32>} : memref<512xi32, #tpu.memory_space<vmem>>, vector<16xi32>,
    %shift_right_arithmetic3A_682 = arith.constant 12 : i32
    %shift_right_arithmetic3A_683 = vector.broadcast %shift_right_arithmetic3A_682 : i32 to vector<16xi32>
    %shift_right_arithmetic3A_684 = arith.shrsi %get3A_638, %shift_right_arithmetic3A_683 : vector<16xi32>
    %and3A_685 = arith.constant 1 : i32
    %and3A_686 = vector.broadcast %and3A_685 : i32 to vector<16xi32>
    %and3A_687 = arith.andi %shift_right_arithmetic3A_684, %and3A_686 : vector<16xi32>
    %shift_left3A_688 = arith.constant 6 : i32
    %shift_left3A_689 = vector.broadcast %shift_left3A_688 : i32 to vector<16xi32>
    %shift_left3A_690 = arith.shli %and3A_687, %shift_left3A_689 : vector<16xi32>
    %swap3A_691 = arith.constant 176 : index
    %swap3A_692 = tpu.vector_load %arg12[%swap3A_691] {strides = array<i32>} : memref<512xi32, #tpu.memory_space<vmem>>, vector<16xi32>,
    tpu.vector_store %arg12[%swap3A_691], %shift_left3A_690 {strides = array<i32>} : memref<512xi32, #tpu.memory_space<vmem>>, vector<16xi32>,
    %get3A_693 = arith.constant 192 : index
    %get3A_694 = tpu.vector_load %arg7[%get3A_693] {strides = array<i32>} : memref<512xi32, #tpu.memory_space<vmem>>, vector<16xi32>,
    %get3A_695 = arith.constant 192 : index
    %get3A_696 = tpu.vector_load %arg8[%get3A_695] {strides = array<i32>} : memref<512xi32, #tpu.memory_space<vmem>>, vector<16xi32>,
    %shift_right_arithmetic3A_697 = arith.constant 13 : i32
    %shift_right_arithmetic3A_698 = vector.broadcast %shift_right_arithmetic3A_697 : i32 to vector<16xi32>
    %shift_right_arithmetic3A_699 = arith.shrsi %get3A_694, %shift_right_arithmetic3A_698 : vector<16xi32>
    %shift_left3A_700 = arith.constant 12 : i32
    %shift_left3A_701 = vector.broadcast %shift_left3A_700 : i32 to vector<16xi32>
    %shift_left3A_702 = arith.shli %shift_right_arithmetic3A_699, %shift_left3A_701 : vector<16xi32>
    %and3A_703 = arith.constant 4095 : i32
    %and3A_704 = vector.broadcast %and3A_703 : i32 to vector<16xi32>
    %and3A_705 = arith.andi %get3A_694, %and3A_704 : vector<16xi32>
    %or3A_706 = arith.ori %shift_left3A_702, %and3A_705 : vector<16xi32>
    %swap3A_707 = arith.constant 1 : i32
    %swap3A_708 = arith.constant 0 : i32
    %swap3A_709 = tpu.memref_slice %arg9[%swap3A_707, %swap3A_708] : memref<4x128xi32, #tpu.memory_space<vmem>> -> memref<1x128xi32, #tpu.memory_space<vmem>>
    %swap3A_710 = tpu.memref_squeeze %swap3A_709 : memref<1x128xi32, #tpu.memory_space<vmem>> -> memref<128xi32, #tpu.memory_space<vmem>>
    %swap3A_711 = arith.constant 64 : index
    %swap3A_712 = tpu.vector_load %swap3A_710[%swap3A_711] {strides = array<i32>} : memref<128xi32, #tpu.memory_space<vmem>>, vector<16xi32>,
    tpu.vector_store %swap3A_710[%swap3A_711], %or3A_706 {strides = array<i32>} : memref<128xi32, #tpu.memory_space<vmem>>, vector<16xi32>,
    %shift_right_arithmetic3A_713 = arith.constant 13 : i32
    %shift_right_arithmetic3A_714 = vector.broadcast %shift_right_arithmetic3A_713 : i32 to vector<16xi32>
    %shift_right_arithmetic3A_715 = arith.shrsi %get3A_696, %shift_right_arithmetic3A_714 : vector<16xi32>
    %shift_left3A_716 = arith.constant 12 : i32
    %shift_left3A_717 = vector.broadcast %shift_left3A_716 : i32 to vector<16xi32>
    %shift_left3A_718 = arith.shli %shift_right_arithmetic3A_715, %shift_left3A_717 : vector<16xi32>
    %and3A_719 = arith.constant 4095 : i32
    %and3A_720 = vector.broadcast %and3A_719 : i32 to vector<16xi32>
    %and3A_721 = arith.andi %get3A_696, %and3A_720 : vector<16xi32>
    %or3A_722 = arith.ori %shift_left3A_718, %and3A_721 : vector<16xi32>
    %swap3A_723 = arith.constant 1 : i32
    %swap3A_724 = arith.constant 0 : i32
    %swap3A_725 = tpu.memref_slice %arg10[%swap3A_723, %swap3A_724] : memref<4x128xi32, #tpu.memory_space<vmem>> -> memref<1x128xi32, #tpu.memory_space<vmem>>
    %swap3A_726 = tpu.memref_squeeze %swap3A_725 : memref<1x128xi32, #tpu.memory_space<vmem>> -> memref<128xi32, #tpu.memory_space<vmem>>
    %swap3A_727 = arith.constant 64 : index
    %swap3A_728 = tpu.vector_load %swap3A_726[%swap3A_727] {strides = array<i32>} : memref<128xi32, #tpu.memory_space<vmem>>, vector<16xi32>,
    tpu.vector_store %swap3A_726[%swap3A_727], %or3A_722 {strides = array<i32>} : memref<128xi32, #tpu.memory_space<vmem>>, vector<16xi32>,
    %shift_right_arithmetic3A_729 = arith.constant 12 : i32
    %shift_right_arithmetic3A_730 = vector.broadcast %shift_right_arithmetic3A_729 : i32 to vector<16xi32>
    %shift_right_arithmetic3A_731 = arith.shrsi %get3A_694, %shift_right_arithmetic3A_730 : vector<16xi32>
    %and3A_732 = arith.constant 1 : i32
    %and3A_733 = vector.broadcast %and3A_732 : i32 to vector<16xi32>
    %and3A_734 = arith.andi %shift_right_arithmetic3A_731, %and3A_733 : vector<16xi32>
    %shift_left3A_735 = arith.constant 6 : i32
    %shift_left3A_736 = vector.broadcast %shift_left3A_735 : i32 to vector<16xi32>
    %shift_left3A_737 = arith.shli %and3A_734, %shift_left3A_736 : vector<16xi32>
    %swap3A_738 = arith.constant 192 : index
    %swap3A_739 = tpu.vector_load %arg11[%swap3A_738] {strides = array<i32>} : memref<512xi32, #tpu.memory_space<vmem>>, vector<16xi32>,
    tpu.vector_store %arg11[%swap3A_738], %shift_left3A_737 {strides = array<i32>} : memref<512xi32, #tpu.memory_space<vmem>>, vector<16xi32>,
    %shift_right_arithmetic3A_740 = arith.constant 12 : i32
    %shift_right_arithmetic3A_741 = vector.broadcast %shift_right_arithmetic3A_740 : i32 to vector<16xi32>
    %shift_right_arithmetic3A_742 = arith.shrsi %get3A_696, %shift_right_arithmetic3A_741 : vector<16xi32>
    %and3A_743 = arith.constant 1 : i32
    %and3A_744 = vector.broadcast %and3A_743 : i32 to vector<16xi32>
    %and3A_745 = arith.andi %shift_right_arithmetic3A_742, %and3A_744 : vector<16xi32>
    %shift_left3A_746 = arith.constant 6 : i32
    %shift_left3A_747 = vector.broadcast %shift_left3A_746 : i32 to vector<16xi32>
    %shift_left3A_748 = arith.shli %and3A_745, %shift_left3A_747 : vector<16xi32>
    %swap3A_749 = arith.constant 192 : index
    %swap3A_750 = tpu.vector_load %arg12[%swap3A_749] {strides = array<i32>} : memref<512xi32, #tpu.memory_space<vmem>>, vector<16xi32>,
    tpu.vector_store %arg12[%swap3A_749], %shift_left3A_748 {strides = array<i32>} : memref<512xi32, #tpu.memory_space<vmem>>, vector<16xi32>,
    %get3A_751 = arith.constant 208 : index
    %get3A_752 = tpu.vector_load %arg7[%get3A_751] {strides = array<i32>} : memref<512xi32, #tpu.memory_space<vmem>>, vector<16xi32>,
    %get3A_753 = arith.constant 208 : index
    %get3A_754 = tpu.vector_load %arg8[%get3A_753] {strides = array<i32>} : memref<512xi32, #tpu.memory_space<vmem>>, vector<16xi32>,
    %shift_right_arithmetic3A_755 = arith.constant 13 : i32
    %shift_right_arithmetic3A_756 = vector.broadcast %shift_right_arithmetic3A_755 : i32 to vector<16xi32>
    %shift_right_arithmetic3A_757 = arith.shrsi %get3A_752, %shift_right_arithmetic3A_756 : vector<16xi32>
    %shift_left3A_758 = arith.constant 12 : i32
    %shift_left3A_759 = vector.broadcast %shift_left3A_758 : i32 to vector<16xi32>
    %shift_left3A_760 = arith.shli %shift_right_arithmetic3A_757, %shift_left3A_759 : vector<16xi32>
    %and3A_761 = arith.constant 4095 : i32
    %and3A_762 = vector.broadcast %and3A_761 : i32 to vector<16xi32>
    %and3A_763 = arith.andi %get3A_752, %and3A_762 : vector<16xi32>
    %or3A_764 = arith.ori %shift_left3A_760, %and3A_763 : vector<16xi32>
    %swap3A_765 = arith.constant 1 : i32
    %swap3A_766 = arith.constant 0 : i32
    %swap3A_767 = tpu.memref_slice %arg9[%swap3A_765, %swap3A_766] : memref<4x128xi32, #tpu.memory_space<vmem>> -> memref<1x128xi32, #tpu.memory_space<vmem>>
    %swap3A_768 = tpu.memref_squeeze %swap3A_767 : memref<1x128xi32, #tpu.memory_space<vmem>> -> memref<128xi32, #tpu.memory_space<vmem>>
    %swap3A_769 = arith.constant 80 : index
    %swap3A_770 = tpu.vector_load %swap3A_768[%swap3A_769] {strides = array<i32>} : memref<128xi32, #tpu.memory_space<vmem>>, vector<16xi32>,
    tpu.vector_store %swap3A_768[%swap3A_769], %or3A_764 {strides = array<i32>} : memref<128xi32, #tpu.memory_space<vmem>>, vector<16xi32>,
    %shift_right_arithmetic3A_771 = arith.constant 13 : i32
    %shift_right_arithmetic3A_772 = vector.broadcast %shift_right_arithmetic3A_771 : i32 to vector<16xi32>
    %shift_right_arithmetic3A_773 = arith.shrsi %get3A_754, %shift_right_arithmetic3A_772 : vector<16xi32>
    %shift_left3A_774 = arith.constant 12 : i32
    %shift_left3A_775 = vector.broadcast %shift_left3A_774 : i32 to vector<16xi32>
    %shift_left3A_776 = arith.shli %shift_right_arithmetic3A_773, %shift_left3A_775 : vector<16xi32>
    %and3A_777 = arith.constant 4095 : i32
    %and3A_778 = vector.broadcast %and3A_777 : i32 to vector<16xi32>
    %and3A_779 = arith.andi %get3A_754, %and3A_778 : vector<16xi32>
    %or3A_780 = arith.ori %shift_left3A_776, %and3A_779 : vector<16xi32>
    %swap3A_781 = arith.constant 1 : i32
    %swap3A_782 = arith.constant 0 : i32
    %swap3A_783 = tpu.memref_slice %arg10[%swap3A_781, %swap3A_782] : memref<4x128xi32, #tpu.memory_space<vmem>> -> memref<1x128xi32, #tpu.memory_space<vmem>>
    %swap3A_784 = tpu.memref_squeeze %swap3A_783 : memref<1x128xi32, #tpu.memory_space<vmem>> -> memref<128xi32, #tpu.memory_space<vmem>>
    %swap3A_785 = arith.constant 80 : index
    %swap3A_786 = tpu.vector_load %swap3A_784[%swap3A_785] {strides = array<i32>} : memref<128xi32, #tpu.memory_space<vmem>>, vector<16xi32>,
    tpu.vector_store %swap3A_784[%swap3A_785], %or3A_780 {strides = array<i32>} : memref<128xi32, #tpu.memory_space<vmem>>, vector<16xi32>,
    %shift_right_arithmetic3A_787 = arith.constant 12 : i32
    %shift_right_arithmetic3A_788 = vector.broadcast %shift_right_arithmetic3A_787 : i32 to vector<16xi32>
    %shift_right_arithmetic3A_789 = arith.shrsi %get3A_752, %shift_right_arithmetic3A_788 : vector<16xi32>
    %and3A_790 = arith.constant 1 : i32
    %and3A_791 = vector.broadcast %and3A_790 : i32 to vector<16xi32>
    %and3A_792 = arith.andi %shift_right_arithmetic3A_789, %and3A_791 : vector<16xi32>
    %shift_left3A_793 = arith.constant 6 : i32
    %shift_left3A_794 = vector.broadcast %shift_left3A_793 : i32 to vector<16xi32>
    %shift_left3A_795 = arith.shli %and3A_792, %shift_left3A_794 : vector<16xi32>
    %swap3A_796 = arith.constant 208 : index
    %swap3A_797 = tpu.vector_load %arg11[%swap3A_796] {strides = array<i32>} : memref<512xi32, #tpu.memory_space<vmem>>, vector<16xi32>,
    tpu.vector_store %arg11[%swap3A_796], %shift_left3A_795 {strides = array<i32>} : memref<512xi32, #tpu.memory_space<vmem>>, vector<16xi32>,
    %shift_right_arithmetic3A_798 = arith.constant 12 : i32
    %shift_right_arithmetic3A_799 = vector.broadcast %shift_right_arithmetic3A_798 : i32 to vector<16xi32>
    %shift_right_arithmetic3A_800 = arith.shrsi %get3A_754, %shift_right_arithmetic3A_799 : vector<16xi32>
    %and3A_801 = arith.constant 1 : i32
    %and3A_802 = vector.broadcast %and3A_801 : i32 to vector<16xi32>
    %and3A_803 = arith.andi %shift_right_arithmetic3A_800, %and3A_802 : vector<16xi32>
    %shift_left3A_804 = arith.constant 6 : i32
    %shift_left3A_805 = vector.broadcast %shift_left3A_804 : i32 to vector<16xi32>
    %shift_left3A_806 = arith.shli %and3A_803, %shift_left3A_805 : vector<16xi32>
    %swap3A_807 = arith.constant 208 : index
    %swap3A_808 = tpu.vector_load %arg12[%swap3A_807] {strides = array<i32>} : memref<512xi32, #tpu.memory_space<vmem>>, vector<16xi32>,
    tpu.vector_store %arg12[%swap3A_807], %shift_left3A_806 {strides = array<i32>} : memref<512xi32, #tpu.memory_space<vmem>>, vector<16xi32>,
    %get3A_809 = arith.constant 224 : index
    %get3A_810 = tpu.vector_load %arg7[%get3A_809] {strides = array<i32>} : memref<512xi32, #tpu.memory_space<vmem>>, vector<16xi32>,
    %get3A_811 = arith.constant 224 : index
    %get3A_812 = tpu.vector_load %arg8[%get3A_811] {strides = array<i32>} : memref<512xi32, #tpu.memory_space<vmem>>, vector<16xi32>,
    %shift_right_arithmetic3A_813 = arith.constant 13 : i32
    %shift_right_arithmetic3A_814 = vector.broadcast %shift_right_arithmetic3A_813 : i32 to vector<16xi32>
    %shift_right_arithmetic3A_815 = arith.shrsi %get3A_810, %shift_right_arithmetic3A_814 : vector<16xi32>
    %shift_left3A_816 = arith.constant 12 : i32
    %shift_left3A_817 = vector.broadcast %shift_left3A_816 : i32 to vector<16xi32>
    %shift_left3A_818 = arith.shli %shift_right_arithmetic3A_815, %shift_left3A_817 : vector<16xi32>
    %and3A_819 = arith.constant 4095 : i32
    %and3A_820 = vector.broadcast %and3A_819 : i32 to vector<16xi32>
    %and3A_821 = arith.andi %get3A_810, %and3A_820 : vector<16xi32>
    %or3A_822 = arith.ori %shift_left3A_818, %and3A_821 : vector<16xi32>
    %swap3A_823 = arith.constant 1 : i32
    %swap3A_824 = arith.constant 0 : i32
    %swap3A_825 = tpu.memref_slice %arg9[%swap3A_823, %swap3A_824] : memref<4x128xi32, #tpu.memory_space<vmem>> -> memref<1x128xi32, #tpu.memory_space<vmem>>
    %swap3A_826 = tpu.memref_squeeze %swap3A_825 : memref<1x128xi32, #tpu.memory_space<vmem>> -> memref<128xi32, #tpu.memory_space<vmem>>
    %swap3A_827 = arith.constant 96 : index
    %swap3A_828 = tpu.vector_load %swap3A_826[%swap3A_827] {strides = array<i32>} : memref<128xi32, #tpu.memory_space<vmem>>, vector<16xi32>,
    tpu.vector_store %swap3A_826[%swap3A_827], %or3A_822 {strides = array<i32>} : memref<128xi32, #tpu.memory_space<vmem>>, vector<16xi32>,
    %shift_right_arithmetic3A_829 = arith.constant 13 : i32
    %shift_right_arithmetic3A_830 = vector.broadcast %shift_right_arithmetic3A_829 : i32 to vector<16xi32>
    %shift_right_arithmetic3A_831 = arith.shrsi %get3A_812, %shift_right_arithmetic3A_830 : vector<16xi32>
    %shift_left3A_832 = arith.constant 12 : i32
    %shift_left3A_833 = vector.broadcast %shift_left3A_832 : i32 to vector<16xi32>
    %shift_left3A_834 = arith.shli %shift_right_arithmetic3A_831, %shift_left3A_833 : vector<16xi32>
    %and3A_835 = arith.constant 4095 : i32
    %and3A_836 = vector.broadcast %and3A_835 : i32 to vector<16xi32>
    %and3A_837 = arith.andi %get3A_812, %and3A_836 : vector<16xi32>
    %or3A_838 = arith.ori %shift_left3A_834, %and3A_837 : vector<16xi32>
    %swap3A_839 = arith.constant 1 : i32
    %swap3A_840 = arith.constant 0 : i32
    %swap3A_841 = tpu.memref_slice %arg10[%swap3A_839, %swap3A_840] : memref<4x128xi32, #tpu.memory_space<vmem>> -> memref<1x128xi32, #tpu.memory_space<vmem>>
    %swap3A_842 = tpu.memref_squeeze %swap3A_841 : memref<1x128xi32, #tpu.memory_space<vmem>> -> memref<128xi32, #tpu.memory_space<vmem>>
    %swap3A_843 = arith.constant 96 : index
    %swap3A_844 = tpu.vector_load %swap3A_842[%swap3A_843] {strides = array<i32>} : memref<128xi32, #tpu.memory_space<vmem>>, vector<16xi32>,
    tpu.vector_store %swap3A_842[%swap3A_843], %or3A_838 {strides = array<i32>} : memref<128xi32, #tpu.memory_space<vmem>>, vector<16xi32>,
    %shift_right_arithmetic3A_845 = arith.constant 12 : i32
    %shift_right_arithmetic3A_846 = vector.broadcast %shift_right_arithmetic3A_845 : i32 to vector<16xi32>
    %shift_right_arithmetic3A_847 = arith.shrsi %get3A_810, %shift_right_arithmetic3A_846 : vector<16xi32>
    %and3A_848 = arith.constant 1 : i32
    %and3A_849 = vector.broadcast %and3A_848 : i32 to vector<16xi32>
    %and3A_850 = arith.andi %shift_right_arithmetic3A_847, %and3A_849 : vector<16xi32>
    %shift_left3A_851 = arith.constant 6 : i32
    %shift_left3A_852 = vector.broadcast %shift_left3A_851 : i32 to vector<16xi32>
    %shift_left3A_853 = arith.shli %and3A_850, %shift_left3A_852 : vector<16xi32>
    %swap3A_854 = arith.constant 224 : index
    %swap3A_855 = tpu.vector_load %arg11[%swap3A_854] {strides = array<i32>} : memref<512xi32, #tpu.memory_space<vmem>>, vector<16xi32>,
    tpu.vector_store %arg11[%swap3A_854], %shift_left3A_853 {strides = array<i32>} : memref<512xi32, #tpu.memory_space<vmem>>, vector<16xi32>,
    %shift_right_arithmetic3A_856 = arith.constant 12 : i32
    %shift_right_arithmetic3A_857 = vector.broadcast %shift_right_arithmetic3A_856 : i32 to vector<16xi32>
    %shift_right_arithmetic3A_858 = arith.shrsi %get3A_812, %shift_right_arithmetic3A_857 : vector<16xi32>
    %and3A_859 = arith.constant 1 : i32
    %and3A_860 = vector.broadcast %and3A_859 : i32 to vector<16xi32>
    %and3A_861 = arith.andi %shift_right_arithmetic3A_858, %and3A_860 : vector<16xi32>
    %shift_left3A_862 = arith.constant 6 : i32
    %shift_left3A_863 = vector.broadcast %shift_left3A_862 : i32 to vector<16xi32>
    %shift_left3A_864 = arith.shli %and3A_861, %shift_left3A_863 : vector<16xi32>
    %swap3A_865 = arith.constant 224 : index
    %swap3A_866 = tpu.vector_load %arg12[%swap3A_865] {strides = array<i32>} : memref<512xi32, #tpu.memory_space<vmem>>, vector<16xi32>,
    tpu.vector_store %arg12[%swap3A_865], %shift_left3A_864 {strides = array<i32>} : memref<512xi32, #tpu.memory_space<vmem>>, vector<16xi32>,
    %get3A_867 = arith.constant 240 : index
    %get3A_868 = tpu.vector_load %arg7[%get3A_867] {strides = array<i32>} : memref<512xi32, #tpu.memory_space<vmem>>, vector<16xi32>,
    %get3A_869 = arith.constant 240 : index
    %get3A_870 = tpu.vector_load %arg8[%get3A_869] {strides = array<i32>} : memref<512xi32, #tpu.memory_space<vmem>>, vector<16xi32>,
    %shift_right_arithmetic3A_871 = arith.constant 13 : i32
    %shift_right_arithmetic3A_872 = vector.broadcast %shift_right_arithmetic3A_871 : i32 to vector<16xi32>
    %shift_right_arithmetic3A_873 = arith.shrsi %get3A_868, %shift_right_arithmetic3A_872 : vector<16xi32>
    %shift_left3A_874 = arith.constant 12 : i32
    %shift_left3A_875 = vector.broadcast %shift_left3A_874 : i32 to vector<16xi32>
    %shift_left3A_876 = arith.shli %shift_right_arithmetic3A_873, %shift_left3A_875 : vector<16xi32>
    %and3A_877 = arith.constant 4095 : i32
    %and3A_878 = vector.broadcast %and3A_877 : i32 to vector<16xi32>
    %and3A_879 = arith.andi %get3A_868, %and3A_878 : vector<16xi32>
    %or3A_880 = arith.ori %shift_left3A_876, %and3A_879 : vector<16xi32>
    %swap3A_881 = arith.constant 1 : i32
    %swap3A_882 = arith.constant 0 : i32
    %swap3A_883 = tpu.memref_slice %arg9[%swap3A_881, %swap3A_882] : memref<4x128xi32, #tpu.memory_space<vmem>> -> memref<1x128xi32, #tpu.memory_space<vmem>>
    %swap3A_884 = tpu.memref_squeeze %swap3A_883 : memref<1x128xi32, #tpu.memory_space<vmem>> -> memref<128xi32, #tpu.memory_space<vmem>>
    %swap3A_885 = arith.constant 112 : index
    %swap3A_886 = tpu.vector_load %swap3A_884[%swap3A_885] {strides = array<i32>} : memref<128xi32, #tpu.memory_space<vmem>>, vector<16xi32>,
    tpu.vector_store %swap3A_884[%swap3A_885], %or3A_880 {strides = array<i32>} : memref<128xi32, #tpu.memory_space<vmem>>, vector<16xi32>,
    %shift_right_arithmetic3A_887 = arith.constant 13 : i32
    %shift_right_arithmetic3A_888 = vector.broadcast %shift_right_arithmetic3A_887 : i32 to vector<16xi32>
    %shift_right_arithmetic3A_889 = arith.shrsi %get3A_870, %shift_right_arithmetic3A_888 : vector<16xi32>
    %shift_left3A_890 = arith.constant 12 : i32
    %shift_left3A_891 = vector.broadcast %shift_left3A_890 : i32 to vector<16xi32>
    %shift_left3A_892 = arith.shli %shift_right_arithmetic3A_889, %shift_left3A_891 : vector<16xi32>
    %and3A_893 = arith.constant 4095 : i32
    %and3A_894 = vector.broadcast %and3A_893 : i32 to vector<16xi32>
    %and3A_895 = arith.andi %get3A_870, %and3A_894 : vector<16xi32>
    %or3A_896 = arith.ori %shift_left3A_892, %and3A_895 : vector<16xi32>
    %swap3A_897 = arith.constant 1 : i32
    %swap3A_898 = arith.constant 0 : i32
    %swap3A_899 = tpu.memref_slice %arg10[%swap3A_897, %swap3A_898] : memref<4x128xi32, #tpu.memory_space<vmem>> -> memref<1x128xi32, #tpu.memory_space<vmem>>
    %swap3A_900 = tpu.memref_squeeze %swap3A_899 : memref<1x128xi32, #tpu.memory_space<vmem>> -> memref<128xi32, #tpu.memory_space<vmem>>
    %swap3A_901 = arith.constant 112 : index
    %swap3A_902 = tpu.vector_load %swap3A_900[%swap3A_901] {strides = array<i32>} : memref<128xi32, #tpu.memory_space<vmem>>, vector<16xi32>,
    tpu.vector_store %swap3A_900[%swap3A_901], %or3A_896 {strides = array<i32>} : memref<128xi32, #tpu.memory_space<vmem>>, vector<16xi32>,
    %shift_right_arithmetic3A_903 = arith.constant 12 : i32
    %shift_right_arithmetic3A_904 = vector.broadcast %shift_right_arithmetic3A_903 : i32 to vector<16xi32>
    %shift_right_arithmetic3A_905 = arith.shrsi %get3A_868, %shift_right_arithmetic3A_904 : vector<16xi32>
    %and3A_906 = arith.constant 1 : i32
    %and3A_907 = vector.broadcast %and3A_906 : i32 to vector<16xi32>
    %and3A_908 = arith.andi %shift_right_arithmetic3A_905, %and3A_907 : vector<16xi32>
    %shift_left3A_909 = arith.constant 6 : i32
    %shift_left3A_910 = vector.broadcast %shift_left3A_909 : i32 to vector<16xi32>
    %shift_left3A_911 = arith.shli %and3A_908, %shift_left3A_910 : vector<16xi32>
    %swap3A_912 = arith.constant 240 : index
    %swap3A_913 = tpu.vector_load %arg11[%swap3A_912] {strides = array<i32>} : memref<512xi32, #tpu.memory_space<vmem>>, vector<16xi32>,
    tpu.vector_store %arg11[%swap3A_912], %shift_left3A_911 {strides = array<i32>} : memref<512xi32, #tpu.memory_space<vmem>>, vector<16xi32>,
    %shift_right_arithmetic3A_914 = arith.constant 12 : i32
    %shift_right_arithmetic3A_915 = vector.broadcast %shift_right_arithmetic3A_914 : i32 to vector<16xi32>
    %shift_right_arithmetic3A_916 = arith.shrsi %get3A_870, %shift_right_arithmetic3A_915 : vector<16xi32>
    %and3A_917 = arith.constant 1 : i32
    %and3A_918 = vector.broadcast %and3A_917 : i32 to vector<16xi32>
    %and3A_919 = arith.andi %shift_right_arithmetic3A_916, %and3A_918 : vector<16xi32>
    %shift_left3A_920 = arith.constant 6 : i32
    %shift_left3A_921 = vector.broadcast %shift_left3A_920 : i32 to vector<16xi32>
    %shift_left3A_922 = arith.shli %and3A_919, %shift_left3A_921 : vector<16xi32>
    %swap3A_923 = arith.constant 240 : index
    %swap3A_924 = tpu.vector_load %arg12[%swap3A_923] {strides = array<i32>} : memref<512xi32, #tpu.memory_space<vmem>>, vector<16xi32>,
    tpu.vector_store %arg12[%swap3A_923], %shift_left3A_922 {strides = array<i32>} : memref<512xi32, #tpu.memory_space<vmem>>, vector<16xi32>,
    %get3A_925 = arith.constant 256 : index
    %get3A_926 = tpu.vector_load %arg7[%get3A_925] {strides = array<i32>} : memref<512xi32, #tpu.memory_space<vmem>>, vector<16xi32>,
    %get3A_927 = arith.constant 256 : index
    %get3A_928 = tpu.vector_load %arg8[%get3A_927] {strides = array<i32>} : memref<512xi32, #tpu.memory_space<vmem>>, vector<16xi32>,
    %shift_right_arithmetic3A_929 = arith.constant 13 : i32
    %shift_right_arithmetic3A_930 = vector.broadcast %shift_right_arithmetic3A_929 : i32 to vector<16xi32>
    %shift_right_arithmetic3A_931 = arith.shrsi %get3A_926, %shift_right_arithmetic3A_930 : vector<16xi32>
    %shift_left3A_932 = arith.constant 12 : i32
    %shift_left3A_933 = vector.broadcast %shift_left3A_932 : i32 to vector<16xi32>
    %shift_left3A_934 = arith.shli %shift_right_arithmetic3A_931, %shift_left3A_933 : vector<16xi32>
    %and3A_935 = arith.constant 4095 : i32
    %and3A_936 = vector.broadcast %and3A_935 : i32 to vector<16xi32>
    %and3A_937 = arith.andi %get3A_926, %and3A_936 : vector<16xi32>
    %or3A_938 = arith.ori %shift_left3A_934, %and3A_937 : vector<16xi32>
    %swap3A_939 = arith.constant 2 : i32
    %swap3A_940 = arith.constant 0 : i32
    %swap3A_941 = tpu.memref_slice %arg9[%swap3A_939, %swap3A_940] : memref<4x128xi32, #tpu.memory_space<vmem>> -> memref<1x128xi32, #tpu.memory_space<vmem>>
    %swap3A_942 = tpu.memref_squeeze %swap3A_941 : memref<1x128xi32, #tpu.memory_space<vmem>> -> memref<128xi32, #tpu.memory_space<vmem>>
    %swap3A_943 = arith.constant 0 : index
    %swap3A_944 = tpu.vector_load %swap3A_942[%swap3A_943] {strides = array<i32>} : memref<128xi32, #tpu.memory_space<vmem>>, vector<16xi32>,
    tpu.vector_store %swap3A_942[%swap3A_943], %or3A_938 {strides = array<i32>} : memref<128xi32, #tpu.memory_space<vmem>>, vector<16xi32>,
    %shift_right_arithmetic3A_945 = arith.constant 13 : i32
    %shift_right_arithmetic3A_946 = vector.broadcast %shift_right_arithmetic3A_945 : i32 to vector<16xi32>
    %shift_right_arithmetic3A_947 = arith.shrsi %get3A_928, %shift_right_arithmetic3A_946 : vector<16xi32>
    %shift_left3A_948 = arith.constant 12 : i32
    %shift_left3A_949 = vector.broadcast %shift_left3A_948 : i32 to vector<16xi32>
    %shift_left3A_950 = arith.shli %shift_right_arithmetic3A_947, %shift_left3A_949 : vector<16xi32>
    %and3A_951 = arith.constant 4095 : i32
    %and3A_952 = vector.broadcast %and3A_951 : i32 to vector<16xi32>
    %and3A_953 = arith.andi %get3A_928, %and3A_952 : vector<16xi32>
    %or3A_954 = arith.ori %shift_left3A_950, %and3A_953 : vector<16xi32>
    %swap3A_955 = arith.constant 2 : i32
    %swap3A_956 = arith.constant 0 : i32
    %swap3A_957 = tpu.memref_slice %arg10[%swap3A_955, %swap3A_956] : memref<4x128xi32, #tpu.memory_space<vmem>> -> memref<1x128xi32, #tpu.memory_space<vmem>>
    %swap3A_958 = tpu.memref_squeeze %swap3A_957 : memref<1x128xi32, #tpu.memory_space<vmem>> -> memref<128xi32, #tpu.memory_space<vmem>>
    %swap3A_959 = arith.constant 0 : index
    %swap3A_960 = tpu.vector_load %swap3A_958[%swap3A_959] {strides = array<i32>} : memref<128xi32, #tpu.memory_space<vmem>>, vector<16xi32>,
    tpu.vector_store %swap3A_958[%swap3A_959], %or3A_954 {strides = array<i32>} : memref<128xi32, #tpu.memory_space<vmem>>, vector<16xi32>,
    %shift_right_arithmetic3A_961 = arith.constant 12 : i32
    %shift_right_arithmetic3A_962 = vector.broadcast %shift_right_arithmetic3A_961 : i32 to vector<16xi32>
    %shift_right_arithmetic3A_963 = arith.shrsi %get3A_926, %shift_right_arithmetic3A_962 : vector<16xi32>
    %and3A_964 = arith.constant 1 : i32
    %and3A_965 = vector.broadcast %and3A_964 : i32 to vector<16xi32>
    %and3A_966 = arith.andi %shift_right_arithmetic3A_963, %and3A_965 : vector<16xi32>
    %shift_left3A_967 = arith.constant 6 : i32
    %shift_left3A_968 = vector.broadcast %shift_left3A_967 : i32 to vector<16xi32>
    %shift_left3A_969 = arith.shli %and3A_966, %shift_left3A_968 : vector<16xi32>
    %swap3A_970 = arith.constant 256 : index
    %swap3A_971 = tpu.vector_load %arg11[%swap3A_970] {strides = array<i32>} : memref<512xi32, #tpu.memory_space<vmem>>, vector<16xi32>,
    tpu.vector_store %arg11[%swap3A_970], %shift_left3A_969 {strides = array<i32>} : memref<512xi32, #tpu.memory_space<vmem>>, vector<16xi32>,
    %shift_right_arithmetic3A_972 = arith.constant 12 : i32
    %shift_right_arithmetic3A_973 = vector.broadcast %shift_right_arithmetic3A_972 : i32 to vector<16xi32>
    %shift_right_arithmetic3A_974 = arith.shrsi %get3A_928, %shift_right_arithmetic3A_973 : vector<16xi32>
    %and3A_975 = arith.constant 1 : i32
    %and3A_976 = vector.broadcast %and3A_975 : i32 to vector<16xi32>
    %and3A_977 = arith.andi %shift_right_arithmetic3A_974, %and3A_976 : vector<16xi32>
    %shift_left3A_978 = arith.constant 6 : i32
    %shift_left3A_979 = vector.broadcast %shift_left3A_978 : i32 to vector<16xi32>
    %shift_left3A_980 = arith.shli %and3A_977, %shift_left3A_979 : vector<16xi32>
    %swap3A_981 = arith.constant 256 : index
    %swap3A_982 = tpu.vector_load %arg12[%swap3A_981] {strides = array<i32>} : memref<512xi32, #tpu.memory_space<vmem>>, vector<16xi32>,
    tpu.vector_store %arg12[%swap3A_981], %shift_left3A_980 {strides = array<i32>} : memref<512xi32, #tpu.memory_space<vmem>>, vector<16xi32>,
    %get3A_983 = arith.constant 272 : index
    %get3A_984 = tpu.vector_load %arg7[%get3A_983] {strides = array<i32>} : memref<512xi32, #tpu.memory_space<vmem>>, vector<16xi32>,
    %get3A_985 = arith.constant 272 : index
    %get3A_986 = tpu.vector_load %arg8[%get3A_985] {strides = array<i32>} : memref<512xi32, #tpu.memory_space<vmem>>, vector<16xi32>,
    %shift_right_arithmetic3A_987 = arith.constant 13 : i32
    %shift_right_arithmetic3A_988 = vector.broadcast %shift_right_arithmetic3A_987 : i32 to vector<16xi32>
    %shift_right_arithmetic3A_989 = arith.shrsi %get3A_984, %shift_right_arithmetic3A_988 : vector<16xi32>
    %shift_left3A_990 = arith.constant 12 : i32
    %shift_left3A_991 = vector.broadcast %shift_left3A_990 : i32 to vector<16xi32>
    %shift_left3A_992 = arith.shli %shift_right_arithmetic3A_989, %shift_left3A_991 : vector<16xi32>
    %and3A_993 = arith.constant 4095 : i32
    %and3A_994 = vector.broadcast %and3A_993 : i32 to vector<16xi32>
    %and3A_995 = arith.andi %get3A_984, %and3A_994 : vector<16xi32>
    %or3A_996 = arith.ori %shift_left3A_992, %and3A_995 : vector<16xi32>
    %swap3A_997 = arith.constant 2 : i32
    %swap3A_998 = arith.constant 0 : i32
    %swap3A_999 = tpu.memref_slice %arg9[%swap3A_997, %swap3A_998] : memref<4x128xi32, #tpu.memory_space<vmem>> -> memref<1x128xi32, #tpu.memory_space<vmem>>
    %swap3A_1000 = tpu.memref_squeeze %swap3A_999 : memref<1x128xi32, #tpu.memory_space<vmem>> -> memref<128xi32, #tpu.memory_space<vmem>>
    %swap3A_1001 = arith.constant 16 : index
    %swap3A_1002 = tpu.vector_load %swap3A_1000[%swap3A_1001] {strides = array<i32>} : memref<128xi32, #tpu.memory_space<vmem>>, vector<16xi32>,
    tpu.vector_store %swap3A_1000[%swap3A_1001], %or3A_996 {strides = array<i32>} : memref<128xi32, #tpu.memory_space<vmem>>, vector<16xi32>,
    %shift_right_arithmetic3A_1003 = arith.constant 13 : i32
    %shift_right_arithmetic3A_1004 = vector.broadcast %shift_right_arithmetic3A_1003 : i32 to vector<16xi32>
    %shift_right_arithmetic3A_1005 = arith.shrsi %get3A_986, %shift_right_arithmetic3A_1004 : vector<16xi32>
    %shift_left3A_1006 = arith.constant 12 : i32
    %shift_left3A_1007 = vector.broadcast %shift_left3A_1006 : i32 to vector<16xi32>
    %shift_left3A_1008 = arith.shli %shift_right_arithmetic3A_1005, %shift_left3A_1007 : vector<16xi32>
    %and3A_1009 = arith.constant 4095 : i32
    %and3A_1010 = vector.broadcast %and3A_1009 : i32 to vector<16xi32>
    %and3A_1011 = arith.andi %get3A_986, %and3A_1010 : vector<16xi32>
    %or3A_1012 = arith.ori %shift_left3A_1008, %and3A_1011 : vector<16xi32>
    %swap3A_1013 = arith.constant 2 : i32
    %swap3A_1014 = arith.constant 0 : i32
    %swap3A_1015 = tpu.memref_slice %arg10[%swap3A_1013, %swap3A_1014] : memref<4x128xi32, #tpu.memory_space<vmem>> -> memref<1x128xi32, #tpu.memory_space<vmem>>
    %swap3A_1016 = tpu.memref_squeeze %swap3A_1015 : memref<1x128xi32, #tpu.memory_space<vmem>> -> memref<128xi32, #tpu.memory_space<vmem>>
    %swap3A_1017 = arith.constant 16 : index
    %swap3A_1018 = tpu.vector_load %swap3A_1016[%swap3A_1017] {strides = array<i32>} : memref<128xi32, #tpu.memory_space<vmem>>, vector<16xi32>,
    tpu.vector_store %swap3A_1016[%swap3A_1017], %or3A_1012 {strides = array<i32>} : memref<128xi32, #tpu.memory_space<vmem>>, vector<16xi32>,
    %shift_right_arithmetic3A_1019 = arith.constant 12 : i32
    %shift_right_arithmetic3A_1020 = vector.broadcast %shift_right_arithmetic3A_1019 : i32 to vector<16xi32>
    %shift_right_arithmetic3A_1021 = arith.shrsi %get3A_984, %shift_right_arithmetic3A_1020 : vector<16xi32>
    %and3A_1022 = arith.constant 1 : i32
    %and3A_1023 = vector.broadcast %and3A_1022 : i32 to vector<16xi32>
    %and3A_1024 = arith.andi %shift_right_arithmetic3A_1021, %and3A_1023 : vector<16xi32>
    %shift_left3A_1025 = arith.constant 6 : i32
    %shift_left3A_1026 = vector.broadcast %shift_left3A_1025 : i32 to vector<16xi32>
    %shift_left3A_1027 = arith.shli %and3A_1024, %shift_left3A_1026 : vector<16xi32>
    %swap3A_1028 = arith.constant 272 : index
    %swap3A_1029 = tpu.vector_load %arg11[%swap3A_1028] {strides = array<i32>} : memref<512xi32, #tpu.memory_space<vmem>>, vector<16xi32>,
    tpu.vector_store %arg11[%swap3A_1028], %shift_left3A_1027 {strides = array<i32>} : memref<512xi32, #tpu.memory_space<vmem>>, vector<16xi32>,
    %shift_right_arithmetic3A_1030 = arith.constant 12 : i32
    %shift_right_arithmetic3A_1031 = vector.broadcast %shift_right_arithmetic3A_1030 : i32 to vector<16xi32>
    %shift_right_arithmetic3A_1032 = arith.shrsi %get3A_986, %shift_right_arithmetic3A_1031 : vector<16xi32>
    %and3A_1033 = arith.constant 1 : i32
    %and3A_1034 = vector.broadcast %and3A_1033 : i32 to vector<16xi32>
    %and3A_1035 = arith.andi %shift_right_arithmetic3A_1032, %and3A_1034 : vector<16xi32>
    %shift_left3A_1036 = arith.constant 6 : i32
    %shift_left3A_1037 = vector.broadcast %shift_left3A_1036 : i32 to vector<16xi32>
    %shift_left3A_1038 = arith.shli %and3A_1035, %shift_left3A_1037 : vector<16xi32>
    %swap3A_1039 = arith.constant 272 : index
    %swap3A_1040 = tpu.vector_load %arg12[%swap3A_1039] {strides = array<i32>} : memref<512xi32, #tpu.memory_space<vmem>>, vector<16xi32>,
    tpu.vector_store %arg12[%swap3A_1039], %shift_left3A_1038 {strides = array<i32>} : memref<512xi32, #tpu.memory_space<vmem>>, vector<16xi32>,
    %get3A_1041 = arith.constant 288 : index
    %get3A_1042 = tpu.vector_load %arg7[%get3A_1041] {strides = array<i32>} : memref<512xi32, #tpu.memory_space<vmem>>, vector<16xi32>,
    %get3A_1043 = arith.constant 288 : index
    %get3A_1044 = tpu.vector_load %arg8[%get3A_1043] {strides = array<i32>} : memref<512xi32, #tpu.memory_space<vmem>>, vector<16xi32>,
    %shift_right_arithmetic3A_1045 = arith.constant 13 : i32
    %shift_right_arithmetic3A_1046 = vector.broadcast %shift_right_arithmetic3A_1045 : i32 to vector<16xi32>
    %shift_right_arithmetic3A_1047 = arith.shrsi %get3A_1042, %shift_right_arithmetic3A_1046 : vector<16xi32>
    %shift_left3A_1048 = arith.constant 12 : i32
    %shift_left3A_1049 = vector.broadcast %shift_left3A_1048 : i32 to vector<16xi32>
    %shift_left3A_1050 = arith.shli %shift_right_arithmetic3A_1047, %shift_left3A_1049 : vector<16xi32>
    %and3A_1051 = arith.constant 4095 : i32
    %and3A_1052 = vector.broadcast %and3A_1051 : i32 to vector<16xi32>
    %and3A_1053 = arith.andi %get3A_1042, %and3A_1052 : vector<16xi32>
    %or3A_1054 = arith.ori %shift_left3A_1050, %and3A_1053 : vector<16xi32>
    %swap3A_1055 = arith.constant 2 : i32
    %swap3A_1056 = arith.constant 0 : i32
    %swap3A_1057 = tpu.memref_slice %arg9[%swap3A_1055, %swap3A_1056] : memref<4x128xi32, #tpu.memory_space<vmem>> -> memref<1x128xi32, #tpu.memory_space<vmem>>
    %swap3A_1058 = tpu.memref_squeeze %swap3A_1057 : memref<1x128xi32, #tpu.memory_space<vmem>> -> memref<128xi32, #tpu.memory_space<vmem>>
    %swap3A_1059 = arith.constant 32 : index
    %swap3A_1060 = tpu.vector_load %swap3A_1058[%swap3A_1059] {strides = array<i32>} : memref<128xi32, #tpu.memory_space<vmem>>, vector<16xi32>,
    tpu.vector_store %swap3A_1058[%swap3A_1059], %or3A_1054 {strides = array<i32>} : memref<128xi32, #tpu.memory_space<vmem>>, vector<16xi32>,
    %shift_right_arithmetic3A_1061 = arith.constant 13 : i32
    %shift_right_arithmetic3A_1062 = vector.broadcast %shift_right_arithmetic3A_1061 : i32 to vector<16xi32>
    %shift_right_arithmetic3A_1063 = arith.shrsi %get3A_1044, %shift_right_arithmetic3A_1062 : vector<16xi32>
    %shift_left3A_1064 = arith.constant 12 : i32
    %shift_left3A_1065 = vector.broadcast %shift_left3A_1064 : i32 to vector<16xi32>
    %shift_left3A_1066 = arith.shli %shift_right_arithmetic3A_1063, %shift_left3A_1065 : vector<16xi32>
    %and3A_1067 = arith.constant 4095 : i32
    %and3A_1068 = vector.broadcast %and3A_1067 : i32 to vector<16xi32>
    %and3A_1069 = arith.andi %get3A_1044, %and3A_1068 : vector<16xi32>
    %or3A_1070 = arith.ori %shift_left3A_1066, %and3A_1069 : vector<16xi32>
    %swap3A_1071 = arith.constant 2 : i32
    %swap3A_1072 = arith.constant 0 : i32
    %swap3A_1073 = tpu.memref_slice %arg10[%swap3A_1071, %swap3A_1072] : memref<4x128xi32, #tpu.memory_space<vmem>> -> memref<1x128xi32, #tpu.memory_space<vmem>>
    %swap3A_1074 = tpu.memref_squeeze %swap3A_1073 : memref<1x128xi32, #tpu.memory_space<vmem>> -> memref<128xi32, #tpu.memory_space<vmem>>
    %swap3A_1075 = arith.constant 32 : index
    %swap3A_1076 = tpu.vector_load %swap3A_1074[%swap3A_1075] {strides = array<i32>} : memref<128xi32, #tpu.memory_space<vmem>>, vector<16xi32>,
    tpu.vector_store %swap3A_1074[%swap3A_1075], %or3A_1070 {strides = array<i32>} : memref<128xi32, #tpu.memory_space<vmem>>, vector<16xi32>,
    %shift_right_arithmetic3A_1077 = arith.constant 12 : i32
    %shift_right_arithmetic3A_1078 = vector.broadcast %shift_right_arithmetic3A_1077 : i32 to vector<16xi32>
    %shift_right_arithmetic3A_1079 = arith.shrsi %get3A_1042, %shift_right_arithmetic3A_1078 : vector<16xi32>
    %and3A_1080 = arith.constant 1 : i32
    %and3A_1081 = vector.broadcast %and3A_1080 : i32 to vector<16xi32>
    %and3A_1082 = arith.andi %shift_right_arithmetic3A_1079, %and3A_1081 : vector<16xi32>
    %shift_left3A_1083 = arith.constant 6 : i32
    %shift_left3A_1084 = vector.broadcast %shift_left3A_1083 : i32 to vector<16xi32>
    %shift_left3A_1085 = arith.shli %and3A_1082, %shift_left3A_1084 : vector<16xi32>
    %swap3A_1086 = arith.constant 288 : index
    %swap3A_1087 = tpu.vector_load %arg11[%swap3A_1086] {strides = array<i32>} : memref<512xi32, #tpu.memory_space<vmem>>, vector<16xi32>,
    tpu.vector_store %arg11[%swap3A_1086], %shift_left3A_1085 {strides = array<i32>} : memref<512xi32, #tpu.memory_space<vmem>>, vector<16xi32>,
    %shift_right_arithmetic3A_1088 = arith.constant 12 : i32
    %shift_right_arithmetic3A_1089 = vector.broadcast %shift_right_arithmetic3A_1088 : i32 to vector<16xi32>
    %shift_right_arithmetic3A_1090 = arith.shrsi %get3A_1044, %shift_right_arithmetic3A_1089 : vector<16xi32>
    %and3A_1091 = arith.constant 1 : i32
    %and3A_1092 = vector.broadcast %and3A_1091 : i32 to vector<16xi32>
    %and3A_1093 = arith.andi %shift_right_arithmetic3A_1090, %and3A_1092 : vector<16xi32>
    %shift_left3A_1094 = arith.constant 6 : i32
    %shift_left3A_1095 = vector.broadcast %shift_left3A_1094 : i32 to vector<16xi32>
    %shift_left3A_1096 = arith.shli %and3A_1093, %shift_left3A_1095 : vector<16xi32>
    %swap3A_1097 = arith.constant 288 : index
    %swap3A_1098 = tpu.vector_load %arg12[%swap3A_1097] {strides = array<i32>} : memref<512xi32, #tpu.memory_space<vmem>>, vector<16xi32>,
    tpu.vector_store %arg12[%swap3A_1097], %shift_left3A_1096 {strides = array<i32>} : memref<512xi32, #tpu.memory_space<vmem>>, vector<16xi32>,
    %get3A_1099 = arith.constant 304 : index
    %get3A_1100 = tpu.vector_load %arg7[%get3A_1099] {strides = array<i32>} : memref<512xi32, #tpu.memory_space<vmem>>, vector<16xi32>,
    %get3A_1101 = arith.constant 304 : index
    %get3A_1102 = tpu.vector_load %arg8[%get3A_1101] {strides = array<i32>} : memref<512xi32, #tpu.memory_space<vmem>>, vector<16xi32>,
    %shift_right_arithmetic3A_1103 = arith.constant 13 : i32
    %shift_right_arithmetic3A_1104 = vector.broadcast %shift_right_arithmetic3A_1103 : i32 to vector<16xi32>
    %shift_right_arithmetic3A_1105 = arith.shrsi %get3A_1100, %shift_right_arithmetic3A_1104 : vector<16xi32>
    %shift_left3A_1106 = arith.constant 12 : i32
    %shift_left3A_1107 = vector.broadcast %shift_left3A_1106 : i32 to vector<16xi32>
    %shift_left3A_1108 = arith.shli %shift_right_arithmetic3A_1105, %shift_left3A_1107 : vector<16xi32>
    %and3A_1109 = arith.constant 4095 : i32
    %and3A_1110 = vector.broadcast %and3A_1109 : i32 to vector<16xi32>
    %and3A_1111 = arith.andi %get3A_1100, %and3A_1110 : vector<16xi32>
    %or3A_1112 = arith.ori %shift_left3A_1108, %and3A_1111 : vector<16xi32>
    %swap3A_1113 = arith.constant 2 : i32
    %swap3A_1114 = arith.constant 0 : i32
    %swap3A_1115 = tpu.memref_slice %arg9[%swap3A_1113, %swap3A_1114] : memref<4x128xi32, #tpu.memory_space<vmem>> -> memref<1x128xi32, #tpu.memory_space<vmem>>
    %swap3A_1116 = tpu.memref_squeeze %swap3A_1115 : memref<1x128xi32, #tpu.memory_space<vmem>> -> memref<128xi32, #tpu.memory_space<vmem>>
    %swap3A_1117 = arith.constant 48 : index
    %swap3A_1118 = tpu.vector_load %swap3A_1116[%swap3A_1117] {strides = array<i32>} : memref<128xi32, #tpu.memory_space<vmem>>, vector<16xi32>,
    tpu.vector_store %swap3A_1116[%swap3A_1117], %or3A_1112 {strides = array<i32>} : memref<128xi32, #tpu.memory_space<vmem>>, vector<16xi32>,
    %shift_right_arithmetic3A_1119 = arith.constant 13 : i32
    %shift_right_arithmetic3A_1120 = vector.broadcast %shift_right_arithmetic3A_1119 : i32 to vector<16xi32>
    %shift_right_arithmetic3A_1121 = arith.shrsi %get3A_1102, %shift_right_arithmetic3A_1120 : vector<16xi32>
    %shift_left3A_1122 = arith.constant 12 : i32
    %shift_left3A_1123 = vector.broadcast %shift_left3A_1122 : i32 to vector<16xi32>
    %shift_left3A_1124 = arith.shli %shift_right_arithmetic3A_1121, %shift_left3A_1123 : vector<16xi32>
    %and3A_1125 = arith.constant 4095 : i32
    %and3A_1126 = vector.broadcast %and3A_1125 : i32 to vector<16xi32>
    %and3A_1127 = arith.andi %get3A_1102, %and3A_1126 : vector<16xi32>
    %or3A_1128 = arith.ori %shift_left3A_1124, %and3A_1127 : vector<16xi32>
    %swap3A_1129 = arith.constant 2 : i32
    %swap3A_1130 = arith.constant 0 : i32
    %swap3A_1131 = tpu.memref_slice %arg10[%swap3A_1129, %swap3A_1130] : memref<4x128xi32, #tpu.memory_space<vmem>> -> memref<1x128xi32, #tpu.memory_space<vmem>>
    %swap3A_1132 = tpu.memref_squeeze %swap3A_1131 : memref<1x128xi32, #tpu.memory_space<vmem>> -> memref<128xi32, #tpu.memory_space<vmem>>
    %swap3A_1133 = arith.constant 48 : index
    %swap3A_1134 = tpu.vector_load %swap3A_1132[%swap3A_1133] {strides = array<i32>} : memref<128xi32, #tpu.memory_space<vmem>>, vector<16xi32>,
    tpu.vector_store %swap3A_1132[%swap3A_1133], %or3A_1128 {strides = array<i32>} : memref<128xi32, #tpu.memory_space<vmem>>, vector<16xi32>,
    %shift_right_arithmetic3A_1135 = arith.constant 12 : i32
    %shift_right_arithmetic3A_1136 = vector.broadcast %shift_right_arithmetic3A_1135 : i32 to vector<16xi32>
    %shift_right_arithmetic3A_1137 = arith.shrsi %get3A_1100, %shift_right_arithmetic3A_1136 : vector<16xi32>
    %and3A_1138 = arith.constant 1 : i32
    %and3A_1139 = vector.broadcast %and3A_1138 : i32 to vector<16xi32>
    %and3A_1140 = arith.andi %shift_right_arithmetic3A_1137, %and3A_1139 : vector<16xi32>
    %shift_left3A_1141 = arith.constant 6 : i32
    %shift_left3A_1142 = vector.broadcast %shift_left3A_1141 : i32 to vector<16xi32>
    %shift_left3A_1143 = arith.shli %and3A_1140, %shift_left3A_1142 : vector<16xi32>
    %swap3A_1144 = arith.constant 304 : index
    %swap3A_1145 = tpu.vector_load %arg11[%swap3A_1144] {strides = array<i32>} : memref<512xi32, #tpu.memory_space<vmem>>, vector<16xi32>,
    tpu.vector_store %arg11[%swap3A_1144], %shift_left3A_1143 {strides = array<i32>} : memref<512xi32, #tpu.memory_space<vmem>>, vector<16xi32>,
    %shift_right_arithmetic3A_1146 = arith.constant 12 : i32
    %shift_right_arithmetic3A_1147 = vector.broadcast %shift_right_arithmetic3A_1146 : i32 to vector<16xi32>
    %shift_right_arithmetic3A_1148 = arith.shrsi %get3A_1102, %shift_right_arithmetic3A_1147 : vector<16xi32>
    %and3A_1149 = arith.constant 1 : i32
    %and3A_1150 = vector.broadcast %and3A_1149 : i32 to vector<16xi32>
    %and3A_1151 = arith.andi %shift_right_arithmetic3A_1148, %and3A_1150 : vector<16xi32>
    %shift_left3A_1152 = arith.constant 6 : i32
    %shift_left3A_1153 = vector.broadcast %shift_left3A_1152 : i32 to vector<16xi32>
    %shift_left3A_1154 = arith.shli %and3A_1151, %shift_left3A_1153 : vector<16xi32>
    %swap3A_1155 = arith.constant 304 : index
    %swap3A_1156 = tpu.vector_load %arg12[%swap3A_1155] {strides = array<i32>} : memref<512xi32, #tpu.memory_space<vmem>>, vector<16xi32>,
    tpu.vector_store %arg12[%swap3A_1155], %shift_left3A_1154 {strides = array<i32>} : memref<512xi32, #tpu.memory_space<vmem>>, vector<16xi32>,
    %get3A_1157 = arith.constant 320 : index
    %get3A_1158 = tpu.vector_load %arg7[%get3A_1157] {strides = array<i32>} : memref<512xi32, #tpu.memory_space<vmem>>, vector<16xi32>,
    %get3A_1159 = arith.constant 320 : index
    %get3A_1160 = tpu.vector_load %arg8[%get3A_1159] {strides = array<i32>} : memref<512xi32, #tpu.memory_space<vmem>>, vector<16xi32>,
    %shift_right_arithmetic3A_1161 = arith.constant 13 : i32
    %shift_right_arithmetic3A_1162 = vector.broadcast %shift_right_arithmetic3A_1161 : i32 to vector<16xi32>
    %shift_right_arithmetic3A_1163 = arith.shrsi %get3A_1158, %shift_right_arithmetic3A_1162 : vector<16xi32>
    %shift_left3A_1164 = arith.constant 12 : i32
    %shift_left3A_1165 = vector.broadcast %shift_left3A_1164 : i32 to vector<16xi32>
    %shift_left3A_1166 = arith.shli %shift_right_arithmetic3A_1163, %shift_left3A_1165 : vector<16xi32>
    %and3A_1167 = arith.constant 4095 : i32
    %and3A_1168 = vector.broadcast %and3A_1167 : i32 to vector<16xi32>
    %and3A_1169 = arith.andi %get3A_1158, %and3A_1168 : vector<16xi32>
    %or3A_1170 = arith.ori %shift_left3A_1166, %and3A_1169 : vector<16xi32>
    %swap3A_1171 = arith.constant 2 : i32
    %swap3A_1172 = arith.constant 0 : i32
    %swap3A_1173 = tpu.memref_slice %arg9[%swap3A_1171, %swap3A_1172] : memref<4x128xi32, #tpu.memory_space<vmem>> -> memref<1x128xi32, #tpu.memory_space<vmem>>
    %swap3A_1174 = tpu.memref_squeeze %swap3A_1173 : memref<1x128xi32, #tpu.memory_space<vmem>> -> memref<128xi32, #tpu.memory_space<vmem>>
    %swap3A_1175 = arith.constant 64 : index
    %swap3A_1176 = tpu.vector_load %swap3A_1174[%swap3A_1175] {strides = array<i32>} : memref<128xi32, #tpu.memory_space<vmem>>, vector<16xi32>,
    tpu.vector_store %swap3A_1174[%swap3A_1175], %or3A_1170 {strides = array<i32>} : memref<128xi32, #tpu.memory_space<vmem>>, vector<16xi32>,
    %shift_right_arithmetic3A_1177 = arith.constant 13 : i32
    %shift_right_arithmetic3A_1178 = vector.broadcast %shift_right_arithmetic3A_1177 : i32 to vector<16xi32>
    %shift_right_arithmetic3A_1179 = arith.shrsi %get3A_1160, %shift_right_arithmetic3A_1178 : vector<16xi32>
    %shift_left3A_1180 = arith.constant 12 : i32
    %shift_left3A_1181 = vector.broadcast %shift_left3A_1180 : i32 to vector<16xi32>
    %shift_left3A_1182 = arith.shli %shift_right_arithmetic3A_1179, %shift_left3A_1181 : vector<16xi32>
    %and3A_1183 = arith.constant 4095 : i32
    %and3A_1184 = vector.broadcast %and3A_1183 : i32 to vector<16xi32>
    %and3A_1185 = arith.andi %get3A_1160, %and3A_1184 : vector<16xi32>
    %or3A_1186 = arith.ori %shift_left3A_1182, %and3A_1185 : vector<16xi32>
    %swap3A_1187 = arith.constant 2 : i32
    %swap3A_1188 = arith.constant 0 : i32
    %swap3A_1189 = tpu.memref_slice %arg10[%swap3A_1187, %swap3A_1188] : memref<4x128xi32, #tpu.memory_space<vmem>> -> memref<1x128xi32, #tpu.memory_space<vmem>>
    %swap3A_1190 = tpu.memref_squeeze %swap3A_1189 : memref<1x128xi32, #tpu.memory_space<vmem>> -> memref<128xi32, #tpu.memory_space<vmem>>
    %swap3A_1191 = arith.constant 64 : index
    %swap3A_1192 = tpu.vector_load %swap3A_1190[%swap3A_1191] {strides = array<i32>} : memref<128xi32, #tpu.memory_space<vmem>>, vector<16xi32>,
    tpu.vector_store %swap3A_1190[%swap3A_1191], %or3A_1186 {strides = array<i32>} : memref<128xi32, #tpu.memory_space<vmem>>, vector<16xi32>,
    %shift_right_arithmetic3A_1193 = arith.constant 12 : i32
    %shift_right_arithmetic3A_1194 = vector.broadcast %shift_right_arithmetic3A_1193 : i32 to vector<16xi32>
    %shift_right_arithmetic3A_1195 = arith.shrsi %get3A_1158, %shift_right_arithmetic3A_1194 : vector<16xi32>
    %and3A_1196 = arith.constant 1 : i32
    %and3A_1197 = vector.broadcast %and3A_1196 : i32 to vector<16xi32>
    %and3A_1198 = arith.andi %shift_right_arithmetic3A_1195, %and3A_1197 : vector<16xi32>
    %shift_left3A_1199 = arith.constant 6 : i32
    %shift_left3A_1200 = vector.broadcast %shift_left3A_1199 : i32 to vector<16xi32>
    %shift_left3A_1201 = arith.shli %and3A_1198, %shift_left3A_1200 : vector<16xi32>
    %swap3A_1202 = arith.constant 320 : index
    %swap3A_1203 = tpu.vector_load %arg11[%swap3A_1202] {strides = array<i32>} : memref<512xi32, #tpu.memory_space<vmem>>, vector<16xi32>,
    tpu.vector_store %arg11[%swap3A_1202], %shift_left3A_1201 {strides = array<i32>} : memref<512xi32, #tpu.memory_space<vmem>>, vector<16xi32>,
    %shift_right_arithmetic3A_1204 = arith.constant 12 : i32
    %shift_right_arithmetic3A_1205 = vector.broadcast %shift_right_arithmetic3A_1204 : i32 to vector<16xi32>
    %shift_right_arithmetic3A_1206 = arith.shrsi %get3A_1160, %shift_right_arithmetic3A_1205 : vector<16xi32>
    %and3A_1207 = arith.constant 1 : i32
    %and3A_1208 = vector.broadcast %and3A_1207 : i32 to vector<16xi32>
    %and3A_1209 = arith.andi %shift_right_arithmetic3A_1206, %and3A_1208 : vector<16xi32>
    %shift_left3A_1210 = arith.constant 6 : i32
    %shift_left3A_1211 = vector.broadcast %shift_left3A_1210 : i32 to vector<16xi32>
    %shift_left3A_1212 = arith.shli %and3A_1209, %shift_left3A_1211 : vector<16xi32>
    %swap3A_1213 = arith.constant 320 : index
    %swap3A_1214 = tpu.vector_load %arg12[%swap3A_1213] {strides = array<i32>} : memref<512xi32, #tpu.memory_space<vmem>>, vector<16xi32>,
    tpu.vector_store %arg12[%swap3A_1213], %shift_left3A_1212 {strides = array<i32>} : memref<512xi32, #tpu.memory_space<vmem>>, vector<16xi32>,
    %get3A_1215 = arith.constant 336 : index
    %get3A_1216 = tpu.vector_load %arg7[%get3A_1215] {strides = array<i32>} : memref<512xi32, #tpu.memory_space<vmem>>, vector<16xi32>,
    %get3A_1217 = arith.constant 336 : index
    %get3A_1218 = tpu.vector_load %arg8[%get3A_1217] {strides = array<i32>} : memref<512xi32, #tpu.memory_space<vmem>>, vector<16xi32>,
    %shift_right_arithmetic3A_1219 = arith.constant 13 : i32
    %shift_right_arithmetic3A_1220 = vector.broadcast %shift_right_arithmetic3A_1219 : i32 to vector<16xi32>
    %shift_right_arithmetic3A_1221 = arith.shrsi %get3A_1216, %shift_right_arithmetic3A_1220 : vector<16xi32>
    %shift_left3A_1222 = arith.constant 12 : i32
    %shift_left3A_1223 = vector.broadcast %shift_left3A_1222 : i32 to vector<16xi32>
    %shift_left3A_1224 = arith.shli %shift_right_arithmetic3A_1221, %shift_left3A_1223 : vector<16xi32>
    %and3A_1225 = arith.constant 4095 : i32
    %and3A_1226 = vector.broadcast %and3A_1225 : i32 to vector<16xi32>
    %and3A_1227 = arith.andi %get3A_1216, %and3A_1226 : vector<16xi32>
    %or3A_1228 = arith.ori %shift_left3A_1224, %and3A_1227 : vector<16xi32>
    %swap3A_1229 = arith.constant 2 : i32
    %swap3A_1230 = arith.constant 0 : i32
    %swap3A_1231 = tpu.memref_slice %arg9[%swap3A_1229, %swap3A_1230] : memref<4x128xi32, #tpu.memory_space<vmem>> -> memref<1x128xi32, #tpu.memory_space<vmem>>
    %swap3A_1232 = tpu.memref_squeeze %swap3A_1231 : memref<1x128xi32, #tpu.memory_space<vmem>> -> memref<128xi32, #tpu.memory_space<vmem>>
    %swap3A_1233 = arith.constant 80 : index
    %swap3A_1234 = tpu.vector_load %swap3A_1232[%swap3A_1233] {strides = array<i32>} : memref<128xi32, #tpu.memory_space<vmem>>, vector<16xi32>,
    tpu.vector_store %swap3A_1232[%swap3A_1233], %or3A_1228 {strides = array<i32>} : memref<128xi32, #tpu.memory_space<vmem>>, vector<16xi32>,
    %shift_right_arithmetic3A_1235 = arith.constant 13 : i32
    %shift_right_arithmetic3A_1236 = vector.broadcast %shift_right_arithmetic3A_1235 : i32 to vector<16xi32>
    %shift_right_arithmetic3A_1237 = arith.shrsi %get3A_1218, %shift_right_arithmetic3A_1236 : vector<16xi32>
    %shift_left3A_1238 = arith.constant 12 : i32
    %shift_left3A_1239 = vector.broadcast %shift_left3A_1238 : i32 to vector<16xi32>
    %shift_left3A_1240 = arith.shli %shift_right_arithmetic3A_1237, %shift_left3A_1239 : vector<16xi32>
    %and3A_1241 = arith.constant 4095 : i32
    %and3A_1242 = vector.broadcast %and3A_1241 : i32 to vector<16xi32>
    %and3A_1243 = arith.andi %get3A_1218, %and3A_1242 : vector<16xi32>
    %or3A_1244 = arith.ori %shift_left3A_1240, %and3A_1243 : vector<16xi32>
    %swap3A_1245 = arith.constant 2 : i32
    %swap3A_1246 = arith.constant 0 : i32
    %swap3A_1247 = tpu.memref_slice %arg10[%swap3A_1245, %swap3A_1246] : memref<4x128xi32, #tpu.memory_space<vmem>> -> memref<1x128xi32, #tpu.memory_space<vmem>>
    %swap3A_1248 = tpu.memref_squeeze %swap3A_1247 : memref<1x128xi32, #tpu.memory_space<vmem>> -> memref<128xi32, #tpu.memory_space<vmem>>
    %swap3A_1249 = arith.constant 80 : index
    %swap3A_1250 = tpu.vector_load %swap3A_1248[%swap3A_1249] {strides = array<i32>} : memref<128xi32, #tpu.memory_space<vmem>>, vector<16xi32>,
    tpu.vector_store %swap3A_1248[%swap3A_1249], %or3A_1244 {strides = array<i32>} : memref<128xi32, #tpu.memory_space<vmem>>, vector<16xi32>,
    %shift_right_arithmetic3A_1251 = arith.constant 12 : i32
    %shift_right_arithmetic3A_1252 = vector.broadcast %shift_right_arithmetic3A_1251 : i32 to vector<16xi32>
    %shift_right_arithmetic3A_1253 = arith.shrsi %get3A_1216, %shift_right_arithmetic3A_1252 : vector<16xi32>
    %and3A_1254 = arith.constant 1 : i32
    %and3A_1255 = vector.broadcast %and3A_1254 : i32 to vector<16xi32>
    %and3A_1256 = arith.andi %shift_right_arithmetic3A_1253, %and3A_1255 : vector<16xi32>
    %shift_left3A_1257 = arith.constant 6 : i32
    %shift_left3A_1258 = vector.broadcast %shift_left3A_1257 : i32 to vector<16xi32>
    %shift_left3A_1259 = arith.shli %and3A_1256, %shift_left3A_1258 : vector<16xi32>
    %swap3A_1260 = arith.constant 336 : index
    %swap3A_1261 = tpu.vector_load %arg11[%swap3A_1260] {strides = array<i32>} : memref<512xi32, #tpu.memory_space<vmem>>, vector<16xi32>,
    tpu.vector_store %arg11[%swap3A_1260], %shift_left3A_1259 {strides = array<i32>} : memref<512xi32, #tpu.memory_space<vmem>>, vector<16xi32>,
    %shift_right_arithmetic3A_1262 = arith.constant 12 : i32
    %shift_right_arithmetic3A_1263 = vector.broadcast %shift_right_arithmetic3A_1262 : i32 to vector<16xi32>
    %shift_right_arithmetic3A_1264 = arith.shrsi %get3A_1218, %shift_right_arithmetic3A_1263 : vector<16xi32>
    %and3A_1265 = arith.constant 1 : i32
    %and3A_1266 = vector.broadcast %and3A_1265 : i32 to vector<16xi32>
    %and3A_1267 = arith.andi %shift_right_arithmetic3A_1264, %and3A_1266 : vector<16xi32>
    %shift_left3A_1268 = arith.constant 6 : i32
    %shift_left3A_1269 = vector.broadcast %shift_left3A_1268 : i32 to vector<16xi32>
    %shift_left3A_1270 = arith.shli %and3A_1267, %shift_left3A_1269 : vector<16xi32>
    %swap3A_1271 = arith.constant 336 : index
    %swap3A_1272 = tpu.vector_load %arg12[%swap3A_1271] {strides = array<i32>} : memref<512xi32, #tpu.memory_space<vmem>>, vector<16xi32>,
    tpu.vector_store %arg12[%swap3A_1271], %shift_left3A_1270 {strides = array<i32>} : memref<512xi32, #tpu.memory_space<vmem>>, vector<16xi32>,
    %get3A_1273 = arith.constant 352 : index
    %get3A_1274 = tpu.vector_load %arg7[%get3A_1273] {strides = array<i32>} : memref<512xi32, #tpu.memory_space<vmem>>, vector<16xi32>,
    %get3A_1275 = arith.constant 352 : index
    %get3A_1276 = tpu.vector_load %arg8[%get3A_1275] {strides = array<i32>} : memref<512xi32, #tpu.memory_space<vmem>>, vector<16xi32>,
    %shift_right_arithmetic3A_1277 = arith.constant 13 : i32
    %shift_right_arithmetic3A_1278 = vector.broadcast %shift_right_arithmetic3A_1277 : i32 to vector<16xi32>
    %shift_right_arithmetic3A_1279 = arith.shrsi %get3A_1274, %shift_right_arithmetic3A_1278 : vector<16xi32>
    %shift_left3A_1280 = arith.constant 12 : i32
    %shift_left3A_1281 = vector.broadcast %shift_left3A_1280 : i32 to vector<16xi32>
    %shift_left3A_1282 = arith.shli %shift_right_arithmetic3A_1279, %shift_left3A_1281 : vector<16xi32>
    %and3A_1283 = arith.constant 4095 : i32
    %and3A_1284 = vector.broadcast %and3A_1283 : i32 to vector<16xi32>
    %and3A_1285 = arith.andi %get3A_1274, %and3A_1284 : vector<16xi32>
    %or3A_1286 = arith.ori %shift_left3A_1282, %and3A_1285 : vector<16xi32>
    %swap3A_1287 = arith.constant 2 : i32
    %swap3A_1288 = arith.constant 0 : i32
    %swap3A_1289 = tpu.memref_slice %arg9[%swap3A_1287, %swap3A_1288] : memref<4x128xi32, #tpu.memory_space<vmem>> -> memref<1x128xi32, #tpu.memory_space<vmem>>
    %swap3A_1290 = tpu.memref_squeeze %swap3A_1289 : memref<1x128xi32, #tpu.memory_space<vmem>> -> memref<128xi32, #tpu.memory_space<vmem>>
    %swap3A_1291 = arith.constant 96 : index
    %swap3A_1292 = tpu.vector_load %swap3A_1290[%swap3A_1291] {strides = array<i32>} : memref<128xi32, #tpu.memory_space<vmem>>, vector<16xi32>,
    tpu.vector_store %swap3A_1290[%swap3A_1291], %or3A_1286 {strides = array<i32>} : memref<128xi32, #tpu.memory_space<vmem>>, vector<16xi32>,
    %shift_right_arithmetic3A_1293 = arith.constant 13 : i32
    %shift_right_arithmetic3A_1294 = vector.broadcast %shift_right_arithmetic3A_1293 : i32 to vector<16xi32>
    %shift_right_arithmetic3A_1295 = arith.shrsi %get3A_1276, %shift_right_arithmetic3A_1294 : vector<16xi32>
    %shift_left3A_1296 = arith.constant 12 : i32
    %shift_left3A_1297 = vector.broadcast %shift_left3A_1296 : i32 to vector<16xi32>
    %shift_left3A_1298 = arith.shli %shift_right_arithmetic3A_1295, %shift_left3A_1297 : vector<16xi32>
    %and3A_1299 = arith.constant 4095 : i32
    %and3A_1300 = vector.broadcast %and3A_1299 : i32 to vector<16xi32>
    %and3A_1301 = arith.andi %get3A_1276, %and3A_1300 : vector<16xi32>
    %or3A_1302 = arith.ori %shift_left3A_1298, %and3A_1301 : vector<16xi32>
    %swap3A_1303 = arith.constant 2 : i32
    %swap3A_1304 = arith.constant 0 : i32
    %swap3A_1305 = tpu.memref_slice %arg10[%swap3A_1303, %swap3A_1304] : memref<4x128xi32, #tpu.memory_space<vmem>> -> memref<1x128xi32, #tpu.memory_space<vmem>>
    %swap3A_1306 = tpu.memref_squeeze %swap3A_1305 : memref<1x128xi32, #tpu.memory_space<vmem>> -> memref<128xi32, #tpu.memory_space<vmem>>
    %swap3A_1307 = arith.constant 96 : index
    %swap3A_1308 = tpu.vector_load %swap3A_1306[%swap3A_1307] {strides = array<i32>} : memref<128xi32, #tpu.memory_space<vmem>>, vector<16xi32>,
    tpu.vector_store %swap3A_1306[%swap3A_1307], %or3A_1302 {strides = array<i32>} : memref<128xi32, #tpu.memory_space<vmem>>, vector<16xi32>,
    %shift_right_arithmetic3A_1309 = arith.constant 12 : i32
    %shift_right_arithmetic3A_1310 = vector.broadcast %shift_right_arithmetic3A_1309 : i32 to vector<16xi32>
    %shift_right_arithmetic3A_1311 = arith.shrsi %get3A_1274, %shift_right_arithmetic3A_1310 : vector<16xi32>
    %and3A_1312 = arith.constant 1 : i32
    %and3A_1313 = vector.broadcast %and3A_1312 : i32 to vector<16xi32>
    %and3A_1314 = arith.andi %shift_right_arithmetic3A_1311, %and3A_1313 : vector<16xi32>
    %shift_left3A_1315 = arith.constant 6 : i32
    %shift_left3A_1316 = vector.broadcast %shift_left3A_1315 : i32 to vector<16xi32>
    %shift_left3A_1317 = arith.shli %and3A_1314, %shift_left3A_1316 : vector<16xi32>
    %swap3A_1318 = arith.constant 352 : index
    %swap3A_1319 = tpu.vector_load %arg11[%swap3A_1318] {strides = array<i32>} : memref<512xi32, #tpu.memory_space<vmem>>, vector<16xi32>,
    tpu.vector_store %arg11[%swap3A_1318], %shift_left3A_1317 {strides = array<i32>} : memref<512xi32, #tpu.memory_space<vmem>>, vector<16xi32>,
    %shift_right_arithmetic3A_1320 = arith.constant 12 : i32
    %shift_right_arithmetic3A_1321 = vector.broadcast %shift_right_arithmetic3A_1320 : i32 to vector<16xi32>
    %shift_right_arithmetic3A_1322 = arith.shrsi %get3A_1276, %shift_right_arithmetic3A_1321 : vector<16xi32>
    %and3A_1323 = arith.constant 1 : i32
    %and3A_1324 = vector.broadcast %and3A_1323 : i32 to vector<16xi32>
    %and3A_1325 = arith.andi %shift_right_arithmetic3A_1322, %and3A_1324 : vector<16xi32>
    %shift_left3A_1326 = arith.constant 6 : i32
    %shift_left3A_1327 = vector.broadcast %shift_left3A_1326 : i32 to vector<16xi32>
    %shift_left3A_1328 = arith.shli %and3A_1325, %shift_left3A_1327 : vector<16xi32>
    %swap3A_1329 = arith.constant 352 : index
    %swap3A_1330 = tpu.vector_load %arg12[%swap3A_1329] {strides = array<i32>} : memref<512xi32, #tpu.memory_space<vmem>>, vector<16xi32>,
    tpu.vector_store %arg12[%swap3A_1329], %shift_left3A_1328 {strides = array<i32>} : memref<512xi32, #tpu.memory_space<vmem>>, vector<16xi32>,
    %get3A_1331 = arith.constant 368 : index
    %get3A_1332 = tpu.vector_load %arg7[%get3A_1331] {strides = array<i32>} : memref<512xi32, #tpu.memory_space<vmem>>, vector<16xi32>,
    %get3A_1333 = arith.constant 368 : index
    %get3A_1334 = tpu.vector_load %arg8[%get3A_1333] {strides = array<i32>} : memref<512xi32, #tpu.memory_space<vmem>>, vector<16xi32>,
    %shift_right_arithmetic3A_1335 = arith.constant 13 : i32
    %shift_right_arithmetic3A_1336 = vector.broadcast %shift_right_arithmetic3A_1335 : i32 to vector<16xi32>
    %shift_right_arithmetic3A_1337 = arith.shrsi %get3A_1332, %shift_right_arithmetic3A_1336 : vector<16xi32>
    %shift_left3A_1338 = arith.constant 12 : i32
    %shift_left3A_1339 = vector.broadcast %shift_left3A_1338 : i32 to vector<16xi32>
    %shift_left3A_1340 = arith.shli %shift_right_arithmetic3A_1337, %shift_left3A_1339 : vector<16xi32>
    %and3A_1341 = arith.constant 4095 : i32
    %and3A_1342 = vector.broadcast %and3A_1341 : i32 to vector<16xi32>
    %and3A_1343 = arith.andi %get3A_1332, %and3A_1342 : vector<16xi32>
    %or3A_1344 = arith.ori %shift_left3A_1340, %and3A_1343 : vector<16xi32>
    %swap3A_1345 = arith.constant 2 : i32
    %swap3A_1346 = arith.constant 0 : i32
    %swap3A_1347 = tpu.memref_slice %arg9[%swap3A_1345, %swap3A_1346] : memref<4x128xi32, #tpu.memory_space<vmem>> -> memref<1x128xi32, #tpu.memory_space<vmem>>
    %swap3A_1348 = tpu.memref_squeeze %swap3A_1347 : memref<1x128xi32, #tpu.memory_space<vmem>> -> memref<128xi32, #tpu.memory_space<vmem>>
    %swap3A_1349 = arith.constant 112 : index
    %swap3A_1350 = tpu.vector_load %swap3A_1348[%swap3A_1349] {strides = array<i32>} : memref<128xi32, #tpu.memory_space<vmem>>, vector<16xi32>,
    tpu.vector_store %swap3A_1348[%swap3A_1349], %or3A_1344 {strides = array<i32>} : memref<128xi32, #tpu.memory_space<vmem>>, vector<16xi32>,
    %shift_right_arithmetic3A_1351 = arith.constant 13 : i32
    %shift_right_arithmetic3A_1352 = vector.broadcast %shift_right_arithmetic3A_1351 : i32 to vector<16xi32>
    %shift_right_arithmetic3A_1353 = arith.shrsi %get3A_1334, %shift_right_arithmetic3A_1352 : vector<16xi32>
    %shift_left3A_1354 = arith.constant 12 : i32
    %shift_left3A_1355 = vector.broadcast %shift_left3A_1354 : i32 to vector<16xi32>
    %shift_left3A_1356 = arith.shli %shift_right_arithmetic3A_1353, %shift_left3A_1355 : vector<16xi32>
    %and3A_1357 = arith.constant 4095 : i32
    %and3A_1358 = vector.broadcast %and3A_1357 : i32 to vector<16xi32>
    %and3A_1359 = arith.andi %get3A_1334, %and3A_1358 : vector<16xi32>
    %or3A_1360 = arith.ori %shift_left3A_1356, %and3A_1359 : vector<16xi32>
    %swap3A_1361 = arith.constant 2 : i32
    %swap3A_1362 = arith.constant 0 : i32
    %swap3A_1363 = tpu.memref_slice %arg10[%swap3A_1361, %swap3A_1362] : memref<4x128xi32, #tpu.memory_space<vmem>> -> memref<1x128xi32, #tpu.memory_space<vmem>>
    %swap3A_1364 = tpu.memref_squeeze %swap3A_1363 : memref<1x128xi32, #tpu.memory_space<vmem>> -> memref<128xi32, #tpu.memory_space<vmem>>
    %swap3A_1365 = arith.constant 112 : index
    %swap3A_1366 = tpu.vector_load %swap3A_1364[%swap3A_1365] {strides = array<i32>} : memref<128xi32, #tpu.memory_space<vmem>>, vector<16xi32>,
    tpu.vector_store %swap3A_1364[%swap3A_1365], %or3A_1360 {strides = array<i32>} : memref<128xi32, #tpu.memory_space<vmem>>, vector<16xi32>,
    %shift_right_arithmetic3A_1367 = arith.constant 12 : i32
    %shift_right_arithmetic3A_1368 = vector.broadcast %shift_right_arithmetic3A_1367 : i32 to vector<16xi32>
    %shift_right_arithmetic3A_1369 = arith.shrsi %get3A_1332, %shift_right_arithmetic3A_1368 : vector<16xi32>
    %and3A_1370 = arith.constant 1 : i32
    %and3A_1371 = vector.broadcast %and3A_1370 : i32 to vector<16xi32>
    %and3A_1372 = arith.andi %shift_right_arithmetic3A_1369, %and3A_1371 : vector<16xi32>
    %shift_left3A_1373 = arith.constant 6 : i32
    %shift_left3A_1374 = vector.broadcast %shift_left3A_1373 : i32 to vector<16xi32>
    %shift_left3A_1375 = arith.shli %and3A_1372, %shift_left3A_1374 : vector<16xi32>
    %swap3A_1376 = arith.constant 368 : index
    %swap3A_1377 = tpu.vector_load %arg11[%swap3A_1376] {strides = array<i32>} : memref<512xi32, #tpu.memory_space<vmem>>, vector<16xi32>,
    tpu.vector_store %arg11[%swap3A_1376], %shift_left3A_1375 {strides = array<i32>} : memref<512xi32, #tpu.memory_space<vmem>>, vector<16xi32>,
    %shift_right_arithmetic3A_1378 = arith.constant 12 : i32
    %shift_right_arithmetic3A_1379 = vector.broadcast %shift_right_arithmetic3A_1378 : i32 to vector<16xi32>
    %shift_right_arithmetic3A_1380 = arith.shrsi %get3A_1334, %shift_right_arithmetic3A_1379 : vector<16xi32>
    %and3A_1381 = arith.constant 1 : i32
    %and3A_1382 = vector.broadcast %and3A_1381 : i32 to vector<16xi32>
    %and3A_1383 = arith.andi %shift_right_arithmetic3A_1380, %and3A_1382 : vector<16xi32>
    %shift_left3A_1384 = arith.constant 6 : i32
    %shift_left3A_1385 = vector.broadcast %shift_left3A_1384 : i32 to vector<16xi32>
    %shift_left3A_1386 = arith.shli %and3A_1383, %shift_left3A_1385 : vector<16xi32>
    %swap3A_1387 = arith.constant 368 : index
    %swap3A_1388 = tpu.vector_load %arg12[%swap3A_1387] {strides = array<i32>} : memref<512xi32, #tpu.memory_space<vmem>>, vector<16xi32>,
    tpu.vector_store %arg12[%swap3A_1387], %shift_left3A_1386 {strides = array<i32>} : memref<512xi32, #tpu.memory_space<vmem>>, vector<16xi32>,
    %get3A_1389 = arith.constant 384 : index
    %get3A_1390 = tpu.vector_load %arg7[%get3A_1389] {strides = array<i32>} : memref<512xi32, #tpu.memory_space<vmem>>, vector<16xi32>,
    %get3A_1391 = arith.constant 384 : index
    %get3A_1392 = tpu.vector_load %arg8[%get3A_1391] {strides = array<i32>} : memref<512xi32, #tpu.memory_space<vmem>>, vector<16xi32>,
    %shift_right_arithmetic3A_1393 = arith.constant 13 : i32
    %shift_right_arithmetic3A_1394 = vector.broadcast %shift_right_arithmetic3A_1393 : i32 to vector<16xi32>
    %shift_right_arithmetic3A_1395 = arith.shrsi %get3A_1390, %shift_right_arithmetic3A_1394 : vector<16xi32>
    %shift_left3A_1396 = arith.constant 12 : i32
    %shift_left3A_1397 = vector.broadcast %shift_left3A_1396 : i32 to vector<16xi32>
    %shift_left3A_1398 = arith.shli %shift_right_arithmetic3A_1395, %shift_left3A_1397 : vector<16xi32>
    %and3A_1399 = arith.constant 4095 : i32
    %and3A_1400 = vector.broadcast %and3A_1399 : i32 to vector<16xi32>
    %and3A_1401 = arith.andi %get3A_1390, %and3A_1400 : vector<16xi32>
    %or3A_1402 = arith.ori %shift_left3A_1398, %and3A_1401 : vector<16xi32>
    %swap3A_1403 = arith.constant 3 : i32
    %swap3A_1404 = arith.constant 0 : i32
    %swap3A_1405 = tpu.memref_slice %arg9[%swap3A_1403, %swap3A_1404] : memref<4x128xi32, #tpu.memory_space<vmem>> -> memref<1x128xi32, #tpu.memory_space<vmem>>
    %swap3A_1406 = tpu.memref_squeeze %swap3A_1405 : memref<1x128xi32, #tpu.memory_space<vmem>> -> memref<128xi32, #tpu.memory_space<vmem>>
    %swap3A_1407 = arith.constant 0 : index
    %swap3A_1408 = tpu.vector_load %swap3A_1406[%swap3A_1407] {strides = array<i32>} : memref<128xi32, #tpu.memory_space<vmem>>, vector<16xi32>,
    tpu.vector_store %swap3A_1406[%swap3A_1407], %or3A_1402 {strides = array<i32>} : memref<128xi32, #tpu.memory_space<vmem>>, vector<16xi32>,
    %shift_right_arithmetic3A_1409 = arith.constant 13 : i32
    %shift_right_arithmetic3A_1410 = vector.broadcast %shift_right_arithmetic3A_1409 : i32 to vector<16xi32>
    %shift_right_arithmetic3A_1411 = arith.shrsi %get3A_1392, %shift_right_arithmetic3A_1410 : vector<16xi32>
    %shift_left3A_1412 = arith.constant 12 : i32
    %shift_left3A_1413 = vector.broadcast %shift_left3A_1412 : i32 to vector<16xi32>
    %shift_left3A_1414 = arith.shli %shift_right_arithmetic3A_1411, %shift_left3A_1413 : vector<16xi32>
    %and3A_1415 = arith.constant 4095 : i32
    %and3A_1416 = vector.broadcast %and3A_1415 : i32 to vector<16xi32>
    %and3A_1417 = arith.andi %get3A_1392, %and3A_1416 : vector<16xi32>
    %or3A_1418 = arith.ori %shift_left3A_1414, %and3A_1417 : vector<16xi32>
    %swap3A_1419 = arith.constant 3 : i32
    %swap3A_1420 = arith.constant 0 : i32
    %swap3A_1421 = tpu.memref_slice %arg10[%swap3A_1419, %swap3A_1420] : memref<4x128xi32, #tpu.memory_space<vmem>> -> memref<1x128xi32, #tpu.memory_space<vmem>>
    %swap3A_1422 = tpu.memref_squeeze %swap3A_1421 : memref<1x128xi32, #tpu.memory_space<vmem>> -> memref<128xi32, #tpu.memory_space<vmem>>
    %swap3A_1423 = arith.constant 0 : index
    %swap3A_1424 = tpu.vector_load %swap3A_1422[%swap3A_1423] {strides = array<i32>} : memref<128xi32, #tpu.memory_space<vmem>>, vector<16xi32>,
    tpu.vector_store %swap3A_1422[%swap3A_1423], %or3A_1418 {strides = array<i32>} : memref<128xi32, #tpu.memory_space<vmem>>, vector<16xi32>,
    %shift_right_arithmetic3A_1425 = arith.constant 12 : i32
    %shift_right_arithmetic3A_1426 = vector.broadcast %shift_right_arithmetic3A_1425 : i32 to vector<16xi32>
    %shift_right_arithmetic3A_1427 = arith.shrsi %get3A_1390, %shift_right_arithmetic3A_1426 : vector<16xi32>
    %and3A_1428 = arith.constant 1 : i32
    %and3A_1429 = vector.broadcast %and3A_1428 : i32 to vector<16xi32>
    %and3A_1430 = arith.andi %shift_right_arithmetic3A_1427, %and3A_1429 : vector<16xi32>
    %shift_left3A_1431 = arith.constant 6 : i32
    %shift_left3A_1432 = vector.broadcast %shift_left3A_1431 : i32 to vector<16xi32>
    %shift_left3A_1433 = arith.shli %and3A_1430, %shift_left3A_1432 : vector<16xi32>
    %swap3A_1434 = arith.constant 384 : index
    %swap3A_1435 = tpu.vector_load %arg11[%swap3A_1434] {strides = array<i32>} : memref<512xi32, #tpu.memory_space<vmem>>, vector<16xi32>,
    tpu.vector_store %arg11[%swap3A_1434], %shift_left3A_1433 {strides = array<i32>} : memref<512xi32, #tpu.memory_space<vmem>>, vector<16xi32>,
    %shift_right_arithmetic3A_1436 = arith.constant 12 : i32
    %shift_right_arithmetic3A_1437 = vector.broadcast %shift_right_arithmetic3A_1436 : i32 to vector<16xi32>
    %shift_right_arithmetic3A_1438 = arith.shrsi %get3A_1392, %shift_right_arithmetic3A_1437 : vector<16xi32>
    %and3A_1439 = arith.constant 1 : i32
    %and3A_1440 = vector.broadcast %and3A_1439 : i32 to vector<16xi32>
    %and3A_1441 = arith.andi %shift_right_arithmetic3A_1438, %and3A_1440 : vector<16xi32>
    %shift_left3A_1442 = arith.constant 6 : i32
    %shift_left3A_1443 = vector.broadcast %shift_left3A_1442 : i32 to vector<16xi32>
    %shift_left3A_1444 = arith.shli %and3A_1441, %shift_left3A_1443 : vector<16xi32>
    %swap3A_1445 = arith.constant 384 : index
    %swap3A_1446 = tpu.vector_load %arg12[%swap3A_1445] {strides = array<i32>} : memref<512xi32, #tpu.memory_space<vmem>>, vector<16xi32>,
    tpu.vector_store %arg12[%swap3A_1445], %shift_left3A_1444 {strides = array<i32>} : memref<512xi32, #tpu.memory_space<vmem>>, vector<16xi32>,
    %get3A_1447 = arith.constant 400 : index
    %get3A_1448 = tpu.vector_load %arg7[%get3A_1447] {strides = array<i32>} : memref<512xi32, #tpu.memory_space<vmem>>, vector<16xi32>,
    %get3A_1449 = arith.constant 400 : index
    %get3A_1450 = tpu.vector_load %arg8[%get3A_1449] {strides = array<i32>} : memref<512xi32, #tpu.memory_space<vmem>>, vector<16xi32>,
    %shift_right_arithmetic3A_1451 = arith.constant 13 : i32
    %shift_right_arithmetic3A_1452 = vector.broadcast %shift_right_arithmetic3A_1451 : i32 to vector<16xi32>
    %shift_right_arithmetic3A_1453 = arith.shrsi %get3A_1448, %shift_right_arithmetic3A_1452 : vector<16xi32>
    %shift_left3A_1454 = arith.constant 12 : i32
    %shift_left3A_1455 = vector.broadcast %shift_left3A_1454 : i32 to vector<16xi32>
    %shift_left3A_1456 = arith.shli %shift_right_arithmetic3A_1453, %shift_left3A_1455 : vector<16xi32>
    %and3A_1457 = arith.constant 4095 : i32
    %and3A_1458 = vector.broadcast %and3A_1457 : i32 to vector<16xi32>
    %and3A_1459 = arith.andi %get3A_1448, %and3A_1458 : vector<16xi32>
    %or3A_1460 = arith.ori %shift_left3A_1456, %and3A_1459 : vector<16xi32>
    %swap3A_1461 = arith.constant 3 : i32
    %swap3A_1462 = arith.constant 0 : i32
    %swap3A_1463 = tpu.memref_slice %arg9[%swap3A_1461, %swap3A_1462] : memref<4x128xi32, #tpu.memory_space<vmem>> -> memref<1x128xi32, #tpu.memory_space<vmem>>
    %swap3A_1464 = tpu.memref_squeeze %swap3A_1463 : memref<1x128xi32, #tpu.memory_space<vmem>> -> memref<128xi32, #tpu.memory_space<vmem>>
    %swap3A_1465 = arith.constant 16 : index
    %swap3A_1466 = tpu.vector_load %swap3A_1464[%swap3A_1465] {strides = array<i32>} : memref<128xi32, #tpu.memory_space<vmem>>, vector<16xi32>,
    tpu.vector_store %swap3A_1464[%swap3A_1465], %or3A_1460 {strides = array<i32>} : memref<128xi32, #tpu.memory_space<vmem>>, vector<16xi32>,
    %shift_right_arithmetic3A_1467 = arith.constant 13 : i32
    %shift_right_arithmetic3A_1468 = vector.broadcast %shift_right_arithmetic3A_1467 : i32 to vector<16xi32>
    %shift_right_arithmetic3A_1469 = arith.shrsi %get3A_1450, %shift_right_arithmetic3A_1468 : vector<16xi32>
    %shift_left3A_1470 = arith.constant 12 : i32
    %shift_left3A_1471 = vector.broadcast %shift_left3A_1470 : i32 to vector<16xi32>
    %shift_left3A_1472 = arith.shli %shift_right_arithmetic3A_1469, %shift_left3A_1471 : vector<16xi32>
    %and3A_1473 = arith.constant 4095 : i32
    %and3A_1474 = vector.broadcast %and3A_1473 : i32 to vector<16xi32>
    %and3A_1475 = arith.andi %get3A_1450, %and3A_1474 : vector<16xi32>
    %or3A_1476 = arith.ori %shift_left3A_1472, %and3A_1475 : vector<16xi32>
    %swap3A_1477 = arith.constant 3 : i32
    %swap3A_1478 = arith.constant 0 : i32
    %swap3A_1479 = tpu.memref_slice %arg10[%swap3A_1477, %swap3A_1478] : memref<4x128xi32, #tpu.memory_space<vmem>> -> memref<1x128xi32, #tpu.memory_space<vmem>>
    %swap3A_1480 = tpu.memref_squeeze %swap3A_1479 : memref<1x128xi32, #tpu.memory_space<vmem>> -> memref<128xi32, #tpu.memory_space<vmem>>
    %swap3A_1481 = arith.constant 16 : index
    %swap3A_1482 = tpu.vector_load %swap3A_1480[%swap3A_1481] {strides = array<i32>} : memref<128xi32, #tpu.memory_space<vmem>>, vector<16xi32>,
    tpu.vector_store %swap3A_1480[%swap3A_1481], %or3A_1476 {strides = array<i32>} : memref<128xi32, #tpu.memory_space<vmem>>, vector<16xi32>,
    %shift_right_arithmetic3A_1483 = arith.constant 12 : i32
    %shift_right_arithmetic3A_1484 = vector.broadcast %shift_right_arithmetic3A_1483 : i32 to vector<16xi32>
    %shift_right_arithmetic3A_1485 = arith.shrsi %get3A_1448, %shift_right_arithmetic3A_1484 : vector<16xi32>
    %and3A_1486 = arith.constant 1 : i32
    %and3A_1487 = vector.broadcast %and3A_1486 : i32 to vector<16xi32>
    %and3A_1488 = arith.andi %shift_right_arithmetic3A_1485, %and3A_1487 : vector<16xi32>
    %shift_left3A_1489 = arith.constant 6 : i32
    %shift_left3A_1490 = vector.broadcast %shift_left3A_1489 : i32 to vector<16xi32>
    %shift_left3A_1491 = arith.shli %and3A_1488, %shift_left3A_1490 : vector<16xi32>
    %swap3A_1492 = arith.constant 400 : index
    %swap3A_1493 = tpu.vector_load %arg11[%swap3A_1492] {strides = array<i32>} : memref<512xi32, #tpu.memory_space<vmem>>, vector<16xi32>,
    tpu.vector_store %arg11[%swap3A_1492], %shift_left3A_1491 {strides = array<i32>} : memref<512xi32, #tpu.memory_space<vmem>>, vector<16xi32>,
    %shift_right_arithmetic3A_1494 = arith.constant 12 : i32
    %shift_right_arithmetic3A_1495 = vector.broadcast %shift_right_arithmetic3A_1494 : i32 to vector<16xi32>
    %shift_right_arithmetic3A_1496 = arith.shrsi %get3A_1450, %shift_right_arithmetic3A_1495 : vector<16xi32>
    %and3A_1497 = arith.constant 1 : i32
    %and3A_1498 = vector.broadcast %and3A_1497 : i32 to vector<16xi32>
    %and3A_1499 = arith.andi %shift_right_arithmetic3A_1496, %and3A_1498 : vector<16xi32>
    %shift_left3A_1500 = arith.constant 6 : i32
    %shift_left3A_1501 = vector.broadcast %shift_left3A_1500 : i32 to vector<16xi32>
    %shift_left3A_1502 = arith.shli %and3A_1499, %shift_left3A_1501 : vector<16xi32>
    %swap3A_1503 = arith.constant 400 : index
    %swap3A_1504 = tpu.vector_load %arg12[%swap3A_1503] {strides = array<i32>} : memref<512xi32, #tpu.memory_space<vmem>>, vector<16xi32>,
    tpu.vector_store %arg12[%swap3A_1503], %shift_left3A_1502 {strides = array<i32>} : memref<512xi32, #tpu.memory_space<vmem>>, vector<16xi32>,
    %get3A_1505 = arith.constant 416 : index
    %get3A_1506 = tpu.vector_load %arg7[%get3A_1505] {strides = array<i32>} : memref<512xi32, #tpu.memory_space<vmem>>, vector<16xi32>,
    %get3A_1507 = arith.constant 416 : index
    %get3A_1508 = tpu.vector_load %arg8[%get3A_1507] {strides = array<i32>} : memref<512xi32, #tpu.memory_space<vmem>>, vector<16xi32>,
    %shift_right_arithmetic3A_1509 = arith.constant 13 : i32
    %shift_right_arithmetic3A_1510 = vector.broadcast %shift_right_arithmetic3A_1509 : i32 to vector<16xi32>
    %shift_right_arithmetic3A_1511 = arith.shrsi %get3A_1506, %shift_right_arithmetic3A_1510 : vector<16xi32>
    %shift_left3A_1512 = arith.constant 12 : i32
    %shift_left3A_1513 = vector.broadcast %shift_left3A_1512 : i32 to vector<16xi32>
    %shift_left3A_1514 = arith.shli %shift_right_arithmetic3A_1511, %shift_left3A_1513 : vector<16xi32>
    %and3A_1515 = arith.constant 4095 : i32
    %and3A_1516 = vector.broadcast %and3A_1515 : i32 to vector<16xi32>
    %and3A_1517 = arith.andi %get3A_1506, %and3A_1516 : vector<16xi32>
    %or3A_1518 = arith.ori %shift_left3A_1514, %and3A_1517 : vector<16xi32>
    %swap3A_1519 = arith.constant 3 : i32
    %swap3A_1520 = arith.constant 0 : i32
    %swap3A_1521 = tpu.memref_slice %arg9[%swap3A_1519, %swap3A_1520] : memref<4x128xi32, #tpu.memory_space<vmem>> -> memref<1x128xi32, #tpu.memory_space<vmem>>
    %swap3A_1522 = tpu.memref_squeeze %swap3A_1521 : memref<1x128xi32, #tpu.memory_space<vmem>> -> memref<128xi32, #tpu.memory_space<vmem>>
    %swap3A_1523 = arith.constant 32 : index
    %swap3A_1524 = tpu.vector_load %swap3A_1522[%swap3A_1523] {strides = array<i32>} : memref<128xi32, #tpu.memory_space<vmem>>, vector<16xi32>,
    tpu.vector_store %swap3A_1522[%swap3A_1523], %or3A_1518 {strides = array<i32>} : memref<128xi32, #tpu.memory_space<vmem>>, vector<16xi32>,
    %shift_right_arithmetic3A_1525 = arith.constant 13 : i32
    %shift_right_arithmetic3A_1526 = vector.broadcast %shift_right_arithmetic3A_1525 : i32 to vector<16xi32>
    %shift_right_arithmetic3A_1527 = arith.shrsi %get3A_1508, %shift_right_arithmetic3A_1526 : vector<16xi32>
    %shift_left3A_1528 = arith.constant 12 : i32
    %shift_left3A_1529 = vector.broadcast %shift_left3A_1528 : i32 to vector<16xi32>
    %shift_left3A_1530 = arith.shli %shift_right_arithmetic3A_1527, %shift_left3A_1529 : vector<16xi32>
    %and3A_1531 = arith.constant 4095 : i32
    %and3A_1532 = vector.broadcast %and3A_1531 : i32 to vector<16xi32>
    %and3A_1533 = arith.andi %get3A_1508, %and3A_1532 : vector<16xi32>
    %or3A_1534 = arith.ori %shift_left3A_1530, %and3A_1533 : vector<16xi32>
    %swap3A_1535 = arith.constant 3 : i32
    %swap3A_1536 = arith.constant 0 : i32
    %swap3A_1537 = tpu.memref_slice %arg10[%swap3A_1535, %swap3A_1536] : memref<4x128xi32, #tpu.memory_space<vmem>> -> memref<1x128xi32, #tpu.memory_space<vmem>>
    %swap3A_1538 = tpu.memref_squeeze %swap3A_1537 : memref<1x128xi32, #tpu.memory_space<vmem>> -> memref<128xi32, #tpu.memory_space<vmem>>
    %swap3A_1539 = arith.constant 32 : index
    %swap3A_1540 = tpu.vector_load %swap3A_1538[%swap3A_1539] {strides = array<i32>} : memref<128xi32, #tpu.memory_space<vmem>>, vector<16xi32>,
    tpu.vector_store %swap3A_1538[%swap3A_1539], %or3A_1534 {strides = array<i32>} : memref<128xi32, #tpu.memory_space<vmem>>, vector<16xi32>,
    %shift_right_arithmetic3A_1541 = arith.constant 12 : i32
    %shift_right_arithmetic3A_1542 = vector.broadcast %shift_right_arithmetic3A_1541 : i32 to vector<16xi32>
    %shift_right_arithmetic3A_1543 = arith.shrsi %get3A_1506, %shift_right_arithmetic3A_1542 : vector<16xi32>
    %and3A_1544 = arith.constant 1 : i32
    %and3A_1545 = vector.broadcast %and3A_1544 : i32 to vector<16xi32>
    %and3A_1546 = arith.andi %shift_right_arithmetic3A_1543, %and3A_1545 : vector<16xi32>
    %shift_left3A_1547 = arith.constant 6 : i32
    %shift_left3A_1548 = vector.broadcast %shift_left3A_1547 : i32 to vector<16xi32>
    %shift_left3A_1549 = arith.shli %and3A_1546, %shift_left3A_1548 : vector<16xi32>
    %swap3A_1550 = arith.constant 416 : index
    %swap3A_1551 = tpu.vector_load %arg11[%swap3A_1550] {strides = array<i32>} : memref<512xi32, #tpu.memory_space<vmem>>, vector<16xi32>,
    tpu.vector_store %arg11[%swap3A_1550], %shift_left3A_1549 {strides = array<i32>} : memref<512xi32, #tpu.memory_space<vmem>>, vector<16xi32>,
    %shift_right_arithmetic3A_1552 = arith.constant 12 : i32
    %shift_right_arithmetic3A_1553 = vector.broadcast %shift_right_arithmetic3A_1552 : i32 to vector<16xi32>
    %shift_right_arithmetic3A_1554 = arith.shrsi %get3A_1508, %shift_right_arithmetic3A_1553 : vector<16xi32>
    %and3A_1555 = arith.constant 1 : i32
    %and3A_1556 = vector.broadcast %and3A_1555 : i32 to vector<16xi32>
    %and3A_1557 = arith.andi %shift_right_arithmetic3A_1554, %and3A_1556 : vector<16xi32>
    %shift_left3A_1558 = arith.constant 6 : i32
    %shift_left3A_1559 = vector.broadcast %shift_left3A_1558 : i32 to vector<16xi32>
    %shift_left3A_1560 = arith.shli %and3A_1557, %shift_left3A_1559 : vector<16xi32>
    %swap3A_1561 = arith.constant 416 : index
    %swap3A_1562 = tpu.vector_load %arg12[%swap3A_1561] {strides = array<i32>} : memref<512xi32, #tpu.memory_space<vmem>>, vector<16xi32>,
    tpu.vector_store %arg12[%swap3A_1561], %shift_left3A_1560 {strides = array<i32>} : memref<512xi32, #tpu.memory_space<vmem>>, vector<16xi32>,
    %get3A_1563 = arith.constant 432 : index
    %get3A_1564 = tpu.vector_load %arg7[%get3A_1563] {strides = array<i32>} : memref<512xi32, #tpu.memory_space<vmem>>, vector<16xi32>,
    %get3A_1565 = arith.constant 432 : index
    %get3A_1566 = tpu.vector_load %arg8[%get3A_1565] {strides = array<i32>} : memref<512xi32, #tpu.memory_space<vmem>>, vector<16xi32>,
    %shift_right_arithmetic3A_1567 = arith.constant 13 : i32
    %shift_right_arithmetic3A_1568 = vector.broadcast %shift_right_arithmetic3A_1567 : i32 to vector<16xi32>
    %shift_right_arithmetic3A_1569 = arith.shrsi %get3A_1564, %shift_right_arithmetic3A_1568 : vector<16xi32>
    %shift_left3A_1570 = arith.constant 12 : i32
    %shift_left3A_1571 = vector.broadcast %shift_left3A_1570 : i32 to vector<16xi32>
    %shift_left3A_1572 = arith.shli %shift_right_arithmetic3A_1569, %shift_left3A_1571 : vector<16xi32>
    %and3A_1573 = arith.constant 4095 : i32
    %and3A_1574 = vector.broadcast %and3A_1573 : i32 to vector<16xi32>
    %and3A_1575 = arith.andi %get3A_1564, %and3A_1574 : vector<16xi32>
    %or3A_1576 = arith.ori %shift_left3A_1572, %and3A_1575 : vector<16xi32>
    %swap3A_1577 = arith.constant 3 : i32
    %swap3A_1578 = arith.constant 0 : i32
    %swap3A_1579 = tpu.memref_slice %arg9[%swap3A_1577, %swap3A_1578] : memref<4x128xi32, #tpu.memory_space<vmem>> -> memref<1x128xi32, #tpu.memory_space<vmem>>
    %swap3A_1580 = tpu.memref_squeeze %swap3A_1579 : memref<1x128xi32, #tpu.memory_space<vmem>> -> memref<128xi32, #tpu.memory_space<vmem>>
    %swap3A_1581 = arith.constant 48 : index
    %swap3A_1582 = tpu.vector_load %swap3A_1580[%swap3A_1581] {strides = array<i32>} : memref<128xi32, #tpu.memory_space<vmem>>, vector<16xi32>,
    tpu.vector_store %swap3A_1580[%swap3A_1581], %or3A_1576 {strides = array<i32>} : memref<128xi32, #tpu.memory_space<vmem>>, vector<16xi32>,
    %shift_right_arithmetic3A_1583 = arith.constant 13 : i32
    %shift_right_arithmetic3A_1584 = vector.broadcast %shift_right_arithmetic3A_1583 : i32 to vector<16xi32>
    %shift_right_arithmetic3A_1585 = arith.shrsi %get3A_1566, %shift_right_arithmetic3A_1584 : vector<16xi32>
    %shift_left3A_1586 = arith.constant 12 : i32
    %shift_left3A_1587 = vector.broadcast %shift_left3A_1586 : i32 to vector<16xi32>
    %shift_left3A_1588 = arith.shli %shift_right_arithmetic3A_1585, %shift_left3A_1587 : vector<16xi32>
    %and3A_1589 = arith.constant 4095 : i32
    %and3A_1590 = vector.broadcast %and3A_1589 : i32 to vector<16xi32>
    %and3A_1591 = arith.andi %get3A_1566, %and3A_1590 : vector<16xi32>
    %or3A_1592 = arith.ori %shift_left3A_1588, %and3A_1591 : vector<16xi32>
    %swap3A_1593 = arith.constant 3 : i32
    %swap3A_1594 = arith.constant 0 : i32
    %swap3A_1595 = tpu.memref_slice %arg10[%swap3A_1593, %swap3A_1594] : memref<4x128xi32, #tpu.memory_space<vmem>> -> memref<1x128xi32, #tpu.memory_space<vmem>>
    %swap3A_1596 = tpu.memref_squeeze %swap3A_1595 : memref<1x128xi32, #tpu.memory_space<vmem>> -> memref<128xi32, #tpu.memory_space<vmem>>
    %swap3A_1597 = arith.constant 48 : index
    %swap3A_1598 = tpu.vector_load %swap3A_1596[%swap3A_1597] {strides = array<i32>} : memref<128xi32, #tpu.memory_space<vmem>>, vector<16xi32>,
    tpu.vector_store %swap3A_1596[%swap3A_1597], %or3A_1592 {strides = array<i32>} : memref<128xi32, #tpu.memory_space<vmem>>, vector<16xi32>,
    %shift_right_arithmetic3A_1599 = arith.constant 12 : i32
    %shift_right_arithmetic3A_1600 = vector.broadcast %shift_right_arithmetic3A_1599 : i32 to vector<16xi32>
    %shift_right_arithmetic3A_1601 = arith.shrsi %get3A_1564, %shift_right_arithmetic3A_1600 : vector<16xi32>
    %and3A_1602 = arith.constant 1 : i32
    %and3A_1603 = vector.broadcast %and3A_1602 : i32 to vector<16xi32>
    %and3A_1604 = arith.andi %shift_right_arithmetic3A_1601, %and3A_1603 : vector<16xi32>
    %shift_left3A_1605 = arith.constant 6 : i32
    %shift_left3A_1606 = vector.broadcast %shift_left3A_1605 : i32 to vector<16xi32>
    %shift_left3A_1607 = arith.shli %and3A_1604, %shift_left3A_1606 : vector<16xi32>
    %swap3A_1608 = arith.constant 432 : index
    %swap3A_1609 = tpu.vector_load %arg11[%swap3A_1608] {strides = array<i32>} : memref<512xi32, #tpu.memory_space<vmem>>, vector<16xi32>,
    tpu.vector_store %arg11[%swap3A_1608], %shift_left3A_1607 {strides = array<i32>} : memref<512xi32, #tpu.memory_space<vmem>>, vector<16xi32>,
    %shift_right_arithmetic3A_1610 = arith.constant 12 : i32
    %shift_right_arithmetic3A_1611 = vector.broadcast %shift_right_arithmetic3A_1610 : i32 to vector<16xi32>
    %shift_right_arithmetic3A_1612 = arith.shrsi %get3A_1566, %shift_right_arithmetic3A_1611 : vector<16xi32>
    %and3A_1613 = arith.constant 1 : i32
    %and3A_1614 = vector.broadcast %and3A_1613 : i32 to vector<16xi32>
    %and3A_1615 = arith.andi %shift_right_arithmetic3A_1612, %and3A_1614 : vector<16xi32>
    %shift_left3A_1616 = arith.constant 6 : i32
    %shift_left3A_1617 = vector.broadcast %shift_left3A_1616 : i32 to vector<16xi32>
    %shift_left3A_1618 = arith.shli %and3A_1615, %shift_left3A_1617 : vector<16xi32>
    %swap3A_1619 = arith.constant 432 : index
    %swap3A_1620 = tpu.vector_load %arg12[%swap3A_1619] {strides = array<i32>} : memref<512xi32, #tpu.memory_space<vmem>>, vector<16xi32>,
    tpu.vector_store %arg12[%swap3A_1619], %shift_left3A_1618 {strides = array<i32>} : memref<512xi32, #tpu.memory_space<vmem>>, vector<16xi32>,
    %get3A_1621 = arith.constant 448 : index
    %get3A_1622 = tpu.vector_load %arg7[%get3A_1621] {strides = array<i32>} : memref<512xi32, #tpu.memory_space<vmem>>, vector<16xi32>,
    %get3A_1623 = arith.constant 448 : index
    %get3A_1624 = tpu.vector_load %arg8[%get3A_1623] {strides = array<i32>} : memref<512xi32, #tpu.memory_space<vmem>>, vector<16xi32>,
    %shift_right_arithmetic3A_1625 = arith.constant 13 : i32
    %shift_right_arithmetic3A_1626 = vector.broadcast %shift_right_arithmetic3A_1625 : i32 to vector<16xi32>
    %shift_right_arithmetic3A_1627 = arith.shrsi %get3A_1622, %shift_right_arithmetic3A_1626 : vector<16xi32>
    %shift_left3A_1628 = arith.constant 12 : i32
    %shift_left3A_1629 = vector.broadcast %shift_left3A_1628 : i32 to vector<16xi32>
    %shift_left3A_1630 = arith.shli %shift_right_arithmetic3A_1627, %shift_left3A_1629 : vector<16xi32>
    %and3A_1631 = arith.constant 4095 : i32
    %and3A_1632 = vector.broadcast %and3A_1631 : i32 to vector<16xi32>
    %and3A_1633 = arith.andi %get3A_1622, %and3A_1632 : vector<16xi32>
    %or3A_1634 = arith.ori %shift_left3A_1630, %and3A_1633 : vector<16xi32>
    %swap3A_1635 = arith.constant 3 : i32
    %swap3A_1636 = arith.constant 0 : i32
    %swap3A_1637 = tpu.memref_slice %arg9[%swap3A_1635, %swap3A_1636] : memref<4x128xi32, #tpu.memory_space<vmem>> -> memref<1x128xi32, #tpu.memory_space<vmem>>
    %swap3A_1638 = tpu.memref_squeeze %swap3A_1637 : memref<1x128xi32, #tpu.memory_space<vmem>> -> memref<128xi32, #tpu.memory_space<vmem>>
    %swap3A_1639 = arith.constant 64 : index
    %swap3A_1640 = tpu.vector_load %swap3A_1638[%swap3A_1639] {strides = array<i32>} : memref<128xi32, #tpu.memory_space<vmem>>, vector<16xi32>,
    tpu.vector_store %swap3A_1638[%swap3A_1639], %or3A_1634 {strides = array<i32>} : memref<128xi32, #tpu.memory_space<vmem>>, vector<16xi32>,
    %shift_right_arithmetic3A_1641 = arith.constant 13 : i32
    %shift_right_arithmetic3A_1642 = vector.broadcast %shift_right_arithmetic3A_1641 : i32 to vector<16xi32>
    %shift_right_arithmetic3A_1643 = arith.shrsi %get3A_1624, %shift_right_arithmetic3A_1642 : vector<16xi32>
    %shift_left3A_1644 = arith.constant 12 : i32
    %shift_left3A_1645 = vector.broadcast %shift_left3A_1644 : i32 to vector<16xi32>
    %shift_left3A_1646 = arith.shli %shift_right_arithmetic3A_1643, %shift_left3A_1645 : vector<16xi32>
    %and3A_1647 = arith.constant 4095 : i32
    %and3A_1648 = vector.broadcast %and3A_1647 : i32 to vector<16xi32>
    %and3A_1649 = arith.andi %get3A_1624, %and3A_1648 : vector<16xi32>
    %or3A_1650 = arith.ori %shift_left3A_1646, %and3A_1649 : vector<16xi32>
    %swap3A_1651 = arith.constant 3 : i32
    %swap3A_1652 = arith.constant 0 : i32
    %swap3A_1653 = tpu.memref_slice %arg10[%swap3A_1651, %swap3A_1652] : memref<4x128xi32, #tpu.memory_space<vmem>> -> memref<1x128xi32, #tpu.memory_space<vmem>>
    %swap3A_1654 = tpu.memref_squeeze %swap3A_1653 : memref<1x128xi32, #tpu.memory_space<vmem>> -> memref<128xi32, #tpu.memory_space<vmem>>
    %swap3A_1655 = arith.constant 64 : index
    %swap3A_1656 = tpu.vector_load %swap3A_1654[%swap3A_1655] {strides = array<i32>} : memref<128xi32, #tpu.memory_space<vmem>>, vector<16xi32>,
    tpu.vector_store %swap3A_1654[%swap3A_1655], %or3A_1650 {strides = array<i32>} : memref<128xi32, #tpu.memory_space<vmem>>, vector<16xi32>,
    %shift_right_arithmetic3A_1657 = arith.constant 12 : i32
    %shift_right_arithmetic3A_1658 = vector.broadcast %shift_right_arithmetic3A_1657 : i32 to vector<16xi32>
    %shift_right_arithmetic3A_1659 = arith.shrsi %get3A_1622, %shift_right_arithmetic3A_1658 : vector<16xi32>
    %and3A_1660 = arith.constant 1 : i32
    %and3A_1661 = vector.broadcast %and3A_1660 : i32 to vector<16xi32>
    %and3A_1662 = arith.andi %shift_right_arithmetic3A_1659, %and3A_1661 : vector<16xi32>
    %shift_left3A_1663 = arith.constant 6 : i32
    %shift_left3A_1664 = vector.broadcast %shift_left3A_1663 : i32 to vector<16xi32>
    %shift_left3A_1665 = arith.shli %and3A_1662, %shift_left3A_1664 : vector<16xi32>
    %swap3A_1666 = arith.constant 448 : index
    %swap3A_1667 = tpu.vector_load %arg11[%swap3A_1666] {strides = array<i32>} : memref<512xi32, #tpu.memory_space<vmem>>, vector<16xi32>,
    tpu.vector_store %arg11[%swap3A_1666], %shift_left3A_1665 {strides = array<i32>} : memref<512xi32, #tpu.memory_space<vmem>>, vector<16xi32>,
    %shift_right_arithmetic3A_1668 = arith.constant 12 : i32
    %shift_right_arithmetic3A_1669 = vector.broadcast %shift_right_arithmetic3A_1668 : i32 to vector<16xi32>
    %shift_right_arithmetic3A_1670 = arith.shrsi %get3A_1624, %shift_right_arithmetic3A_1669 : vector<16xi32>
    %and3A_1671 = arith.constant 1 : i32
    %and3A_1672 = vector.broadcast %and3A_1671 : i32 to vector<16xi32>
    %and3A_1673 = arith.andi %shift_right_arithmetic3A_1670, %and3A_1672 : vector<16xi32>
    %shift_left3A_1674 = arith.constant 6 : i32
    %shift_left3A_1675 = vector.broadcast %shift_left3A_1674 : i32 to vector<16xi32>
    %shift_left3A_1676 = arith.shli %and3A_1673, %shift_left3A_1675 : vector<16xi32>
    %swap3A_1677 = arith.constant 448 : index
    %swap3A_1678 = tpu.vector_load %arg12[%swap3A_1677] {strides = array<i32>} : memref<512xi32, #tpu.memory_space<vmem>>, vector<16xi32>,
    tpu.vector_store %arg12[%swap3A_1677], %shift_left3A_1676 {strides = array<i32>} : memref<512xi32, #tpu.memory_space<vmem>>, vector<16xi32>,
    %get3A_1679 = arith.constant 464 : index
    %get3A_1680 = tpu.vector_load %arg7[%get3A_1679] {strides = array<i32>} : memref<512xi32, #tpu.memory_space<vmem>>, vector<16xi32>,
    %get3A_1681 = arith.constant 464 : index
    %get3A_1682 = tpu.vector_load %arg8[%get3A_1681] {strides = array<i32>} : memref<512xi32, #tpu.memory_space<vmem>>, vector<16xi32>,
    %shift_right_arithmetic3A_1683 = arith.constant 13 : i32
    %shift_right_arithmetic3A_1684 = vector.broadcast %shift_right_arithmetic3A_1683 : i32 to vector<16xi32>
    %shift_right_arithmetic3A_1685 = arith.shrsi %get3A_1680, %shift_right_arithmetic3A_1684 : vector<16xi32>
    %shift_left3A_1686 = arith.constant 12 : i32
    %shift_left3A_1687 = vector.broadcast %shift_left3A_1686 : i32 to vector<16xi32>
    %shift_left3A_1688 = arith.shli %shift_right_arithmetic3A_1685, %shift_left3A_1687 : vector<16xi32>
    %and3A_1689 = arith.constant 4095 : i32
    %and3A_1690 = vector.broadcast %and3A_1689 : i32 to vector<16xi32>
    %and3A_1691 = arith.andi %get3A_1680, %and3A_1690 : vector<16xi32>
    %or3A_1692 = arith.ori %shift_left3A_1688, %and3A_1691 : vector<16xi32>
    %swap3A_1693 = arith.constant 3 : i32
    %swap3A_1694 = arith.constant 0 : i32
    %swap3A_1695 = tpu.memref_slice %arg9[%swap3A_1693, %swap3A_1694] : memref<4x128xi32, #tpu.memory_space<vmem>> -> memref<1x128xi32, #tpu.memory_space<vmem>>
    %swap3A_1696 = tpu.memref_squeeze %swap3A_1695 : memref<1x128xi32, #tpu.memory_space<vmem>> -> memref<128xi32, #tpu.memory_space<vmem>>
    %swap3A_1697 = arith.constant 80 : index
    %swap3A_1698 = tpu.vector_load %swap3A_1696[%swap3A_1697] {strides = array<i32>} : memref<128xi32, #tpu.memory_space<vmem>>, vector<16xi32>,
    tpu.vector_store %swap3A_1696[%swap3A_1697], %or3A_1692 {strides = array<i32>} : memref<128xi32, #tpu.memory_space<vmem>>, vector<16xi32>,
    %shift_right_arithmetic3A_1699 = arith.constant 13 : i32
    %shift_right_arithmetic3A_1700 = vector.broadcast %shift_right_arithmetic3A_1699 : i32 to vector<16xi32>
    %shift_right_arithmetic3A_1701 = arith.shrsi %get3A_1682, %shift_right_arithmetic3A_1700 : vector<16xi32>
    %shift_left3A_1702 = arith.constant 12 : i32
    %shift_left3A_1703 = vector.broadcast %shift_left3A_1702 : i32 to vector<16xi32>
    %shift_left3A_1704 = arith.shli %shift_right_arithmetic3A_1701, %shift_left3A_1703 : vector<16xi32>
    %and3A_1705 = arith.constant 4095 : i32
    %and3A_1706 = vector.broadcast %and3A_1705 : i32 to vector<16xi32>
    %and3A_1707 = arith.andi %get3A_1682, %and3A_1706 : vector<16xi32>
    %or3A_1708 = arith.ori %shift_left3A_1704, %and3A_1707 : vector<16xi32>
    %swap3A_1709 = arith.constant 3 : i32
    %swap3A_1710 = arith.constant 0 : i32
    %swap3A_1711 = tpu.memref_slice %arg10[%swap3A_1709, %swap3A_1710] : memref<4x128xi32, #tpu.memory_space<vmem>> -> memref<1x128xi32, #tpu.memory_space<vmem>>
    %swap3A_1712 = tpu.memref_squeeze %swap3A_1711 : memref<1x128xi32, #tpu.memory_space<vmem>> -> memref<128xi32, #tpu.memory_space<vmem>>
    %swap3A_1713 = arith.constant 80 : index
    %swap3A_1714 = tpu.vector_load %swap3A_1712[%swap3A_1713] {strides = array<i32>} : memref<128xi32, #tpu.memory_space<vmem>>, vector<16xi32>,
    tpu.vector_store %swap3A_1712[%swap3A_1713], %or3A_1708 {strides = array<i32>} : memref<128xi32, #tpu.memory_space<vmem>>, vector<16xi32>,
    %shift_right_arithmetic3A_1715 = arith.constant 12 : i32
    %shift_right_arithmetic3A_1716 = vector.broadcast %shift_right_arithmetic3A_1715 : i32 to vector<16xi32>
    %shift_right_arithmetic3A_1717 = arith.shrsi %get3A_1680, %shift_right_arithmetic3A_1716 : vector<16xi32>
    %and3A_1718 = arith.constant 1 : i32
    %and3A_1719 = vector.broadcast %and3A_1718 : i32 to vector<16xi32>
    %and3A_1720 = arith.andi %shift_right_arithmetic3A_1717, %and3A_1719 : vector<16xi32>
    %shift_left3A_1721 = arith.constant 6 : i32
    %shift_left3A_1722 = vector.broadcast %shift_left3A_1721 : i32 to vector<16xi32>
    %shift_left3A_1723 = arith.shli %and3A_1720, %shift_left3A_1722 : vector<16xi32>
    %swap3A_1724 = arith.constant 464 : index
    %swap3A_1725 = tpu.vector_load %arg11[%swap3A_1724] {strides = array<i32>} : memref<512xi32, #tpu.memory_space<vmem>>, vector<16xi32>,
    tpu.vector_store %arg11[%swap3A_1724], %shift_left3A_1723 {strides = array<i32>} : memref<512xi32, #tpu.memory_space<vmem>>, vector<16xi32>,
    %shift_right_arithmetic3A_1726 = arith.constant 12 : i32
    %shift_right_arithmetic3A_1727 = vector.broadcast %shift_right_arithmetic3A_1726 : i32 to vector<16xi32>
    %shift_right_arithmetic3A_1728 = arith.shrsi %get3A_1682, %shift_right_arithmetic3A_1727 : vector<16xi32>
    %and3A_1729 = arith.constant 1 : i32
    %and3A_1730 = vector.broadcast %and3A_1729 : i32 to vector<16xi32>
    %and3A_1731 = arith.andi %shift_right_arithmetic3A_1728, %and3A_1730 : vector<16xi32>
    %shift_left3A_1732 = arith.constant 6 : i32
    %shift_left3A_1733 = vector.broadcast %shift_left3A_1732 : i32 to vector<16xi32>
    %shift_left3A_1734 = arith.shli %and3A_1731, %shift_left3A_1733 : vector<16xi32>
    %swap3A_1735 = arith.constant 464 : index
    %swap3A_1736 = tpu.vector_load %arg12[%swap3A_1735] {strides = array<i32>} : memref<512xi32, #tpu.memory_space<vmem>>, vector<16xi32>,
    tpu.vector_store %arg12[%swap3A_1735], %shift_left3A_1734 {strides = array<i32>} : memref<512xi32, #tpu.memory_space<vmem>>, vector<16xi32>,
    %get3A_1737 = arith.constant 480 : index
    %get3A_1738 = tpu.vector_load %arg7[%get3A_1737] {strides = array<i32>} : memref<512xi32, #tpu.memory_space<vmem>>, vector<16xi32>,
    %get3A_1739 = arith.constant 480 : index
    %get3A_1740 = tpu.vector_load %arg8[%get3A_1739] {strides = array<i32>} : memref<512xi32, #tpu.memory_space<vmem>>, vector<16xi32>,
    %shift_right_arithmetic3A_1741 = arith.constant 13 : i32
    %shift_right_arithmetic3A_1742 = vector.broadcast %shift_right_arithmetic3A_1741 : i32 to vector<16xi32>
    %shift_right_arithmetic3A_1743 = arith.shrsi %get3A_1738, %shift_right_arithmetic3A_1742 : vector<16xi32>
    %shift_left3A_1744 = arith.constant 12 : i32
    %shift_left3A_1745 = vector.broadcast %shift_left3A_1744 : i32 to vector<16xi32>
    %shift_left3A_1746 = arith.shli %shift_right_arithmetic3A_1743, %shift_left3A_1745 : vector<16xi32>
    %and3A_1747 = arith.constant 4095 : i32
    %and3A_1748 = vector.broadcast %and3A_1747 : i32 to vector<16xi32>
    %and3A_1749 = arith.andi %get3A_1738, %and3A_1748 : vector<16xi32>
    %or3A_1750 = arith.ori %shift_left3A_1746, %and3A_1749 : vector<16xi32>
    %swap3A_1751 = arith.constant 3 : i32
    %swap3A_1752 = arith.constant 0 : i32
    %swap3A_1753 = tpu.memref_slice %arg9[%swap3A_1751, %swap3A_1752] : memref<4x128xi32, #tpu.memory_space<vmem>> -> memref<1x128xi32, #tpu.memory_space<vmem>>
    %swap3A_1754 = tpu.memref_squeeze %swap3A_1753 : memref<1x128xi32, #tpu.memory_space<vmem>> -> memref<128xi32, #tpu.memory_space<vmem>>
    %swap3A_1755 = arith.constant 96 : index
    %swap3A_1756 = tpu.vector_load %swap3A_1754[%swap3A_1755] {strides = array<i32>} : memref<128xi32, #tpu.memory_space<vmem>>, vector<16xi32>,
    tpu.vector_store %swap3A_1754[%swap3A_1755], %or3A_1750 {strides = array<i32>} : memref<128xi32, #tpu.memory_space<vmem>>, vector<16xi32>,
    %shift_right_arithmetic3A_1757 = arith.constant 13 : i32
    %shift_right_arithmetic3A_1758 = vector.broadcast %shift_right_arithmetic3A_1757 : i32 to vector<16xi32>
    %shift_right_arithmetic3A_1759 = arith.shrsi %get3A_1740, %shift_right_arithmetic3A_1758 : vector<16xi32>
    %shift_left3A_1760 = arith.constant 12 : i32
    %shift_left3A_1761 = vector.broadcast %shift_left3A_1760 : i32 to vector<16xi32>
    %shift_left3A_1762 = arith.shli %shift_right_arithmetic3A_1759, %shift_left3A_1761 : vector<16xi32>
    %and3A_1763 = arith.constant 4095 : i32
    %and3A_1764 = vector.broadcast %and3A_1763 : i32 to vector<16xi32>
    %and3A_1765 = arith.andi %get3A_1740, %and3A_1764 : vector<16xi32>
    %or3A_1766 = arith.ori %shift_left3A_1762, %and3A_1765 : vector<16xi32>
    %swap3A_1767 = arith.constant 3 : i32
    %swap3A_1768 = arith.constant 0 : i32
    %swap3A_1769 = tpu.memref_slice %arg10[%swap3A_1767, %swap3A_1768] : memref<4x128xi32, #tpu.memory_space<vmem>> -> memref<1x128xi32, #tpu.memory_space<vmem>>
    %swap3A_1770 = tpu.memref_squeeze %swap3A_1769 : memref<1x128xi32, #tpu.memory_space<vmem>> -> memref<128xi32, #tpu.memory_space<vmem>>
    %swap3A_1771 = arith.constant 96 : index
    %swap3A_1772 = tpu.vector_load %swap3A_1770[%swap3A_1771] {strides = array<i32>} : memref<128xi32, #tpu.memory_space<vmem>>, vector<16xi32>,
    tpu.vector_store %swap3A_1770[%swap3A_1771], %or3A_1766 {strides = array<i32>} : memref<128xi32, #tpu.memory_space<vmem>>, vector<16xi32>,
    %shift_right_arithmetic3A_1773 = arith.constant 12 : i32
    %shift_right_arithmetic3A_1774 = vector.broadcast %shift_right_arithmetic3A_1773 : i32 to vector<16xi32>
    %shift_right_arithmetic3A_1775 = arith.shrsi %get3A_1738, %shift_right_arithmetic3A_1774 : vector<16xi32>
    %and3A_1776 = arith.constant 1 : i32
    %and3A_1777 = vector.broadcast %and3A_1776 : i32 to vector<16xi32>
    %and3A_1778 = arith.andi %shift_right_arithmetic3A_1775, %and3A_1777 : vector<16xi32>
    %shift_left3A_1779 = arith.constant 6 : i32
    %shift_left3A_1780 = vector.broadcast %shift_left3A_1779 : i32 to vector<16xi32>
    %shift_left3A_1781 = arith.shli %and3A_1778, %shift_left3A_1780 : vector<16xi32>
    %swap3A_1782 = arith.constant 480 : index
    %swap3A_1783 = tpu.vector_load %arg11[%swap3A_1782] {strides = array<i32>} : memref<512xi32, #tpu.memory_space<vmem>>, vector<16xi32>,
    tpu.vector_store %arg11[%swap3A_1782], %shift_left3A_1781 {strides = array<i32>} : memref<512xi32, #tpu.memory_space<vmem>>, vector<16xi32>,
    %shift_right_arithmetic3A_1784 = arith.constant 12 : i32
    %shift_right_arithmetic3A_1785 = vector.broadcast %shift_right_arithmetic3A_1784 : i32 to vector<16xi32>
    %shift_right_arithmetic3A_1786 = arith.shrsi %get3A_1740, %shift_right_arithmetic3A_1785 : vector<16xi32>
    %and3A_1787 = arith.constant 1 : i32
    %and3A_1788 = vector.broadcast %and3A_1787 : i32 to vector<16xi32>
    %and3A_1789 = arith.andi %shift_right_arithmetic3A_1786, %and3A_1788 : vector<16xi32>
    %shift_left3A_1790 = arith.constant 6 : i32
    %shift_left3A_1791 = vector.broadcast %shift_left3A_1790 : i32 to vector<16xi32>
    %shift_left3A_1792 = arith.shli %and3A_1789, %shift_left3A_1791 : vector<16xi32>
    %swap3A_1793 = arith.constant 480 : index
    %swap3A_1794 = tpu.vector_load %arg12[%swap3A_1793] {strides = array<i32>} : memref<512xi32, #tpu.memory_space<vmem>>, vector<16xi32>,
    tpu.vector_store %arg12[%swap3A_1793], %shift_left3A_1792 {strides = array<i32>} : memref<512xi32, #tpu.memory_space<vmem>>, vector<16xi32>,
    %get3A_1795 = arith.constant 496 : index
    %get3A_1796 = tpu.vector_load %arg7[%get3A_1795] {strides = array<i32>} : memref<512xi32, #tpu.memory_space<vmem>>, vector<16xi32>,
    %get3A_1797 = arith.constant 496 : index
    %get3A_1798 = tpu.vector_load %arg8[%get3A_1797] {strides = array<i32>} : memref<512xi32, #tpu.memory_space<vmem>>, vector<16xi32>,
    %shift_right_arithmetic3A_1799 = arith.constant 13 : i32
    %shift_right_arithmetic3A_1800 = vector.broadcast %shift_right_arithmetic3A_1799 : i32 to vector<16xi32>
    %shift_right_arithmetic3A_1801 = arith.shrsi %get3A_1796, %shift_right_arithmetic3A_1800 : vector<16xi32>
    %shift_left3A_1802 = arith.constant 12 : i32
    %shift_left3A_1803 = vector.broadcast %shift_left3A_1802 : i32 to vector<16xi32>
    %shift_left3A_1804 = arith.shli %shift_right_arithmetic3A_1801, %shift_left3A_1803 : vector<16xi32>
    %and3A_1805 = arith.constant 4095 : i32
    %and3A_1806 = vector.broadcast %and3A_1805 : i32 to vector<16xi32>
    %and3A_1807 = arith.andi %get3A_1796, %and3A_1806 : vector<16xi32>
    %or3A_1808 = arith.ori %shift_left3A_1804, %and3A_1807 : vector<16xi32>
    %swap3A_1809 = arith.constant 3 : i32
    %swap3A_1810 = arith.constant 0 : i32
    %swap3A_1811 = tpu.memref_slice %arg9[%swap3A_1809, %swap3A_1810] : memref<4x128xi32, #tpu.memory_space<vmem>> -> memref<1x128xi32, #tpu.memory_space<vmem>>
    %swap3A_1812 = tpu.memref_squeeze %swap3A_1811 : memref<1x128xi32, #tpu.memory_space<vmem>> -> memref<128xi32, #tpu.memory_space<vmem>>
    %swap3A_1813 = arith.constant 112 : index
    %swap3A_1814 = tpu.vector_load %swap3A_1812[%swap3A_1813] {strides = array<i32>} : memref<128xi32, #tpu.memory_space<vmem>>, vector<16xi32>,
    tpu.vector_store %swap3A_1812[%swap3A_1813], %or3A_1808 {strides = array<i32>} : memref<128xi32, #tpu.memory_space<vmem>>, vector<16xi32>,
    %shift_right_arithmetic3A_1815 = arith.constant 13 : i32
    %shift_right_arithmetic3A_1816 = vector.broadcast %shift_right_arithmetic3A_1815 : i32 to vector<16xi32>
    %shift_right_arithmetic3A_1817 = arith.shrsi %get3A_1798, %shift_right_arithmetic3A_1816 : vector<16xi32>
    %shift_left3A_1818 = arith.constant 12 : i32
    %shift_left3A_1819 = vector.broadcast %shift_left3A_1818 : i32 to vector<16xi32>
    %shift_left3A_1820 = arith.shli %shift_right_arithmetic3A_1817, %shift_left3A_1819 : vector<16xi32>
    %and3A_1821 = arith.constant 4095 : i32
    %and3A_1822 = vector.broadcast %and3A_1821 : i32 to vector<16xi32>
    %and3A_1823 = arith.andi %get3A_1798, %and3A_1822 : vector<16xi32>
    %or3A_1824 = arith.ori %shift_left3A_1820, %and3A_1823 : vector<16xi32>
    %swap3A_1825 = arith.constant 3 : i32
    %swap3A_1826 = arith.constant 0 : i32
    %swap3A_1827 = tpu.memref_slice %arg10[%swap3A_1825, %swap3A_1826] : memref<4x128xi32, #tpu.memory_space<vmem>> -> memref<1x128xi32, #tpu.memory_space<vmem>>
    %swap3A_1828 = tpu.memref_squeeze %swap3A_1827 : memref<1x128xi32, #tpu.memory_space<vmem>> -> memref<128xi32, #tpu.memory_space<vmem>>
    %swap3A_1829 = arith.constant 112 : index
    %swap3A_1830 = tpu.vector_load %swap3A_1828[%swap3A_1829] {strides = array<i32>} : memref<128xi32, #tpu.memory_space<vmem>>, vector<16xi32>,
    tpu.vector_store %swap3A_1828[%swap3A_1829], %or3A_1824 {strides = array<i32>} : memref<128xi32, #tpu.memory_space<vmem>>, vector<16xi32>,
    %shift_right_arithmetic3A_1831 = arith.constant 12 : i32
    %shift_right_arithmetic3A_1832 = vector.broadcast %shift_right_arithmetic3A_1831 : i32 to vector<16xi32>
    %shift_right_arithmetic3A_1833 = arith.shrsi %get3A_1796, %shift_right_arithmetic3A_1832 : vector<16xi32>
    %and3A_1834 = arith.constant 1 : i32
    %and3A_1835 = vector.broadcast %and3A_1834 : i32 to vector<16xi32>
    %and3A_1836 = arith.andi %shift_right_arithmetic3A_1833, %and3A_1835 : vector<16xi32>
    %shift_left3A_1837 = arith.constant 6 : i32
    %shift_left3A_1838 = vector.broadcast %shift_left3A_1837 : i32 to vector<16xi32>
    %shift_left3A_1839 = arith.shli %and3A_1836, %shift_left3A_1838 : vector<16xi32>
    %swap3A_1840 = arith.constant 496 : index
    %swap3A_1841 = tpu.vector_load %arg11[%swap3A_1840] {strides = array<i32>} : memref<512xi32, #tpu.memory_space<vmem>>, vector<16xi32>,
    tpu.vector_store %arg11[%swap3A_1840], %shift_left3A_1839 {strides = array<i32>} : memref<512xi32, #tpu.memory_space<vmem>>, vector<16xi32>,
    %shift_right_arithmetic3A_1842 = arith.constant 12 : i32
    %shift_right_arithmetic3A_1843 = vector.broadcast %shift_right_arithmetic3A_1842 : i32 to vector<16xi32>
    %shift_right_arithmetic3A_1844 = arith.shrsi %get3A_1798, %shift_right_arithmetic3A_1843 : vector<16xi32>
    %and3A_1845 = arith.constant 1 : i32
    %and3A_1846 = vector.broadcast %and3A_1845 : i32 to vector<16xi32>
    %and3A_1847 = arith.andi %shift_right_arithmetic3A_1844, %and3A_1846 : vector<16xi32>
    %shift_left3A_1848 = arith.constant 6 : i32
    %shift_left3A_1849 = vector.broadcast %shift_left3A_1848 : i32 to vector<16xi32>
    %shift_left3A_1850 = arith.shli %and3A_1847, %shift_left3A_1849 : vector<16xi32>
    %swap3A_1851 = arith.constant 496 : index
    %swap3A_1852 = tpu.vector_load %arg12[%swap3A_1851] {strides = array<i32>} : memref<512xi32, #tpu.memory_space<vmem>>, vector<16xi32>,
    tpu.vector_store %arg12[%swap3A_1851], %shift_left3A_1850 {strides = array<i32>} : memref<512xi32, #tpu.memory_space<vmem>>, vector<16xi32>,
    %dma_start3A = arith.constant 0 : i32
    %dma_start3A_1853 = arith.constant 0 : i32
    %dma_start3A_1854 = arith.constant 0 : i32
    %dma_start3A_1855 = arith.constant 0 : i32
    %dma_start3A_1856 = tpu.memref_slice %arg13[%dma_start3A_1853, %dma_start3A_1854, %dma_start3A_1855] : memref<2x128x128xf32, #tpu.memory_space<vmem>> -> memref<1x128x128xf32, #tpu.memory_space<vmem>>
    %dma_start3A_1857 = tpu.memref_squeeze %dma_start3A_1856 : memref<1x128x128xf32, #tpu.memory_space<vmem>> -> memref<128x128xf32, #tpu.memory_space<vmem>>
    %dma_start3A_1858 = arith.constant 0 : i32
    %dma_start3A_1859 = tpu.memref_slice %arg9[%dma_start3A, %dma_start3A_1858] : memref<4x128xi32, #tpu.memory_space<vmem>> -> memref<1x128xi32, #tpu.memory_space<vmem>>
    %dma_start3A_1860 = tpu.memref_squeeze %dma_start3A_1859 : memref<1x128xi32, #tpu.memory_space<vmem>> -> memref<128xi32, #tpu.memory_space<vmem>>
    %dma_start3A_1861 = arith.constant 0 : i32
    %dma_start3A_1862 = arith.constant 0 : i32
    %dma_start3A_1863 = tpu.memref_slice %arg4[%dma_start3A_1861, %dma_start3A_1862] : memref<53248x128xf32, #tpu.memory_space<hbm>> -> memref<53248x128xf32, #tpu.memory_space<hbm>>
    tpu.enqueue_indirect_dma source(%dma_start3A_1863 : memref<53248x128xf32, #tpu.memory_space<hbm>>) target(%dma_start3A_1857 : memref<128x128xf32, #tpu.memory_space<vmem>>) offsets(%dma_start3A_1860 : memref<128xi32, #tpu.memory_space<vmem>>) semaphore(%arg16 : memref<!tpu.dma_semaphore, #tpu.memory_space<semaphore_mem>>)
    %dma_start3A_1864 = arith.constant 0 : i32
    %dma_start3A_1865 = arith.constant 0 : i32
    %dma_start3A_1866 = arith.constant 0 : i32
    %dma_start3A_1867 = arith.constant 0 : i32
    %dma_start3A_1868 = tpu.memref_slice %arg14[%dma_start3A_1865, %dma_start3A_1866, %dma_start3A_1867] : memref<2x128x128xf32, #tpu.memory_space<vmem>> -> memref<1x128x128xf32, #tpu.memory_space<vmem>>
    %dma_start3A_1869 = tpu.memref_squeeze %dma_start3A_1868 : memref<1x128x128xf32, #tpu.memory_space<vmem>> -> memref<128x128xf32, #tpu.memory_space<vmem>>
    %dma_start3A_1870 = arith.constant 0 : i32
    %dma_start3A_1871 = tpu.memref_slice %arg10[%dma_start3A_1864, %dma_start3A_1870] : memref<4x128xi32, #tpu.memory_space<vmem>> -> memref<1x128xi32, #tpu.memory_space<vmem>>
    %dma_start3A_1872 = tpu.memref_squeeze %dma_start3A_1871 : memref<1x128xi32, #tpu.memory_space<vmem>> -> memref<128xi32, #tpu.memory_space<vmem>>
    %dma_start3A_1873 = arith.constant 0 : i32
    %dma_start3A_1874 = arith.constant 0 : i32
    %dma_start3A_1875 = tpu.memref_slice %arg5[%dma_start3A_1873, %dma_start3A_1874] : memref<53248x128xf32, #tpu.memory_space<hbm>> -> memref<53248x128xf32, #tpu.memory_space<hbm>>
    tpu.enqueue_indirect_dma source(%dma_start3A_1875 : memref<53248x128xf32, #tpu.memory_space<hbm>>) target(%dma_start3A_1869 : memref<128x128xf32, #tpu.memory_space<vmem>>) offsets(%dma_start3A_1872 : memref<128xi32, #tpu.memory_space<vmem>>) semaphore(%arg16 : memref<!tpu.dma_semaphore, #tpu.memory_space<semaphore_mem>>)
    %dma_start3A_1876 = arith.constant 1 : i32
    %dma_start3A_1877 = arith.constant 1 : i32
    %dma_start3A_1878 = arith.constant 0 : i32
    %dma_start3A_1879 = arith.constant 0 : i32
    %dma_start3A_1880 = tpu.memref_slice %arg13[%dma_start3A_1877, %dma_start3A_1878, %dma_start3A_1879] : memref<2x128x128xf32, #tpu.memory_space<vmem>> -> memref<1x128x128xf32, #tpu.memory_space<vmem>>
    %dma_start3A_1881 = tpu.memref_squeeze %dma_start3A_1880 : memref<1x128x128xf32, #tpu.memory_space<vmem>> -> memref<128x128xf32, #tpu.memory_space<vmem>>
    %dma_start3A_1882 = arith.constant 0 : i32
    %dma_start3A_1883 = tpu.memref_slice %arg9[%dma_start3A_1876, %dma_start3A_1882] : memref<4x128xi32, #tpu.memory_space<vmem>> -> memref<1x128xi32, #tpu.memory_space<vmem>>
    %dma_start3A_1884 = tpu.memref_squeeze %dma_start3A_1883 : memref<1x128xi32, #tpu.memory_space<vmem>> -> memref<128xi32, #tpu.memory_space<vmem>>
    %dma_start3A_1885 = arith.constant 0 : i32
    %dma_start3A_1886 = arith.constant 0 : i32
    %dma_start3A_1887 = tpu.memref_slice %arg4[%dma_start3A_1885, %dma_start3A_1886] : memref<53248x128xf32, #tpu.memory_space<hbm>> -> memref<53248x128xf32, #tpu.memory_space<hbm>>
    tpu.enqueue_indirect_dma source(%dma_start3A_1887 : memref<53248x128xf32, #tpu.memory_space<hbm>>) target(%dma_start3A_1881 : memref<128x128xf32, #tpu.memory_space<vmem>>) offsets(%dma_start3A_1884 : memref<128xi32, #tpu.memory_space<vmem>>) semaphore(%arg17 : memref<!tpu.dma_semaphore, #tpu.memory_space<semaphore_mem>>)
    %dma_start3A_1888 = arith.constant 1 : i32
    %dma_start3A_1889 = arith.constant 1 : i32
    %dma_start3A_1890 = arith.constant 0 : i32
    %dma_start3A_1891 = arith.constant 0 : i32
    %dma_start3A_1892 = tpu.memref_slice %arg14[%dma_start3A_1889, %dma_start3A_1890, %dma_start3A_1891] : memref<2x128x128xf32, #tpu.memory_space<vmem>> -> memref<1x128x128xf32, #tpu.memory_space<vmem>>
    %dma_start3A_1893 = tpu.memref_squeeze %dma_start3A_1892 : memref<1x128x128xf32, #tpu.memory_space<vmem>> -> memref<128x128xf32, #tpu.memory_space<vmem>>
    %dma_start3A_1894 = arith.constant 0 : i32
    %dma_start3A_1895 = tpu.memref_slice %arg10[%dma_start3A_1888, %dma_start3A_1894] : memref<4x128xi32, #tpu.memory_space<vmem>> -> memref<1x128xi32, #tpu.memory_space<vmem>>
    %dma_start3A_1896 = tpu.memref_squeeze %dma_start3A_1895 : memref<1x128xi32, #tpu.memory_space<vmem>> -> memref<128xi32, #tpu.memory_space<vmem>>
    %dma_start3A_1897 = arith.constant 0 : i32
    %dma_start3A_1898 = arith.constant 0 : i32
    %dma_start3A_1899 = tpu.memref_slice %arg5[%dma_start3A_1897, %dma_start3A_1898] : memref<53248x128xf32, #tpu.memory_space<hbm>> -> memref<53248x128xf32, #tpu.memory_space<hbm>>
    tpu.enqueue_indirect_dma source(%dma_start3A_1899 : memref<53248x128xf32, #tpu.memory_space<hbm>>) target(%dma_start3A_1893 : memref<128x128xf32, #tpu.memory_space<vmem>>) offsets(%dma_start3A_1896 : memref<128xi32, #tpu.memory_space<vmem>>) semaphore(%arg17 : memref<!tpu.dma_semaphore, #tpu.memory_space<semaphore_mem>>)
    %dma_wait3A = arith.constant 0 : i32
    %dma_wait3A_1900 = arith.constant 0 : i32
    %dma_wait3A_1901 = arith.constant 0 : i32
    %dma_wait3A_1902 = arith.constant 0 : i32
    %dma_wait3A_1903 = tpu.memref_slice %arg13[%dma_wait3A_1900, %dma_wait3A_1901, %dma_wait3A_1902] : memref<2x128x128xf32, #tpu.memory_space<vmem>> -> memref<1x128x128xf32, #tpu.memory_space<vmem>>
    %dma_wait3A_1904 = tpu.memref_squeeze %dma_wait3A_1903 : memref<1x128x128xf32, #tpu.memory_space<vmem>> -> memref<128x128xf32, #tpu.memory_space<vmem>>
    %dma_wait3A_1905 = arith.constant 0 : i32
    %dma_wait3A_1906 = tpu.memref_slice %arg9[%dma_wait3A, %dma_wait3A_1905] : memref<4x128xi32, #tpu.memory_space<vmem>> -> memref<1x128xi32, #tpu.memory_space<vmem>>
    %dma_wait3A_1907 = tpu.memref_squeeze %dma_wait3A_1906 : memref<1x128xi32, #tpu.memory_space<vmem>> -> memref<128xi32, #tpu.memory_space<vmem>>
    %dma_wait3A_1908 = arith.constant 0 : i32
    %dma_wait3A_1909 = arith.constant 0 : i32
    %dma_wait3A_1910 = tpu.memref_slice %arg4[%dma_wait3A_1908, %dma_wait3A_1909] : memref<53248x128xf32, #tpu.memory_space<hbm>> -> memref<53248x128xf32, #tpu.memory_space<hbm>>
    tpu.wait_indirect_dma semaphore(%arg16 : memref<!tpu.dma_semaphore, #tpu.memory_space<semaphore_mem>>) src(%dma_wait3A_1910 : memref<53248x128xf32, #tpu.memory_space<hbm>>) dst(%dma_wait3A_1904 : memref<128x128xf32, #tpu.memory_space<vmem>>)
    %dma_wait3A_1911 = arith.constant 0 : i32
    %dma_wait3A_1912 = arith.constant 0 : i32
    %dma_wait3A_1913 = arith.constant 0 : i32
    %dma_wait3A_1914 = arith.constant 0 : i32
    %dma_wait3A_1915 = tpu.memref_slice %arg14[%dma_wait3A_1912, %dma_wait3A_1913, %dma_wait3A_1914] : memref<2x128x128xf32, #tpu.memory_space<vmem>> -> memref<1x128x128xf32, #tpu.memory_space<vmem>>
    %dma_wait3A_1916 = tpu.memref_squeeze %dma_wait3A_1915 : memref<1x128x128xf32, #tpu.memory_space<vmem>> -> memref<128x128xf32, #tpu.memory_space<vmem>>
    %dma_wait3A_1917 = arith.constant 0 : i32
    %dma_wait3A_1918 = tpu.memref_slice %arg10[%dma_wait3A_1911, %dma_wait3A_1917] : memref<4x128xi32, #tpu.memory_space<vmem>> -> memref<1x128xi32, #tpu.memory_space<vmem>>
    %dma_wait3A_1919 = tpu.memref_squeeze %dma_wait3A_1918 : memref<1x128xi32, #tpu.memory_space<vmem>> -> memref<128xi32, #tpu.memory_space<vmem>>
    %dma_wait3A_1920 = arith.constant 0 : i32
    %dma_wait3A_1921 = arith.constant 0 : i32
    %dma_wait3A_1922 = tpu.memref_slice %arg5[%dma_wait3A_1920, %dma_wait3A_1921] : memref<53248x128xf32, #tpu.memory_space<hbm>> -> memref<53248x128xf32, #tpu.memory_space<hbm>>
    tpu.wait_indirect_dma semaphore(%arg16 : memref<!tpu.dma_semaphore, #tpu.memory_space<semaphore_mem>>) src(%dma_wait3A_1922 : memref<53248x128xf32, #tpu.memory_space<hbm>>) dst(%dma_wait3A_1916 : memref<128x128xf32, #tpu.memory_space<vmem>>)
    %broadcast_in_dim3A = arith.constant 0 : i32
    %broadcast_in_dim3A_1923 = vector.broadcast %broadcast_in_dim3A : i32 to vector<16xi32>
    %scan3A = arith.constant 0 : i32
    %scan3A_1924 = arith.constant 0 : i32
    %scan3A_1925 = arith.constant 8 : i32
    %scan3A_1926 = arith.addi %scan3A_1924, %scan3A_1925 : i32
    %scan3A_1927 = arith.constant 1 : i32
    %scan3A_1928 = scf.for %scan3A_2077 = %scan3A_1924 to %scan3A_1926 step %scan3A_1927 iter_args(%scan3A_2078 = %scan3A) -> (i32)  : i32 {
      %mul3A_2079 = arith.constant 16 : i32
      %mul3A_2080 = arith.muli %scan3A_2077, %mul3A_2079 : i32
      %add3A_2081 = vector.broadcast %mul3A_2080 : i32 to vector<16xi32>
      %add3A_2082 = arith.addi %iota3A, %add3A_2081 : vector<16xi32>
      %mul3A_2083 = arith.constant 16 : i32
      %mul3A_2084 = arith.muli %scan3A_2077, %mul3A_2083 : i32
      %add3A_2085 = arith.constant 0 : i32
      %add3A_2086 = arith.addi %add3A_2085, %mul3A_2084 : i32
      %get3A_2087 = arith.index_cast %add3A_2086 : i32 to index
      %get3A_2088 = tpu.vector_load %arg11[%get3A_2087] {strides = array<i32>} : memref<512xi32, #tpu.memory_space<vmem>>, vector<16xi32>,
      %mul3A_2089 = arith.constant 16 : i32
      %mul3A_2090 = arith.muli %scan3A_2077, %mul3A_2089 : i32
      %add3A_2091 = arith.constant 0 : i32
      %add3A_2092 = arith.addi %add3A_2091, %mul3A_2090 : i32
      %get3A_2093 = arith.index_cast %add3A_2092 : i32 to index
      %get3A_2094 = tpu.vector_load %arg12[%get3A_2093] {strides = array<i32>} : memref<512xi32, #tpu.memory_space<vmem>>, vector<16xi32>,
      %broadcast_in_dim3A_2095 = arith.constant 0.000000e+00 : f32
      %broadcast_in_dim3A_2096 = vector.broadcast %broadcast_in_dim3A_2095 : f32 to vector<16xf32>
      %broadcast_in_dim3A_2097 = arith.constant 0.000000e+00 : f32
      %broadcast_in_dim3A_2098 = vector.broadcast %broadcast_in_dim3A_2097 : f32 to vector<16xf32>
      %broadcast_in_dim3A_2099 = arith.constant 0.000000e+00 : f32
      %broadcast_in_dim3A_2100 = vector.broadcast %broadcast_in_dim3A_2099 : f32 to vector<16xf32>
      %broadcast_in_dim3A_2101 = arith.constant 0.000000e+00 : f32
      %broadcast_in_dim3A_2102 = vector.broadcast %broadcast_in_dim3A_2101 : f32 to vector<16xf32>
      %scan3A_2103 = arith.constant 0 : i32
      %scan3A_2104 = arith.constant 2 : i32
      %scan3A_2105 = arith.addi %scan3A_2103, %scan3A_2104 : i32
      %scan3A_2106 = arith.constant 1 : i32
      %scan3A_2107:4 = scf.for %scan3A_2126 = %scan3A_2103 to %scan3A_2105 step %scan3A_2106 iter_args(%scan3A_2127 = %broadcast_in_dim3A_2096, %scan3A_2128 = %broadcast_in_dim3A_2098, %scan3A_2129 = %broadcast_in_dim3A_2100, %scan3A_2130 = %broadcast_in_dim3A_2102) -> (vector<16xf32>, vector<16xf32>, vector<16xf32>, vector<16xf32>)  : i32 {
        %mul3A_2131 = arith.constant 32 : i32
        %mul3A_2132 = arith.muli %scan3A_2126, %mul3A_2131 : i32
        %add3A_2133 = arith.constant 0 : i32
        %add3A_2134 = arith.addi %mul3A_2132, %add3A_2133 : i32
        %add3A_2135 = vector.broadcast %add3A_2134 : i32 to vector<16xi32>
        %add3A_2136 = arith.addi %iota3A, %add3A_2135 : vector<16xi32>
        %and3A_2137 = arith.constant 63 : i32
        %and3A_2138 = vector.broadcast %and3A_2137 : i32 to vector<16xi32>
        %and3A_2139 = arith.andi %add3A_2136, %and3A_2138 : vector<16xi32>
        %add3A_2140 = arith.addi %get3A_2088, %and3A_2139 : vector<16xi32>
        %gather3A = tpu.vector_load_idx %arg13[%broadcast_in_dim3A_1923, %add3A_2082, %add3A_2140] : memref<2x128x128xf32, #tpu.memory_space<vmem>>[vector<16xi32>, vector<16xi32>, vector<16xi32>], vector<16xf32>,
        %add3A_2141 = arith.addi %get3A_2094, %and3A_2139 : vector<16xi32>
        %gather3A_2142 = tpu.vector_load_idx %arg14[%broadcast_in_dim3A_1923, %add3A_2082, %add3A_2141] : memref<2x128x128xf32, #tpu.memory_space<vmem>>[vector<16xi32>, vector<16xi32>, vector<16xi32>], vector<16xf32>,
        %mul3A_2143 = arith.mulf %gather3A, %gather3A_2142 : vector<16xf32>
        %add3A_2144 = arith.addf %scan3A_2127, %mul3A_2143 : vector<16xf32>
        %mul3A_2145 = arith.constant 32 : i32
        %mul3A_2146 = arith.muli %scan3A_2126, %mul3A_2145 : i32
        %add3A_2147 = arith.constant 1 : i32
        %add3A_2148 = arith.addi %mul3A_2146, %add3A_2147 : i32
        %add3A_2149 = vector.broadcast %add3A_2148 : i32 to vector<16xi32>
        %add3A_2150 = arith.addi %iota3A, %add3A_2149 : vector<16xi32>
        %and3A_2151 = arith.constant 63 : i32
        %and3A_2152 = vector.broadcast %and3A_2151 : i32 to vector<16xi32>
        %and3A_2153 = arith.andi %add3A_2150, %and3A_2152 : vector<16xi32>
        %add3A_2154 = arith.addi %get3A_2088, %and3A_2153 : vector<16xi32>
        %gather3A_2155 = tpu.vector_load_idx %arg13[%broadcast_in_dim3A_1923, %add3A_2082, %add3A_2154] : memref<2x128x128xf32, #tpu.memory_space<vmem>>[vector<16xi32>, vector<16xi32>, vector<16xi32>], vector<16xf32>,
        %add3A_2156 = arith.addi %get3A_2094, %and3A_2153 : vector<16xi32>
        %gather3A_2157 = tpu.vector_load_idx %arg14[%broadcast_in_dim3A_1923, %add3A_2082, %add3A_2156] : memref<2x128x128xf32, #tpu.memory_space<vmem>>[vector<16xi32>, vector<16xi32>, vector<16xi32>], vector<16xf32>,
        %mul3A_2158 = arith.mulf %gather3A_2155, %gather3A_2157 : vector<16xf32>
        %add3A_2159 = arith.addf %scan3A_2128, %mul3A_2158 : vector<16xf32>
        %mul3A_2160 = arith.constant 32 : i32
        %mul3A_2161 = arith.muli %scan3A_2126, %mul3A_2160 : i32
        %add3A_2162 = arith.constant 2 : i32
        %add3A_2163 = arith.addi %mul3A_2161, %add3A_2162 : i32
        %add3A_2164 = vector.broadcast %add3A_2163 : i32 to vector<16xi32>
        %add3A_2165 = arith.addi %iota3A, %add3A_2164 : vector<16xi32>
        %and3A_2166 = arith.constant 63 : i32
        %and3A_2167 = vector.broadcast %and3A_2166 : i32 to vector<16xi32>
        %and3A_2168 = arith.andi %add3A_2165, %and3A_2167 : vector<16xi32>
        %add3A_2169 = arith.addi %get3A_2088, %and3A_2168 : vector<16xi32>
        %gather3A_2170 = tpu.vector_load_idx %arg13[%broadcast_in_dim3A_1923, %add3A_2082, %add3A_2169] : memref<2x128x128xf32, #tpu.memory_space<vmem>>[vector<16xi32>, vector<16xi32>, vector<16xi32>], vector<16xf32>,
        %add3A_2171 = arith.addi %get3A_2094, %and3A_2168 : vector<16xi32>
        %gather3A_2172 = tpu.vector_load_idx %arg14[%broadcast_in_dim3A_1923, %add3A_2082, %add3A_2171] : memref<2x128x128xf32, #tpu.memory_space<vmem>>[vector<16xi32>, vector<16xi32>, vector<16xi32>], vector<16xf32>,
        %mul3A_2173 = arith.mulf %gather3A_2170, %gather3A_2172 : vector<16xf32>
        %add3A_2174 = arith.addf %scan3A_2129, %mul3A_2173 : vector<16xf32>
        %mul3A_2175 = arith.constant 32 : i32
        %mul3A_2176 = arith.muli %scan3A_2126, %mul3A_2175 : i32
        %add3A_2177 = arith.constant 3 : i32
        %add3A_2178 = arith.addi %mul3A_2176, %add3A_2177 : i32
        %add3A_2179 = vector.broadcast %add3A_2178 : i32 to vector<16xi32>
        %add3A_2180 = arith.addi %iota3A, %add3A_2179 : vector<16xi32>
        %and3A_2181 = arith.constant 63 : i32
        %and3A_2182 = vector.broadcast %and3A_2181 : i32 to vector<16xi32>
        %and3A_2183 = arith.andi %add3A_2180, %and3A_2182 : vector<16xi32>
        %add3A_2184 = arith.addi %get3A_2088, %and3A_2183 : vector<16xi32>
        %gather3A_2185 = tpu.vector_load_idx %arg13[%broadcast_in_dim3A_1923, %add3A_2082, %add3A_2184] : memref<2x128x128xf32, #tpu.memory_space<vmem>>[vector<16xi32>, vector<16xi32>, vector<16xi32>], vector<16xf32>,
        %add3A_2186 = arith.addi %get3A_2094, %and3A_2183 : vector<16xi32>
        %gather3A_2187 = tpu.vector_load_idx %arg14[%broadcast_in_dim3A_1923, %add3A_2082, %add3A_2186] : memref<2x128x128xf32, #tpu.memory_space<vmem>>[vector<16xi32>, vector<16xi32>, vector<16xi32>], vector<16xf32>,
        %mul3A_2188 = arith.mulf %gather3A_2185, %gather3A_2187 : vector<16xf32>
        %add3A_2189 = arith.addf %scan3A_2130, %mul3A_2188 : vector<16xf32>
        %mul3A_2190 = arith.constant 32 : i32
        %mul3A_2191 = arith.muli %scan3A_2126, %mul3A_2190 : i32
        %add3A_2192 = arith.constant 4 : i32
        %add3A_2193 = arith.addi %mul3A_2191, %add3A_2192 : i32
        %add3A_2194 = vector.broadcast %add3A_2193 : i32 to vector<16xi32>
        %add3A_2195 = arith.addi %iota3A, %add3A_2194 : vector<16xi32>
        %and3A_2196 = arith.constant 63 : i32
        %and3A_2197 = vector.broadcast %and3A_2196 : i32 to vector<16xi32>
        %and3A_2198 = arith.andi %add3A_2195, %and3A_2197 : vector<16xi32>
        %add3A_2199 = arith.addi %get3A_2088, %and3A_2198 : vector<16xi32>
        %gather3A_2200 = tpu.vector_load_idx %arg13[%broadcast_in_dim3A_1923, %add3A_2082, %add3A_2199] : memref<2x128x128xf32, #tpu.memory_space<vmem>>[vector<16xi32>, vector<16xi32>, vector<16xi32>], vector<16xf32>,
        %add3A_2201 = arith.addi %get3A_2094, %and3A_2198 : vector<16xi32>
        %gather3A_2202 = tpu.vector_load_idx %arg14[%broadcast_in_dim3A_1923, %add3A_2082, %add3A_2201] : memref<2x128x128xf32, #tpu.memory_space<vmem>>[vector<16xi32>, vector<16xi32>, vector<16xi32>], vector<16xf32>,
        %mul3A_2203 = arith.mulf %gather3A_2200, %gather3A_2202 : vector<16xf32>
        %add3A_2204 = arith.addf %add3A_2144, %mul3A_2203 : vector<16xf32>
        %mul3A_2205 = arith.constant 32 : i32
        %mul3A_2206 = arith.muli %scan3A_2126, %mul3A_2205 : i32
        %add3A_2207 = arith.constant 5 : i32
        %add3A_2208 = arith.addi %mul3A_2206, %add3A_2207 : i32
        %add3A_2209 = vector.broadcast %add3A_2208 : i32 to vector<16xi32>
        %add3A_2210 = arith.addi %iota3A, %add3A_2209 : vector<16xi32>
        %and3A_2211 = arith.constant 63 : i32
        %and3A_2212 = vector.broadcast %and3A_2211 : i32 to vector<16xi32>
        %and3A_2213 = arith.andi %add3A_2210, %and3A_2212 : vector<16xi32>
        %add3A_2214 = arith.addi %get3A_2088, %and3A_2213 : vector<16xi32>
        %gather3A_2215 = tpu.vector_load_idx %arg13[%broadcast_in_dim3A_1923, %add3A_2082, %add3A_2214] : memref<2x128x128xf32, #tpu.memory_space<vmem>>[vector<16xi32>, vector<16xi32>, vector<16xi32>], vector<16xf32>,
        %add3A_2216 = arith.addi %get3A_2094, %and3A_2213 : vector<16xi32>
        %gather3A_2217 = tpu.vector_load_idx %arg14[%broadcast_in_dim3A_1923, %add3A_2082, %add3A_2216] : memref<2x128x128xf32, #tpu.memory_space<vmem>>[vector<16xi32>, vector<16xi32>, vector<16xi32>], vector<16xf32>,
        %mul3A_2218 = arith.mulf %gather3A_2215, %gather3A_2217 : vector<16xf32>
        %add3A_2219 = arith.addf %add3A_2159, %mul3A_2218 : vector<16xf32>
        %mul3A_2220 = arith.constant 32 : i32
        %mul3A_2221 = arith.muli %scan3A_2126, %mul3A_2220 : i32
        %add3A_2222 = arith.constant 6 : i32
        %add3A_2223 = arith.addi %mul3A_2221, %add3A_2222 : i32
        %add3A_2224 = vector.broadcast %add3A_2223 : i32 to vector<16xi32>
        %add3A_2225 = arith.addi %iota3A, %add3A_2224 : vector<16xi32>
        %and3A_2226 = arith.constant 63 : i32
        %and3A_2227 = vector.broadcast %and3A_2226 : i32 to vector<16xi32>
        %and3A_2228 = arith.andi %add3A_2225, %and3A_2227 : vector<16xi32>
        %add3A_2229 = arith.addi %get3A_2088, %and3A_2228 : vector<16xi32>
        %gather3A_2230 = tpu.vector_load_idx %arg13[%broadcast_in_dim3A_1923, %add3A_2082, %add3A_2229] : memref<2x128x128xf32, #tpu.memory_space<vmem>>[vector<16xi32>, vector<16xi32>, vector<16xi32>], vector<16xf32>,
        %add3A_2231 = arith.addi %get3A_2094, %and3A_2228 : vector<16xi32>
        %gather3A_2232 = tpu.vector_load_idx %arg14[%broadcast_in_dim3A_1923, %add3A_2082, %add3A_2231] : memref<2x128x128xf32, #tpu.memory_space<vmem>>[vector<16xi32>, vector<16xi32>, vector<16xi32>], vector<16xf32>,
        %mul3A_2233 = arith.mulf %gather3A_2230, %gather3A_2232 : vector<16xf32>
        %add3A_2234 = arith.addf %add3A_2174, %mul3A_2233 : vector<16xf32>
        %mul3A_2235 = arith.constant 32 : i32
        %mul3A_2236 = arith.muli %scan3A_2126, %mul3A_2235 : i32
        %add3A_2237 = arith.constant 7 : i32
        %add3A_2238 = arith.addi %mul3A_2236, %add3A_2237 : i32
        %add3A_2239 = vector.broadcast %add3A_2238 : i32 to vector<16xi32>
        %add3A_2240 = arith.addi %iota3A, %add3A_2239 : vector<16xi32>
        %and3A_2241 = arith.constant 63 : i32
        %and3A_2242 = vector.broadcast %and3A_2241 : i32 to vector<16xi32>
        %and3A_2243 = arith.andi %add3A_2240, %and3A_2242 : vector<16xi32>
        %add3A_2244 = arith.addi %get3A_2088, %and3A_2243 : vector<16xi32>
        %gather3A_2245 = tpu.vector_load_idx %arg13[%broadcast_in_dim3A_1923, %add3A_2082, %add3A_2244] : memref<2x128x128xf32, #tpu.memory_space<vmem>>[vector<16xi32>, vector<16xi32>, vector<16xi32>], vector<16xf32>,
        %add3A_2246 = arith.addi %get3A_2094, %and3A_2243 : vector<16xi32>
        %gather3A_2247 = tpu.vector_load_idx %arg14[%broadcast_in_dim3A_1923, %add3A_2082, %add3A_2246] : memref<2x128x128xf32, #tpu.memory_space<vmem>>[vector<16xi32>, vector<16xi32>, vector<16xi32>], vector<16xf32>,
        %mul3A_2248 = arith.mulf %gather3A_2245, %gather3A_2247 : vector<16xf32>
        %add3A_2249 = arith.addf %add3A_2189, %mul3A_2248 : vector<16xf32>
        %mul3A_2250 = arith.constant 32 : i32
        %mul3A_2251 = arith.muli %scan3A_2126, %mul3A_2250 : i32
        %add3A_2252 = arith.constant 8 : i32
        %add3A_2253 = arith.addi %mul3A_2251, %add3A_2252 : i32
        %add3A_2254 = vector.broadcast %add3A_2253 : i32 to vector<16xi32>
        %add3A_2255 = arith.addi %iota3A, %add3A_2254 : vector<16xi32>
        %and3A_2256 = arith.constant 63 : i32
        %and3A_2257 = vector.broadcast %and3A_2256 : i32 to vector<16xi32>
        %and3A_2258 = arith.andi %add3A_2255, %and3A_2257 : vector<16xi32>
        %add3A_2259 = arith.addi %get3A_2088, %and3A_2258 : vector<16xi32>
        %gather3A_2260 = tpu.vector_load_idx %arg13[%broadcast_in_dim3A_1923, %add3A_2082, %add3A_2259] : memref<2x128x128xf32, #tpu.memory_space<vmem>>[vector<16xi32>, vector<16xi32>, vector<16xi32>], vector<16xf32>,
        %add3A_2261 = arith.addi %get3A_2094, %and3A_2258 : vector<16xi32>
        %gather3A_2262 = tpu.vector_load_idx %arg14[%broadcast_in_dim3A_1923, %add3A_2082, %add3A_2261] : memref<2x128x128xf32, #tpu.memory_space<vmem>>[vector<16xi32>, vector<16xi32>, vector<16xi32>], vector<16xf32>,
        %mul3A_2263 = arith.mulf %gather3A_2260, %gather3A_2262 : vector<16xf32>
        %add3A_2264 = arith.addf %add3A_2204, %mul3A_2263 : vector<16xf32>
        %mul3A_2265 = arith.constant 32 : i32
        %mul3A_2266 = arith.muli %scan3A_2126, %mul3A_2265 : i32
        %add3A_2267 = arith.constant 9 : i32
        %add3A_2268 = arith.addi %mul3A_2266, %add3A_2267 : i32
        %add3A_2269 = vector.broadcast %add3A_2268 : i32 to vector<16xi32>
        %add3A_2270 = arith.addi %iota3A, %add3A_2269 : vector<16xi32>
        %and3A_2271 = arith.constant 63 : i32
        %and3A_2272 = vector.broadcast %and3A_2271 : i32 to vector<16xi32>
        %and3A_2273 = arith.andi %add3A_2270, %and3A_2272 : vector<16xi32>
        %add3A_2274 = arith.addi %get3A_2088, %and3A_2273 : vector<16xi32>
        %gather3A_2275 = tpu.vector_load_idx %arg13[%broadcast_in_dim3A_1923, %add3A_2082, %add3A_2274] : memref<2x128x128xf32, #tpu.memory_space<vmem>>[vector<16xi32>, vector<16xi32>, vector<16xi32>], vector<16xf32>,
        %add3A_2276 = arith.addi %get3A_2094, %and3A_2273 : vector<16xi32>
        %gather3A_2277 = tpu.vector_load_idx %arg14[%broadcast_in_dim3A_1923, %add3A_2082, %add3A_2276] : memref<2x128x128xf32, #tpu.memory_space<vmem>>[vector<16xi32>, vector<16xi32>, vector<16xi32>], vector<16xf32>,
        %mul3A_2278 = arith.mulf %gather3A_2275, %gather3A_2277 : vector<16xf32>
        %add3A_2279 = arith.addf %add3A_2219, %mul3A_2278 : vector<16xf32>
        %mul3A_2280 = arith.constant 32 : i32
        %mul3A_2281 = arith.muli %scan3A_2126, %mul3A_2280 : i32
        %add3A_2282 = arith.constant 10 : i32
        %add3A_2283 = arith.addi %mul3A_2281, %add3A_2282 : i32
        %add3A_2284 = vector.broadcast %add3A_2283 : i32 to vector<16xi32>
        %add3A_2285 = arith.addi %iota3A, %add3A_2284 : vector<16xi32>
        %and3A_2286 = arith.constant 63 : i32
        %and3A_2287 = vector.broadcast %and3A_2286 : i32 to vector<16xi32>
        %and3A_2288 = arith.andi %add3A_2285, %and3A_2287 : vector<16xi32>
        %add3A_2289 = arith.addi %get3A_2088, %and3A_2288 : vector<16xi32>
        %gather3A_2290 = tpu.vector_load_idx %arg13[%broadcast_in_dim3A_1923, %add3A_2082, %add3A_2289] : memref<2x128x128xf32, #tpu.memory_space<vmem>>[vector<16xi32>, vector<16xi32>, vector<16xi32>], vector<16xf32>,
        %add3A_2291 = arith.addi %get3A_2094, %and3A_2288 : vector<16xi32>
        %gather3A_2292 = tpu.vector_load_idx %arg14[%broadcast_in_dim3A_1923, %add3A_2082, %add3A_2291] : memref<2x128x128xf32, #tpu.memory_space<vmem>>[vector<16xi32>, vector<16xi32>, vector<16xi32>], vector<16xf32>,
        %mul3A_2293 = arith.mulf %gather3A_2290, %gather3A_2292 : vector<16xf32>
        %add3A_2294 = arith.addf %add3A_2234, %mul3A_2293 : vector<16xf32>
        %mul3A_2295 = arith.constant 32 : i32
        %mul3A_2296 = arith.muli %scan3A_2126, %mul3A_2295 : i32
        %add3A_2297 = arith.constant 11 : i32
        %add3A_2298 = arith.addi %mul3A_2296, %add3A_2297 : i32
        %add3A_2299 = vector.broadcast %add3A_2298 : i32 to vector<16xi32>
        %add3A_2300 = arith.addi %iota3A, %add3A_2299 : vector<16xi32>
        %and3A_2301 = arith.constant 63 : i32
        %and3A_2302 = vector.broadcast %and3A_2301 : i32 to vector<16xi32>
        %and3A_2303 = arith.andi %add3A_2300, %and3A_2302 : vector<16xi32>
        %add3A_2304 = arith.addi %get3A_2088, %and3A_2303 : vector<16xi32>
        %gather3A_2305 = tpu.vector_load_idx %arg13[%broadcast_in_dim3A_1923, %add3A_2082, %add3A_2304] : memref<2x128x128xf32, #tpu.memory_space<vmem>>[vector<16xi32>, vector<16xi32>, vector<16xi32>], vector<16xf32>,
        %add3A_2306 = arith.addi %get3A_2094, %and3A_2303 : vector<16xi32>
        %gather3A_2307 = tpu.vector_load_idx %arg14[%broadcast_in_dim3A_1923, %add3A_2082, %add3A_2306] : memref<2x128x128xf32, #tpu.memory_space<vmem>>[vector<16xi32>, vector<16xi32>, vector<16xi32>], vector<16xf32>,
        %mul3A_2308 = arith.mulf %gather3A_2305, %gather3A_2307 : vector<16xf32>
        %add3A_2309 = arith.addf %add3A_2249, %mul3A_2308 : vector<16xf32>
        %mul3A_2310 = arith.constant 32 : i32
        %mul3A_2311 = arith.muli %scan3A_2126, %mul3A_2310 : i32
        %add3A_2312 = arith.constant 12 : i32
        %add3A_2313 = arith.addi %mul3A_2311, %add3A_2312 : i32
        %add3A_2314 = vector.broadcast %add3A_2313 : i32 to vector<16xi32>
        %add3A_2315 = arith.addi %iota3A, %add3A_2314 : vector<16xi32>
        %and3A_2316 = arith.constant 63 : i32
        %and3A_2317 = vector.broadcast %and3A_2316 : i32 to vector<16xi32>
        %and3A_2318 = arith.andi %add3A_2315, %and3A_2317 : vector<16xi32>
        %add3A_2319 = arith.addi %get3A_2088, %and3A_2318 : vector<16xi32>
        %gather3A_2320 = tpu.vector_load_idx %arg13[%broadcast_in_dim3A_1923, %add3A_2082, %add3A_2319] : memref<2x128x128xf32, #tpu.memory_space<vmem>>[vector<16xi32>, vector<16xi32>, vector<16xi32>], vector<16xf32>,
        %add3A_2321 = arith.addi %get3A_2094, %and3A_2318 : vector<16xi32>
        %gather3A_2322 = tpu.vector_load_idx %arg14[%broadcast_in_dim3A_1923, %add3A_2082, %add3A_2321] : memref<2x128x128xf32, #tpu.memory_space<vmem>>[vector<16xi32>, vector<16xi32>, vector<16xi32>], vector<16xf32>,
        %mul3A_2323 = arith.mulf %gather3A_2320, %gather3A_2322 : vector<16xf32>
        %add3A_2324 = arith.addf %add3A_2264, %mul3A_2323 : vector<16xf32>
        %mul3A_2325 = arith.constant 32 : i32
        %mul3A_2326 = arith.muli %scan3A_2126, %mul3A_2325 : i32
        %add3A_2327 = arith.constant 13 : i32
        %add3A_2328 = arith.addi %mul3A_2326, %add3A_2327 : i32
        %add3A_2329 = vector.broadcast %add3A_2328 : i32 to vector<16xi32>
        %add3A_2330 = arith.addi %iota3A, %add3A_2329 : vector<16xi32>
        %and3A_2331 = arith.constant 63 : i32
        %and3A_2332 = vector.broadcast %and3A_2331 : i32 to vector<16xi32>
        %and3A_2333 = arith.andi %add3A_2330, %and3A_2332 : vector<16xi32>
        %add3A_2334 = arith.addi %get3A_2088, %and3A_2333 : vector<16xi32>
        %gather3A_2335 = tpu.vector_load_idx %arg13[%broadcast_in_dim3A_1923, %add3A_2082, %add3A_2334] : memref<2x128x128xf32, #tpu.memory_space<vmem>>[vector<16xi32>, vector<16xi32>, vector<16xi32>], vector<16xf32>,
        %add3A_2336 = arith.addi %get3A_2094, %and3A_2333 : vector<16xi32>
        %gather3A_2337 = tpu.vector_load_idx %arg14[%broadcast_in_dim3A_1923, %add3A_2082, %add3A_2336] : memref<2x128x128xf32, #tpu.memory_space<vmem>>[vector<16xi32>, vector<16xi32>, vector<16xi32>], vector<16xf32>,
        %mul3A_2338 = arith.mulf %gather3A_2335, %gather3A_2337 : vector<16xf32>
        %add3A_2339 = arith.addf %add3A_2279, %mul3A_2338 : vector<16xf32>
        %mul3A_2340 = arith.constant 32 : i32
        %mul3A_2341 = arith.muli %scan3A_2126, %mul3A_2340 : i32
        %add3A_2342 = arith.constant 14 : i32
        %add3A_2343 = arith.addi %mul3A_2341, %add3A_2342 : i32
        %add3A_2344 = vector.broadcast %add3A_2343 : i32 to vector<16xi32>
        %add3A_2345 = arith.addi %iota3A, %add3A_2344 : vector<16xi32>
        %and3A_2346 = arith.constant 63 : i32
        %and3A_2347 = vector.broadcast %and3A_2346 : i32 to vector<16xi32>
        %and3A_2348 = arith.andi %add3A_2345, %and3A_2347 : vector<16xi32>
        %add3A_2349 = arith.addi %get3A_2088, %and3A_2348 : vector<16xi32>
        %gather3A_2350 = tpu.vector_load_idx %arg13[%broadcast_in_dim3A_1923, %add3A_2082, %add3A_2349] : memref<2x128x128xf32, #tpu.memory_space<vmem>>[vector<16xi32>, vector<16xi32>, vector<16xi32>], vector<16xf32>,
        %add3A_2351 = arith.addi %get3A_2094, %and3A_2348 : vector<16xi32>
        %gather3A_2352 = tpu.vector_load_idx %arg14[%broadcast_in_dim3A_1923, %add3A_2082, %add3A_2351] : memref<2x128x128xf32, #tpu.memory_space<vmem>>[vector<16xi32>, vector<16xi32>, vector<16xi32>], vector<16xf32>,
        %mul3A_2353 = arith.mulf %gather3A_2350, %gather3A_2352 : vector<16xf32>
        %add3A_2354 = arith.addf %add3A_2294, %mul3A_2353 : vector<16xf32>
        %mul3A_2355 = arith.constant 32 : i32
        %mul3A_2356 = arith.muli %scan3A_2126, %mul3A_2355 : i32
        %add3A_2357 = arith.constant 15 : i32
        %add3A_2358 = arith.addi %mul3A_2356, %add3A_2357 : i32
        %add3A_2359 = vector.broadcast %add3A_2358 : i32 to vector<16xi32>
        %add3A_2360 = arith.addi %iota3A, %add3A_2359 : vector<16xi32>
        %and3A_2361 = arith.constant 63 : i32
        %and3A_2362 = vector.broadcast %and3A_2361 : i32 to vector<16xi32>
        %and3A_2363 = arith.andi %add3A_2360, %and3A_2362 : vector<16xi32>
        %add3A_2364 = arith.addi %get3A_2088, %and3A_2363 : vector<16xi32>
        %gather3A_2365 = tpu.vector_load_idx %arg13[%broadcast_in_dim3A_1923, %add3A_2082, %add3A_2364] : memref<2x128x128xf32, #tpu.memory_space<vmem>>[vector<16xi32>, vector<16xi32>, vector<16xi32>], vector<16xf32>,
        %add3A_2366 = arith.addi %get3A_2094, %and3A_2363 : vector<16xi32>
        %gather3A_2367 = tpu.vector_load_idx %arg14[%broadcast_in_dim3A_1923, %add3A_2082, %add3A_2366] : memref<2x128x128xf32, #tpu.memory_space<vmem>>[vector<16xi32>, vector<16xi32>, vector<16xi32>], vector<16xf32>,
        %mul3A_2368 = arith.mulf %gather3A_2365, %gather3A_2367 : vector<16xf32>
        %add3A_2369 = arith.addf %add3A_2309, %mul3A_2368 : vector<16xf32>
        %mul3A_2370 = arith.constant 32 : i32
        %mul3A_2371 = arith.muli %scan3A_2126, %mul3A_2370 : i32
        %add3A_2372 = arith.constant 16 : i32
        %add3A_2373 = arith.addi %mul3A_2371, %add3A_2372 : i32
        %add3A_2374 = vector.broadcast %add3A_2373 : i32 to vector<16xi32>
        %add3A_2375 = arith.addi %iota3A, %add3A_2374 : vector<16xi32>
        %and3A_2376 = arith.constant 63 : i32
        %and3A_2377 = vector.broadcast %and3A_2376 : i32 to vector<16xi32>
        %and3A_2378 = arith.andi %add3A_2375, %and3A_2377 : vector<16xi32>
        %add3A_2379 = arith.addi %get3A_2088, %and3A_2378 : vector<16xi32>
        %gather3A_2380 = tpu.vector_load_idx %arg13[%broadcast_in_dim3A_1923, %add3A_2082, %add3A_2379] : memref<2x128x128xf32, #tpu.memory_space<vmem>>[vector<16xi32>, vector<16xi32>, vector<16xi32>], vector<16xf32>,
        %add3A_2381 = arith.addi %get3A_2094, %and3A_2378 : vector<16xi32>
        %gather3A_2382 = tpu.vector_load_idx %arg14[%broadcast_in_dim3A_1923, %add3A_2082, %add3A_2381] : memref<2x128x128xf32, #tpu.memory_space<vmem>>[vector<16xi32>, vector<16xi32>, vector<16xi32>], vector<16xf32>,
        %mul3A_2383 = arith.mulf %gather3A_2380, %gather3A_2382 : vector<16xf32>
        %add3A_2384 = arith.addf %add3A_2324, %mul3A_2383 : vector<16xf32>
        %mul3A_2385 = arith.constant 32 : i32
        %mul3A_2386 = arith.muli %scan3A_2126, %mul3A_2385 : i32
        %add3A_2387 = arith.constant 17 : i32
        %add3A_2388 = arith.addi %mul3A_2386, %add3A_2387 : i32
        %add3A_2389 = vector.broadcast %add3A_2388 : i32 to vector<16xi32>
        %add3A_2390 = arith.addi %iota3A, %add3A_2389 : vector<16xi32>
        %and3A_2391 = arith.constant 63 : i32
        %and3A_2392 = vector.broadcast %and3A_2391 : i32 to vector<16xi32>
        %and3A_2393 = arith.andi %add3A_2390, %and3A_2392 : vector<16xi32>
        %add3A_2394 = arith.addi %get3A_2088, %and3A_2393 : vector<16xi32>
        %gather3A_2395 = tpu.vector_load_idx %arg13[%broadcast_in_dim3A_1923, %add3A_2082, %add3A_2394] : memref<2x128x128xf32, #tpu.memory_space<vmem>>[vector<16xi32>, vector<16xi32>, vector<16xi32>], vector<16xf32>,
        %add3A_2396 = arith.addi %get3A_2094, %and3A_2393 : vector<16xi32>
        %gather3A_2397 = tpu.vector_load_idx %arg14[%broadcast_in_dim3A_1923, %add3A_2082, %add3A_2396] : memref<2x128x128xf32, #tpu.memory_space<vmem>>[vector<16xi32>, vector<16xi32>, vector<16xi32>], vector<16xf32>,
        %mul3A_2398 = arith.mulf %gather3A_2395, %gather3A_2397 : vector<16xf32>
        %add3A_2399 = arith.addf %add3A_2339, %mul3A_2398 : vector<16xf32>
        %mul3A_2400 = arith.constant 32 : i32
        %mul3A_2401 = arith.muli %scan3A_2126, %mul3A_2400 : i32
        %add3A_2402 = arith.constant 18 : i32
        %add3A_2403 = arith.addi %mul3A_2401, %add3A_2402 : i32
        %add3A_2404 = vector.broadcast %add3A_2403 : i32 to vector<16xi32>
        %add3A_2405 = arith.addi %iota3A, %add3A_2404 : vector<16xi32>
        %and3A_2406 = arith.constant 63 : i32
        %and3A_2407 = vector.broadcast %and3A_2406 : i32 to vector<16xi32>
        %and3A_2408 = arith.andi %add3A_2405, %and3A_2407 : vector<16xi32>
        %add3A_2409 = arith.addi %get3A_2088, %and3A_2408 : vector<16xi32>
        %gather3A_2410 = tpu.vector_load_idx %arg13[%broadcast_in_dim3A_1923, %add3A_2082, %add3A_2409] : memref<2x128x128xf32, #tpu.memory_space<vmem>>[vector<16xi32>, vector<16xi32>, vector<16xi32>], vector<16xf32>,
        %add3A_2411 = arith.addi %get3A_2094, %and3A_2408 : vector<16xi32>
        %gather3A_2412 = tpu.vector_load_idx %arg14[%broadcast_in_dim3A_1923, %add3A_2082, %add3A_2411] : memref<2x128x128xf32, #tpu.memory_space<vmem>>[vector<16xi32>, vector<16xi32>, vector<16xi32>], vector<16xf32>,
        %mul3A_2413 = arith.mulf %gather3A_2410, %gather3A_2412 : vector<16xf32>
        %add3A_2414 = arith.addf %add3A_2354, %mul3A_2413 : vector<16xf32>
        %mul3A_2415 = arith.constant 32 : i32
        %mul3A_2416 = arith.muli %scan3A_2126, %mul3A_2415 : i32
        %add3A_2417 = arith.constant 19 : i32
        %add3A_2418 = arith.addi %mul3A_2416, %add3A_2417 : i32
        %add3A_2419 = vector.broadcast %add3A_2418 : i32 to vector<16xi32>
        %add3A_2420 = arith.addi %iota3A, %add3A_2419 : vector<16xi32>
        %and3A_2421 = arith.constant 63 : i32
        %and3A_2422 = vector.broadcast %and3A_2421 : i32 to vector<16xi32>
        %and3A_2423 = arith.andi %add3A_2420, %and3A_2422 : vector<16xi32>
        %add3A_2424 = arith.addi %get3A_2088, %and3A_2423 : vector<16xi32>
        %gather3A_2425 = tpu.vector_load_idx %arg13[%broadcast_in_dim3A_1923, %add3A_2082, %add3A_2424] : memref<2x128x128xf32, #tpu.memory_space<vmem>>[vector<16xi32>, vector<16xi32>, vector<16xi32>], vector<16xf32>,
        %add3A_2426 = arith.addi %get3A_2094, %and3A_2423 : vector<16xi32>
        %gather3A_2427 = tpu.vector_load_idx %arg14[%broadcast_in_dim3A_1923, %add3A_2082, %add3A_2426] : memref<2x128x128xf32, #tpu.memory_space<vmem>>[vector<16xi32>, vector<16xi32>, vector<16xi32>], vector<16xf32>,
        %mul3A_2428 = arith.mulf %gather3A_2425, %gather3A_2427 : vector<16xf32>
        %add3A_2429 = arith.addf %add3A_2369, %mul3A_2428 : vector<16xf32>
        %mul3A_2430 = arith.constant 32 : i32
        %mul3A_2431 = arith.muli %scan3A_2126, %mul3A_2430 : i32
        %add3A_2432 = arith.constant 20 : i32
        %add3A_2433 = arith.addi %mul3A_2431, %add3A_2432 : i32
        %add3A_2434 = vector.broadcast %add3A_2433 : i32 to vector<16xi32>
        %add3A_2435 = arith.addi %iota3A, %add3A_2434 : vector<16xi32>
        %and3A_2436 = arith.constant 63 : i32
        %and3A_2437 = vector.broadcast %and3A_2436 : i32 to vector<16xi32>
        %and3A_2438 = arith.andi %add3A_2435, %and3A_2437 : vector<16xi32>
        %add3A_2439 = arith.addi %get3A_2088, %and3A_2438 : vector<16xi32>
        %gather3A_2440 = tpu.vector_load_idx %arg13[%broadcast_in_dim3A_1923, %add3A_2082, %add3A_2439] : memref<2x128x128xf32, #tpu.memory_space<vmem>>[vector<16xi32>, vector<16xi32>, vector<16xi32>], vector<16xf32>,
        %add3A_2441 = arith.addi %get3A_2094, %and3A_2438 : vector<16xi32>
        %gather3A_2442 = tpu.vector_load_idx %arg14[%broadcast_in_dim3A_1923, %add3A_2082, %add3A_2441] : memref<2x128x128xf32, #tpu.memory_space<vmem>>[vector<16xi32>, vector<16xi32>, vector<16xi32>], vector<16xf32>,
        %mul3A_2443 = arith.mulf %gather3A_2440, %gather3A_2442 : vector<16xf32>
        %add3A_2444 = arith.addf %add3A_2384, %mul3A_2443 : vector<16xf32>
        %mul3A_2445 = arith.constant 32 : i32
        %mul3A_2446 = arith.muli %scan3A_2126, %mul3A_2445 : i32
        %add3A_2447 = arith.constant 21 : i32
        %add3A_2448 = arith.addi %mul3A_2446, %add3A_2447 : i32
        %add3A_2449 = vector.broadcast %add3A_2448 : i32 to vector<16xi32>
        %add3A_2450 = arith.addi %iota3A, %add3A_2449 : vector<16xi32>
        %and3A_2451 = arith.constant 63 : i32
        %and3A_2452 = vector.broadcast %and3A_2451 : i32 to vector<16xi32>
        %and3A_2453 = arith.andi %add3A_2450, %and3A_2452 : vector<16xi32>
        %add3A_2454 = arith.addi %get3A_2088, %and3A_2453 : vector<16xi32>
        %gather3A_2455 = tpu.vector_load_idx %arg13[%broadcast_in_dim3A_1923, %add3A_2082, %add3A_2454] : memref<2x128x128xf32, #tpu.memory_space<vmem>>[vector<16xi32>, vector<16xi32>, vector<16xi32>], vector<16xf32>,
        %add3A_2456 = arith.addi %get3A_2094, %and3A_2453 : vector<16xi32>
        %gather3A_2457 = tpu.vector_load_idx %arg14[%broadcast_in_dim3A_1923, %add3A_2082, %add3A_2456] : memref<2x128x128xf32, #tpu.memory_space<vmem>>[vector<16xi32>, vector<16xi32>, vector<16xi32>], vector<16xf32>,
        %mul3A_2458 = arith.mulf %gather3A_2455, %gather3A_2457 : vector<16xf32>
        %add3A_2459 = arith.addf %add3A_2399, %mul3A_2458 : vector<16xf32>
        %mul3A_2460 = arith.constant 32 : i32
        %mul3A_2461 = arith.muli %scan3A_2126, %mul3A_2460 : i32
        %add3A_2462 = arith.constant 22 : i32
        %add3A_2463 = arith.addi %mul3A_2461, %add3A_2462 : i32
        %add3A_2464 = vector.broadcast %add3A_2463 : i32 to vector<16xi32>
        %add3A_2465 = arith.addi %iota3A, %add3A_2464 : vector<16xi32>
        %and3A_2466 = arith.constant 63 : i32
        %and3A_2467 = vector.broadcast %and3A_2466 : i32 to vector<16xi32>
        %and3A_2468 = arith.andi %add3A_2465, %and3A_2467 : vector<16xi32>
        %add3A_2469 = arith.addi %get3A_2088, %and3A_2468 : vector<16xi32>
        %gather3A_2470 = tpu.vector_load_idx %arg13[%broadcast_in_dim3A_1923, %add3A_2082, %add3A_2469] : memref<2x128x128xf32, #tpu.memory_space<vmem>>[vector<16xi32>, vector<16xi32>, vector<16xi32>], vector<16xf32>,
        %add3A_2471 = arith.addi %get3A_2094, %and3A_2468 : vector<16xi32>
        %gather3A_2472 = tpu.vector_load_idx %arg14[%broadcast_in_dim3A_1923, %add3A_2082, %add3A_2471] : memref<2x128x128xf32, #tpu.memory_space<vmem>>[vector<16xi32>, vector<16xi32>, vector<16xi32>], vector<16xf32>,
        %mul3A_2473 = arith.mulf %gather3A_2470, %gather3A_2472 : vector<16xf32>
        %add3A_2474 = arith.addf %add3A_2414, %mul3A_2473 : vector<16xf32>
        %mul3A_2475 = arith.constant 32 : i32
        %mul3A_2476 = arith.muli %scan3A_2126, %mul3A_2475 : i32
        %add3A_2477 = arith.constant 23 : i32
        %add3A_2478 = arith.addi %mul3A_2476, %add3A_2477 : i32
        %add3A_2479 = vector.broadcast %add3A_2478 : i32 to vector<16xi32>
        %add3A_2480 = arith.addi %iota3A, %add3A_2479 : vector<16xi32>
        %and3A_2481 = arith.constant 63 : i32
        %and3A_2482 = vector.broadcast %and3A_2481 : i32 to vector<16xi32>
        %and3A_2483 = arith.andi %add3A_2480, %and3A_2482 : vector<16xi32>
        %add3A_2484 = arith.addi %get3A_2088, %and3A_2483 : vector<16xi32>
        %gather3A_2485 = tpu.vector_load_idx %arg13[%broadcast_in_dim3A_1923, %add3A_2082, %add3A_2484] : memref<2x128x128xf32, #tpu.memory_space<vmem>>[vector<16xi32>, vector<16xi32>, vector<16xi32>], vector<16xf32>,
        %add3A_2486 = arith.addi %get3A_2094, %and3A_2483 : vector<16xi32>
        %gather3A_2487 = tpu.vector_load_idx %arg14[%broadcast_in_dim3A_1923, %add3A_2082, %add3A_2486] : memref<2x128x128xf32, #tpu.memory_space<vmem>>[vector<16xi32>, vector<16xi32>, vector<16xi32>], vector<16xf32>,
        %mul3A_2488 = arith.mulf %gather3A_2485, %gather3A_2487 : vector<16xf32>
        %add3A_2489 = arith.addf %add3A_2429, %mul3A_2488 : vector<16xf32>
        %mul3A_2490 = arith.constant 32 : i32
        %mul3A_2491 = arith.muli %scan3A_2126, %mul3A_2490 : i32
        %add3A_2492 = arith.constant 24 : i32
        %add3A_2493 = arith.addi %mul3A_2491, %add3A_2492 : i32
        %add3A_2494 = vector.broadcast %add3A_2493 : i32 to vector<16xi32>
        %add3A_2495 = arith.addi %iota3A, %add3A_2494 : vector<16xi32>
        %and3A_2496 = arith.constant 63 : i32
        %and3A_2497 = vector.broadcast %and3A_2496 : i32 to vector<16xi32>
        %and3A_2498 = arith.andi %add3A_2495, %and3A_2497 : vector<16xi32>
        %add3A_2499 = arith.addi %get3A_2088, %and3A_2498 : vector<16xi32>
        %gather3A_2500 = tpu.vector_load_idx %arg13[%broadcast_in_dim3A_1923, %add3A_2082, %add3A_2499] : memref<2x128x128xf32, #tpu.memory_space<vmem>>[vector<16xi32>, vector<16xi32>, vector<16xi32>], vector<16xf32>,
        %add3A_2501 = arith.addi %get3A_2094, %and3A_2498 : vector<16xi32>
        %gather3A_2502 = tpu.vector_load_idx %arg14[%broadcast_in_dim3A_1923, %add3A_2082, %add3A_2501] : memref<2x128x128xf32, #tpu.memory_space<vmem>>[vector<16xi32>, vector<16xi32>, vector<16xi32>], vector<16xf32>,
        %mul3A_2503 = arith.mulf %gather3A_2500, %gather3A_2502 : vector<16xf32>
        %add3A_2504 = arith.addf %add3A_2444, %mul3A_2503 : vector<16xf32>
        %mul3A_2505 = arith.constant 32 : i32
        %mul3A_2506 = arith.muli %scan3A_2126, %mul3A_2505 : i32
        %add3A_2507 = arith.constant 25 : i32
        %add3A_2508 = arith.addi %mul3A_2506, %add3A_2507 : i32
        %add3A_2509 = vector.broadcast %add3A_2508 : i32 to vector<16xi32>
        %add3A_2510 = arith.addi %iota3A, %add3A_2509 : vector<16xi32>
        %and3A_2511 = arith.constant 63 : i32
        %and3A_2512 = vector.broadcast %and3A_2511 : i32 to vector<16xi32>
        %and3A_2513 = arith.andi %add3A_2510, %and3A_2512 : vector<16xi32>
        %add3A_2514 = arith.addi %get3A_2088, %and3A_2513 : vector<16xi32>
        %gather3A_2515 = tpu.vector_load_idx %arg13[%broadcast_in_dim3A_1923, %add3A_2082, %add3A_2514] : memref<2x128x128xf32, #tpu.memory_space<vmem>>[vector<16xi32>, vector<16xi32>, vector<16xi32>], vector<16xf32>,
        %add3A_2516 = arith.addi %get3A_2094, %and3A_2513 : vector<16xi32>
        %gather3A_2517 = tpu.vector_load_idx %arg14[%broadcast_in_dim3A_1923, %add3A_2082, %add3A_2516] : memref<2x128x128xf32, #tpu.memory_space<vmem>>[vector<16xi32>, vector<16xi32>, vector<16xi32>], vector<16xf32>,
        %mul3A_2518 = arith.mulf %gather3A_2515, %gather3A_2517 : vector<16xf32>
        %add3A_2519 = arith.addf %add3A_2459, %mul3A_2518 : vector<16xf32>
        %mul3A_2520 = arith.constant 32 : i32
        %mul3A_2521 = arith.muli %scan3A_2126, %mul3A_2520 : i32
        %add3A_2522 = arith.constant 26 : i32
        %add3A_2523 = arith.addi %mul3A_2521, %add3A_2522 : i32
        %add3A_2524 = vector.broadcast %add3A_2523 : i32 to vector<16xi32>
        %add3A_2525 = arith.addi %iota3A, %add3A_2524 : vector<16xi32>
        %and3A_2526 = arith.constant 63 : i32
        %and3A_2527 = vector.broadcast %and3A_2526 : i32 to vector<16xi32>
        %and3A_2528 = arith.andi %add3A_2525, %and3A_2527 : vector<16xi32>
        %add3A_2529 = arith.addi %get3A_2088, %and3A_2528 : vector<16xi32>
        %gather3A_2530 = tpu.vector_load_idx %arg13[%broadcast_in_dim3A_1923, %add3A_2082, %add3A_2529] : memref<2x128x128xf32, #tpu.memory_space<vmem>>[vector<16xi32>, vector<16xi32>, vector<16xi32>], vector<16xf32>,
        %add3A_2531 = arith.addi %get3A_2094, %and3A_2528 : vector<16xi32>
        %gather3A_2532 = tpu.vector_load_idx %arg14[%broadcast_in_dim3A_1923, %add3A_2082, %add3A_2531] : memref<2x128x128xf32, #tpu.memory_space<vmem>>[vector<16xi32>, vector<16xi32>, vector<16xi32>], vector<16xf32>,
        %mul3A_2533 = arith.mulf %gather3A_2530, %gather3A_2532 : vector<16xf32>
        %add3A_2534 = arith.addf %add3A_2474, %mul3A_2533 : vector<16xf32>
        %mul3A_2535 = arith.constant 32 : i32
        %mul3A_2536 = arith.muli %scan3A_2126, %mul3A_2535 : i32
        %add3A_2537 = arith.constant 27 : i32
        %add3A_2538 = arith.addi %mul3A_2536, %add3A_2537 : i32
        %add3A_2539 = vector.broadcast %add3A_2538 : i32 to vector<16xi32>
        %add3A_2540 = arith.addi %iota3A, %add3A_2539 : vector<16xi32>
        %and3A_2541 = arith.constant 63 : i32
        %and3A_2542 = vector.broadcast %and3A_2541 : i32 to vector<16xi32>
        %and3A_2543 = arith.andi %add3A_2540, %and3A_2542 : vector<16xi32>
        %add3A_2544 = arith.addi %get3A_2088, %and3A_2543 : vector<16xi32>
        %gather3A_2545 = tpu.vector_load_idx %arg13[%broadcast_in_dim3A_1923, %add3A_2082, %add3A_2544] : memref<2x128x128xf32, #tpu.memory_space<vmem>>[vector<16xi32>, vector<16xi32>, vector<16xi32>], vector<16xf32>,
        %add3A_2546 = arith.addi %get3A_2094, %and3A_2543 : vector<16xi32>
        %gather3A_2547 = tpu.vector_load_idx %arg14[%broadcast_in_dim3A_1923, %add3A_2082, %add3A_2546] : memref<2x128x128xf32, #tpu.memory_space<vmem>>[vector<16xi32>, vector<16xi32>, vector<16xi32>], vector<16xf32>,
        %mul3A_2548 = arith.mulf %gather3A_2545, %gather3A_2547 : vector<16xf32>
        %add3A_2549 = arith.addf %add3A_2489, %mul3A_2548 : vector<16xf32>
        %mul3A_2550 = arith.constant 32 : i32
        %mul3A_2551 = arith.muli %scan3A_2126, %mul3A_2550 : i32
        %add3A_2552 = arith.constant 28 : i32
        %add3A_2553 = arith.addi %mul3A_2551, %add3A_2552 : i32
        %add3A_2554 = vector.broadcast %add3A_2553 : i32 to vector<16xi32>
        %add3A_2555 = arith.addi %iota3A, %add3A_2554 : vector<16xi32>
        %and3A_2556 = arith.constant 63 : i32
        %and3A_2557 = vector.broadcast %and3A_2556 : i32 to vector<16xi32>
        %and3A_2558 = arith.andi %add3A_2555, %and3A_2557 : vector<16xi32>
        %add3A_2559 = arith.addi %get3A_2088, %and3A_2558 : vector<16xi32>
        %gather3A_2560 = tpu.vector_load_idx %arg13[%broadcast_in_dim3A_1923, %add3A_2082, %add3A_2559] : memref<2x128x128xf32, #tpu.memory_space<vmem>>[vector<16xi32>, vector<16xi32>, vector<16xi32>], vector<16xf32>,
        %add3A_2561 = arith.addi %get3A_2094, %and3A_2558 : vector<16xi32>
        %gather3A_2562 = tpu.vector_load_idx %arg14[%broadcast_in_dim3A_1923, %add3A_2082, %add3A_2561] : memref<2x128x128xf32, #tpu.memory_space<vmem>>[vector<16xi32>, vector<16xi32>, vector<16xi32>], vector<16xf32>,
        %mul3A_2563 = arith.mulf %gather3A_2560, %gather3A_2562 : vector<16xf32>
        %add3A_2564 = arith.addf %add3A_2504, %mul3A_2563 : vector<16xf32>
        %mul3A_2565 = arith.constant 32 : i32
        %mul3A_2566 = arith.muli %scan3A_2126, %mul3A_2565 : i32
        %add3A_2567 = arith.constant 29 : i32
        %add3A_2568 = arith.addi %mul3A_2566, %add3A_2567 : i32
        %add3A_2569 = vector.broadcast %add3A_2568 : i32 to vector<16xi32>
        %add3A_2570 = arith.addi %iota3A, %add3A_2569 : vector<16xi32>
        %and3A_2571 = arith.constant 63 : i32
        %and3A_2572 = vector.broadcast %and3A_2571 : i32 to vector<16xi32>
        %and3A_2573 = arith.andi %add3A_2570, %and3A_2572 : vector<16xi32>
        %add3A_2574 = arith.addi %get3A_2088, %and3A_2573 : vector<16xi32>
        %gather3A_2575 = tpu.vector_load_idx %arg13[%broadcast_in_dim3A_1923, %add3A_2082, %add3A_2574] : memref<2x128x128xf32, #tpu.memory_space<vmem>>[vector<16xi32>, vector<16xi32>, vector<16xi32>], vector<16xf32>,
        %add3A_2576 = arith.addi %get3A_2094, %and3A_2573 : vector<16xi32>
        %gather3A_2577 = tpu.vector_load_idx %arg14[%broadcast_in_dim3A_1923, %add3A_2082, %add3A_2576] : memref<2x128x128xf32, #tpu.memory_space<vmem>>[vector<16xi32>, vector<16xi32>, vector<16xi32>], vector<16xf32>,
        %mul3A_2578 = arith.mulf %gather3A_2575, %gather3A_2577 : vector<16xf32>
        %add3A_2579 = arith.addf %add3A_2519, %mul3A_2578 : vector<16xf32>
        %mul3A_2580 = arith.constant 32 : i32
        %mul3A_2581 = arith.muli %scan3A_2126, %mul3A_2580 : i32
        %add3A_2582 = arith.constant 30 : i32
        %add3A_2583 = arith.addi %mul3A_2581, %add3A_2582 : i32
        %add3A_2584 = vector.broadcast %add3A_2583 : i32 to vector<16xi32>
        %add3A_2585 = arith.addi %iota3A, %add3A_2584 : vector<16xi32>
        %and3A_2586 = arith.constant 63 : i32
        %and3A_2587 = vector.broadcast %and3A_2586 : i32 to vector<16xi32>
        %and3A_2588 = arith.andi %add3A_2585, %and3A_2587 : vector<16xi32>
        %add3A_2589 = arith.addi %get3A_2088, %and3A_2588 : vector<16xi32>
        %gather3A_2590 = tpu.vector_load_idx %arg13[%broadcast_in_dim3A_1923, %add3A_2082, %add3A_2589] : memref<2x128x128xf32, #tpu.memory_space<vmem>>[vector<16xi32>, vector<16xi32>, vector<16xi32>], vector<16xf32>,
        %add3A_2591 = arith.addi %get3A_2094, %and3A_2588 : vector<16xi32>
        %gather3A_2592 = tpu.vector_load_idx %arg14[%broadcast_in_dim3A_1923, %add3A_2082, %add3A_2591] : memref<2x128x128xf32, #tpu.memory_space<vmem>>[vector<16xi32>, vector<16xi32>, vector<16xi32>], vector<16xf32>,
        %mul3A_2593 = arith.mulf %gather3A_2590, %gather3A_2592 : vector<16xf32>
        %add3A_2594 = arith.addf %add3A_2534, %mul3A_2593 : vector<16xf32>
        %mul3A_2595 = arith.constant 32 : i32
        %mul3A_2596 = arith.muli %scan3A_2126, %mul3A_2595 : i32
        %add3A_2597 = arith.constant 31 : i32
        %add3A_2598 = arith.addi %mul3A_2596, %add3A_2597 : i32
        %add3A_2599 = vector.broadcast %add3A_2598 : i32 to vector<16xi32>
        %add3A_2600 = arith.addi %iota3A, %add3A_2599 : vector<16xi32>
        %and3A_2601 = arith.constant 63 : i32
        %and3A_2602 = vector.broadcast %and3A_2601 : i32 to vector<16xi32>
        %and3A_2603 = arith.andi %add3A_2600, %and3A_2602 : vector<16xi32>
        %add3A_2604 = arith.addi %get3A_2088, %and3A_2603 : vector<16xi32>
        %gather3A_2605 = tpu.vector_load_idx %arg13[%broadcast_in_dim3A_1923, %add3A_2082, %add3A_2604] : memref<2x128x128xf32, #tpu.memory_space<vmem>>[vector<16xi32>, vector<16xi32>, vector<16xi32>], vector<16xf32>,
        %add3A_2606 = arith.addi %get3A_2094, %and3A_2603 : vector<16xi32>
        %gather3A_2607 = tpu.vector_load_idx %arg14[%broadcast_in_dim3A_1923, %add3A_2082, %add3A_2606] : memref<2x128x128xf32, #tpu.memory_space<vmem>>[vector<16xi32>, vector<16xi32>, vector<16xi32>], vector<16xf32>,
        %mul3A_2608 = arith.mulf %gather3A_2605, %gather3A_2607 : vector<16xf32>
        %add3A_2609 = arith.addf %add3A_2549, %mul3A_2608 : vector<16xf32>
        scf.yield %add3A_2564, %add3A_2579, %add3A_2594, %add3A_2609 : vector<16xf32>, vector<16xf32>, vector<16xf32>, vector<16xf32>
      }
      %scan3A_2108 = arith.constant 2 : i32
      %add3A_2109 = arith.addf %scan3A_2107#0, %scan3A_2107#1 : vector<16xf32>
      %add3A_2110 = arith.addf %scan3A_2107#2, %scan3A_2107#3 : vector<16xf32>
      %add3A_2111 = arith.addf %add3A_2109, %add3A_2110 : vector<16xf32>
      %neg3A = arith.constant 0.000000e+00 : f32
      %neg3A_2112 = vector.broadcast %neg3A : f32 to vector<16xf32>
      %neg3A_2113 = arith.subf %neg3A_2112, %add3A_2111 : vector<16xf32>
      %exp3A = math.exp %neg3A_2113 : vector<16xf32>
      %add3A_2114 = arith.constant 1.000000e+00 : f32
      %add3A_2115 = vector.broadcast %add3A_2114 : f32 to vector<16xf32>
      %add3A_2116 = arith.addf %add3A_2115, %exp3A : vector<16xf32>
      %div3A = arith.constant 1.000000e+00 : f32
      %div3A_2117 = vector.broadcast %div3A : f32 to vector<16xf32>
      %div3A_2118 = arith.divf %div3A_2117, %add3A_2116 : vector<16xf32>
      %mul3A_2119 = arith.constant 16 : i32
      %mul3A_2120 = arith.muli %scan3A_2077, %mul3A_2119 : i32
      %add3A_2121 = arith.constant 0 : i32
      %add3A_2122 = arith.addi %add3A_2121, %mul3A_2120 : i32
      %swap3A_2123 = arith.index_cast %add3A_2122 : i32 to index
      %swap3A_2124 = tpu.vector_load %arg15[%swap3A_2123] {strides = array<i32>} : memref<512xf32, #tpu.memory_space<vmem>>, vector<16xf32>,
      tpu.vector_store %arg15[%swap3A_2123], %div3A_2118 {strides = array<i32>} : memref<512xf32, #tpu.memory_space<vmem>>, vector<16xf32>,
      %scan3A_2125 = arith.constant 0 : i32
      scf.yield %scan3A_2125 : i32
    }
    %scan3A_1929 = arith.constant 8 : i32
    %dma_start3A_1930 = arith.constant 2 : i32
    %dma_start3A_1931 = arith.constant 0 : i32
    %dma_start3A_1932 = arith.constant 0 : i32
    %dma_start3A_1933 = arith.constant 0 : i32
    %dma_start3A_1934 = tpu.memref_slice %arg13[%dma_start3A_1931, %dma_start3A_1932, %dma_start3A_1933] : memref<2x128x128xf32, #tpu.memory_space<vmem>> -> memref<1x128x128xf32, #tpu.memory_space<vmem>>
    %dma_start3A_1935 = tpu.memref_squeeze %dma_start3A_1934 : memref<1x128x128xf32, #tpu.memory_space<vmem>> -> memref<128x128xf32, #tpu.memory_space<vmem>>
    %dma_start3A_1936 = arith.constant 0 : i32
    %dma_start3A_1937 = tpu.memref_slice %arg9[%dma_start3A_1930, %dma_start3A_1936] : memref<4x128xi32, #tpu.memory_space<vmem>> -> memref<1x128xi32, #tpu.memory_space<vmem>>
    %dma_start3A_1938 = tpu.memref_squeeze %dma_start3A_1937 : memref<1x128xi32, #tpu.memory_space<vmem>> -> memref<128xi32, #tpu.memory_space<vmem>>
    %dma_start3A_1939 = arith.constant 0 : i32
    %dma_start3A_1940 = arith.constant 0 : i32
    %dma_start3A_1941 = tpu.memref_slice %arg4[%dma_start3A_1939, %dma_start3A_1940] : memref<53248x128xf32, #tpu.memory_space<hbm>> -> memref<53248x128xf32, #tpu.memory_space<hbm>>
    tpu.enqueue_indirect_dma source(%dma_start3A_1941 : memref<53248x128xf32, #tpu.memory_space<hbm>>) target(%dma_start3A_1935 : memref<128x128xf32, #tpu.memory_space<vmem>>) offsets(%dma_start3A_1938 : memref<128xi32, #tpu.memory_space<vmem>>) semaphore(%arg16 : memref<!tpu.dma_semaphore, #tpu.memory_space<semaphore_mem>>)
    %dma_start3A_1942 = arith.constant 2 : i32
    %dma_start3A_1943 = arith.constant 0 : i32
    %dma_start3A_1944 = arith.constant 0 : i32
    %dma_start3A_1945 = arith.constant 0 : i32
    %dma_start3A_1946 = tpu.memref_slice %arg14[%dma_start3A_1943, %dma_start3A_1944, %dma_start3A_1945] : memref<2x128x128xf32, #tpu.memory_space<vmem>> -> memref<1x128x128xf32, #tpu.memory_space<vmem>>
    %dma_start3A_1947 = tpu.memref_squeeze %dma_start3A_1946 : memref<1x128x128xf32, #tpu.memory_space<vmem>> -> memref<128x128xf32, #tpu.memory_space<vmem>>
    %dma_start3A_1948 = arith.constant 0 : i32
    %dma_start3A_1949 = tpu.memref_slice %arg10[%dma_start3A_1942, %dma_start3A_1948] : memref<4x128xi32, #tpu.memory_space<vmem>> -> memref<1x128xi32, #tpu.memory_space<vmem>>
    %dma_start3A_1950 = tpu.memref_squeeze %dma_start3A_1949 : memref<1x128xi32, #tpu.memory_space<vmem>> -> memref<128xi32, #tpu.memory_space<vmem>>
    %dma_start3A_1951 = arith.constant 0 : i32
    %dma_start3A_1952 = arith.constant 0 : i32
    %dma_start3A_1953 = tpu.memref_slice %arg5[%dma_start3A_1951, %dma_start3A_1952] : memref<53248x128xf32, #tpu.memory_space<hbm>> -> memref<53248x128xf32, #tpu.memory_space<hbm>>
    tpu.enqueue_indirect_dma source(%dma_start3A_1953 : memref<53248x128xf32, #tpu.memory_space<hbm>>) target(%dma_start3A_1947 : memref<128x128xf32, #tpu.memory_space<vmem>>) offsets(%dma_start3A_1950 : memref<128xi32, #tpu.memory_space<vmem>>) semaphore(%arg16 : memref<!tpu.dma_semaphore, #tpu.memory_space<semaphore_mem>>)
    %dma_wait3A_1954 = arith.constant 1 : i32
    %dma_wait3A_1955 = arith.constant 1 : i32
    %dma_wait3A_1956 = arith.constant 0 : i32
    %dma_wait3A_1957 = arith.constant 0 : i32
    %dma_wait3A_1958 = tpu.memref_slice %arg13[%dma_wait3A_1955, %dma_wait3A_1956, %dma_wait3A_1957] : memref<2x128x128xf32, #tpu.memory_space<vmem>> -> memref<1x128x128xf32, #tpu.memory_space<vmem>>
    %dma_wait3A_1959 = tpu.memref_squeeze %dma_wait3A_1958 : memref<1x128x128xf32, #tpu.memory_space<vmem>> -> memref<128x128xf32, #tpu.memory_space<vmem>>
    %dma_wait3A_1960 = arith.constant 0 : i32
    %dma_wait3A_1961 = tpu.memref_slice %arg9[%dma_wait3A_1954, %dma_wait3A_1960] : memref<4x128xi32, #tpu.memory_space<vmem>> -> memref<1x128xi32, #tpu.memory_space<vmem>>
    %dma_wait3A_1962 = tpu.memref_squeeze %dma_wait3A_1961 : memref<1x128xi32, #tpu.memory_space<vmem>> -> memref<128xi32, #tpu.memory_space<vmem>>
    %dma_wait3A_1963 = arith.constant 0 : i32
    %dma_wait3A_1964 = arith.constant 0 : i32
    %dma_wait3A_1965 = tpu.memref_slice %arg4[%dma_wait3A_1963, %dma_wait3A_1964] : memref<53248x128xf32, #tpu.memory_space<hbm>> -> memref<53248x128xf32, #tpu.memory_space<hbm>>
    tpu.wait_indirect_dma semaphore(%arg17 : memref<!tpu.dma_semaphore, #tpu.memory_space<semaphore_mem>>) src(%dma_wait3A_1965 : memref<53248x128xf32, #tpu.memory_space<hbm>>) dst(%dma_wait3A_1959 : memref<128x128xf32, #tpu.memory_space<vmem>>)
    %dma_wait3A_1966 = arith.constant 1 : i32
    %dma_wait3A_1967 = arith.constant 1 : i32
    %dma_wait3A_1968 = arith.constant 0 : i32
    %dma_wait3A_1969 = arith.constant 0 : i32
    %dma_wait3A_1970 = tpu.memref_slice %arg14[%dma_wait3A_1967, %dma_wait3A_1968, %dma_wait3A_1969] : memref<2x128x128xf32, #tpu.memory_space<vmem>> -> memref<1x128x128xf32, #tpu.memory_space<vmem>>
    %dma_wait3A_1971 = tpu.memref_squeeze %dma_wait3A_1970 : memref<1x128x128xf32, #tpu.memory_space<vmem>> -> memref<128x128xf32, #tpu.memory_space<vmem>>
    %dma_wait3A_1972 = arith.constant 0 : i32
    %dma_wait3A_1973 = tpu.memref_slice %arg10[%dma_wait3A_1966, %dma_wait3A_1972] : memref<4x128xi32, #tpu.memory_space<vmem>> -> memref<1x128xi32, #tpu.memory_space<vmem>>
    %dma_wait3A_1974 = tpu.memref_squeeze %dma_wait3A_1973 : memref<1x128xi32, #tpu.memory_space<vmem>> -> memref<128xi32, #tpu.memory_space<vmem>>
    %dma_wait3A_1975 = arith.constant 0 : i32
    %dma_wait3A_1976 = arith.constant 0 : i32
    %dma_wait3A_1977 = tpu.memref_slice %arg5[%dma_wait3A_1975, %dma_wait3A_1976] : memref<53248x128xf32, #tpu.memory_space<hbm>> -> memref<53248x128xf32, #tpu.memory_space<hbm>>
    tpu.wait_indirect_dma semaphore(%arg17 : memref<!tpu.dma_semaphore, #tpu.memory_space<semaphore_mem>>) src(%dma_wait3A_1977 : memref<53248x128xf32, #tpu.memory_space<hbm>>) dst(%dma_wait3A_1971 : memref<128x128xf32, #tpu.memory_space<vmem>>)
    %broadcast_in_dim3A_1978 = arith.constant 1 : i32
    %broadcast_in_dim3A_1979 = vector.broadcast %broadcast_in_dim3A_1978 : i32 to vector<16xi32>
    %scan3A_1980 = arith.constant 0 : i32
    %scan3A_1981 = arith.constant 0 : i32
    %scan3A_1982 = arith.constant 8 : i32
    %scan3A_1983 = arith.addi %scan3A_1981, %scan3A_1982 : i32
    %scan3A_1984 = arith.constant 1 : i32
    %scan3A_1985 = scf.for %scan3A_2077 = %scan3A_1981 to %scan3A_1983 step %scan3A_1984 iter_args(%scan3A_2078 = %scan3A_1980) -> (i32)  : i32 {
      %mul3A_2079 = arith.constant 16 : i32
      %mul3A_2080 = arith.muli %scan3A_2077, %mul3A_2079 : i32
      %add3A_2081 = vector.broadcast %mul3A_2080 : i32 to vector<16xi32>
      %add3A_2082 = arith.addi %iota3A, %add3A_2081 : vector<16xi32>
      %mul3A_2083 = arith.constant 16 : i32
      %mul3A_2084 = arith.muli %scan3A_2077, %mul3A_2083 : i32
      %add3A_2085 = arith.constant 128 : i32
      %add3A_2086 = arith.addi %add3A_2085, %mul3A_2084 : i32
      %get3A_2087 = arith.index_cast %add3A_2086 : i32 to index
      %get3A_2088 = tpu.vector_load %arg11[%get3A_2087] {strides = array<i32>} : memref<512xi32, #tpu.memory_space<vmem>>, vector<16xi32>,
      %mul3A_2089 = arith.constant 16 : i32
      %mul3A_2090 = arith.muli %scan3A_2077, %mul3A_2089 : i32
      %add3A_2091 = arith.constant 128 : i32
      %add3A_2092 = arith.addi %add3A_2091, %mul3A_2090 : i32
      %get3A_2093 = arith.index_cast %add3A_2092 : i32 to index
      %get3A_2094 = tpu.vector_load %arg12[%get3A_2093] {strides = array<i32>} : memref<512xi32, #tpu.memory_space<vmem>>, vector<16xi32>,
      %broadcast_in_dim3A_2095 = arith.constant 0.000000e+00 : f32
      %broadcast_in_dim3A_2096 = vector.broadcast %broadcast_in_dim3A_2095 : f32 to vector<16xf32>
      %broadcast_in_dim3A_2097 = arith.constant 0.000000e+00 : f32
      %broadcast_in_dim3A_2098 = vector.broadcast %broadcast_in_dim3A_2097 : f32 to vector<16xf32>
      %broadcast_in_dim3A_2099 = arith.constant 0.000000e+00 : f32
      %broadcast_in_dim3A_2100 = vector.broadcast %broadcast_in_dim3A_2099 : f32 to vector<16xf32>
      %broadcast_in_dim3A_2101 = arith.constant 0.000000e+00 : f32
      %broadcast_in_dim3A_2102 = vector.broadcast %broadcast_in_dim3A_2101 : f32 to vector<16xf32>
      %scan3A_2103 = arith.constant 0 : i32
      %scan3A_2104 = arith.constant 2 : i32
      %scan3A_2105 = arith.addi %scan3A_2103, %scan3A_2104 : i32
      %scan3A_2106 = arith.constant 1 : i32
      %scan3A_2107:4 = scf.for %scan3A_2126 = %scan3A_2103 to %scan3A_2105 step %scan3A_2106 iter_args(%scan3A_2127 = %broadcast_in_dim3A_2096, %scan3A_2128 = %broadcast_in_dim3A_2098, %scan3A_2129 = %broadcast_in_dim3A_2100, %scan3A_2130 = %broadcast_in_dim3A_2102) -> (vector<16xf32>, vector<16xf32>, vector<16xf32>, vector<16xf32>)  : i32 {
        %mul3A_2131 = arith.constant 32 : i32
        %mul3A_2132 = arith.muli %scan3A_2126, %mul3A_2131 : i32
        %add3A_2133 = arith.constant 0 : i32
        %add3A_2134 = arith.addi %mul3A_2132, %add3A_2133 : i32
        %add3A_2135 = vector.broadcast %add3A_2134 : i32 to vector<16xi32>
        %add3A_2136 = arith.addi %iota3A, %add3A_2135 : vector<16xi32>
        %and3A_2137 = arith.constant 63 : i32
        %and3A_2138 = vector.broadcast %and3A_2137 : i32 to vector<16xi32>
        %and3A_2139 = arith.andi %add3A_2136, %and3A_2138 : vector<16xi32>
        %add3A_2140 = arith.addi %get3A_2088, %and3A_2139 : vector<16xi32>
        %gather3A = tpu.vector_load_idx %arg13[%broadcast_in_dim3A_1979, %add3A_2082, %add3A_2140] : memref<2x128x128xf32, #tpu.memory_space<vmem>>[vector<16xi32>, vector<16xi32>, vector<16xi32>], vector<16xf32>,
        %add3A_2141 = arith.addi %get3A_2094, %and3A_2139 : vector<16xi32>
        %gather3A_2142 = tpu.vector_load_idx %arg14[%broadcast_in_dim3A_1979, %add3A_2082, %add3A_2141] : memref<2x128x128xf32, #tpu.memory_space<vmem>>[vector<16xi32>, vector<16xi32>, vector<16xi32>], vector<16xf32>,
        %mul3A_2143 = arith.mulf %gather3A, %gather3A_2142 : vector<16xf32>
        %add3A_2144 = arith.addf %scan3A_2127, %mul3A_2143 : vector<16xf32>
        %mul3A_2145 = arith.constant 32 : i32
        %mul3A_2146 = arith.muli %scan3A_2126, %mul3A_2145 : i32
        %add3A_2147 = arith.constant 1 : i32
        %add3A_2148 = arith.addi %mul3A_2146, %add3A_2147 : i32
        %add3A_2149 = vector.broadcast %add3A_2148 : i32 to vector<16xi32>
        %add3A_2150 = arith.addi %iota3A, %add3A_2149 : vector<16xi32>
        %and3A_2151 = arith.constant 63 : i32
        %and3A_2152 = vector.broadcast %and3A_2151 : i32 to vector<16xi32>
        %and3A_2153 = arith.andi %add3A_2150, %and3A_2152 : vector<16xi32>
        %add3A_2154 = arith.addi %get3A_2088, %and3A_2153 : vector<16xi32>
        %gather3A_2155 = tpu.vector_load_idx %arg13[%broadcast_in_dim3A_1979, %add3A_2082, %add3A_2154] : memref<2x128x128xf32, #tpu.memory_space<vmem>>[vector<16xi32>, vector<16xi32>, vector<16xi32>], vector<16xf32>,
        %add3A_2156 = arith.addi %get3A_2094, %and3A_2153 : vector<16xi32>
        %gather3A_2157 = tpu.vector_load_idx %arg14[%broadcast_in_dim3A_1979, %add3A_2082, %add3A_2156] : memref<2x128x128xf32, #tpu.memory_space<vmem>>[vector<16xi32>, vector<16xi32>, vector<16xi32>], vector<16xf32>,
        %mul3A_2158 = arith.mulf %gather3A_2155, %gather3A_2157 : vector<16xf32>
        %add3A_2159 = arith.addf %scan3A_2128, %mul3A_2158 : vector<16xf32>
        %mul3A_2160 = arith.constant 32 : i32
        %mul3A_2161 = arith.muli %scan3A_2126, %mul3A_2160 : i32
        %add3A_2162 = arith.constant 2 : i32
        %add3A_2163 = arith.addi %mul3A_2161, %add3A_2162 : i32
        %add3A_2164 = vector.broadcast %add3A_2163 : i32 to vector<16xi32>
        %add3A_2165 = arith.addi %iota3A, %add3A_2164 : vector<16xi32>
        %and3A_2166 = arith.constant 63 : i32
        %and3A_2167 = vector.broadcast %and3A_2166 : i32 to vector<16xi32>
        %and3A_2168 = arith.andi %add3A_2165, %and3A_2167 : vector<16xi32>
        %add3A_2169 = arith.addi %get3A_2088, %and3A_2168 : vector<16xi32>
        %gather3A_2170 = tpu.vector_load_idx %arg13[%broadcast_in_dim3A_1979, %add3A_2082, %add3A_2169] : memref<2x128x128xf32, #tpu.memory_space<vmem>>[vector<16xi32>, vector<16xi32>, vector<16xi32>], vector<16xf32>,
        %add3A_2171 = arith.addi %get3A_2094, %and3A_2168 : vector<16xi32>
        %gather3A_2172 = tpu.vector_load_idx %arg14[%broadcast_in_dim3A_1979, %add3A_2082, %add3A_2171] : memref<2x128x128xf32, #tpu.memory_space<vmem>>[vector<16xi32>, vector<16xi32>, vector<16xi32>], vector<16xf32>,
        %mul3A_2173 = arith.mulf %gather3A_2170, %gather3A_2172 : vector<16xf32>
        %add3A_2174 = arith.addf %scan3A_2129, %mul3A_2173 : vector<16xf32>
        %mul3A_2175 = arith.constant 32 : i32
        %mul3A_2176 = arith.muli %scan3A_2126, %mul3A_2175 : i32
        %add3A_2177 = arith.constant 3 : i32
        %add3A_2178 = arith.addi %mul3A_2176, %add3A_2177 : i32
        %add3A_2179 = vector.broadcast %add3A_2178 : i32 to vector<16xi32>
        %add3A_2180 = arith.addi %iota3A, %add3A_2179 : vector<16xi32>
        %and3A_2181 = arith.constant 63 : i32
        %and3A_2182 = vector.broadcast %and3A_2181 : i32 to vector<16xi32>
        %and3A_2183 = arith.andi %add3A_2180, %and3A_2182 : vector<16xi32>
        %add3A_2184 = arith.addi %get3A_2088, %and3A_2183 : vector<16xi32>
        %gather3A_2185 = tpu.vector_load_idx %arg13[%broadcast_in_dim3A_1979, %add3A_2082, %add3A_2184] : memref<2x128x128xf32, #tpu.memory_space<vmem>>[vector<16xi32>, vector<16xi32>, vector<16xi32>], vector<16xf32>,
        %add3A_2186 = arith.addi %get3A_2094, %and3A_2183 : vector<16xi32>
        %gather3A_2187 = tpu.vector_load_idx %arg14[%broadcast_in_dim3A_1979, %add3A_2082, %add3A_2186] : memref<2x128x128xf32, #tpu.memory_space<vmem>>[vector<16xi32>, vector<16xi32>, vector<16xi32>], vector<16xf32>,
        %mul3A_2188 = arith.mulf %gather3A_2185, %gather3A_2187 : vector<16xf32>
        %add3A_2189 = arith.addf %scan3A_2130, %mul3A_2188 : vector<16xf32>
        %mul3A_2190 = arith.constant 32 : i32
        %mul3A_2191 = arith.muli %scan3A_2126, %mul3A_2190 : i32
        %add3A_2192 = arith.constant 4 : i32
        %add3A_2193 = arith.addi %mul3A_2191, %add3A_2192 : i32
        %add3A_2194 = vector.broadcast %add3A_2193 : i32 to vector<16xi32>
        %add3A_2195 = arith.addi %iota3A, %add3A_2194 : vector<16xi32>
        %and3A_2196 = arith.constant 63 : i32
        %and3A_2197 = vector.broadcast %and3A_2196 : i32 to vector<16xi32>
        %and3A_2198 = arith.andi %add3A_2195, %and3A_2197 : vector<16xi32>
        %add3A_2199 = arith.addi %get3A_2088, %and3A_2198 : vector<16xi32>
        %gather3A_2200 = tpu.vector_load_idx %arg13[%broadcast_in_dim3A_1979, %add3A_2082, %add3A_2199] : memref<2x128x128xf32, #tpu.memory_space<vmem>>[vector<16xi32>, vector<16xi32>, vector<16xi32>], vector<16xf32>,
        %add3A_2201 = arith.addi %get3A_2094, %and3A_2198 : vector<16xi32>
        %gather3A_2202 = tpu.vector_load_idx %arg14[%broadcast_in_dim3A_1979, %add3A_2082, %add3A_2201] : memref<2x128x128xf32, #tpu.memory_space<vmem>>[vector<16xi32>, vector<16xi32>, vector<16xi32>], vector<16xf32>,
        %mul3A_2203 = arith.mulf %gather3A_2200, %gather3A_2202 : vector<16xf32>
        %add3A_2204 = arith.addf %add3A_2144, %mul3A_2203 : vector<16xf32>
        %mul3A_2205 = arith.constant 32 : i32
        %mul3A_2206 = arith.muli %scan3A_2126, %mul3A_2205 : i32
        %add3A_2207 = arith.constant 5 : i32
        %add3A_2208 = arith.addi %mul3A_2206, %add3A_2207 : i32
        %add3A_2209 = vector.broadcast %add3A_2208 : i32 to vector<16xi32>
        %add3A_2210 = arith.addi %iota3A, %add3A_2209 : vector<16xi32>
        %and3A_2211 = arith.constant 63 : i32
        %and3A_2212 = vector.broadcast %and3A_2211 : i32 to vector<16xi32>
        %and3A_2213 = arith.andi %add3A_2210, %and3A_2212 : vector<16xi32>
        %add3A_2214 = arith.addi %get3A_2088, %and3A_2213 : vector<16xi32>
        %gather3A_2215 = tpu.vector_load_idx %arg13[%broadcast_in_dim3A_1979, %add3A_2082, %add3A_2214] : memref<2x128x128xf32, #tpu.memory_space<vmem>>[vector<16xi32>, vector<16xi32>, vector<16xi32>], vector<16xf32>,
        %add3A_2216 = arith.addi %get3A_2094, %and3A_2213 : vector<16xi32>
        %gather3A_2217 = tpu.vector_load_idx %arg14[%broadcast_in_dim3A_1979, %add3A_2082, %add3A_2216] : memref<2x128x128xf32, #tpu.memory_space<vmem>>[vector<16xi32>, vector<16xi32>, vector<16xi32>], vector<16xf32>,
        %mul3A_2218 = arith.mulf %gather3A_2215, %gather3A_2217 : vector<16xf32>
        %add3A_2219 = arith.addf %add3A_2159, %mul3A_2218 : vector<16xf32>
        %mul3A_2220 = arith.constant 32 : i32
        %mul3A_2221 = arith.muli %scan3A_2126, %mul3A_2220 : i32
        %add3A_2222 = arith.constant 6 : i32
        %add3A_2223 = arith.addi %mul3A_2221, %add3A_2222 : i32
        %add3A_2224 = vector.broadcast %add3A_2223 : i32 to vector<16xi32>
        %add3A_2225 = arith.addi %iota3A, %add3A_2224 : vector<16xi32>
        %and3A_2226 = arith.constant 63 : i32
        %and3A_2227 = vector.broadcast %and3A_2226 : i32 to vector<16xi32>
        %and3A_2228 = arith.andi %add3A_2225, %and3A_2227 : vector<16xi32>
        %add3A_2229 = arith.addi %get3A_2088, %and3A_2228 : vector<16xi32>
        %gather3A_2230 = tpu.vector_load_idx %arg13[%broadcast_in_dim3A_1979, %add3A_2082, %add3A_2229] : memref<2x128x128xf32, #tpu.memory_space<vmem>>[vector<16xi32>, vector<16xi32>, vector<16xi32>], vector<16xf32>,
        %add3A_2231 = arith.addi %get3A_2094, %and3A_2228 : vector<16xi32>
        %gather3A_2232 = tpu.vector_load_idx %arg14[%broadcast_in_dim3A_1979, %add3A_2082, %add3A_2231] : memref<2x128x128xf32, #tpu.memory_space<vmem>>[vector<16xi32>, vector<16xi32>, vector<16xi32>], vector<16xf32>,
        %mul3A_2233 = arith.mulf %gather3A_2230, %gather3A_2232 : vector<16xf32>
        %add3A_2234 = arith.addf %add3A_2174, %mul3A_2233 : vector<16xf32>
        %mul3A_2235 = arith.constant 32 : i32
        %mul3A_2236 = arith.muli %scan3A_2126, %mul3A_2235 : i32
        %add3A_2237 = arith.constant 7 : i32
        %add3A_2238 = arith.addi %mul3A_2236, %add3A_2237 : i32
        %add3A_2239 = vector.broadcast %add3A_2238 : i32 to vector<16xi32>
        %add3A_2240 = arith.addi %iota3A, %add3A_2239 : vector<16xi32>
        %and3A_2241 = arith.constant 63 : i32
        %and3A_2242 = vector.broadcast %and3A_2241 : i32 to vector<16xi32>
        %and3A_2243 = arith.andi %add3A_2240, %and3A_2242 : vector<16xi32>
        %add3A_2244 = arith.addi %get3A_2088, %and3A_2243 : vector<16xi32>
        %gather3A_2245 = tpu.vector_load_idx %arg13[%broadcast_in_dim3A_1979, %add3A_2082, %add3A_2244] : memref<2x128x128xf32, #tpu.memory_space<vmem>>[vector<16xi32>, vector<16xi32>, vector<16xi32>], vector<16xf32>,
        %add3A_2246 = arith.addi %get3A_2094, %and3A_2243 : vector<16xi32>
        %gather3A_2247 = tpu.vector_load_idx %arg14[%broadcast_in_dim3A_1979, %add3A_2082, %add3A_2246] : memref<2x128x128xf32, #tpu.memory_space<vmem>>[vector<16xi32>, vector<16xi32>, vector<16xi32>], vector<16xf32>,
        %mul3A_2248 = arith.mulf %gather3A_2245, %gather3A_2247 : vector<16xf32>
        %add3A_2249 = arith.addf %add3A_2189, %mul3A_2248 : vector<16xf32>
        %mul3A_2250 = arith.constant 32 : i32
        %mul3A_2251 = arith.muli %scan3A_2126, %mul3A_2250 : i32
        %add3A_2252 = arith.constant 8 : i32
        %add3A_2253 = arith.addi %mul3A_2251, %add3A_2252 : i32
        %add3A_2254 = vector.broadcast %add3A_2253 : i32 to vector<16xi32>
        %add3A_2255 = arith.addi %iota3A, %add3A_2254 : vector<16xi32>
        %and3A_2256 = arith.constant 63 : i32
        %and3A_2257 = vector.broadcast %and3A_2256 : i32 to vector<16xi32>
        %and3A_2258 = arith.andi %add3A_2255, %and3A_2257 : vector<16xi32>
        %add3A_2259 = arith.addi %get3A_2088, %and3A_2258 : vector<16xi32>
        %gather3A_2260 = tpu.vector_load_idx %arg13[%broadcast_in_dim3A_1979, %add3A_2082, %add3A_2259] : memref<2x128x128xf32, #tpu.memory_space<vmem>>[vector<16xi32>, vector<16xi32>, vector<16xi32>], vector<16xf32>,
        %add3A_2261 = arith.addi %get3A_2094, %and3A_2258 : vector<16xi32>
        %gather3A_2262 = tpu.vector_load_idx %arg14[%broadcast_in_dim3A_1979, %add3A_2082, %add3A_2261] : memref<2x128x128xf32, #tpu.memory_space<vmem>>[vector<16xi32>, vector<16xi32>, vector<16xi32>], vector<16xf32>,
        %mul3A_2263 = arith.mulf %gather3A_2260, %gather3A_2262 : vector<16xf32>
        %add3A_2264 = arith.addf %add3A_2204, %mul3A_2263 : vector<16xf32>
        %mul3A_2265 = arith.constant 32 : i32
        %mul3A_2266 = arith.muli %scan3A_2126, %mul3A_2265 : i32
        %add3A_2267 = arith.constant 9 : i32
        %add3A_2268 = arith.addi %mul3A_2266, %add3A_2267 : i32
        %add3A_2269 = vector.broadcast %add3A_2268 : i32 to vector<16xi32>
        %add3A_2270 = arith.addi %iota3A, %add3A_2269 : vector<16xi32>
        %and3A_2271 = arith.constant 63 : i32
        %and3A_2272 = vector.broadcast %and3A_2271 : i32 to vector<16xi32>
        %and3A_2273 = arith.andi %add3A_2270, %and3A_2272 : vector<16xi32>
        %add3A_2274 = arith.addi %get3A_2088, %and3A_2273 : vector<16xi32>
        %gather3A_2275 = tpu.vector_load_idx %arg13[%broadcast_in_dim3A_1979, %add3A_2082, %add3A_2274] : memref<2x128x128xf32, #tpu.memory_space<vmem>>[vector<16xi32>, vector<16xi32>, vector<16xi32>], vector<16xf32>,
        %add3A_2276 = arith.addi %get3A_2094, %and3A_2273 : vector<16xi32>
        %gather3A_2277 = tpu.vector_load_idx %arg14[%broadcast_in_dim3A_1979, %add3A_2082, %add3A_2276] : memref<2x128x128xf32, #tpu.memory_space<vmem>>[vector<16xi32>, vector<16xi32>, vector<16xi32>], vector<16xf32>,
        %mul3A_2278 = arith.mulf %gather3A_2275, %gather3A_2277 : vector<16xf32>
        %add3A_2279 = arith.addf %add3A_2219, %mul3A_2278 : vector<16xf32>
        %mul3A_2280 = arith.constant 32 : i32
        %mul3A_2281 = arith.muli %scan3A_2126, %mul3A_2280 : i32
        %add3A_2282 = arith.constant 10 : i32
        %add3A_2283 = arith.addi %mul3A_2281, %add3A_2282 : i32
        %add3A_2284 = vector.broadcast %add3A_2283 : i32 to vector<16xi32>
        %add3A_2285 = arith.addi %iota3A, %add3A_2284 : vector<16xi32>
        %and3A_2286 = arith.constant 63 : i32
        %and3A_2287 = vector.broadcast %and3A_2286 : i32 to vector<16xi32>
        %and3A_2288 = arith.andi %add3A_2285, %and3A_2287 : vector<16xi32>
        %add3A_2289 = arith.addi %get3A_2088, %and3A_2288 : vector<16xi32>
        %gather3A_2290 = tpu.vector_load_idx %arg13[%broadcast_in_dim3A_1979, %add3A_2082, %add3A_2289] : memref<2x128x128xf32, #tpu.memory_space<vmem>>[vector<16xi32>, vector<16xi32>, vector<16xi32>], vector<16xf32>,
        %add3A_2291 = arith.addi %get3A_2094, %and3A_2288 : vector<16xi32>
        %gather3A_2292 = tpu.vector_load_idx %arg14[%broadcast_in_dim3A_1979, %add3A_2082, %add3A_2291] : memref<2x128x128xf32, #tpu.memory_space<vmem>>[vector<16xi32>, vector<16xi32>, vector<16xi32>], vector<16xf32>,
        %mul3A_2293 = arith.mulf %gather3A_2290, %gather3A_2292 : vector<16xf32>
        %add3A_2294 = arith.addf %add3A_2234, %mul3A_2293 : vector<16xf32>
        %mul3A_2295 = arith.constant 32 : i32
        %mul3A_2296 = arith.muli %scan3A_2126, %mul3A_2295 : i32
        %add3A_2297 = arith.constant 11 : i32
        %add3A_2298 = arith.addi %mul3A_2296, %add3A_2297 : i32
        %add3A_2299 = vector.broadcast %add3A_2298 : i32 to vector<16xi32>
        %add3A_2300 = arith.addi %iota3A, %add3A_2299 : vector<16xi32>
        %and3A_2301 = arith.constant 63 : i32
        %and3A_2302 = vector.broadcast %and3A_2301 : i32 to vector<16xi32>
        %and3A_2303 = arith.andi %add3A_2300, %and3A_2302 : vector<16xi32>
        %add3A_2304 = arith.addi %get3A_2088, %and3A_2303 : vector<16xi32>
        %gather3A_2305 = tpu.vector_load_idx %arg13[%broadcast_in_dim3A_1979, %add3A_2082, %add3A_2304] : memref<2x128x128xf32, #tpu.memory_space<vmem>>[vector<16xi32>, vector<16xi32>, vector<16xi32>], vector<16xf32>,
        %add3A_2306 = arith.addi %get3A_2094, %and3A_2303 : vector<16xi32>
        %gather3A_2307 = tpu.vector_load_idx %arg14[%broadcast_in_dim3A_1979, %add3A_2082, %add3A_2306] : memref<2x128x128xf32, #tpu.memory_space<vmem>>[vector<16xi32>, vector<16xi32>, vector<16xi32>], vector<16xf32>,
        %mul3A_2308 = arith.mulf %gather3A_2305, %gather3A_2307 : vector<16xf32>
        %add3A_2309 = arith.addf %add3A_2249, %mul3A_2308 : vector<16xf32>
        %mul3A_2310 = arith.constant 32 : i32
        %mul3A_2311 = arith.muli %scan3A_2126, %mul3A_2310 : i32
        %add3A_2312 = arith.constant 12 : i32
        %add3A_2313 = arith.addi %mul3A_2311, %add3A_2312 : i32
        %add3A_2314 = vector.broadcast %add3A_2313 : i32 to vector<16xi32>
        %add3A_2315 = arith.addi %iota3A, %add3A_2314 : vector<16xi32>
        %and3A_2316 = arith.constant 63 : i32
        %and3A_2317 = vector.broadcast %and3A_2316 : i32 to vector<16xi32>
        %and3A_2318 = arith.andi %add3A_2315, %and3A_2317 : vector<16xi32>
        %add3A_2319 = arith.addi %get3A_2088, %and3A_2318 : vector<16xi32>
        %gather3A_2320 = tpu.vector_load_idx %arg13[%broadcast_in_dim3A_1979, %add3A_2082, %add3A_2319] : memref<2x128x128xf32, #tpu.memory_space<vmem>>[vector<16xi32>, vector<16xi32>, vector<16xi32>], vector<16xf32>,
        %add3A_2321 = arith.addi %get3A_2094, %and3A_2318 : vector<16xi32>
        %gather3A_2322 = tpu.vector_load_idx %arg14[%broadcast_in_dim3A_1979, %add3A_2082, %add3A_2321] : memref<2x128x128xf32, #tpu.memory_space<vmem>>[vector<16xi32>, vector<16xi32>, vector<16xi32>], vector<16xf32>,
        %mul3A_2323 = arith.mulf %gather3A_2320, %gather3A_2322 : vector<16xf32>
        %add3A_2324 = arith.addf %add3A_2264, %mul3A_2323 : vector<16xf32>
        %mul3A_2325 = arith.constant 32 : i32
        %mul3A_2326 = arith.muli %scan3A_2126, %mul3A_2325 : i32
        %add3A_2327 = arith.constant 13 : i32
        %add3A_2328 = arith.addi %mul3A_2326, %add3A_2327 : i32
        %add3A_2329 = vector.broadcast %add3A_2328 : i32 to vector<16xi32>
        %add3A_2330 = arith.addi %iota3A, %add3A_2329 : vector<16xi32>
        %and3A_2331 = arith.constant 63 : i32
        %and3A_2332 = vector.broadcast %and3A_2331 : i32 to vector<16xi32>
        %and3A_2333 = arith.andi %add3A_2330, %and3A_2332 : vector<16xi32>
        %add3A_2334 = arith.addi %get3A_2088, %and3A_2333 : vector<16xi32>
        %gather3A_2335 = tpu.vector_load_idx %arg13[%broadcast_in_dim3A_1979, %add3A_2082, %add3A_2334] : memref<2x128x128xf32, #tpu.memory_space<vmem>>[vector<16xi32>, vector<16xi32>, vector<16xi32>], vector<16xf32>,
        %add3A_2336 = arith.addi %get3A_2094, %and3A_2333 : vector<16xi32>
        %gather3A_2337 = tpu.vector_load_idx %arg14[%broadcast_in_dim3A_1979, %add3A_2082, %add3A_2336] : memref<2x128x128xf32, #tpu.memory_space<vmem>>[vector<16xi32>, vector<16xi32>, vector<16xi32>], vector<16xf32>,
        %mul3A_2338 = arith.mulf %gather3A_2335, %gather3A_2337 : vector<16xf32>
        %add3A_2339 = arith.addf %add3A_2279, %mul3A_2338 : vector<16xf32>
        %mul3A_2340 = arith.constant 32 : i32
        %mul3A_2341 = arith.muli %scan3A_2126, %mul3A_2340 : i32
        %add3A_2342 = arith.constant 14 : i32
        %add3A_2343 = arith.addi %mul3A_2341, %add3A_2342 : i32
        %add3A_2344 = vector.broadcast %add3A_2343 : i32 to vector<16xi32>
        %add3A_2345 = arith.addi %iota3A, %add3A_2344 : vector<16xi32>
        %and3A_2346 = arith.constant 63 : i32
        %and3A_2347 = vector.broadcast %and3A_2346 : i32 to vector<16xi32>
        %and3A_2348 = arith.andi %add3A_2345, %and3A_2347 : vector<16xi32>
        %add3A_2349 = arith.addi %get3A_2088, %and3A_2348 : vector<16xi32>
        %gather3A_2350 = tpu.vector_load_idx %arg13[%broadcast_in_dim3A_1979, %add3A_2082, %add3A_2349] : memref<2x128x128xf32, #tpu.memory_space<vmem>>[vector<16xi32>, vector<16xi32>, vector<16xi32>], vector<16xf32>,
        %add3A_2351 = arith.addi %get3A_2094, %and3A_2348 : vector<16xi32>
        %gather3A_2352 = tpu.vector_load_idx %arg14[%broadcast_in_dim3A_1979, %add3A_2082, %add3A_2351] : memref<2x128x128xf32, #tpu.memory_space<vmem>>[vector<16xi32>, vector<16xi32>, vector<16xi32>], vector<16xf32>,
        %mul3A_2353 = arith.mulf %gather3A_2350, %gather3A_2352 : vector<16xf32>
        %add3A_2354 = arith.addf %add3A_2294, %mul3A_2353 : vector<16xf32>
        %mul3A_2355 = arith.constant 32 : i32
        %mul3A_2356 = arith.muli %scan3A_2126, %mul3A_2355 : i32
        %add3A_2357 = arith.constant 15 : i32
        %add3A_2358 = arith.addi %mul3A_2356, %add3A_2357 : i32
        %add3A_2359 = vector.broadcast %add3A_2358 : i32 to vector<16xi32>
        %add3A_2360 = arith.addi %iota3A, %add3A_2359 : vector<16xi32>
        %and3A_2361 = arith.constant 63 : i32
        %and3A_2362 = vector.broadcast %and3A_2361 : i32 to vector<16xi32>
        %and3A_2363 = arith.andi %add3A_2360, %and3A_2362 : vector<16xi32>
        %add3A_2364 = arith.addi %get3A_2088, %and3A_2363 : vector<16xi32>
        %gather3A_2365 = tpu.vector_load_idx %arg13[%broadcast_in_dim3A_1979, %add3A_2082, %add3A_2364] : memref<2x128x128xf32, #tpu.memory_space<vmem>>[vector<16xi32>, vector<16xi32>, vector<16xi32>], vector<16xf32>,
        %add3A_2366 = arith.addi %get3A_2094, %and3A_2363 : vector<16xi32>
        %gather3A_2367 = tpu.vector_load_idx %arg14[%broadcast_in_dim3A_1979, %add3A_2082, %add3A_2366] : memref<2x128x128xf32, #tpu.memory_space<vmem>>[vector<16xi32>, vector<16xi32>, vector<16xi32>], vector<16xf32>,
        %mul3A_2368 = arith.mulf %gather3A_2365, %gather3A_2367 : vector<16xf32>
        %add3A_2369 = arith.addf %add3A_2309, %mul3A_2368 : vector<16xf32>
        %mul3A_2370 = arith.constant 32 : i32
        %mul3A_2371 = arith.muli %scan3A_2126, %mul3A_2370 : i32
        %add3A_2372 = arith.constant 16 : i32
        %add3A_2373 = arith.addi %mul3A_2371, %add3A_2372 : i32
        %add3A_2374 = vector.broadcast %add3A_2373 : i32 to vector<16xi32>
        %add3A_2375 = arith.addi %iota3A, %add3A_2374 : vector<16xi32>
        %and3A_2376 = arith.constant 63 : i32
        %and3A_2377 = vector.broadcast %and3A_2376 : i32 to vector<16xi32>
        %and3A_2378 = arith.andi %add3A_2375, %and3A_2377 : vector<16xi32>
        %add3A_2379 = arith.addi %get3A_2088, %and3A_2378 : vector<16xi32>
        %gather3A_2380 = tpu.vector_load_idx %arg13[%broadcast_in_dim3A_1979, %add3A_2082, %add3A_2379] : memref<2x128x128xf32, #tpu.memory_space<vmem>>[vector<16xi32>, vector<16xi32>, vector<16xi32>], vector<16xf32>,
        %add3A_2381 = arith.addi %get3A_2094, %and3A_2378 : vector<16xi32>
        %gather3A_2382 = tpu.vector_load_idx %arg14[%broadcast_in_dim3A_1979, %add3A_2082, %add3A_2381] : memref<2x128x128xf32, #tpu.memory_space<vmem>>[vector<16xi32>, vector<16xi32>, vector<16xi32>], vector<16xf32>,
        %mul3A_2383 = arith.mulf %gather3A_2380, %gather3A_2382 : vector<16xf32>
        %add3A_2384 = arith.addf %add3A_2324, %mul3A_2383 : vector<16xf32>
        %mul3A_2385 = arith.constant 32 : i32
        %mul3A_2386 = arith.muli %scan3A_2126, %mul3A_2385 : i32
        %add3A_2387 = arith.constant 17 : i32
        %add3A_2388 = arith.addi %mul3A_2386, %add3A_2387 : i32
        %add3A_2389 = vector.broadcast %add3A_2388 : i32 to vector<16xi32>
        %add3A_2390 = arith.addi %iota3A, %add3A_2389 : vector<16xi32>
        %and3A_2391 = arith.constant 63 : i32
        %and3A_2392 = vector.broadcast %and3A_2391 : i32 to vector<16xi32>
        %and3A_2393 = arith.andi %add3A_2390, %and3A_2392 : vector<16xi32>
        %add3A_2394 = arith.addi %get3A_2088, %and3A_2393 : vector<16xi32>
        %gather3A_2395 = tpu.vector_load_idx %arg13[%broadcast_in_dim3A_1979, %add3A_2082, %add3A_2394] : memref<2x128x128xf32, #tpu.memory_space<vmem>>[vector<16xi32>, vector<16xi32>, vector<16xi32>], vector<16xf32>,
        %add3A_2396 = arith.addi %get3A_2094, %and3A_2393 : vector<16xi32>
        %gather3A_2397 = tpu.vector_load_idx %arg14[%broadcast_in_dim3A_1979, %add3A_2082, %add3A_2396] : memref<2x128x128xf32, #tpu.memory_space<vmem>>[vector<16xi32>, vector<16xi32>, vector<16xi32>], vector<16xf32>,
        %mul3A_2398 = arith.mulf %gather3A_2395, %gather3A_2397 : vector<16xf32>
        %add3A_2399 = arith.addf %add3A_2339, %mul3A_2398 : vector<16xf32>
        %mul3A_2400 = arith.constant 32 : i32
        %mul3A_2401 = arith.muli %scan3A_2126, %mul3A_2400 : i32
        %add3A_2402 = arith.constant 18 : i32
        %add3A_2403 = arith.addi %mul3A_2401, %add3A_2402 : i32
        %add3A_2404 = vector.broadcast %add3A_2403 : i32 to vector<16xi32>
        %add3A_2405 = arith.addi %iota3A, %add3A_2404 : vector<16xi32>
        %and3A_2406 = arith.constant 63 : i32
        %and3A_2407 = vector.broadcast %and3A_2406 : i32 to vector<16xi32>
        %and3A_2408 = arith.andi %add3A_2405, %and3A_2407 : vector<16xi32>
        %add3A_2409 = arith.addi %get3A_2088, %and3A_2408 : vector<16xi32>
        %gather3A_2410 = tpu.vector_load_idx %arg13[%broadcast_in_dim3A_1979, %add3A_2082, %add3A_2409] : memref<2x128x128xf32, #tpu.memory_space<vmem>>[vector<16xi32>, vector<16xi32>, vector<16xi32>], vector<16xf32>,
        %add3A_2411 = arith.addi %get3A_2094, %and3A_2408 : vector<16xi32>
        %gather3A_2412 = tpu.vector_load_idx %arg14[%broadcast_in_dim3A_1979, %add3A_2082, %add3A_2411] : memref<2x128x128xf32, #tpu.memory_space<vmem>>[vector<16xi32>, vector<16xi32>, vector<16xi32>], vector<16xf32>,
        %mul3A_2413 = arith.mulf %gather3A_2410, %gather3A_2412 : vector<16xf32>
        %add3A_2414 = arith.addf %add3A_2354, %mul3A_2413 : vector<16xf32>
        %mul3A_2415 = arith.constant 32 : i32
        %mul3A_2416 = arith.muli %scan3A_2126, %mul3A_2415 : i32
        %add3A_2417 = arith.constant 19 : i32
        %add3A_2418 = arith.addi %mul3A_2416, %add3A_2417 : i32
        %add3A_2419 = vector.broadcast %add3A_2418 : i32 to vector<16xi32>
        %add3A_2420 = arith.addi %iota3A, %add3A_2419 : vector<16xi32>
        %and3A_2421 = arith.constant 63 : i32
        %and3A_2422 = vector.broadcast %and3A_2421 : i32 to vector<16xi32>
        %and3A_2423 = arith.andi %add3A_2420, %and3A_2422 : vector<16xi32>
        %add3A_2424 = arith.addi %get3A_2088, %and3A_2423 : vector<16xi32>
        %gather3A_2425 = tpu.vector_load_idx %arg13[%broadcast_in_dim3A_1979, %add3A_2082, %add3A_2424] : memref<2x128x128xf32, #tpu.memory_space<vmem>>[vector<16xi32>, vector<16xi32>, vector<16xi32>], vector<16xf32>,
        %add3A_2426 = arith.addi %get3A_2094, %and3A_2423 : vector<16xi32>
        %gather3A_2427 = tpu.vector_load_idx %arg14[%broadcast_in_dim3A_1979, %add3A_2082, %add3A_2426] : memref<2x128x128xf32, #tpu.memory_space<vmem>>[vector<16xi32>, vector<16xi32>, vector<16xi32>], vector<16xf32>,
        %mul3A_2428 = arith.mulf %gather3A_2425, %gather3A_2427 : vector<16xf32>
        %add3A_2429 = arith.addf %add3A_2369, %mul3A_2428 : vector<16xf32>
        %mul3A_2430 = arith.constant 32 : i32
        %mul3A_2431 = arith.muli %scan3A_2126, %mul3A_2430 : i32
        %add3A_2432 = arith.constant 20 : i32
        %add3A_2433 = arith.addi %mul3A_2431, %add3A_2432 : i32
        %add3A_2434 = vector.broadcast %add3A_2433 : i32 to vector<16xi32>
        %add3A_2435 = arith.addi %iota3A, %add3A_2434 : vector<16xi32>
        %and3A_2436 = arith.constant 63 : i32
        %and3A_2437 = vector.broadcast %and3A_2436 : i32 to vector<16xi32>
        %and3A_2438 = arith.andi %add3A_2435, %and3A_2437 : vector<16xi32>
        %add3A_2439 = arith.addi %get3A_2088, %and3A_2438 : vector<16xi32>
        %gather3A_2440 = tpu.vector_load_idx %arg13[%broadcast_in_dim3A_1979, %add3A_2082, %add3A_2439] : memref<2x128x128xf32, #tpu.memory_space<vmem>>[vector<16xi32>, vector<16xi32>, vector<16xi32>], vector<16xf32>,
        %add3A_2441 = arith.addi %get3A_2094, %and3A_2438 : vector<16xi32>
        %gather3A_2442 = tpu.vector_load_idx %arg14[%broadcast_in_dim3A_1979, %add3A_2082, %add3A_2441] : memref<2x128x128xf32, #tpu.memory_space<vmem>>[vector<16xi32>, vector<16xi32>, vector<16xi32>], vector<16xf32>,
        %mul3A_2443 = arith.mulf %gather3A_2440, %gather3A_2442 : vector<16xf32>
        %add3A_2444 = arith.addf %add3A_2384, %mul3A_2443 : vector<16xf32>
        %mul3A_2445 = arith.constant 32 : i32
        %mul3A_2446 = arith.muli %scan3A_2126, %mul3A_2445 : i32
        %add3A_2447 = arith.constant 21 : i32
        %add3A_2448 = arith.addi %mul3A_2446, %add3A_2447 : i32
        %add3A_2449 = vector.broadcast %add3A_2448 : i32 to vector<16xi32>
        %add3A_2450 = arith.addi %iota3A, %add3A_2449 : vector<16xi32>
        %and3A_2451 = arith.constant 63 : i32
        %and3A_2452 = vector.broadcast %and3A_2451 : i32 to vector<16xi32>
        %and3A_2453 = arith.andi %add3A_2450, %and3A_2452 : vector<16xi32>
        %add3A_2454 = arith.addi %get3A_2088, %and3A_2453 : vector<16xi32>
        %gather3A_2455 = tpu.vector_load_idx %arg13[%broadcast_in_dim3A_1979, %add3A_2082, %add3A_2454] : memref<2x128x128xf32, #tpu.memory_space<vmem>>[vector<16xi32>, vector<16xi32>, vector<16xi32>], vector<16xf32>,
        %add3A_2456 = arith.addi %get3A_2094, %and3A_2453 : vector<16xi32>
        %gather3A_2457 = tpu.vector_load_idx %arg14[%broadcast_in_dim3A_1979, %add3A_2082, %add3A_2456] : memref<2x128x128xf32, #tpu.memory_space<vmem>>[vector<16xi32>, vector<16xi32>, vector<16xi32>], vector<16xf32>,
        %mul3A_2458 = arith.mulf %gather3A_2455, %gather3A_2457 : vector<16xf32>
        %add3A_2459 = arith.addf %add3A_2399, %mul3A_2458 : vector<16xf32>
        %mul3A_2460 = arith.constant 32 : i32
        %mul3A_2461 = arith.muli %scan3A_2126, %mul3A_2460 : i32
        %add3A_2462 = arith.constant 22 : i32
        %add3A_2463 = arith.addi %mul3A_2461, %add3A_2462 : i32
        %add3A_2464 = vector.broadcast %add3A_2463 : i32 to vector<16xi32>
        %add3A_2465 = arith.addi %iota3A, %add3A_2464 : vector<16xi32>
        %and3A_2466 = arith.constant 63 : i32
        %and3A_2467 = vector.broadcast %and3A_2466 : i32 to vector<16xi32>
        %and3A_2468 = arith.andi %add3A_2465, %and3A_2467 : vector<16xi32>
        %add3A_2469 = arith.addi %get3A_2088, %and3A_2468 : vector<16xi32>
        %gather3A_2470 = tpu.vector_load_idx %arg13[%broadcast_in_dim3A_1979, %add3A_2082, %add3A_2469] : memref<2x128x128xf32, #tpu.memory_space<vmem>>[vector<16xi32>, vector<16xi32>, vector<16xi32>], vector<16xf32>,
        %add3A_2471 = arith.addi %get3A_2094, %and3A_2468 : vector<16xi32>
        %gather3A_2472 = tpu.vector_load_idx %arg14[%broadcast_in_dim3A_1979, %add3A_2082, %add3A_2471] : memref<2x128x128xf32, #tpu.memory_space<vmem>>[vector<16xi32>, vector<16xi32>, vector<16xi32>], vector<16xf32>,
        %mul3A_2473 = arith.mulf %gather3A_2470, %gather3A_2472 : vector<16xf32>
        %add3A_2474 = arith.addf %add3A_2414, %mul3A_2473 : vector<16xf32>
        %mul3A_2475 = arith.constant 32 : i32
        %mul3A_2476 = arith.muli %scan3A_2126, %mul3A_2475 : i32
        %add3A_2477 = arith.constant 23 : i32
        %add3A_2478 = arith.addi %mul3A_2476, %add3A_2477 : i32
        %add3A_2479 = vector.broadcast %add3A_2478 : i32 to vector<16xi32>
        %add3A_2480 = arith.addi %iota3A, %add3A_2479 : vector<16xi32>
        %and3A_2481 = arith.constant 63 : i32
        %and3A_2482 = vector.broadcast %and3A_2481 : i32 to vector<16xi32>
        %and3A_2483 = arith.andi %add3A_2480, %and3A_2482 : vector<16xi32>
        %add3A_2484 = arith.addi %get3A_2088, %and3A_2483 : vector<16xi32>
        %gather3A_2485 = tpu.vector_load_idx %arg13[%broadcast_in_dim3A_1979, %add3A_2082, %add3A_2484] : memref<2x128x128xf32, #tpu.memory_space<vmem>>[vector<16xi32>, vector<16xi32>, vector<16xi32>], vector<16xf32>,
        %add3A_2486 = arith.addi %get3A_2094, %and3A_2483 : vector<16xi32>
        %gather3A_2487 = tpu.vector_load_idx %arg14[%broadcast_in_dim3A_1979, %add3A_2082, %add3A_2486] : memref<2x128x128xf32, #tpu.memory_space<vmem>>[vector<16xi32>, vector<16xi32>, vector<16xi32>], vector<16xf32>,
        %mul3A_2488 = arith.mulf %gather3A_2485, %gather3A_2487 : vector<16xf32>
        %add3A_2489 = arith.addf %add3A_2429, %mul3A_2488 : vector<16xf32>
        %mul3A_2490 = arith.constant 32 : i32
        %mul3A_2491 = arith.muli %scan3A_2126, %mul3A_2490 : i32
        %add3A_2492 = arith.constant 24 : i32
        %add3A_2493 = arith.addi %mul3A_2491, %add3A_2492 : i32
        %add3A_2494 = vector.broadcast %add3A_2493 : i32 to vector<16xi32>
        %add3A_2495 = arith.addi %iota3A, %add3A_2494 : vector<16xi32>
        %and3A_2496 = arith.constant 63 : i32
        %and3A_2497 = vector.broadcast %and3A_2496 : i32 to vector<16xi32>
        %and3A_2498 = arith.andi %add3A_2495, %and3A_2497 : vector<16xi32>
        %add3A_2499 = arith.addi %get3A_2088, %and3A_2498 : vector<16xi32>
        %gather3A_2500 = tpu.vector_load_idx %arg13[%broadcast_in_dim3A_1979, %add3A_2082, %add3A_2499] : memref<2x128x128xf32, #tpu.memory_space<vmem>>[vector<16xi32>, vector<16xi32>, vector<16xi32>], vector<16xf32>,
        %add3A_2501 = arith.addi %get3A_2094, %and3A_2498 : vector<16xi32>
        %gather3A_2502 = tpu.vector_load_idx %arg14[%broadcast_in_dim3A_1979, %add3A_2082, %add3A_2501] : memref<2x128x128xf32, #tpu.memory_space<vmem>>[vector<16xi32>, vector<16xi32>, vector<16xi32>], vector<16xf32>,
        %mul3A_2503 = arith.mulf %gather3A_2500, %gather3A_2502 : vector<16xf32>
        %add3A_2504 = arith.addf %add3A_2444, %mul3A_2503 : vector<16xf32>
        %mul3A_2505 = arith.constant 32 : i32
        %mul3A_2506 = arith.muli %scan3A_2126, %mul3A_2505 : i32
        %add3A_2507 = arith.constant 25 : i32
        %add3A_2508 = arith.addi %mul3A_2506, %add3A_2507 : i32
        %add3A_2509 = vector.broadcast %add3A_2508 : i32 to vector<16xi32>
        %add3A_2510 = arith.addi %iota3A, %add3A_2509 : vector<16xi32>
        %and3A_2511 = arith.constant 63 : i32
        %and3A_2512 = vector.broadcast %and3A_2511 : i32 to vector<16xi32>
        %and3A_2513 = arith.andi %add3A_2510, %and3A_2512 : vector<16xi32>
        %add3A_2514 = arith.addi %get3A_2088, %and3A_2513 : vector<16xi32>
        %gather3A_2515 = tpu.vector_load_idx %arg13[%broadcast_in_dim3A_1979, %add3A_2082, %add3A_2514] : memref<2x128x128xf32, #tpu.memory_space<vmem>>[vector<16xi32>, vector<16xi32>, vector<16xi32>], vector<16xf32>,
        %add3A_2516 = arith.addi %get3A_2094, %and3A_2513 : vector<16xi32>
        %gather3A_2517 = tpu.vector_load_idx %arg14[%broadcast_in_dim3A_1979, %add3A_2082, %add3A_2516] : memref<2x128x128xf32, #tpu.memory_space<vmem>>[vector<16xi32>, vector<16xi32>, vector<16xi32>], vector<16xf32>,
        %mul3A_2518 = arith.mulf %gather3A_2515, %gather3A_2517 : vector<16xf32>
        %add3A_2519 = arith.addf %add3A_2459, %mul3A_2518 : vector<16xf32>
        %mul3A_2520 = arith.constant 32 : i32
        %mul3A_2521 = arith.muli %scan3A_2126, %mul3A_2520 : i32
        %add3A_2522 = arith.constant 26 : i32
        %add3A_2523 = arith.addi %mul3A_2521, %add3A_2522 : i32
        %add3A_2524 = vector.broadcast %add3A_2523 : i32 to vector<16xi32>
        %add3A_2525 = arith.addi %iota3A, %add3A_2524 : vector<16xi32>
        %and3A_2526 = arith.constant 63 : i32
        %and3A_2527 = vector.broadcast %and3A_2526 : i32 to vector<16xi32>
        %and3A_2528 = arith.andi %add3A_2525, %and3A_2527 : vector<16xi32>
        %add3A_2529 = arith.addi %get3A_2088, %and3A_2528 : vector<16xi32>
        %gather3A_2530 = tpu.vector_load_idx %arg13[%broadcast_in_dim3A_1979, %add3A_2082, %add3A_2529] : memref<2x128x128xf32, #tpu.memory_space<vmem>>[vector<16xi32>, vector<16xi32>, vector<16xi32>], vector<16xf32>,
        %add3A_2531 = arith.addi %get3A_2094, %and3A_2528 : vector<16xi32>
        %gather3A_2532 = tpu.vector_load_idx %arg14[%broadcast_in_dim3A_1979, %add3A_2082, %add3A_2531] : memref<2x128x128xf32, #tpu.memory_space<vmem>>[vector<16xi32>, vector<16xi32>, vector<16xi32>], vector<16xf32>,
        %mul3A_2533 = arith.mulf %gather3A_2530, %gather3A_2532 : vector<16xf32>
        %add3A_2534 = arith.addf %add3A_2474, %mul3A_2533 : vector<16xf32>
        %mul3A_2535 = arith.constant 32 : i32
        %mul3A_2536 = arith.muli %scan3A_2126, %mul3A_2535 : i32
        %add3A_2537 = arith.constant 27 : i32
        %add3A_2538 = arith.addi %mul3A_2536, %add3A_2537 : i32
        %add3A_2539 = vector.broadcast %add3A_2538 : i32 to vector<16xi32>
        %add3A_2540 = arith.addi %iota3A, %add3A_2539 : vector<16xi32>
        %and3A_2541 = arith.constant 63 : i32
        %and3A_2542 = vector.broadcast %and3A_2541 : i32 to vector<16xi32>
        %and3A_2543 = arith.andi %add3A_2540, %and3A_2542 : vector<16xi32>
        %add3A_2544 = arith.addi %get3A_2088, %and3A_2543 : vector<16xi32>
        %gather3A_2545 = tpu.vector_load_idx %arg13[%broadcast_in_dim3A_1979, %add3A_2082, %add3A_2544] : memref<2x128x128xf32, #tpu.memory_space<vmem>>[vector<16xi32>, vector<16xi32>, vector<16xi32>], vector<16xf32>,
        %add3A_2546 = arith.addi %get3A_2094, %and3A_2543 : vector<16xi32>
        %gather3A_2547 = tpu.vector_load_idx %arg14[%broadcast_in_dim3A_1979, %add3A_2082, %add3A_2546] : memref<2x128x128xf32, #tpu.memory_space<vmem>>[vector<16xi32>, vector<16xi32>, vector<16xi32>], vector<16xf32>,
        %mul3A_2548 = arith.mulf %gather3A_2545, %gather3A_2547 : vector<16xf32>
        %add3A_2549 = arith.addf %add3A_2489, %mul3A_2548 : vector<16xf32>
        %mul3A_2550 = arith.constant 32 : i32
        %mul3A_2551 = arith.muli %scan3A_2126, %mul3A_2550 : i32
        %add3A_2552 = arith.constant 28 : i32
        %add3A_2553 = arith.addi %mul3A_2551, %add3A_2552 : i32
        %add3A_2554 = vector.broadcast %add3A_2553 : i32 to vector<16xi32>
        %add3A_2555 = arith.addi %iota3A, %add3A_2554 : vector<16xi32>
        %and3A_2556 = arith.constant 63 : i32
        %and3A_2557 = vector.broadcast %and3A_2556 : i32 to vector<16xi32>
        %and3A_2558 = arith.andi %add3A_2555, %and3A_2557 : vector<16xi32>
        %add3A_2559 = arith.addi %get3A_2088, %and3A_2558 : vector<16xi32>
        %gather3A_2560 = tpu.vector_load_idx %arg13[%broadcast_in_dim3A_1979, %add3A_2082, %add3A_2559] : memref<2x128x128xf32, #tpu.memory_space<vmem>>[vector<16xi32>, vector<16xi32>, vector<16xi32>], vector<16xf32>,
        %add3A_2561 = arith.addi %get3A_2094, %and3A_2558 : vector<16xi32>
        %gather3A_2562 = tpu.vector_load_idx %arg14[%broadcast_in_dim3A_1979, %add3A_2082, %add3A_2561] : memref<2x128x128xf32, #tpu.memory_space<vmem>>[vector<16xi32>, vector<16xi32>, vector<16xi32>], vector<16xf32>,
        %mul3A_2563 = arith.mulf %gather3A_2560, %gather3A_2562 : vector<16xf32>
        %add3A_2564 = arith.addf %add3A_2504, %mul3A_2563 : vector<16xf32>
        %mul3A_2565 = arith.constant 32 : i32
        %mul3A_2566 = arith.muli %scan3A_2126, %mul3A_2565 : i32
        %add3A_2567 = arith.constant 29 : i32
        %add3A_2568 = arith.addi %mul3A_2566, %add3A_2567 : i32
        %add3A_2569 = vector.broadcast %add3A_2568 : i32 to vector<16xi32>
        %add3A_2570 = arith.addi %iota3A, %add3A_2569 : vector<16xi32>
        %and3A_2571 = arith.constant 63 : i32
        %and3A_2572 = vector.broadcast %and3A_2571 : i32 to vector<16xi32>
        %and3A_2573 = arith.andi %add3A_2570, %and3A_2572 : vector<16xi32>
        %add3A_2574 = arith.addi %get3A_2088, %and3A_2573 : vector<16xi32>
        %gather3A_2575 = tpu.vector_load_idx %arg13[%broadcast_in_dim3A_1979, %add3A_2082, %add3A_2574] : memref<2x128x128xf32, #tpu.memory_space<vmem>>[vector<16xi32>, vector<16xi32>, vector<16xi32>], vector<16xf32>,
        %add3A_2576 = arith.addi %get3A_2094, %and3A_2573 : vector<16xi32>
        %gather3A_2577 = tpu.vector_load_idx %arg14[%broadcast_in_dim3A_1979, %add3A_2082, %add3A_2576] : memref<2x128x128xf32, #tpu.memory_space<vmem>>[vector<16xi32>, vector<16xi32>, vector<16xi32>], vector<16xf32>,
        %mul3A_2578 = arith.mulf %gather3A_2575, %gather3A_2577 : vector<16xf32>
        %add3A_2579 = arith.addf %add3A_2519, %mul3A_2578 : vector<16xf32>
        %mul3A_2580 = arith.constant 32 : i32
        %mul3A_2581 = arith.muli %scan3A_2126, %mul3A_2580 : i32
        %add3A_2582 = arith.constant 30 : i32
        %add3A_2583 = arith.addi %mul3A_2581, %add3A_2582 : i32
        %add3A_2584 = vector.broadcast %add3A_2583 : i32 to vector<16xi32>
        %add3A_2585 = arith.addi %iota3A, %add3A_2584 : vector<16xi32>
        %and3A_2586 = arith.constant 63 : i32
        %and3A_2587 = vector.broadcast %and3A_2586 : i32 to vector<16xi32>
        %and3A_2588 = arith.andi %add3A_2585, %and3A_2587 : vector<16xi32>
        %add3A_2589 = arith.addi %get3A_2088, %and3A_2588 : vector<16xi32>
        %gather3A_2590 = tpu.vector_load_idx %arg13[%broadcast_in_dim3A_1979, %add3A_2082, %add3A_2589] : memref<2x128x128xf32, #tpu.memory_space<vmem>>[vector<16xi32>, vector<16xi32>, vector<16xi32>], vector<16xf32>,
        %add3A_2591 = arith.addi %get3A_2094, %and3A_2588 : vector<16xi32>
        %gather3A_2592 = tpu.vector_load_idx %arg14[%broadcast_in_dim3A_1979, %add3A_2082, %add3A_2591] : memref<2x128x128xf32, #tpu.memory_space<vmem>>[vector<16xi32>, vector<16xi32>, vector<16xi32>], vector<16xf32>,
        %mul3A_2593 = arith.mulf %gather3A_2590, %gather3A_2592 : vector<16xf32>
        %add3A_2594 = arith.addf %add3A_2534, %mul3A_2593 : vector<16xf32>
        %mul3A_2595 = arith.constant 32 : i32
        %mul3A_2596 = arith.muli %scan3A_2126, %mul3A_2595 : i32
        %add3A_2597 = arith.constant 31 : i32
        %add3A_2598 = arith.addi %mul3A_2596, %add3A_2597 : i32
        %add3A_2599 = vector.broadcast %add3A_2598 : i32 to vector<16xi32>
        %add3A_2600 = arith.addi %iota3A, %add3A_2599 : vector<16xi32>
        %and3A_2601 = arith.constant 63 : i32
        %and3A_2602 = vector.broadcast %and3A_2601 : i32 to vector<16xi32>
        %and3A_2603 = arith.andi %add3A_2600, %and3A_2602 : vector<16xi32>
        %add3A_2604 = arith.addi %get3A_2088, %and3A_2603 : vector<16xi32>
        %gather3A_2605 = tpu.vector_load_idx %arg13[%broadcast_in_dim3A_1979, %add3A_2082, %add3A_2604] : memref<2x128x128xf32, #tpu.memory_space<vmem>>[vector<16xi32>, vector<16xi32>, vector<16xi32>], vector<16xf32>,
        %add3A_2606 = arith.addi %get3A_2094, %and3A_2603 : vector<16xi32>
        %gather3A_2607 = tpu.vector_load_idx %arg14[%broadcast_in_dim3A_1979, %add3A_2082, %add3A_2606] : memref<2x128x128xf32, #tpu.memory_space<vmem>>[vector<16xi32>, vector<16xi32>, vector<16xi32>], vector<16xf32>,
        %mul3A_2608 = arith.mulf %gather3A_2605, %gather3A_2607 : vector<16xf32>
        %add3A_2609 = arith.addf %add3A_2549, %mul3A_2608 : vector<16xf32>
        scf.yield %add3A_2564, %add3A_2579, %add3A_2594, %add3A_2609 : vector<16xf32>, vector<16xf32>, vector<16xf32>, vector<16xf32>
      }
      %scan3A_2108 = arith.constant 2 : i32
      %add3A_2109 = arith.addf %scan3A_2107#0, %scan3A_2107#1 : vector<16xf32>
      %add3A_2110 = arith.addf %scan3A_2107#2, %scan3A_2107#3 : vector<16xf32>
      %add3A_2111 = arith.addf %add3A_2109, %add3A_2110 : vector<16xf32>
      %neg3A = arith.constant 0.000000e+00 : f32
      %neg3A_2112 = vector.broadcast %neg3A : f32 to vector<16xf32>
      %neg3A_2113 = arith.subf %neg3A_2112, %add3A_2111 : vector<16xf32>
      %exp3A = math.exp %neg3A_2113 : vector<16xf32>
      %add3A_2114 = arith.constant 1.000000e+00 : f32
      %add3A_2115 = vector.broadcast %add3A_2114 : f32 to vector<16xf32>
      %add3A_2116 = arith.addf %add3A_2115, %exp3A : vector<16xf32>
      %div3A = arith.constant 1.000000e+00 : f32
      %div3A_2117 = vector.broadcast %div3A : f32 to vector<16xf32>
      %div3A_2118 = arith.divf %div3A_2117, %add3A_2116 : vector<16xf32>
      %mul3A_2119 = arith.constant 16 : i32
      %mul3A_2120 = arith.muli %scan3A_2077, %mul3A_2119 : i32
      %add3A_2121 = arith.constant 128 : i32
      %add3A_2122 = arith.addi %add3A_2121, %mul3A_2120 : i32
      %swap3A_2123 = arith.index_cast %add3A_2122 : i32 to index
      %swap3A_2124 = tpu.vector_load %arg15[%swap3A_2123] {strides = array<i32>} : memref<512xf32, #tpu.memory_space<vmem>>, vector<16xf32>,
      tpu.vector_store %arg15[%swap3A_2123], %div3A_2118 {strides = array<i32>} : memref<512xf32, #tpu.memory_space<vmem>>, vector<16xf32>,
      %scan3A_2125 = arith.constant 0 : i32
      scf.yield %scan3A_2125 : i32
    }
    %scan3A_1986 = arith.constant 8 : i32
    %dma_start3A_1987 = arith.constant 3 : i32
    %dma_start3A_1988 = arith.constant 1 : i32
    %dma_start3A_1989 = arith.constant 0 : i32
    %dma_start3A_1990 = arith.constant 0 : i32
    %dma_start3A_1991 = tpu.memref_slice %arg13[%dma_start3A_1988, %dma_start3A_1989, %dma_start3A_1990] : memref<2x128x128xf32, #tpu.memory_space<vmem>> -> memref<1x128x128xf32, #tpu.memory_space<vmem>>
    %dma_start3A_1992 = tpu.memref_squeeze %dma_start3A_1991 : memref<1x128x128xf32, #tpu.memory_space<vmem>> -> memref<128x128xf32, #tpu.memory_space<vmem>>
    %dma_start3A_1993 = arith.constant 0 : i32
    %dma_start3A_1994 = tpu.memref_slice %arg9[%dma_start3A_1987, %dma_start3A_1993] : memref<4x128xi32, #tpu.memory_space<vmem>> -> memref<1x128xi32, #tpu.memory_space<vmem>>
    %dma_start3A_1995 = tpu.memref_squeeze %dma_start3A_1994 : memref<1x128xi32, #tpu.memory_space<vmem>> -> memref<128xi32, #tpu.memory_space<vmem>>
    %dma_start3A_1996 = arith.constant 0 : i32
    %dma_start3A_1997 = arith.constant 0 : i32
    %dma_start3A_1998 = tpu.memref_slice %arg4[%dma_start3A_1996, %dma_start3A_1997] : memref<53248x128xf32, #tpu.memory_space<hbm>> -> memref<53248x128xf32, #tpu.memory_space<hbm>>
    tpu.enqueue_indirect_dma source(%dma_start3A_1998 : memref<53248x128xf32, #tpu.memory_space<hbm>>) target(%dma_start3A_1992 : memref<128x128xf32, #tpu.memory_space<vmem>>) offsets(%dma_start3A_1995 : memref<128xi32, #tpu.memory_space<vmem>>) semaphore(%arg17 : memref<!tpu.dma_semaphore, #tpu.memory_space<semaphore_mem>>)
    %dma_start3A_1999 = arith.constant 3 : i32
    %dma_start3A_2000 = arith.constant 1 : i32
    %dma_start3A_2001 = arith.constant 0 : i32
    %dma_start3A_2002 = arith.constant 0 : i32
    %dma_start3A_2003 = tpu.memref_slice %arg14[%dma_start3A_2000, %dma_start3A_2001, %dma_start3A_2002] : memref<2x128x128xf32, #tpu.memory_space<vmem>> -> memref<1x128x128xf32, #tpu.memory_space<vmem>>
    %dma_start3A_2004 = tpu.memref_squeeze %dma_start3A_2003 : memref<1x128x128xf32, #tpu.memory_space<vmem>> -> memref<128x128xf32, #tpu.memory_space<vmem>>
    %dma_start3A_2005 = arith.constant 0 : i32
    %dma_start3A_2006 = tpu.memref_slice %arg10[%dma_start3A_1999, %dma_start3A_2005] : memref<4x128xi32, #tpu.memory_space<vmem>> -> memref<1x128xi32, #tpu.memory_space<vmem>>
    %dma_start3A_2007 = tpu.memref_squeeze %dma_start3A_2006 : memref<1x128xi32, #tpu.memory_space<vmem>> -> memref<128xi32, #tpu.memory_space<vmem>>
    %dma_start3A_2008 = arith.constant 0 : i32
    %dma_start3A_2009 = arith.constant 0 : i32
    %dma_start3A_2010 = tpu.memref_slice %arg5[%dma_start3A_2008, %dma_start3A_2009] : memref<53248x128xf32, #tpu.memory_space<hbm>> -> memref<53248x128xf32, #tpu.memory_space<hbm>>
    tpu.enqueue_indirect_dma source(%dma_start3A_2010 : memref<53248x128xf32, #tpu.memory_space<hbm>>) target(%dma_start3A_2004 : memref<128x128xf32, #tpu.memory_space<vmem>>) offsets(%dma_start3A_2007 : memref<128xi32, #tpu.memory_space<vmem>>) semaphore(%arg17 : memref<!tpu.dma_semaphore, #tpu.memory_space<semaphore_mem>>)
    %dma_wait3A_2011 = arith.constant 2 : i32
    %dma_wait3A_2012 = arith.constant 0 : i32
    %dma_wait3A_2013 = arith.constant 0 : i32
    %dma_wait3A_2014 = arith.constant 0 : i32
    %dma_wait3A_2015 = tpu.memref_slice %arg13[%dma_wait3A_2012, %dma_wait3A_2013, %dma_wait3A_2014] : memref<2x128x128xf32, #tpu.memory_space<vmem>> -> memref<1x128x128xf32, #tpu.memory_space<vmem>>
    %dma_wait3A_2016 = tpu.memref_squeeze %dma_wait3A_2015 : memref<1x128x128xf32, #tpu.memory_space<vmem>> -> memref<128x128xf32, #tpu.memory_space<vmem>>
    %dma_wait3A_2017 = arith.constant 0 : i32
    %dma_wait3A_2018 = tpu.memref_slice %arg9[%dma_wait3A_2011, %dma_wait3A_2017] : memref<4x128xi32, #tpu.memory_space<vmem>> -> memref<1x128xi32, #tpu.memory_space<vmem>>
    %dma_wait3A_2019 = tpu.memref_squeeze %dma_wait3A_2018 : memref<1x128xi32, #tpu.memory_space<vmem>> -> memref<128xi32, #tpu.memory_space<vmem>>
    %dma_wait3A_2020 = arith.constant 0 : i32
    %dma_wait3A_2021 = arith.constant 0 : i32
    %dma_wait3A_2022 = tpu.memref_slice %arg4[%dma_wait3A_2020, %dma_wait3A_2021] : memref<53248x128xf32, #tpu.memory_space<hbm>> -> memref<53248x128xf32, #tpu.memory_space<hbm>>
    tpu.wait_indirect_dma semaphore(%arg16 : memref<!tpu.dma_semaphore, #tpu.memory_space<semaphore_mem>>) src(%dma_wait3A_2022 : memref<53248x128xf32, #tpu.memory_space<hbm>>) dst(%dma_wait3A_2016 : memref<128x128xf32, #tpu.memory_space<vmem>>)
    %dma_wait3A_2023 = arith.constant 2 : i32
    %dma_wait3A_2024 = arith.constant 0 : i32
    %dma_wait3A_2025 = arith.constant 0 : i32
    %dma_wait3A_2026 = arith.constant 0 : i32
    %dma_wait3A_2027 = tpu.memref_slice %arg14[%dma_wait3A_2024, %dma_wait3A_2025, %dma_wait3A_2026] : memref<2x128x128xf32, #tpu.memory_space<vmem>> -> memref<1x128x128xf32, #tpu.memory_space<vmem>>
    %dma_wait3A_2028 = tpu.memref_squeeze %dma_wait3A_2027 : memref<1x128x128xf32, #tpu.memory_space<vmem>> -> memref<128x128xf32, #tpu.memory_space<vmem>>
    %dma_wait3A_2029 = arith.constant 0 : i32
    %dma_wait3A_2030 = tpu.memref_slice %arg10[%dma_wait3A_2023, %dma_wait3A_2029] : memref<4x128xi32, #tpu.memory_space<vmem>> -> memref<1x128xi32, #tpu.memory_space<vmem>>
    %dma_wait3A_2031 = tpu.memref_squeeze %dma_wait3A_2030 : memref<1x128xi32, #tpu.memory_space<vmem>> -> memref<128xi32, #tpu.memory_space<vmem>>
    %dma_wait3A_2032 = arith.constant 0 : i32
    %dma_wait3A_2033 = arith.constant 0 : i32
    %dma_wait3A_2034 = tpu.memref_slice %arg5[%dma_wait3A_2032, %dma_wait3A_2033] : memref<53248x128xf32, #tpu.memory_space<hbm>> -> memref<53248x128xf32, #tpu.memory_space<hbm>>
    tpu.wait_indirect_dma semaphore(%arg16 : memref<!tpu.dma_semaphore, #tpu.memory_space<semaphore_mem>>) src(%dma_wait3A_2034 : memref<53248x128xf32, #tpu.memory_space<hbm>>) dst(%dma_wait3A_2028 : memref<128x128xf32, #tpu.memory_space<vmem>>)
    %broadcast_in_dim3A_2035 = arith.constant 0 : i32
    %broadcast_in_dim3A_2036 = vector.broadcast %broadcast_in_dim3A_2035 : i32 to vector<16xi32>
    %scan3A_2037 = arith.constant 0 : i32
    %scan3A_2038 = arith.constant 0 : i32
    %scan3A_2039 = arith.constant 8 : i32
    %scan3A_2040 = arith.addi %scan3A_2038, %scan3A_2039 : i32
    %scan3A_2041 = arith.constant 1 : i32
    %scan3A_2042 = scf.for %scan3A_2077 = %scan3A_2038 to %scan3A_2040 step %scan3A_2041 iter_args(%scan3A_2078 = %scan3A_2037) -> (i32)  : i32 {
      %mul3A_2079 = arith.constant 16 : i32
      %mul3A_2080 = arith.muli %scan3A_2077, %mul3A_2079 : i32
      %add3A_2081 = vector.broadcast %mul3A_2080 : i32 to vector<16xi32>
      %add3A_2082 = arith.addi %iota3A, %add3A_2081 : vector<16xi32>
      %mul3A_2083 = arith.constant 16 : i32
      %mul3A_2084 = arith.muli %scan3A_2077, %mul3A_2083 : i32
      %add3A_2085 = arith.constant 256 : i32
      %add3A_2086 = arith.addi %add3A_2085, %mul3A_2084 : i32
      %get3A_2087 = arith.index_cast %add3A_2086 : i32 to index
      %get3A_2088 = tpu.vector_load %arg11[%get3A_2087] {strides = array<i32>} : memref<512xi32, #tpu.memory_space<vmem>>, vector<16xi32>,
      %mul3A_2089 = arith.constant 16 : i32
      %mul3A_2090 = arith.muli %scan3A_2077, %mul3A_2089 : i32
      %add3A_2091 = arith.constant 256 : i32
      %add3A_2092 = arith.addi %add3A_2091, %mul3A_2090 : i32
      %get3A_2093 = arith.index_cast %add3A_2092 : i32 to index
      %get3A_2094 = tpu.vector_load %arg12[%get3A_2093] {strides = array<i32>} : memref<512xi32, #tpu.memory_space<vmem>>, vector<16xi32>,
      %broadcast_in_dim3A_2095 = arith.constant 0.000000e+00 : f32
      %broadcast_in_dim3A_2096 = vector.broadcast %broadcast_in_dim3A_2095 : f32 to vector<16xf32>
      %broadcast_in_dim3A_2097 = arith.constant 0.000000e+00 : f32
      %broadcast_in_dim3A_2098 = vector.broadcast %broadcast_in_dim3A_2097 : f32 to vector<16xf32>
      %broadcast_in_dim3A_2099 = arith.constant 0.000000e+00 : f32
      %broadcast_in_dim3A_2100 = vector.broadcast %broadcast_in_dim3A_2099 : f32 to vector<16xf32>
      %broadcast_in_dim3A_2101 = arith.constant 0.000000e+00 : f32
      %broadcast_in_dim3A_2102 = vector.broadcast %broadcast_in_dim3A_2101 : f32 to vector<16xf32>
      %scan3A_2103 = arith.constant 0 : i32
      %scan3A_2104 = arith.constant 2 : i32
      %scan3A_2105 = arith.addi %scan3A_2103, %scan3A_2104 : i32
      %scan3A_2106 = arith.constant 1 : i32
      %scan3A_2107:4 = scf.for %scan3A_2126 = %scan3A_2103 to %scan3A_2105 step %scan3A_2106 iter_args(%scan3A_2127 = %broadcast_in_dim3A_2096, %scan3A_2128 = %broadcast_in_dim3A_2098, %scan3A_2129 = %broadcast_in_dim3A_2100, %scan3A_2130 = %broadcast_in_dim3A_2102) -> (vector<16xf32>, vector<16xf32>, vector<16xf32>, vector<16xf32>)  : i32 {
        %mul3A_2131 = arith.constant 32 : i32
        %mul3A_2132 = arith.muli %scan3A_2126, %mul3A_2131 : i32
        %add3A_2133 = arith.constant 0 : i32
        %add3A_2134 = arith.addi %mul3A_2132, %add3A_2133 : i32
        %add3A_2135 = vector.broadcast %add3A_2134 : i32 to vector<16xi32>
        %add3A_2136 = arith.addi %iota3A, %add3A_2135 : vector<16xi32>
        %and3A_2137 = arith.constant 63 : i32
        %and3A_2138 = vector.broadcast %and3A_2137 : i32 to vector<16xi32>
        %and3A_2139 = arith.andi %add3A_2136, %and3A_2138 : vector<16xi32>
        %add3A_2140 = arith.addi %get3A_2088, %and3A_2139 : vector<16xi32>
        %gather3A = tpu.vector_load_idx %arg13[%broadcast_in_dim3A_2036, %add3A_2082, %add3A_2140] : memref<2x128x128xf32, #tpu.memory_space<vmem>>[vector<16xi32>, vector<16xi32>, vector<16xi32>], vector<16xf32>,
        %add3A_2141 = arith.addi %get3A_2094, %and3A_2139 : vector<16xi32>
        %gather3A_2142 = tpu.vector_load_idx %arg14[%broadcast_in_dim3A_2036, %add3A_2082, %add3A_2141] : memref<2x128x128xf32, #tpu.memory_space<vmem>>[vector<16xi32>, vector<16xi32>, vector<16xi32>], vector<16xf32>,
        %mul3A_2143 = arith.mulf %gather3A, %gather3A_2142 : vector<16xf32>
        %add3A_2144 = arith.addf %scan3A_2127, %mul3A_2143 : vector<16xf32>
        %mul3A_2145 = arith.constant 32 : i32
        %mul3A_2146 = arith.muli %scan3A_2126, %mul3A_2145 : i32
        %add3A_2147 = arith.constant 1 : i32
        %add3A_2148 = arith.addi %mul3A_2146, %add3A_2147 : i32
        %add3A_2149 = vector.broadcast %add3A_2148 : i32 to vector<16xi32>
        %add3A_2150 = arith.addi %iota3A, %add3A_2149 : vector<16xi32>
        %and3A_2151 = arith.constant 63 : i32
        %and3A_2152 = vector.broadcast %and3A_2151 : i32 to vector<16xi32>
        %and3A_2153 = arith.andi %add3A_2150, %and3A_2152 : vector<16xi32>
        %add3A_2154 = arith.addi %get3A_2088, %and3A_2153 : vector<16xi32>
        %gather3A_2155 = tpu.vector_load_idx %arg13[%broadcast_in_dim3A_2036, %add3A_2082, %add3A_2154] : memref<2x128x128xf32, #tpu.memory_space<vmem>>[vector<16xi32>, vector<16xi32>, vector<16xi32>], vector<16xf32>,
        %add3A_2156 = arith.addi %get3A_2094, %and3A_2153 : vector<16xi32>
        %gather3A_2157 = tpu.vector_load_idx %arg14[%broadcast_in_dim3A_2036, %add3A_2082, %add3A_2156] : memref<2x128x128xf32, #tpu.memory_space<vmem>>[vector<16xi32>, vector<16xi32>, vector<16xi32>], vector<16xf32>,
        %mul3A_2158 = arith.mulf %gather3A_2155, %gather3A_2157 : vector<16xf32>
        %add3A_2159 = arith.addf %scan3A_2128, %mul3A_2158 : vector<16xf32>
        %mul3A_2160 = arith.constant 32 : i32
        %mul3A_2161 = arith.muli %scan3A_2126, %mul3A_2160 : i32
        %add3A_2162 = arith.constant 2 : i32
        %add3A_2163 = arith.addi %mul3A_2161, %add3A_2162 : i32
        %add3A_2164 = vector.broadcast %add3A_2163 : i32 to vector<16xi32>
        %add3A_2165 = arith.addi %iota3A, %add3A_2164 : vector<16xi32>
        %and3A_2166 = arith.constant 63 : i32
        %and3A_2167 = vector.broadcast %and3A_2166 : i32 to vector<16xi32>
        %and3A_2168 = arith.andi %add3A_2165, %and3A_2167 : vector<16xi32>
        %add3A_2169 = arith.addi %get3A_2088, %and3A_2168 : vector<16xi32>
        %gather3A_2170 = tpu.vector_load_idx %arg13[%broadcast_in_dim3A_2036, %add3A_2082, %add3A_2169] : memref<2x128x128xf32, #tpu.memory_space<vmem>>[vector<16xi32>, vector<16xi32>, vector<16xi32>], vector<16xf32>,
        %add3A_2171 = arith.addi %get3A_2094, %and3A_2168 : vector<16xi32>
        %gather3A_2172 = tpu.vector_load_idx %arg14[%broadcast_in_dim3A_2036, %add3A_2082, %add3A_2171] : memref<2x128x128xf32, #tpu.memory_space<vmem>>[vector<16xi32>, vector<16xi32>, vector<16xi32>], vector<16xf32>,
        %mul3A_2173 = arith.mulf %gather3A_2170, %gather3A_2172 : vector<16xf32>
        %add3A_2174 = arith.addf %scan3A_2129, %mul3A_2173 : vector<16xf32>
        %mul3A_2175 = arith.constant 32 : i32
        %mul3A_2176 = arith.muli %scan3A_2126, %mul3A_2175 : i32
        %add3A_2177 = arith.constant 3 : i32
        %add3A_2178 = arith.addi %mul3A_2176, %add3A_2177 : i32
        %add3A_2179 = vector.broadcast %add3A_2178 : i32 to vector<16xi32>
        %add3A_2180 = arith.addi %iota3A, %add3A_2179 : vector<16xi32>
        %and3A_2181 = arith.constant 63 : i32
        %and3A_2182 = vector.broadcast %and3A_2181 : i32 to vector<16xi32>
        %and3A_2183 = arith.andi %add3A_2180, %and3A_2182 : vector<16xi32>
        %add3A_2184 = arith.addi %get3A_2088, %and3A_2183 : vector<16xi32>
        %gather3A_2185 = tpu.vector_load_idx %arg13[%broadcast_in_dim3A_2036, %add3A_2082, %add3A_2184] : memref<2x128x128xf32, #tpu.memory_space<vmem>>[vector<16xi32>, vector<16xi32>, vector<16xi32>], vector<16xf32>,
        %add3A_2186 = arith.addi %get3A_2094, %and3A_2183 : vector<16xi32>
        %gather3A_2187 = tpu.vector_load_idx %arg14[%broadcast_in_dim3A_2036, %add3A_2082, %add3A_2186] : memref<2x128x128xf32, #tpu.memory_space<vmem>>[vector<16xi32>, vector<16xi32>, vector<16xi32>], vector<16xf32>,
        %mul3A_2188 = arith.mulf %gather3A_2185, %gather3A_2187 : vector<16xf32>
        %add3A_2189 = arith.addf %scan3A_2130, %mul3A_2188 : vector<16xf32>
        %mul3A_2190 = arith.constant 32 : i32
        %mul3A_2191 = arith.muli %scan3A_2126, %mul3A_2190 : i32
        %add3A_2192 = arith.constant 4 : i32
        %add3A_2193 = arith.addi %mul3A_2191, %add3A_2192 : i32
        %add3A_2194 = vector.broadcast %add3A_2193 : i32 to vector<16xi32>
        %add3A_2195 = arith.addi %iota3A, %add3A_2194 : vector<16xi32>
        %and3A_2196 = arith.constant 63 : i32
        %and3A_2197 = vector.broadcast %and3A_2196 : i32 to vector<16xi32>
        %and3A_2198 = arith.andi %add3A_2195, %and3A_2197 : vector<16xi32>
        %add3A_2199 = arith.addi %get3A_2088, %and3A_2198 : vector<16xi32>
        %gather3A_2200 = tpu.vector_load_idx %arg13[%broadcast_in_dim3A_2036, %add3A_2082, %add3A_2199] : memref<2x128x128xf32, #tpu.memory_space<vmem>>[vector<16xi32>, vector<16xi32>, vector<16xi32>], vector<16xf32>,
        %add3A_2201 = arith.addi %get3A_2094, %and3A_2198 : vector<16xi32>
        %gather3A_2202 = tpu.vector_load_idx %arg14[%broadcast_in_dim3A_2036, %add3A_2082, %add3A_2201] : memref<2x128x128xf32, #tpu.memory_space<vmem>>[vector<16xi32>, vector<16xi32>, vector<16xi32>], vector<16xf32>,
        %mul3A_2203 = arith.mulf %gather3A_2200, %gather3A_2202 : vector<16xf32>
        %add3A_2204 = arith.addf %add3A_2144, %mul3A_2203 : vector<16xf32>
        %mul3A_2205 = arith.constant 32 : i32
        %mul3A_2206 = arith.muli %scan3A_2126, %mul3A_2205 : i32
        %add3A_2207 = arith.constant 5 : i32
        %add3A_2208 = arith.addi %mul3A_2206, %add3A_2207 : i32
        %add3A_2209 = vector.broadcast %add3A_2208 : i32 to vector<16xi32>
        %add3A_2210 = arith.addi %iota3A, %add3A_2209 : vector<16xi32>
        %and3A_2211 = arith.constant 63 : i32
        %and3A_2212 = vector.broadcast %and3A_2211 : i32 to vector<16xi32>
        %and3A_2213 = arith.andi %add3A_2210, %and3A_2212 : vector<16xi32>
        %add3A_2214 = arith.addi %get3A_2088, %and3A_2213 : vector<16xi32>
        %gather3A_2215 = tpu.vector_load_idx %arg13[%broadcast_in_dim3A_2036, %add3A_2082, %add3A_2214] : memref<2x128x128xf32, #tpu.memory_space<vmem>>[vector<16xi32>, vector<16xi32>, vector<16xi32>], vector<16xf32>,
        %add3A_2216 = arith.addi %get3A_2094, %and3A_2213 : vector<16xi32>
        %gather3A_2217 = tpu.vector_load_idx %arg14[%broadcast_in_dim3A_2036, %add3A_2082, %add3A_2216] : memref<2x128x128xf32, #tpu.memory_space<vmem>>[vector<16xi32>, vector<16xi32>, vector<16xi32>], vector<16xf32>,
        %mul3A_2218 = arith.mulf %gather3A_2215, %gather3A_2217 : vector<16xf32>
        %add3A_2219 = arith.addf %add3A_2159, %mul3A_2218 : vector<16xf32>
        %mul3A_2220 = arith.constant 32 : i32
        %mul3A_2221 = arith.muli %scan3A_2126, %mul3A_2220 : i32
        %add3A_2222 = arith.constant 6 : i32
        %add3A_2223 = arith.addi %mul3A_2221, %add3A_2222 : i32
        %add3A_2224 = vector.broadcast %add3A_2223 : i32 to vector<16xi32>
        %add3A_2225 = arith.addi %iota3A, %add3A_2224 : vector<16xi32>
        %and3A_2226 = arith.constant 63 : i32
        %and3A_2227 = vector.broadcast %and3A_2226 : i32 to vector<16xi32>
        %and3A_2228 = arith.andi %add3A_2225, %and3A_2227 : vector<16xi32>
        %add3A_2229 = arith.addi %get3A_2088, %and3A_2228 : vector<16xi32>
        %gather3A_2230 = tpu.vector_load_idx %arg13[%broadcast_in_dim3A_2036, %add3A_2082, %add3A_2229] : memref<2x128x128xf32, #tpu.memory_space<vmem>>[vector<16xi32>, vector<16xi32>, vector<16xi32>], vector<16xf32>,
        %add3A_2231 = arith.addi %get3A_2094, %and3A_2228 : vector<16xi32>
        %gather3A_2232 = tpu.vector_load_idx %arg14[%broadcast_in_dim3A_2036, %add3A_2082, %add3A_2231] : memref<2x128x128xf32, #tpu.memory_space<vmem>>[vector<16xi32>, vector<16xi32>, vector<16xi32>], vector<16xf32>,
        %mul3A_2233 = arith.mulf %gather3A_2230, %gather3A_2232 : vector<16xf32>
        %add3A_2234 = arith.addf %add3A_2174, %mul3A_2233 : vector<16xf32>
        %mul3A_2235 = arith.constant 32 : i32
        %mul3A_2236 = arith.muli %scan3A_2126, %mul3A_2235 : i32
        %add3A_2237 = arith.constant 7 : i32
        %add3A_2238 = arith.addi %mul3A_2236, %add3A_2237 : i32
        %add3A_2239 = vector.broadcast %add3A_2238 : i32 to vector<16xi32>
        %add3A_2240 = arith.addi %iota3A, %add3A_2239 : vector<16xi32>
        %and3A_2241 = arith.constant 63 : i32
        %and3A_2242 = vector.broadcast %and3A_2241 : i32 to vector<16xi32>
        %and3A_2243 = arith.andi %add3A_2240, %and3A_2242 : vector<16xi32>
        %add3A_2244 = arith.addi %get3A_2088, %and3A_2243 : vector<16xi32>
        %gather3A_2245 = tpu.vector_load_idx %arg13[%broadcast_in_dim3A_2036, %add3A_2082, %add3A_2244] : memref<2x128x128xf32, #tpu.memory_space<vmem>>[vector<16xi32>, vector<16xi32>, vector<16xi32>], vector<16xf32>,
        %add3A_2246 = arith.addi %get3A_2094, %and3A_2243 : vector<16xi32>
        %gather3A_2247 = tpu.vector_load_idx %arg14[%broadcast_in_dim3A_2036, %add3A_2082, %add3A_2246] : memref<2x128x128xf32, #tpu.memory_space<vmem>>[vector<16xi32>, vector<16xi32>, vector<16xi32>], vector<16xf32>,
        %mul3A_2248 = arith.mulf %gather3A_2245, %gather3A_2247 : vector<16xf32>
        %add3A_2249 = arith.addf %add3A_2189, %mul3A_2248 : vector<16xf32>
        %mul3A_2250 = arith.constant 32 : i32
        %mul3A_2251 = arith.muli %scan3A_2126, %mul3A_2250 : i32
        %add3A_2252 = arith.constant 8 : i32
        %add3A_2253 = arith.addi %mul3A_2251, %add3A_2252 : i32
        %add3A_2254 = vector.broadcast %add3A_2253 : i32 to vector<16xi32>
        %add3A_2255 = arith.addi %iota3A, %add3A_2254 : vector<16xi32>
        %and3A_2256 = arith.constant 63 : i32
        %and3A_2257 = vector.broadcast %and3A_2256 : i32 to vector<16xi32>
        %and3A_2258 = arith.andi %add3A_2255, %and3A_2257 : vector<16xi32>
        %add3A_2259 = arith.addi %get3A_2088, %and3A_2258 : vector<16xi32>
        %gather3A_2260 = tpu.vector_load_idx %arg13[%broadcast_in_dim3A_2036, %add3A_2082, %add3A_2259] : memref<2x128x128xf32, #tpu.memory_space<vmem>>[vector<16xi32>, vector<16xi32>, vector<16xi32>], vector<16xf32>,
        %add3A_2261 = arith.addi %get3A_2094, %and3A_2258 : vector<16xi32>
        %gather3A_2262 = tpu.vector_load_idx %arg14[%broadcast_in_dim3A_2036, %add3A_2082, %add3A_2261] : memref<2x128x128xf32, #tpu.memory_space<vmem>>[vector<16xi32>, vector<16xi32>, vector<16xi32>], vector<16xf32>,
        %mul3A_2263 = arith.mulf %gather3A_2260, %gather3A_2262 : vector<16xf32>
        %add3A_2264 = arith.addf %add3A_2204, %mul3A_2263 : vector<16xf32>
        %mul3A_2265 = arith.constant 32 : i32
        %mul3A_2266 = arith.muli %scan3A_2126, %mul3A_2265 : i32
        %add3A_2267 = arith.constant 9 : i32
        %add3A_2268 = arith.addi %mul3A_2266, %add3A_2267 : i32
        %add3A_2269 = vector.broadcast %add3A_2268 : i32 to vector<16xi32>
        %add3A_2270 = arith.addi %iota3A, %add3A_2269 : vector<16xi32>
        %and3A_2271 = arith.constant 63 : i32
        %and3A_2272 = vector.broadcast %and3A_2271 : i32 to vector<16xi32>
        %and3A_2273 = arith.andi %add3A_2270, %and3A_2272 : vector<16xi32>
        %add3A_2274 = arith.addi %get3A_2088, %and3A_2273 : vector<16xi32>
        %gather3A_2275 = tpu.vector_load_idx %arg13[%broadcast_in_dim3A_2036, %add3A_2082, %add3A_2274] : memref<2x128x128xf32, #tpu.memory_space<vmem>>[vector<16xi32>, vector<16xi32>, vector<16xi32>], vector<16xf32>,
        %add3A_2276 = arith.addi %get3A_2094, %and3A_2273 : vector<16xi32>
        %gather3A_2277 = tpu.vector_load_idx %arg14[%broadcast_in_dim3A_2036, %add3A_2082, %add3A_2276] : memref<2x128x128xf32, #tpu.memory_space<vmem>>[vector<16xi32>, vector<16xi32>, vector<16xi32>], vector<16xf32>,
        %mul3A_2278 = arith.mulf %gather3A_2275, %gather3A_2277 : vector<16xf32>
        %add3A_2279 = arith.addf %add3A_2219, %mul3A_2278 : vector<16xf32>
        %mul3A_2280 = arith.constant 32 : i32
        %mul3A_2281 = arith.muli %scan3A_2126, %mul3A_2280 : i32
        %add3A_2282 = arith.constant 10 : i32
        %add3A_2283 = arith.addi %mul3A_2281, %add3A_2282 : i32
        %add3A_2284 = vector.broadcast %add3A_2283 : i32 to vector<16xi32>
        %add3A_2285 = arith.addi %iota3A, %add3A_2284 : vector<16xi32>
        %and3A_2286 = arith.constant 63 : i32
        %and3A_2287 = vector.broadcast %and3A_2286 : i32 to vector<16xi32>
        %and3A_2288 = arith.andi %add3A_2285, %and3A_2287 : vector<16xi32>
        %add3A_2289 = arith.addi %get3A_2088, %and3A_2288 : vector<16xi32>
        %gather3A_2290 = tpu.vector_load_idx %arg13[%broadcast_in_dim3A_2036, %add3A_2082, %add3A_2289] : memref<2x128x128xf32, #tpu.memory_space<vmem>>[vector<16xi32>, vector<16xi32>, vector<16xi32>], vector<16xf32>,
        %add3A_2291 = arith.addi %get3A_2094, %and3A_2288 : vector<16xi32>
        %gather3A_2292 = tpu.vector_load_idx %arg14[%broadcast_in_dim3A_2036, %add3A_2082, %add3A_2291] : memref<2x128x128xf32, #tpu.memory_space<vmem>>[vector<16xi32>, vector<16xi32>, vector<16xi32>], vector<16xf32>,
        %mul3A_2293 = arith.mulf %gather3A_2290, %gather3A_2292 : vector<16xf32>
        %add3A_2294 = arith.addf %add3A_2234, %mul3A_2293 : vector<16xf32>
        %mul3A_2295 = arith.constant 32 : i32
        %mul3A_2296 = arith.muli %scan3A_2126, %mul3A_2295 : i32
        %add3A_2297 = arith.constant 11 : i32
        %add3A_2298 = arith.addi %mul3A_2296, %add3A_2297 : i32
        %add3A_2299 = vector.broadcast %add3A_2298 : i32 to vector<16xi32>
        %add3A_2300 = arith.addi %iota3A, %add3A_2299 : vector<16xi32>
        %and3A_2301 = arith.constant 63 : i32
        %and3A_2302 = vector.broadcast %and3A_2301 : i32 to vector<16xi32>
        %and3A_2303 = arith.andi %add3A_2300, %and3A_2302 : vector<16xi32>
        %add3A_2304 = arith.addi %get3A_2088, %and3A_2303 : vector<16xi32>
        %gather3A_2305 = tpu.vector_load_idx %arg13[%broadcast_in_dim3A_2036, %add3A_2082, %add3A_2304] : memref<2x128x128xf32, #tpu.memory_space<vmem>>[vector<16xi32>, vector<16xi32>, vector<16xi32>], vector<16xf32>,
        %add3A_2306 = arith.addi %get3A_2094, %and3A_2303 : vector<16xi32>
        %gather3A_2307 = tpu.vector_load_idx %arg14[%broadcast_in_dim3A_2036, %add3A_2082, %add3A_2306] : memref<2x128x128xf32, #tpu.memory_space<vmem>>[vector<16xi32>, vector<16xi32>, vector<16xi32>], vector<16xf32>,
        %mul3A_2308 = arith.mulf %gather3A_2305, %gather3A_2307 : vector<16xf32>
        %add3A_2309 = arith.addf %add3A_2249, %mul3A_2308 : vector<16xf32>
        %mul3A_2310 = arith.constant 32 : i32
        %mul3A_2311 = arith.muli %scan3A_2126, %mul3A_2310 : i32
        %add3A_2312 = arith.constant 12 : i32
        %add3A_2313 = arith.addi %mul3A_2311, %add3A_2312 : i32
        %add3A_2314 = vector.broadcast %add3A_2313 : i32 to vector<16xi32>
        %add3A_2315 = arith.addi %iota3A, %add3A_2314 : vector<16xi32>
        %and3A_2316 = arith.constant 63 : i32
        %and3A_2317 = vector.broadcast %and3A_2316 : i32 to vector<16xi32>
        %and3A_2318 = arith.andi %add3A_2315, %and3A_2317 : vector<16xi32>
        %add3A_2319 = arith.addi %get3A_2088, %and3A_2318 : vector<16xi32>
        %gather3A_2320 = tpu.vector_load_idx %arg13[%broadcast_in_dim3A_2036, %add3A_2082, %add3A_2319] : memref<2x128x128xf32, #tpu.memory_space<vmem>>[vector<16xi32>, vector<16xi32>, vector<16xi32>], vector<16xf32>,
        %add3A_2321 = arith.addi %get3A_2094, %and3A_2318 : vector<16xi32>
        %gather3A_2322 = tpu.vector_load_idx %arg14[%broadcast_in_dim3A_2036, %add3A_2082, %add3A_2321] : memref<2x128x128xf32, #tpu.memory_space<vmem>>[vector<16xi32>, vector<16xi32>, vector<16xi32>], vector<16xf32>,
        %mul3A_2323 = arith.mulf %gather3A_2320, %gather3A_2322 : vector<16xf32>
        %add3A_2324 = arith.addf %add3A_2264, %mul3A_2323 : vector<16xf32>
        %mul3A_2325 = arith.constant 32 : i32
        %mul3A_2326 = arith.muli %scan3A_2126, %mul3A_2325 : i32
        %add3A_2327 = arith.constant 13 : i32
        %add3A_2328 = arith.addi %mul3A_2326, %add3A_2327 : i32
        %add3A_2329 = vector.broadcast %add3A_2328 : i32 to vector<16xi32>
        %add3A_2330 = arith.addi %iota3A, %add3A_2329 : vector<16xi32>
        %and3A_2331 = arith.constant 63 : i32
        %and3A_2332 = vector.broadcast %and3A_2331 : i32 to vector<16xi32>
        %and3A_2333 = arith.andi %add3A_2330, %and3A_2332 : vector<16xi32>
        %add3A_2334 = arith.addi %get3A_2088, %and3A_2333 : vector<16xi32>
        %gather3A_2335 = tpu.vector_load_idx %arg13[%broadcast_in_dim3A_2036, %add3A_2082, %add3A_2334] : memref<2x128x128xf32, #tpu.memory_space<vmem>>[vector<16xi32>, vector<16xi32>, vector<16xi32>], vector<16xf32>,
        %add3A_2336 = arith.addi %get3A_2094, %and3A_2333 : vector<16xi32>
        %gather3A_2337 = tpu.vector_load_idx %arg14[%broadcast_in_dim3A_2036, %add3A_2082, %add3A_2336] : memref<2x128x128xf32, #tpu.memory_space<vmem>>[vector<16xi32>, vector<16xi32>, vector<16xi32>], vector<16xf32>,
        %mul3A_2338 = arith.mulf %gather3A_2335, %gather3A_2337 : vector<16xf32>
        %add3A_2339 = arith.addf %add3A_2279, %mul3A_2338 : vector<16xf32>
        %mul3A_2340 = arith.constant 32 : i32
        %mul3A_2341 = arith.muli %scan3A_2126, %mul3A_2340 : i32
        %add3A_2342 = arith.constant 14 : i32
        %add3A_2343 = arith.addi %mul3A_2341, %add3A_2342 : i32
        %add3A_2344 = vector.broadcast %add3A_2343 : i32 to vector<16xi32>
        %add3A_2345 = arith.addi %iota3A, %add3A_2344 : vector<16xi32>
        %and3A_2346 = arith.constant 63 : i32
        %and3A_2347 = vector.broadcast %and3A_2346 : i32 to vector<16xi32>
        %and3A_2348 = arith.andi %add3A_2345, %and3A_2347 : vector<16xi32>
        %add3A_2349 = arith.addi %get3A_2088, %and3A_2348 : vector<16xi32>
        %gather3A_2350 = tpu.vector_load_idx %arg13[%broadcast_in_dim3A_2036, %add3A_2082, %add3A_2349] : memref<2x128x128xf32, #tpu.memory_space<vmem>>[vector<16xi32>, vector<16xi32>, vector<16xi32>], vector<16xf32>,
        %add3A_2351 = arith.addi %get3A_2094, %and3A_2348 : vector<16xi32>
        %gather3A_2352 = tpu.vector_load_idx %arg14[%broadcast_in_dim3A_2036, %add3A_2082, %add3A_2351] : memref<2x128x128xf32, #tpu.memory_space<vmem>>[vector<16xi32>, vector<16xi32>, vector<16xi32>], vector<16xf32>,
        %mul3A_2353 = arith.mulf %gather3A_2350, %gather3A_2352 : vector<16xf32>
        %add3A_2354 = arith.addf %add3A_2294, %mul3A_2353 : vector<16xf32>
        %mul3A_2355 = arith.constant 32 : i32
        %mul3A_2356 = arith.muli %scan3A_2126, %mul3A_2355 : i32
        %add3A_2357 = arith.constant 15 : i32
        %add3A_2358 = arith.addi %mul3A_2356, %add3A_2357 : i32
        %add3A_2359 = vector.broadcast %add3A_2358 : i32 to vector<16xi32>
        %add3A_2360 = arith.addi %iota3A, %add3A_2359 : vector<16xi32>
        %and3A_2361 = arith.constant 63 : i32
        %and3A_2362 = vector.broadcast %and3A_2361 : i32 to vector<16xi32>
        %and3A_2363 = arith.andi %add3A_2360, %and3A_2362 : vector<16xi32>
        %add3A_2364 = arith.addi %get3A_2088, %and3A_2363 : vector<16xi32>
        %gather3A_2365 = tpu.vector_load_idx %arg13[%broadcast_in_dim3A_2036, %add3A_2082, %add3A_2364] : memref<2x128x128xf32, #tpu.memory_space<vmem>>[vector<16xi32>, vector<16xi32>, vector<16xi32>], vector<16xf32>,
        %add3A_2366 = arith.addi %get3A_2094, %and3A_2363 : vector<16xi32>
        %gather3A_2367 = tpu.vector_load_idx %arg14[%broadcast_in_dim3A_2036, %add3A_2082, %add3A_2366] : memref<2x128x128xf32, #tpu.memory_space<vmem>>[vector<16xi32>, vector<16xi32>, vector<16xi32>], vector<16xf32>,
        %mul3A_2368 = arith.mulf %gather3A_2365, %gather3A_2367 : vector<16xf32>
        %add3A_2369 = arith.addf %add3A_2309, %mul3A_2368 : vector<16xf32>
        %mul3A_2370 = arith.constant 32 : i32
        %mul3A_2371 = arith.muli %scan3A_2126, %mul3A_2370 : i32
        %add3A_2372 = arith.constant 16 : i32
        %add3A_2373 = arith.addi %mul3A_2371, %add3A_2372 : i32
        %add3A_2374 = vector.broadcast %add3A_2373 : i32 to vector<16xi32>
        %add3A_2375 = arith.addi %iota3A, %add3A_2374 : vector<16xi32>
        %and3A_2376 = arith.constant 63 : i32
        %and3A_2377 = vector.broadcast %and3A_2376 : i32 to vector<16xi32>
        %and3A_2378 = arith.andi %add3A_2375, %and3A_2377 : vector<16xi32>
        %add3A_2379 = arith.addi %get3A_2088, %and3A_2378 : vector<16xi32>
        %gather3A_2380 = tpu.vector_load_idx %arg13[%broadcast_in_dim3A_2036, %add3A_2082, %add3A_2379] : memref<2x128x128xf32, #tpu.memory_space<vmem>>[vector<16xi32>, vector<16xi32>, vector<16xi32>], vector<16xf32>,
        %add3A_2381 = arith.addi %get3A_2094, %and3A_2378 : vector<16xi32>
        %gather3A_2382 = tpu.vector_load_idx %arg14[%broadcast_in_dim3A_2036, %add3A_2082, %add3A_2381] : memref<2x128x128xf32, #tpu.memory_space<vmem>>[vector<16xi32>, vector<16xi32>, vector<16xi32>], vector<16xf32>,
        %mul3A_2383 = arith.mulf %gather3A_2380, %gather3A_2382 : vector<16xf32>
        %add3A_2384 = arith.addf %add3A_2324, %mul3A_2383 : vector<16xf32>
        %mul3A_2385 = arith.constant 32 : i32
        %mul3A_2386 = arith.muli %scan3A_2126, %mul3A_2385 : i32
        %add3A_2387 = arith.constant 17 : i32
        %add3A_2388 = arith.addi %mul3A_2386, %add3A_2387 : i32
        %add3A_2389 = vector.broadcast %add3A_2388 : i32 to vector<16xi32>
        %add3A_2390 = arith.addi %iota3A, %add3A_2389 : vector<16xi32>
        %and3A_2391 = arith.constant 63 : i32
        %and3A_2392 = vector.broadcast %and3A_2391 : i32 to vector<16xi32>
        %and3A_2393 = arith.andi %add3A_2390, %and3A_2392 : vector<16xi32>
        %add3A_2394 = arith.addi %get3A_2088, %and3A_2393 : vector<16xi32>
        %gather3A_2395 = tpu.vector_load_idx %arg13[%broadcast_in_dim3A_2036, %add3A_2082, %add3A_2394] : memref<2x128x128xf32, #tpu.memory_space<vmem>>[vector<16xi32>, vector<16xi32>, vector<16xi32>], vector<16xf32>,
        %add3A_2396 = arith.addi %get3A_2094, %and3A_2393 : vector<16xi32>
        %gather3A_2397 = tpu.vector_load_idx %arg14[%broadcast_in_dim3A_2036, %add3A_2082, %add3A_2396] : memref<2x128x128xf32, #tpu.memory_space<vmem>>[vector<16xi32>, vector<16xi32>, vector<16xi32>], vector<16xf32>,
        %mul3A_2398 = arith.mulf %gather3A_2395, %gather3A_2397 : vector<16xf32>
        %add3A_2399 = arith.addf %add3A_2339, %mul3A_2398 : vector<16xf32>
        %mul3A_2400 = arith.constant 32 : i32
        %mul3A_2401 = arith.muli %scan3A_2126, %mul3A_2400 : i32
        %add3A_2402 = arith.constant 18 : i32
        %add3A_2403 = arith.addi %mul3A_2401, %add3A_2402 : i32
        %add3A_2404 = vector.broadcast %add3A_2403 : i32 to vector<16xi32>
        %add3A_2405 = arith.addi %iota3A, %add3A_2404 : vector<16xi32>
        %and3A_2406 = arith.constant 63 : i32
        %and3A_2407 = vector.broadcast %and3A_2406 : i32 to vector<16xi32>
        %and3A_2408 = arith.andi %add3A_2405, %and3A_2407 : vector<16xi32>
        %add3A_2409 = arith.addi %get3A_2088, %and3A_2408 : vector<16xi32>
        %gather3A_2410 = tpu.vector_load_idx %arg13[%broadcast_in_dim3A_2036, %add3A_2082, %add3A_2409] : memref<2x128x128xf32, #tpu.memory_space<vmem>>[vector<16xi32>, vector<16xi32>, vector<16xi32>], vector<16xf32>,
        %add3A_2411 = arith.addi %get3A_2094, %and3A_2408 : vector<16xi32>
        %gather3A_2412 = tpu.vector_load_idx %arg14[%broadcast_in_dim3A_2036, %add3A_2082, %add3A_2411] : memref<2x128x128xf32, #tpu.memory_space<vmem>>[vector<16xi32>, vector<16xi32>, vector<16xi32>], vector<16xf32>,
        %mul3A_2413 = arith.mulf %gather3A_2410, %gather3A_2412 : vector<16xf32>
        %add3A_2414 = arith.addf %add3A_2354, %mul3A_2413 : vector<16xf32>
        %mul3A_2415 = arith.constant 32 : i32
        %mul3A_2416 = arith.muli %scan3A_2126, %mul3A_2415 : i32
        %add3A_2417 = arith.constant 19 : i32
        %add3A_2418 = arith.addi %mul3A_2416, %add3A_2417 : i32
        %add3A_2419 = vector.broadcast %add3A_2418 : i32 to vector<16xi32>
        %add3A_2420 = arith.addi %iota3A, %add3A_2419 : vector<16xi32>
        %and3A_2421 = arith.constant 63 : i32
        %and3A_2422 = vector.broadcast %and3A_2421 : i32 to vector<16xi32>
        %and3A_2423 = arith.andi %add3A_2420, %and3A_2422 : vector<16xi32>
        %add3A_2424 = arith.addi %get3A_2088, %and3A_2423 : vector<16xi32>
        %gather3A_2425 = tpu.vector_load_idx %arg13[%broadcast_in_dim3A_2036, %add3A_2082, %add3A_2424] : memref<2x128x128xf32, #tpu.memory_space<vmem>>[vector<16xi32>, vector<16xi32>, vector<16xi32>], vector<16xf32>,
        %add3A_2426 = arith.addi %get3A_2094, %and3A_2423 : vector<16xi32>
        %gather3A_2427 = tpu.vector_load_idx %arg14[%broadcast_in_dim3A_2036, %add3A_2082, %add3A_2426] : memref<2x128x128xf32, #tpu.memory_space<vmem>>[vector<16xi32>, vector<16xi32>, vector<16xi32>], vector<16xf32>,
        %mul3A_2428 = arith.mulf %gather3A_2425, %gather3A_2427 : vector<16xf32>
        %add3A_2429 = arith.addf %add3A_2369, %mul3A_2428 : vector<16xf32>
        %mul3A_2430 = arith.constant 32 : i32
        %mul3A_2431 = arith.muli %scan3A_2126, %mul3A_2430 : i32
        %add3A_2432 = arith.constant 20 : i32
        %add3A_2433 = arith.addi %mul3A_2431, %add3A_2432 : i32
        %add3A_2434 = vector.broadcast %add3A_2433 : i32 to vector<16xi32>
        %add3A_2435 = arith.addi %iota3A, %add3A_2434 : vector<16xi32>
        %and3A_2436 = arith.constant 63 : i32
        %and3A_2437 = vector.broadcast %and3A_2436 : i32 to vector<16xi32>
        %and3A_2438 = arith.andi %add3A_2435, %and3A_2437 : vector<16xi32>
        %add3A_2439 = arith.addi %get3A_2088, %and3A_2438 : vector<16xi32>
        %gather3A_2440 = tpu.vector_load_idx %arg13[%broadcast_in_dim3A_2036, %add3A_2082, %add3A_2439] : memref<2x128x128xf32, #tpu.memory_space<vmem>>[vector<16xi32>, vector<16xi32>, vector<16xi32>], vector<16xf32>,
        %add3A_2441 = arith.addi %get3A_2094, %and3A_2438 : vector<16xi32>
        %gather3A_2442 = tpu.vector_load_idx %arg14[%broadcast_in_dim3A_2036, %add3A_2082, %add3A_2441] : memref<2x128x128xf32, #tpu.memory_space<vmem>>[vector<16xi32>, vector<16xi32>, vector<16xi32>], vector<16xf32>,
        %mul3A_2443 = arith.mulf %gather3A_2440, %gather3A_2442 : vector<16xf32>
        %add3A_2444 = arith.addf %add3A_2384, %mul3A_2443 : vector<16xf32>
        %mul3A_2445 = arith.constant 32 : i32
        %mul3A_2446 = arith.muli %scan3A_2126, %mul3A_2445 : i32
        %add3A_2447 = arith.constant 21 : i32
        %add3A_2448 = arith.addi %mul3A_2446, %add3A_2447 : i32
        %add3A_2449 = vector.broadcast %add3A_2448 : i32 to vector<16xi32>
        %add3A_2450 = arith.addi %iota3A, %add3A_2449 : vector<16xi32>
        %and3A_2451 = arith.constant 63 : i32
        %and3A_2452 = vector.broadcast %and3A_2451 : i32 to vector<16xi32>
        %and3A_2453 = arith.andi %add3A_2450, %and3A_2452 : vector<16xi32>
        %add3A_2454 = arith.addi %get3A_2088, %and3A_2453 : vector<16xi32>
        %gather3A_2455 = tpu.vector_load_idx %arg13[%broadcast_in_dim3A_2036, %add3A_2082, %add3A_2454] : memref<2x128x128xf32, #tpu.memory_space<vmem>>[vector<16xi32>, vector<16xi32>, vector<16xi32>], vector<16xf32>,
        %add3A_2456 = arith.addi %get3A_2094, %and3A_2453 : vector<16xi32>
        %gather3A_2457 = tpu.vector_load_idx %arg14[%broadcast_in_dim3A_2036, %add3A_2082, %add3A_2456] : memref<2x128x128xf32, #tpu.memory_space<vmem>>[vector<16xi32>, vector<16xi32>, vector<16xi32>], vector<16xf32>,
        %mul3A_2458 = arith.mulf %gather3A_2455, %gather3A_2457 : vector<16xf32>
        %add3A_2459 = arith.addf %add3A_2399, %mul3A_2458 : vector<16xf32>
        %mul3A_2460 = arith.constant 32 : i32
        %mul3A_2461 = arith.muli %scan3A_2126, %mul3A_2460 : i32
        %add3A_2462 = arith.constant 22 : i32
        %add3A_2463 = arith.addi %mul3A_2461, %add3A_2462 : i32
        %add3A_2464 = vector.broadcast %add3A_2463 : i32 to vector<16xi32>
        %add3A_2465 = arith.addi %iota3A, %add3A_2464 : vector<16xi32>
        %and3A_2466 = arith.constant 63 : i32
        %and3A_2467 = vector.broadcast %and3A_2466 : i32 to vector<16xi32>
        %and3A_2468 = arith.andi %add3A_2465, %and3A_2467 : vector<16xi32>
        %add3A_2469 = arith.addi %get3A_2088, %and3A_2468 : vector<16xi32>
        %gather3A_2470 = tpu.vector_load_idx %arg13[%broadcast_in_dim3A_2036, %add3A_2082, %add3A_2469] : memref<2x128x128xf32, #tpu.memory_space<vmem>>[vector<16xi32>, vector<16xi32>, vector<16xi32>], vector<16xf32>,
        %add3A_2471 = arith.addi %get3A_2094, %and3A_2468 : vector<16xi32>
        %gather3A_2472 = tpu.vector_load_idx %arg14[%broadcast_in_dim3A_2036, %add3A_2082, %add3A_2471] : memref<2x128x128xf32, #tpu.memory_space<vmem>>[vector<16xi32>, vector<16xi32>, vector<16xi32>], vector<16xf32>,
        %mul3A_2473 = arith.mulf %gather3A_2470, %gather3A_2472 : vector<16xf32>
        %add3A_2474 = arith.addf %add3A_2414, %mul3A_2473 : vector<16xf32>
        %mul3A_2475 = arith.constant 32 : i32
        %mul3A_2476 = arith.muli %scan3A_2126, %mul3A_2475 : i32
        %add3A_2477 = arith.constant 23 : i32
        %add3A_2478 = arith.addi %mul3A_2476, %add3A_2477 : i32
        %add3A_2479 = vector.broadcast %add3A_2478 : i32 to vector<16xi32>
        %add3A_2480 = arith.addi %iota3A, %add3A_2479 : vector<16xi32>
        %and3A_2481 = arith.constant 63 : i32
        %and3A_2482 = vector.broadcast %and3A_2481 : i32 to vector<16xi32>
        %and3A_2483 = arith.andi %add3A_2480, %and3A_2482 : vector<16xi32>
        %add3A_2484 = arith.addi %get3A_2088, %and3A_2483 : vector<16xi32>
        %gather3A_2485 = tpu.vector_load_idx %arg13[%broadcast_in_dim3A_2036, %add3A_2082, %add3A_2484] : memref<2x128x128xf32, #tpu.memory_space<vmem>>[vector<16xi32>, vector<16xi32>, vector<16xi32>], vector<16xf32>,
        %add3A_2486 = arith.addi %get3A_2094, %and3A_2483 : vector<16xi32>
        %gather3A_2487 = tpu.vector_load_idx %arg14[%broadcast_in_dim3A_2036, %add3A_2082, %add3A_2486] : memref<2x128x128xf32, #tpu.memory_space<vmem>>[vector<16xi32>, vector<16xi32>, vector<16xi32>], vector<16xf32>,
        %mul3A_2488 = arith.mulf %gather3A_2485, %gather3A_2487 : vector<16xf32>
        %add3A_2489 = arith.addf %add3A_2429, %mul3A_2488 : vector<16xf32>
        %mul3A_2490 = arith.constant 32 : i32
        %mul3A_2491 = arith.muli %scan3A_2126, %mul3A_2490 : i32
        %add3A_2492 = arith.constant 24 : i32
        %add3A_2493 = arith.addi %mul3A_2491, %add3A_2492 : i32
        %add3A_2494 = vector.broadcast %add3A_2493 : i32 to vector<16xi32>
        %add3A_2495 = arith.addi %iota3A, %add3A_2494 : vector<16xi32>
        %and3A_2496 = arith.constant 63 : i32
        %and3A_2497 = vector.broadcast %and3A_2496 : i32 to vector<16xi32>
        %and3A_2498 = arith.andi %add3A_2495, %and3A_2497 : vector<16xi32>
        %add3A_2499 = arith.addi %get3A_2088, %and3A_2498 : vector<16xi32>
        %gather3A_2500 = tpu.vector_load_idx %arg13[%broadcast_in_dim3A_2036, %add3A_2082, %add3A_2499] : memref<2x128x128xf32, #tpu.memory_space<vmem>>[vector<16xi32>, vector<16xi32>, vector<16xi32>], vector<16xf32>,
        %add3A_2501 = arith.addi %get3A_2094, %and3A_2498 : vector<16xi32>
        %gather3A_2502 = tpu.vector_load_idx %arg14[%broadcast_in_dim3A_2036, %add3A_2082, %add3A_2501] : memref<2x128x128xf32, #tpu.memory_space<vmem>>[vector<16xi32>, vector<16xi32>, vector<16xi32>], vector<16xf32>,
        %mul3A_2503 = arith.mulf %gather3A_2500, %gather3A_2502 : vector<16xf32>
        %add3A_2504 = arith.addf %add3A_2444, %mul3A_2503 : vector<16xf32>
        %mul3A_2505 = arith.constant 32 : i32
        %mul3A_2506 = arith.muli %scan3A_2126, %mul3A_2505 : i32
        %add3A_2507 = arith.constant 25 : i32
        %add3A_2508 = arith.addi %mul3A_2506, %add3A_2507 : i32
        %add3A_2509 = vector.broadcast %add3A_2508 : i32 to vector<16xi32>
        %add3A_2510 = arith.addi %iota3A, %add3A_2509 : vector<16xi32>
        %and3A_2511 = arith.constant 63 : i32
        %and3A_2512 = vector.broadcast %and3A_2511 : i32 to vector<16xi32>
        %and3A_2513 = arith.andi %add3A_2510, %and3A_2512 : vector<16xi32>
        %add3A_2514 = arith.addi %get3A_2088, %and3A_2513 : vector<16xi32>
        %gather3A_2515 = tpu.vector_load_idx %arg13[%broadcast_in_dim3A_2036, %add3A_2082, %add3A_2514] : memref<2x128x128xf32, #tpu.memory_space<vmem>>[vector<16xi32>, vector<16xi32>, vector<16xi32>], vector<16xf32>,
        %add3A_2516 = arith.addi %get3A_2094, %and3A_2513 : vector<16xi32>
        %gather3A_2517 = tpu.vector_load_idx %arg14[%broadcast_in_dim3A_2036, %add3A_2082, %add3A_2516] : memref<2x128x128xf32, #tpu.memory_space<vmem>>[vector<16xi32>, vector<16xi32>, vector<16xi32>], vector<16xf32>,
        %mul3A_2518 = arith.mulf %gather3A_2515, %gather3A_2517 : vector<16xf32>
        %add3A_2519 = arith.addf %add3A_2459, %mul3A_2518 : vector<16xf32>
        %mul3A_2520 = arith.constant 32 : i32
        %mul3A_2521 = arith.muli %scan3A_2126, %mul3A_2520 : i32
        %add3A_2522 = arith.constant 26 : i32
        %add3A_2523 = arith.addi %mul3A_2521, %add3A_2522 : i32
        %add3A_2524 = vector.broadcast %add3A_2523 : i32 to vector<16xi32>
        %add3A_2525 = arith.addi %iota3A, %add3A_2524 : vector<16xi32>
        %and3A_2526 = arith.constant 63 : i32
        %and3A_2527 = vector.broadcast %and3A_2526 : i32 to vector<16xi32>
        %and3A_2528 = arith.andi %add3A_2525, %and3A_2527 : vector<16xi32>
        %add3A_2529 = arith.addi %get3A_2088, %and3A_2528 : vector<16xi32>
        %gather3A_2530 = tpu.vector_load_idx %arg13[%broadcast_in_dim3A_2036, %add3A_2082, %add3A_2529] : memref<2x128x128xf32, #tpu.memory_space<vmem>>[vector<16xi32>, vector<16xi32>, vector<16xi32>], vector<16xf32>,
        %add3A_2531 = arith.addi %get3A_2094, %and3A_2528 : vector<16xi32>
        %gather3A_2532 = tpu.vector_load_idx %arg14[%broadcast_in_dim3A_2036, %add3A_2082, %add3A_2531] : memref<2x128x128xf32, #tpu.memory_space<vmem>>[vector<16xi32>, vector<16xi32>, vector<16xi32>], vector<16xf32>,
        %mul3A_2533 = arith.mulf %gather3A_2530, %gather3A_2532 : vector<16xf32>
        %add3A_2534 = arith.addf %add3A_2474, %mul3A_2533 : vector<16xf32>
        %mul3A_2535 = arith.constant 32 : i32
        %mul3A_2536 = arith.muli %scan3A_2126, %mul3A_2535 : i32
        %add3A_2537 = arith.constant 27 : i32
        %add3A_2538 = arith.addi %mul3A_2536, %add3A_2537 : i32
        %add3A_2539 = vector.broadcast %add3A_2538 : i32 to vector<16xi32>
        %add3A_2540 = arith.addi %iota3A, %add3A_2539 : vector<16xi32>
        %and3A_2541 = arith.constant 63 : i32
        %and3A_2542 = vector.broadcast %and3A_2541 : i32 to vector<16xi32>
        %and3A_2543 = arith.andi %add3A_2540, %and3A_2542 : vector<16xi32>
        %add3A_2544 = arith.addi %get3A_2088, %and3A_2543 : vector<16xi32>
        %gather3A_2545 = tpu.vector_load_idx %arg13[%broadcast_in_dim3A_2036, %add3A_2082, %add3A_2544] : memref<2x128x128xf32, #tpu.memory_space<vmem>>[vector<16xi32>, vector<16xi32>, vector<16xi32>], vector<16xf32>,
        %add3A_2546 = arith.addi %get3A_2094, %and3A_2543 : vector<16xi32>
        %gather3A_2547 = tpu.vector_load_idx %arg14[%broadcast_in_dim3A_2036, %add3A_2082, %add3A_2546] : memref<2x128x128xf32, #tpu.memory_space<vmem>>[vector<16xi32>, vector<16xi32>, vector<16xi32>], vector<16xf32>,
        %mul3A_2548 = arith.mulf %gather3A_2545, %gather3A_2547 : vector<16xf32>
        %add3A_2549 = arith.addf %add3A_2489, %mul3A_2548 : vector<16xf32>
        %mul3A_2550 = arith.constant 32 : i32
        %mul3A_2551 = arith.muli %scan3A_2126, %mul3A_2550 : i32
        %add3A_2552 = arith.constant 28 : i32
        %add3A_2553 = arith.addi %mul3A_2551, %add3A_2552 : i32
        %add3A_2554 = vector.broadcast %add3A_2553 : i32 to vector<16xi32>
        %add3A_2555 = arith.addi %iota3A, %add3A_2554 : vector<16xi32>
        %and3A_2556 = arith.constant 63 : i32
        %and3A_2557 = vector.broadcast %and3A_2556 : i32 to vector<16xi32>
        %and3A_2558 = arith.andi %add3A_2555, %and3A_2557 : vector<16xi32>
        %add3A_2559 = arith.addi %get3A_2088, %and3A_2558 : vector<16xi32>
        %gather3A_2560 = tpu.vector_load_idx %arg13[%broadcast_in_dim3A_2036, %add3A_2082, %add3A_2559] : memref<2x128x128xf32, #tpu.memory_space<vmem>>[vector<16xi32>, vector<16xi32>, vector<16xi32>], vector<16xf32>,
        %add3A_2561 = arith.addi %get3A_2094, %and3A_2558 : vector<16xi32>
        %gather3A_2562 = tpu.vector_load_idx %arg14[%broadcast_in_dim3A_2036, %add3A_2082, %add3A_2561] : memref<2x128x128xf32, #tpu.memory_space<vmem>>[vector<16xi32>, vector<16xi32>, vector<16xi32>], vector<16xf32>,
        %mul3A_2563 = arith.mulf %gather3A_2560, %gather3A_2562 : vector<16xf32>
        %add3A_2564 = arith.addf %add3A_2504, %mul3A_2563 : vector<16xf32>
        %mul3A_2565 = arith.constant 32 : i32
        %mul3A_2566 = arith.muli %scan3A_2126, %mul3A_2565 : i32
        %add3A_2567 = arith.constant 29 : i32
        %add3A_2568 = arith.addi %mul3A_2566, %add3A_2567 : i32
        %add3A_2569 = vector.broadcast %add3A_2568 : i32 to vector<16xi32>
        %add3A_2570 = arith.addi %iota3A, %add3A_2569 : vector<16xi32>
        %and3A_2571 = arith.constant 63 : i32
        %and3A_2572 = vector.broadcast %and3A_2571 : i32 to vector<16xi32>
        %and3A_2573 = arith.andi %add3A_2570, %and3A_2572 : vector<16xi32>
        %add3A_2574 = arith.addi %get3A_2088, %and3A_2573 : vector<16xi32>
        %gather3A_2575 = tpu.vector_load_idx %arg13[%broadcast_in_dim3A_2036, %add3A_2082, %add3A_2574] : memref<2x128x128xf32, #tpu.memory_space<vmem>>[vector<16xi32>, vector<16xi32>, vector<16xi32>], vector<16xf32>,
        %add3A_2576 = arith.addi %get3A_2094, %and3A_2573 : vector<16xi32>
        %gather3A_2577 = tpu.vector_load_idx %arg14[%broadcast_in_dim3A_2036, %add3A_2082, %add3A_2576] : memref<2x128x128xf32, #tpu.memory_space<vmem>>[vector<16xi32>, vector<16xi32>, vector<16xi32>], vector<16xf32>,
        %mul3A_2578 = arith.mulf %gather3A_2575, %gather3A_2577 : vector<16xf32>
        %add3A_2579 = arith.addf %add3A_2519, %mul3A_2578 : vector<16xf32>
        %mul3A_2580 = arith.constant 32 : i32
        %mul3A_2581 = arith.muli %scan3A_2126, %mul3A_2580 : i32
        %add3A_2582 = arith.constant 30 : i32
        %add3A_2583 = arith.addi %mul3A_2581, %add3A_2582 : i32
        %add3A_2584 = vector.broadcast %add3A_2583 : i32 to vector<16xi32>
        %add3A_2585 = arith.addi %iota3A, %add3A_2584 : vector<16xi32>
        %and3A_2586 = arith.constant 63 : i32
        %and3A_2587 = vector.broadcast %and3A_2586 : i32 to vector<16xi32>
        %and3A_2588 = arith.andi %add3A_2585, %and3A_2587 : vector<16xi32>
        %add3A_2589 = arith.addi %get3A_2088, %and3A_2588 : vector<16xi32>
        %gather3A_2590 = tpu.vector_load_idx %arg13[%broadcast_in_dim3A_2036, %add3A_2082, %add3A_2589] : memref<2x128x128xf32, #tpu.memory_space<vmem>>[vector<16xi32>, vector<16xi32>, vector<16xi32>], vector<16xf32>,
        %add3A_2591 = arith.addi %get3A_2094, %and3A_2588 : vector<16xi32>
        %gather3A_2592 = tpu.vector_load_idx %arg14[%broadcast_in_dim3A_2036, %add3A_2082, %add3A_2591] : memref<2x128x128xf32, #tpu.memory_space<vmem>>[vector<16xi32>, vector<16xi32>, vector<16xi32>], vector<16xf32>,
        %mul3A_2593 = arith.mulf %gather3A_2590, %gather3A_2592 : vector<16xf32>
        %add3A_2594 = arith.addf %add3A_2534, %mul3A_2593 : vector<16xf32>
        %mul3A_2595 = arith.constant 32 : i32
        %mul3A_2596 = arith.muli %scan3A_2126, %mul3A_2595 : i32
        %add3A_2597 = arith.constant 31 : i32
        %add3A_2598 = arith.addi %mul3A_2596, %add3A_2597 : i32
        %add3A_2599 = vector.broadcast %add3A_2598 : i32 to vector<16xi32>
        %add3A_2600 = arith.addi %iota3A, %add3A_2599 : vector<16xi32>
        %and3A_2601 = arith.constant 63 : i32
        %and3A_2602 = vector.broadcast %and3A_2601 : i32 to vector<16xi32>
        %and3A_2603 = arith.andi %add3A_2600, %and3A_2602 : vector<16xi32>
        %add3A_2604 = arith.addi %get3A_2088, %and3A_2603 : vector<16xi32>
        %gather3A_2605 = tpu.vector_load_idx %arg13[%broadcast_in_dim3A_2036, %add3A_2082, %add3A_2604] : memref<2x128x128xf32, #tpu.memory_space<vmem>>[vector<16xi32>, vector<16xi32>, vector<16xi32>], vector<16xf32>,
        %add3A_2606 = arith.addi %get3A_2094, %and3A_2603 : vector<16xi32>
        %gather3A_2607 = tpu.vector_load_idx %arg14[%broadcast_in_dim3A_2036, %add3A_2082, %add3A_2606] : memref<2x128x128xf32, #tpu.memory_space<vmem>>[vector<16xi32>, vector<16xi32>, vector<16xi32>], vector<16xf32>,
        %mul3A_2608 = arith.mulf %gather3A_2605, %gather3A_2607 : vector<16xf32>
        %add3A_2609 = arith.addf %add3A_2549, %mul3A_2608 : vector<16xf32>
        scf.yield %add3A_2564, %add3A_2579, %add3A_2594, %add3A_2609 : vector<16xf32>, vector<16xf32>, vector<16xf32>, vector<16xf32>
      }
      %scan3A_2108 = arith.constant 2 : i32
      %add3A_2109 = arith.addf %scan3A_2107#0, %scan3A_2107#1 : vector<16xf32>
      %add3A_2110 = arith.addf %scan3A_2107#2, %scan3A_2107#3 : vector<16xf32>
      %add3A_2111 = arith.addf %add3A_2109, %add3A_2110 : vector<16xf32>
      %neg3A = arith.constant 0.000000e+00 : f32
      %neg3A_2112 = vector.broadcast %neg3A : f32 to vector<16xf32>
      %neg3A_2113 = arith.subf %neg3A_2112, %add3A_2111 : vector<16xf32>
      %exp3A = math.exp %neg3A_2113 : vector<16xf32>
      %add3A_2114 = arith.constant 1.000000e+00 : f32
      %add3A_2115 = vector.broadcast %add3A_2114 : f32 to vector<16xf32>
      %add3A_2116 = arith.addf %add3A_2115, %exp3A : vector<16xf32>
      %div3A = arith.constant 1.000000e+00 : f32
      %div3A_2117 = vector.broadcast %div3A : f32 to vector<16xf32>
      %div3A_2118 = arith.divf %div3A_2117, %add3A_2116 : vector<16xf32>
      %mul3A_2119 = arith.constant 16 : i32
      %mul3A_2120 = arith.muli %scan3A_2077, %mul3A_2119 : i32
      %add3A_2121 = arith.constant 256 : i32
      %add3A_2122 = arith.addi %add3A_2121, %mul3A_2120 : i32
      %swap3A_2123 = arith.index_cast %add3A_2122 : i32 to index
      %swap3A_2124 = tpu.vector_load %arg15[%swap3A_2123] {strides = array<i32>} : memref<512xf32, #tpu.memory_space<vmem>>, vector<16xf32>,
      tpu.vector_store %arg15[%swap3A_2123], %div3A_2118 {strides = array<i32>} : memref<512xf32, #tpu.memory_space<vmem>>, vector<16xf32>,
      %scan3A_2125 = arith.constant 0 : i32
      scf.yield %scan3A_2125 : i32
    }
    %scan3A_2043 = arith.constant 8 : i32
    %dma_wait3A_2044 = arith.constant 3 : i32
    %dma_wait3A_2045 = arith.constant 1 : i32
    %dma_wait3A_2046 = arith.constant 0 : i32
    %dma_wait3A_2047 = arith.constant 0 : i32
    %dma_wait3A_2048 = tpu.memref_slice %arg13[%dma_wait3A_2045, %dma_wait3A_2046, %dma_wait3A_2047] : memref<2x128x128xf32, #tpu.memory_space<vmem>> -> memref<1x128x128xf32, #tpu.memory_space<vmem>>
    %dma_wait3A_2049 = tpu.memref_squeeze %dma_wait3A_2048 : memref<1x128x128xf32, #tpu.memory_space<vmem>> -> memref<128x128xf32, #tpu.memory_space<vmem>>
    %dma_wait3A_2050 = arith.constant 0 : i32
    %dma_wait3A_2051 = tpu.memref_slice %arg9[%dma_wait3A_2044, %dma_wait3A_2050] : memref<4x128xi32, #tpu.memory_space<vmem>> -> memref<1x128xi32, #tpu.memory_space<vmem>>
    %dma_wait3A_2052 = tpu.memref_squeeze %dma_wait3A_2051 : memref<1x128xi32, #tpu.memory_space<vmem>> -> memref<128xi32, #tpu.memory_space<vmem>>
    %dma_wait3A_2053 = arith.constant 0 : i32
    %dma_wait3A_2054 = arith.constant 0 : i32
    %dma_wait3A_2055 = tpu.memref_slice %arg4[%dma_wait3A_2053, %dma_wait3A_2054] : memref<53248x128xf32, #tpu.memory_space<hbm>> -> memref<53248x128xf32, #tpu.memory_space<hbm>>
    tpu.wait_indirect_dma semaphore(%arg17 : memref<!tpu.dma_semaphore, #tpu.memory_space<semaphore_mem>>) src(%dma_wait3A_2055 : memref<53248x128xf32, #tpu.memory_space<hbm>>) dst(%dma_wait3A_2049 : memref<128x128xf32, #tpu.memory_space<vmem>>)
    %dma_wait3A_2056 = arith.constant 3 : i32
    %dma_wait3A_2057 = arith.constant 1 : i32
    %dma_wait3A_2058 = arith.constant 0 : i32
    %dma_wait3A_2059 = arith.constant 0 : i32
    %dma_wait3A_2060 = tpu.memref_slice %arg14[%dma_wait3A_2057, %dma_wait3A_2058, %dma_wait3A_2059] : memref<2x128x128xf32, #tpu.memory_space<vmem>> -> memref<1x128x128xf32, #tpu.memory_space<vmem>>
    %dma_wait3A_2061 = tpu.memref_squeeze %dma_wait3A_2060 : memref<1x128x128xf32, #tpu.memory_space<vmem>> -> memref<128x128xf32, #tpu.memory_space<vmem>>
    %dma_wait3A_2062 = arith.constant 0 : i32
    %dma_wait3A_2063 = tpu.memref_slice %arg10[%dma_wait3A_2056, %dma_wait3A_2062] : memref<4x128xi32, #tpu.memory_space<vmem>> -> memref<1x128xi32, #tpu.memory_space<vmem>>
    %dma_wait3A_2064 = tpu.memref_squeeze %dma_wait3A_2063 : memref<1x128xi32, #tpu.memory_space<vmem>> -> memref<128xi32, #tpu.memory_space<vmem>>
    %dma_wait3A_2065 = arith.constant 0 : i32
    %dma_wait3A_2066 = arith.constant 0 : i32
    %dma_wait3A_2067 = tpu.memref_slice %arg5[%dma_wait3A_2065, %dma_wait3A_2066] : memref<53248x128xf32, #tpu.memory_space<hbm>> -> memref<53248x128xf32, #tpu.memory_space<hbm>>
    tpu.wait_indirect_dma semaphore(%arg17 : memref<!tpu.dma_semaphore, #tpu.memory_space<semaphore_mem>>) src(%dma_wait3A_2067 : memref<53248x128xf32, #tpu.memory_space<hbm>>) dst(%dma_wait3A_2061 : memref<128x128xf32, #tpu.memory_space<vmem>>)
    %broadcast_in_dim3A_2068 = arith.constant 1 : i32
    %broadcast_in_dim3A_2069 = vector.broadcast %broadcast_in_dim3A_2068 : i32 to vector<16xi32>
    %scan3A_2070 = arith.constant 0 : i32
    %scan3A_2071 = arith.constant 0 : i32
    %scan3A_2072 = arith.constant 8 : i32
    %scan3A_2073 = arith.addi %scan3A_2071, %scan3A_2072 : i32
    %scan3A_2074 = arith.constant 1 : i32
    %scan3A_2075 = scf.for %scan3A_2077 = %scan3A_2071 to %scan3A_2073 step %scan3A_2074 iter_args(%scan3A_2078 = %scan3A_2070) -> (i32)  : i32 {
      %mul3A_2079 = arith.constant 16 : i32
      %mul3A_2080 = arith.muli %scan3A_2077, %mul3A_2079 : i32
      %add3A_2081 = vector.broadcast %mul3A_2080 : i32 to vector<16xi32>
      %add3A_2082 = arith.addi %iota3A, %add3A_2081 : vector<16xi32>
      %mul3A_2083 = arith.constant 16 : i32
      %mul3A_2084 = arith.muli %scan3A_2077, %mul3A_2083 : i32
      %add3A_2085 = arith.constant 384 : i32
      %add3A_2086 = arith.addi %add3A_2085, %mul3A_2084 : i32
      %get3A_2087 = arith.index_cast %add3A_2086 : i32 to index
      %get3A_2088 = tpu.vector_load %arg11[%get3A_2087] {strides = array<i32>} : memref<512xi32, #tpu.memory_space<vmem>>, vector<16xi32>,
      %mul3A_2089 = arith.constant 16 : i32
      %mul3A_2090 = arith.muli %scan3A_2077, %mul3A_2089 : i32
      %add3A_2091 = arith.constant 384 : i32
      %add3A_2092 = arith.addi %add3A_2091, %mul3A_2090 : i32
      %get3A_2093 = arith.index_cast %add3A_2092 : i32 to index
      %get3A_2094 = tpu.vector_load %arg12[%get3A_2093] {strides = array<i32>} : memref<512xi32, #tpu.memory_space<vmem>>, vector<16xi32>,
      %broadcast_in_dim3A_2095 = arith.constant 0.000000e+00 : f32
      %broadcast_in_dim3A_2096 = vector.broadcast %broadcast_in_dim3A_2095 : f32 to vector<16xf32>
      %broadcast_in_dim3A_2097 = arith.constant 0.000000e+00 : f32
      %broadcast_in_dim3A_2098 = vector.broadcast %broadcast_in_dim3A_2097 : f32 to vector<16xf32>
      %broadcast_in_dim3A_2099 = arith.constant 0.000000e+00 : f32
      %broadcast_in_dim3A_2100 = vector.broadcast %broadcast_in_dim3A_2099 : f32 to vector<16xf32>
      %broadcast_in_dim3A_2101 = arith.constant 0.000000e+00 : f32
      %broadcast_in_dim3A_2102 = vector.broadcast %broadcast_in_dim3A_2101 : f32 to vector<16xf32>
      %scan3A_2103 = arith.constant 0 : i32
      %scan3A_2104 = arith.constant 2 : i32
      %scan3A_2105 = arith.addi %scan3A_2103, %scan3A_2104 : i32
      %scan3A_2106 = arith.constant 1 : i32
      %scan3A_2107:4 = scf.for %scan3A_2126 = %scan3A_2103 to %scan3A_2105 step %scan3A_2106 iter_args(%scan3A_2127 = %broadcast_in_dim3A_2096, %scan3A_2128 = %broadcast_in_dim3A_2098, %scan3A_2129 = %broadcast_in_dim3A_2100, %scan3A_2130 = %broadcast_in_dim3A_2102) -> (vector<16xf32>, vector<16xf32>, vector<16xf32>, vector<16xf32>)  : i32 {
        %mul3A_2131 = arith.constant 32 : i32
        %mul3A_2132 = arith.muli %scan3A_2126, %mul3A_2131 : i32
        %add3A_2133 = arith.constant 0 : i32
        %add3A_2134 = arith.addi %mul3A_2132, %add3A_2133 : i32
        %add3A_2135 = vector.broadcast %add3A_2134 : i32 to vector<16xi32>
        %add3A_2136 = arith.addi %iota3A, %add3A_2135 : vector<16xi32>
        %and3A_2137 = arith.constant 63 : i32
        %and3A_2138 = vector.broadcast %and3A_2137 : i32 to vector<16xi32>
        %and3A_2139 = arith.andi %add3A_2136, %and3A_2138 : vector<16xi32>
        %add3A_2140 = arith.addi %get3A_2088, %and3A_2139 : vector<16xi32>
        %gather3A = tpu.vector_load_idx %arg13[%broadcast_in_dim3A_2069, %add3A_2082, %add3A_2140] : memref<2x128x128xf32, #tpu.memory_space<vmem>>[vector<16xi32>, vector<16xi32>, vector<16xi32>], vector<16xf32>,
        %add3A_2141 = arith.addi %get3A_2094, %and3A_2139 : vector<16xi32>
        %gather3A_2142 = tpu.vector_load_idx %arg14[%broadcast_in_dim3A_2069, %add3A_2082, %add3A_2141] : memref<2x128x128xf32, #tpu.memory_space<vmem>>[vector<16xi32>, vector<16xi32>, vector<16xi32>], vector<16xf32>,
        %mul3A_2143 = arith.mulf %gather3A, %gather3A_2142 : vector<16xf32>
        %add3A_2144 = arith.addf %scan3A_2127, %mul3A_2143 : vector<16xf32>
        %mul3A_2145 = arith.constant 32 : i32
        %mul3A_2146 = arith.muli %scan3A_2126, %mul3A_2145 : i32
        %add3A_2147 = arith.constant 1 : i32
        %add3A_2148 = arith.addi %mul3A_2146, %add3A_2147 : i32
        %add3A_2149 = vector.broadcast %add3A_2148 : i32 to vector<16xi32>
        %add3A_2150 = arith.addi %iota3A, %add3A_2149 : vector<16xi32>
        %and3A_2151 = arith.constant 63 : i32
        %and3A_2152 = vector.broadcast %and3A_2151 : i32 to vector<16xi32>
        %and3A_2153 = arith.andi %add3A_2150, %and3A_2152 : vector<16xi32>
        %add3A_2154 = arith.addi %get3A_2088, %and3A_2153 : vector<16xi32>
        %gather3A_2155 = tpu.vector_load_idx %arg13[%broadcast_in_dim3A_2069, %add3A_2082, %add3A_2154] : memref<2x128x128xf32, #tpu.memory_space<vmem>>[vector<16xi32>, vector<16xi32>, vector<16xi32>], vector<16xf32>,
        %add3A_2156 = arith.addi %get3A_2094, %and3A_2153 : vector<16xi32>
        %gather3A_2157 = tpu.vector_load_idx %arg14[%broadcast_in_dim3A_2069, %add3A_2082, %add3A_2156] : memref<2x128x128xf32, #tpu.memory_space<vmem>>[vector<16xi32>, vector<16xi32>, vector<16xi32>], vector<16xf32>,
        %mul3A_2158 = arith.mulf %gather3A_2155, %gather3A_2157 : vector<16xf32>
        %add3A_2159 = arith.addf %scan3A_2128, %mul3A_2158 : vector<16xf32>
        %mul3A_2160 = arith.constant 32 : i32
        %mul3A_2161 = arith.muli %scan3A_2126, %mul3A_2160 : i32
        %add3A_2162 = arith.constant 2 : i32
        %add3A_2163 = arith.addi %mul3A_2161, %add3A_2162 : i32
        %add3A_2164 = vector.broadcast %add3A_2163 : i32 to vector<16xi32>
        %add3A_2165 = arith.addi %iota3A, %add3A_2164 : vector<16xi32>
        %and3A_2166 = arith.constant 63 : i32
        %and3A_2167 = vector.broadcast %and3A_2166 : i32 to vector<16xi32>
        %and3A_2168 = arith.andi %add3A_2165, %and3A_2167 : vector<16xi32>
        %add3A_2169 = arith.addi %get3A_2088, %and3A_2168 : vector<16xi32>
        %gather3A_2170 = tpu.vector_load_idx %arg13[%broadcast_in_dim3A_2069, %add3A_2082, %add3A_2169] : memref<2x128x128xf32, #tpu.memory_space<vmem>>[vector<16xi32>, vector<16xi32>, vector<16xi32>], vector<16xf32>,
        %add3A_2171 = arith.addi %get3A_2094, %and3A_2168 : vector<16xi32>
        %gather3A_2172 = tpu.vector_load_idx %arg14[%broadcast_in_dim3A_2069, %add3A_2082, %add3A_2171] : memref<2x128x128xf32, #tpu.memory_space<vmem>>[vector<16xi32>, vector<16xi32>, vector<16xi32>], vector<16xf32>,
        %mul3A_2173 = arith.mulf %gather3A_2170, %gather3A_2172 : vector<16xf32>
        %add3A_2174 = arith.addf %scan3A_2129, %mul3A_2173 : vector<16xf32>
        %mul3A_2175 = arith.constant 32 : i32
        %mul3A_2176 = arith.muli %scan3A_2126, %mul3A_2175 : i32
        %add3A_2177 = arith.constant 3 : i32
        %add3A_2178 = arith.addi %mul3A_2176, %add3A_2177 : i32
        %add3A_2179 = vector.broadcast %add3A_2178 : i32 to vector<16xi32>
        %add3A_2180 = arith.addi %iota3A, %add3A_2179 : vector<16xi32>
        %and3A_2181 = arith.constant 63 : i32
        %and3A_2182 = vector.broadcast %and3A_2181 : i32 to vector<16xi32>
        %and3A_2183 = arith.andi %add3A_2180, %and3A_2182 : vector<16xi32>
        %add3A_2184 = arith.addi %get3A_2088, %and3A_2183 : vector<16xi32>
        %gather3A_2185 = tpu.vector_load_idx %arg13[%broadcast_in_dim3A_2069, %add3A_2082, %add3A_2184] : memref<2x128x128xf32, #tpu.memory_space<vmem>>[vector<16xi32>, vector<16xi32>, vector<16xi32>], vector<16xf32>,
        %add3A_2186 = arith.addi %get3A_2094, %and3A_2183 : vector<16xi32>
        %gather3A_2187 = tpu.vector_load_idx %arg14[%broadcast_in_dim3A_2069, %add3A_2082, %add3A_2186] : memref<2x128x128xf32, #tpu.memory_space<vmem>>[vector<16xi32>, vector<16xi32>, vector<16xi32>], vector<16xf32>,
        %mul3A_2188 = arith.mulf %gather3A_2185, %gather3A_2187 : vector<16xf32>
        %add3A_2189 = arith.addf %scan3A_2130, %mul3A_2188 : vector<16xf32>
        %mul3A_2190 = arith.constant 32 : i32
        %mul3A_2191 = arith.muli %scan3A_2126, %mul3A_2190 : i32
        %add3A_2192 = arith.constant 4 : i32
        %add3A_2193 = arith.addi %mul3A_2191, %add3A_2192 : i32
        %add3A_2194 = vector.broadcast %add3A_2193 : i32 to vector<16xi32>
        %add3A_2195 = arith.addi %iota3A, %add3A_2194 : vector<16xi32>
        %and3A_2196 = arith.constant 63 : i32
        %and3A_2197 = vector.broadcast %and3A_2196 : i32 to vector<16xi32>
        %and3A_2198 = arith.andi %add3A_2195, %and3A_2197 : vector<16xi32>
        %add3A_2199 = arith.addi %get3A_2088, %and3A_2198 : vector<16xi32>
        %gather3A_2200 = tpu.vector_load_idx %arg13[%broadcast_in_dim3A_2069, %add3A_2082, %add3A_2199] : memref<2x128x128xf32, #tpu.memory_space<vmem>>[vector<16xi32>, vector<16xi32>, vector<16xi32>], vector<16xf32>,
        %add3A_2201 = arith.addi %get3A_2094, %and3A_2198 : vector<16xi32>
        %gather3A_2202 = tpu.vector_load_idx %arg14[%broadcast_in_dim3A_2069, %add3A_2082, %add3A_2201] : memref<2x128x128xf32, #tpu.memory_space<vmem>>[vector<16xi32>, vector<16xi32>, vector<16xi32>], vector<16xf32>,
        %mul3A_2203 = arith.mulf %gather3A_2200, %gather3A_2202 : vector<16xf32>
        %add3A_2204 = arith.addf %add3A_2144, %mul3A_2203 : vector<16xf32>
        %mul3A_2205 = arith.constant 32 : i32
        %mul3A_2206 = arith.muli %scan3A_2126, %mul3A_2205 : i32
        %add3A_2207 = arith.constant 5 : i32
        %add3A_2208 = arith.addi %mul3A_2206, %add3A_2207 : i32
        %add3A_2209 = vector.broadcast %add3A_2208 : i32 to vector<16xi32>
        %add3A_2210 = arith.addi %iota3A, %add3A_2209 : vector<16xi32>
        %and3A_2211 = arith.constant 63 : i32
        %and3A_2212 = vector.broadcast %and3A_2211 : i32 to vector<16xi32>
        %and3A_2213 = arith.andi %add3A_2210, %and3A_2212 : vector<16xi32>
        %add3A_2214 = arith.addi %get3A_2088, %and3A_2213 : vector<16xi32>
        %gather3A_2215 = tpu.vector_load_idx %arg13[%broadcast_in_dim3A_2069, %add3A_2082, %add3A_2214] : memref<2x128x128xf32, #tpu.memory_space<vmem>>[vector<16xi32>, vector<16xi32>, vector<16xi32>], vector<16xf32>,
        %add3A_2216 = arith.addi %get3A_2094, %and3A_2213 : vector<16xi32>
        %gather3A_2217 = tpu.vector_load_idx %arg14[%broadcast_in_dim3A_2069, %add3A_2082, %add3A_2216] : memref<2x128x128xf32, #tpu.memory_space<vmem>>[vector<16xi32>, vector<16xi32>, vector<16xi32>], vector<16xf32>,
        %mul3A_2218 = arith.mulf %gather3A_2215, %gather3A_2217 : vector<16xf32>
        %add3A_2219 = arith.addf %add3A_2159, %mul3A_2218 : vector<16xf32>
        %mul3A_2220 = arith.constant 32 : i32
        %mul3A_2221 = arith.muli %scan3A_2126, %mul3A_2220 : i32
        %add3A_2222 = arith.constant 6 : i32
        %add3A_2223 = arith.addi %mul3A_2221, %add3A_2222 : i32
        %add3A_2224 = vector.broadcast %add3A_2223 : i32 to vector<16xi32>
        %add3A_2225 = arith.addi %iota3A, %add3A_2224 : vector<16xi32>
        %and3A_2226 = arith.constant 63 : i32
        %and3A_2227 = vector.broadcast %and3A_2226 : i32 to vector<16xi32>
        %and3A_2228 = arith.andi %add3A_2225, %and3A_2227 : vector<16xi32>
        %add3A_2229 = arith.addi %get3A_2088, %and3A_2228 : vector<16xi32>
        %gather3A_2230 = tpu.vector_load_idx %arg13[%broadcast_in_dim3A_2069, %add3A_2082, %add3A_2229] : memref<2x128x128xf32, #tpu.memory_space<vmem>>[vector<16xi32>, vector<16xi32>, vector<16xi32>], vector<16xf32>,
        %add3A_2231 = arith.addi %get3A_2094, %and3A_2228 : vector<16xi32>
        %gather3A_2232 = tpu.vector_load_idx %arg14[%broadcast_in_dim3A_2069, %add3A_2082, %add3A_2231] : memref<2x128x128xf32, #tpu.memory_space<vmem>>[vector<16xi32>, vector<16xi32>, vector<16xi32>], vector<16xf32>,
        %mul3A_2233 = arith.mulf %gather3A_2230, %gather3A_2232 : vector<16xf32>
        %add3A_2234 = arith.addf %add3A_2174, %mul3A_2233 : vector<16xf32>
        %mul3A_2235 = arith.constant 32 : i32
        %mul3A_2236 = arith.muli %scan3A_2126, %mul3A_2235 : i32
        %add3A_2237 = arith.constant 7 : i32
        %add3A_2238 = arith.addi %mul3A_2236, %add3A_2237 : i32
        %add3A_2239 = vector.broadcast %add3A_2238 : i32 to vector<16xi32>
        %add3A_2240 = arith.addi %iota3A, %add3A_2239 : vector<16xi32>
        %and3A_2241 = arith.constant 63 : i32
        %and3A_2242 = vector.broadcast %and3A_2241 : i32 to vector<16xi32>
        %and3A_2243 = arith.andi %add3A_2240, %and3A_2242 : vector<16xi32>
        %add3A_2244 = arith.addi %get3A_2088, %and3A_2243 : vector<16xi32>
        %gather3A_2245 = tpu.vector_load_idx %arg13[%broadcast_in_dim3A_2069, %add3A_2082, %add3A_2244] : memref<2x128x128xf32, #tpu.memory_space<vmem>>[vector<16xi32>, vector<16xi32>, vector<16xi32>], vector<16xf32>,
        %add3A_2246 = arith.addi %get3A_2094, %and3A_2243 : vector<16xi32>
        %gather3A_2247 = tpu.vector_load_idx %arg14[%broadcast_in_dim3A_2069, %add3A_2082, %add3A_2246] : memref<2x128x128xf32, #tpu.memory_space<vmem>>[vector<16xi32>, vector<16xi32>, vector<16xi32>], vector<16xf32>,
        %mul3A_2248 = arith.mulf %gather3A_2245, %gather3A_2247 : vector<16xf32>
        %add3A_2249 = arith.addf %add3A_2189, %mul3A_2248 : vector<16xf32>
        %mul3A_2250 = arith.constant 32 : i32
        %mul3A_2251 = arith.muli %scan3A_2126, %mul3A_2250 : i32
        %add3A_2252 = arith.constant 8 : i32
        %add3A_2253 = arith.addi %mul3A_2251, %add3A_2252 : i32
        %add3A_2254 = vector.broadcast %add3A_2253 : i32 to vector<16xi32>
        %add3A_2255 = arith.addi %iota3A, %add3A_2254 : vector<16xi32>
        %and3A_2256 = arith.constant 63 : i32
        %and3A_2257 = vector.broadcast %and3A_2256 : i32 to vector<16xi32>
        %and3A_2258 = arith.andi %add3A_2255, %and3A_2257 : vector<16xi32>
        %add3A_2259 = arith.addi %get3A_2088, %and3A_2258 : vector<16xi32>
        %gather3A_2260 = tpu.vector_load_idx %arg13[%broadcast_in_dim3A_2069, %add3A_2082, %add3A_2259] : memref<2x128x128xf32, #tpu.memory_space<vmem>>[vector<16xi32>, vector<16xi32>, vector<16xi32>], vector<16xf32>,
        %add3A_2261 = arith.addi %get3A_2094, %and3A_2258 : vector<16xi32>
        %gather3A_2262 = tpu.vector_load_idx %arg14[%broadcast_in_dim3A_2069, %add3A_2082, %add3A_2261] : memref<2x128x128xf32, #tpu.memory_space<vmem>>[vector<16xi32>, vector<16xi32>, vector<16xi32>], vector<16xf32>,
        %mul3A_2263 = arith.mulf %gather3A_2260, %gather3A_2262 : vector<16xf32>
        %add3A_2264 = arith.addf %add3A_2204, %mul3A_2263 : vector<16xf32>
        %mul3A_2265 = arith.constant 32 : i32
        %mul3A_2266 = arith.muli %scan3A_2126, %mul3A_2265 : i32
        %add3A_2267 = arith.constant 9 : i32
        %add3A_2268 = arith.addi %mul3A_2266, %add3A_2267 : i32
        %add3A_2269 = vector.broadcast %add3A_2268 : i32 to vector<16xi32>
        %add3A_2270 = arith.addi %iota3A, %add3A_2269 : vector<16xi32>
        %and3A_2271 = arith.constant 63 : i32
        %and3A_2272 = vector.broadcast %and3A_2271 : i32 to vector<16xi32>
        %and3A_2273 = arith.andi %add3A_2270, %and3A_2272 : vector<16xi32>
        %add3A_2274 = arith.addi %get3A_2088, %and3A_2273 : vector<16xi32>
        %gather3A_2275 = tpu.vector_load_idx %arg13[%broadcast_in_dim3A_2069, %add3A_2082, %add3A_2274] : memref<2x128x128xf32, #tpu.memory_space<vmem>>[vector<16xi32>, vector<16xi32>, vector<16xi32>], vector<16xf32>,
        %add3A_2276 = arith.addi %get3A_2094, %and3A_2273 : vector<16xi32>
        %gather3A_2277 = tpu.vector_load_idx %arg14[%broadcast_in_dim3A_2069, %add3A_2082, %add3A_2276] : memref<2x128x128xf32, #tpu.memory_space<vmem>>[vector<16xi32>, vector<16xi32>, vector<16xi32>], vector<16xf32>,
        %mul3A_2278 = arith.mulf %gather3A_2275, %gather3A_2277 : vector<16xf32>
        %add3A_2279 = arith.addf %add3A_2219, %mul3A_2278 : vector<16xf32>
        %mul3A_2280 = arith.constant 32 : i32
        %mul3A_2281 = arith.muli %scan3A_2126, %mul3A_2280 : i32
        %add3A_2282 = arith.constant 10 : i32
        %add3A_2283 = arith.addi %mul3A_2281, %add3A_2282 : i32
        %add3A_2284 = vector.broadcast %add3A_2283 : i32 to vector<16xi32>
        %add3A_2285 = arith.addi %iota3A, %add3A_2284 : vector<16xi32>
        %and3A_2286 = arith.constant 63 : i32
        %and3A_2287 = vector.broadcast %and3A_2286 : i32 to vector<16xi32>
        %and3A_2288 = arith.andi %add3A_2285, %and3A_2287 : vector<16xi32>
        %add3A_2289 = arith.addi %get3A_2088, %and3A_2288 : vector<16xi32>
        %gather3A_2290 = tpu.vector_load_idx %arg13[%broadcast_in_dim3A_2069, %add3A_2082, %add3A_2289] : memref<2x128x128xf32, #tpu.memory_space<vmem>>[vector<16xi32>, vector<16xi32>, vector<16xi32>], vector<16xf32>,
        %add3A_2291 = arith.addi %get3A_2094, %and3A_2288 : vector<16xi32>
        %gather3A_2292 = tpu.vector_load_idx %arg14[%broadcast_in_dim3A_2069, %add3A_2082, %add3A_2291] : memref<2x128x128xf32, #tpu.memory_space<vmem>>[vector<16xi32>, vector<16xi32>, vector<16xi32>], vector<16xf32>,
        %mul3A_2293 = arith.mulf %gather3A_2290, %gather3A_2292 : vector<16xf32>
        %add3A_2294 = arith.addf %add3A_2234, %mul3A_2293 : vector<16xf32>
        %mul3A_2295 = arith.constant 32 : i32
        %mul3A_2296 = arith.muli %scan3A_2126, %mul3A_2295 : i32
        %add3A_2297 = arith.constant 11 : i32
        %add3A_2298 = arith.addi %mul3A_2296, %add3A_2297 : i32
        %add3A_2299 = vector.broadcast %add3A_2298 : i32 to vector<16xi32>
        %add3A_2300 = arith.addi %iota3A, %add3A_2299 : vector<16xi32>
        %and3A_2301 = arith.constant 63 : i32
        %and3A_2302 = vector.broadcast %and3A_2301 : i32 to vector<16xi32>
        %and3A_2303 = arith.andi %add3A_2300, %and3A_2302 : vector<16xi32>
        %add3A_2304 = arith.addi %get3A_2088, %and3A_2303 : vector<16xi32>
        %gather3A_2305 = tpu.vector_load_idx %arg13[%broadcast_in_dim3A_2069, %add3A_2082, %add3A_2304] : memref<2x128x128xf32, #tpu.memory_space<vmem>>[vector<16xi32>, vector<16xi32>, vector<16xi32>], vector<16xf32>,
        %add3A_2306 = arith.addi %get3A_2094, %and3A_2303 : vector<16xi32>
        %gather3A_2307 = tpu.vector_load_idx %arg14[%broadcast_in_dim3A_2069, %add3A_2082, %add3A_2306] : memref<2x128x128xf32, #tpu.memory_space<vmem>>[vector<16xi32>, vector<16xi32>, vector<16xi32>], vector<16xf32>,
        %mul3A_2308 = arith.mulf %gather3A_2305, %gather3A_2307 : vector<16xf32>
        %add3A_2309 = arith.addf %add3A_2249, %mul3A_2308 : vector<16xf32>
        %mul3A_2310 = arith.constant 32 : i32
        %mul3A_2311 = arith.muli %scan3A_2126, %mul3A_2310 : i32
        %add3A_2312 = arith.constant 12 : i32
        %add3A_2313 = arith.addi %mul3A_2311, %add3A_2312 : i32
        %add3A_2314 = vector.broadcast %add3A_2313 : i32 to vector<16xi32>
        %add3A_2315 = arith.addi %iota3A, %add3A_2314 : vector<16xi32>
        %and3A_2316 = arith.constant 63 : i32
        %and3A_2317 = vector.broadcast %and3A_2316 : i32 to vector<16xi32>
        %and3A_2318 = arith.andi %add3A_2315, %and3A_2317 : vector<16xi32>
        %add3A_2319 = arith.addi %get3A_2088, %and3A_2318 : vector<16xi32>
        %gather3A_2320 = tpu.vector_load_idx %arg13[%broadcast_in_dim3A_2069, %add3A_2082, %add3A_2319] : memref<2x128x128xf32, #tpu.memory_space<vmem>>[vector<16xi32>, vector<16xi32>, vector<16xi32>], vector<16xf32>,
        %add3A_2321 = arith.addi %get3A_2094, %and3A_2318 : vector<16xi32>
        %gather3A_2322 = tpu.vector_load_idx %arg14[%broadcast_in_dim3A_2069, %add3A_2082, %add3A_2321] : memref<2x128x128xf32, #tpu.memory_space<vmem>>[vector<16xi32>, vector<16xi32>, vector<16xi32>], vector<16xf32>,
        %mul3A_2323 = arith.mulf %gather3A_2320, %gather3A_2322 : vector<16xf32>
        %add3A_2324 = arith.addf %add3A_2264, %mul3A_2323 : vector<16xf32>
        %mul3A_2325 = arith.constant 32 : i32
        %mul3A_2326 = arith.muli %scan3A_2126, %mul3A_2325 : i32
        %add3A_2327 = arith.constant 13 : i32
        %add3A_2328 = arith.addi %mul3A_2326, %add3A_2327 : i32
        %add3A_2329 = vector.broadcast %add3A_2328 : i32 to vector<16xi32>
        %add3A_2330 = arith.addi %iota3A, %add3A_2329 : vector<16xi32>
        %and3A_2331 = arith.constant 63 : i32
        %and3A_2332 = vector.broadcast %and3A_2331 : i32 to vector<16xi32>
        %and3A_2333 = arith.andi %add3A_2330, %and3A_2332 : vector<16xi32>
        %add3A_2334 = arith.addi %get3A_2088, %and3A_2333 : vector<16xi32>
        %gather3A_2335 = tpu.vector_load_idx %arg13[%broadcast_in_dim3A_2069, %add3A_2082, %add3A_2334] : memref<2x128x128xf32, #tpu.memory_space<vmem>>[vector<16xi32>, vector<16xi32>, vector<16xi32>], vector<16xf32>,
        %add3A_2336 = arith.addi %get3A_2094, %and3A_2333 : vector<16xi32>
        %gather3A_2337 = tpu.vector_load_idx %arg14[%broadcast_in_dim3A_2069, %add3A_2082, %add3A_2336] : memref<2x128x128xf32, #tpu.memory_space<vmem>>[vector<16xi32>, vector<16xi32>, vector<16xi32>], vector<16xf32>,
        %mul3A_2338 = arith.mulf %gather3A_2335, %gather3A_2337 : vector<16xf32>
        %add3A_2339 = arith.addf %add3A_2279, %mul3A_2338 : vector<16xf32>
        %mul3A_2340 = arith.constant 32 : i32
        %mul3A_2341 = arith.muli %scan3A_2126, %mul3A_2340 : i32
        %add3A_2342 = arith.constant 14 : i32
        %add3A_2343 = arith.addi %mul3A_2341, %add3A_2342 : i32
        %add3A_2344 = vector.broadcast %add3A_2343 : i32 to vector<16xi32>
        %add3A_2345 = arith.addi %iota3A, %add3A_2344 : vector<16xi32>
        %and3A_2346 = arith.constant 63 : i32
        %and3A_2347 = vector.broadcast %and3A_2346 : i32 to vector<16xi32>
        %and3A_2348 = arith.andi %add3A_2345, %and3A_2347 : vector<16xi32>
        %add3A_2349 = arith.addi %get3A_2088, %and3A_2348 : vector<16xi32>
        %gather3A_2350 = tpu.vector_load_idx %arg13[%broadcast_in_dim3A_2069, %add3A_2082, %add3A_2349] : memref<2x128x128xf32, #tpu.memory_space<vmem>>[vector<16xi32>, vector<16xi32>, vector<16xi32>], vector<16xf32>,
        %add3A_2351 = arith.addi %get3A_2094, %and3A_2348 : vector<16xi32>
        %gather3A_2352 = tpu.vector_load_idx %arg14[%broadcast_in_dim3A_2069, %add3A_2082, %add3A_2351] : memref<2x128x128xf32, #tpu.memory_space<vmem>>[vector<16xi32>, vector<16xi32>, vector<16xi32>], vector<16xf32>,
        %mul3A_2353 = arith.mulf %gather3A_2350, %gather3A_2352 : vector<16xf32>
        %add3A_2354 = arith.addf %add3A_2294, %mul3A_2353 : vector<16xf32>
        %mul3A_2355 = arith.constant 32 : i32
        %mul3A_2356 = arith.muli %scan3A_2126, %mul3A_2355 : i32
        %add3A_2357 = arith.constant 15 : i32
        %add3A_2358 = arith.addi %mul3A_2356, %add3A_2357 : i32
        %add3A_2359 = vector.broadcast %add3A_2358 : i32 to vector<16xi32>
        %add3A_2360 = arith.addi %iota3A, %add3A_2359 : vector<16xi32>
        %and3A_2361 = arith.constant 63 : i32
        %and3A_2362 = vector.broadcast %and3A_2361 : i32 to vector<16xi32>
        %and3A_2363 = arith.andi %add3A_2360, %and3A_2362 : vector<16xi32>
        %add3A_2364 = arith.addi %get3A_2088, %and3A_2363 : vector<16xi32>
        %gather3A_2365 = tpu.vector_load_idx %arg13[%broadcast_in_dim3A_2069, %add3A_2082, %add3A_2364] : memref<2x128x128xf32, #tpu.memory_space<vmem>>[vector<16xi32>, vector<16xi32>, vector<16xi32>], vector<16xf32>,
        %add3A_2366 = arith.addi %get3A_2094, %and3A_2363 : vector<16xi32>
        %gather3A_2367 = tpu.vector_load_idx %arg14[%broadcast_in_dim3A_2069, %add3A_2082, %add3A_2366] : memref<2x128x128xf32, #tpu.memory_space<vmem>>[vector<16xi32>, vector<16xi32>, vector<16xi32>], vector<16xf32>,
        %mul3A_2368 = arith.mulf %gather3A_2365, %gather3A_2367 : vector<16xf32>
        %add3A_2369 = arith.addf %add3A_2309, %mul3A_2368 : vector<16xf32>
        %mul3A_2370 = arith.constant 32 : i32
        %mul3A_2371 = arith.muli %scan3A_2126, %mul3A_2370 : i32
        %add3A_2372 = arith.constant 16 : i32
        %add3A_2373 = arith.addi %mul3A_2371, %add3A_2372 : i32
        %add3A_2374 = vector.broadcast %add3A_2373 : i32 to vector<16xi32>
        %add3A_2375 = arith.addi %iota3A, %add3A_2374 : vector<16xi32>
        %and3A_2376 = arith.constant 63 : i32
        %and3A_2377 = vector.broadcast %and3A_2376 : i32 to vector<16xi32>
        %and3A_2378 = arith.andi %add3A_2375, %and3A_2377 : vector<16xi32>
        %add3A_2379 = arith.addi %get3A_2088, %and3A_2378 : vector<16xi32>
        %gather3A_2380 = tpu.vector_load_idx %arg13[%broadcast_in_dim3A_2069, %add3A_2082, %add3A_2379] : memref<2x128x128xf32, #tpu.memory_space<vmem>>[vector<16xi32>, vector<16xi32>, vector<16xi32>], vector<16xf32>,
        %add3A_2381 = arith.addi %get3A_2094, %and3A_2378 : vector<16xi32>
        %gather3A_2382 = tpu.vector_load_idx %arg14[%broadcast_in_dim3A_2069, %add3A_2082, %add3A_2381] : memref<2x128x128xf32, #tpu.memory_space<vmem>>[vector<16xi32>, vector<16xi32>, vector<16xi32>], vector<16xf32>,
        %mul3A_2383 = arith.mulf %gather3A_2380, %gather3A_2382 : vector<16xf32>
        %add3A_2384 = arith.addf %add3A_2324, %mul3A_2383 : vector<16xf32>
        %mul3A_2385 = arith.constant 32 : i32
        %mul3A_2386 = arith.muli %scan3A_2126, %mul3A_2385 : i32
        %add3A_2387 = arith.constant 17 : i32
        %add3A_2388 = arith.addi %mul3A_2386, %add3A_2387 : i32
        %add3A_2389 = vector.broadcast %add3A_2388 : i32 to vector<16xi32>
        %add3A_2390 = arith.addi %iota3A, %add3A_2389 : vector<16xi32>
        %and3A_2391 = arith.constant 63 : i32
        %and3A_2392 = vector.broadcast %and3A_2391 : i32 to vector<16xi32>
        %and3A_2393 = arith.andi %add3A_2390, %and3A_2392 : vector<16xi32>
        %add3A_2394 = arith.addi %get3A_2088, %and3A_2393 : vector<16xi32>
        %gather3A_2395 = tpu.vector_load_idx %arg13[%broadcast_in_dim3A_2069, %add3A_2082, %add3A_2394] : memref<2x128x128xf32, #tpu.memory_space<vmem>>[vector<16xi32>, vector<16xi32>, vector<16xi32>], vector<16xf32>,
        %add3A_2396 = arith.addi %get3A_2094, %and3A_2393 : vector<16xi32>
        %gather3A_2397 = tpu.vector_load_idx %arg14[%broadcast_in_dim3A_2069, %add3A_2082, %add3A_2396] : memref<2x128x128xf32, #tpu.memory_space<vmem>>[vector<16xi32>, vector<16xi32>, vector<16xi32>], vector<16xf32>,
        %mul3A_2398 = arith.mulf %gather3A_2395, %gather3A_2397 : vector<16xf32>
        %add3A_2399 = arith.addf %add3A_2339, %mul3A_2398 : vector<16xf32>
        %mul3A_2400 = arith.constant 32 : i32
        %mul3A_2401 = arith.muli %scan3A_2126, %mul3A_2400 : i32
        %add3A_2402 = arith.constant 18 : i32
        %add3A_2403 = arith.addi %mul3A_2401, %add3A_2402 : i32
        %add3A_2404 = vector.broadcast %add3A_2403 : i32 to vector<16xi32>
        %add3A_2405 = arith.addi %iota3A, %add3A_2404 : vector<16xi32>
        %and3A_2406 = arith.constant 63 : i32
        %and3A_2407 = vector.broadcast %and3A_2406 : i32 to vector<16xi32>
        %and3A_2408 = arith.andi %add3A_2405, %and3A_2407 : vector<16xi32>
        %add3A_2409 = arith.addi %get3A_2088, %and3A_2408 : vector<16xi32>
        %gather3A_2410 = tpu.vector_load_idx %arg13[%broadcast_in_dim3A_2069, %add3A_2082, %add3A_2409] : memref<2x128x128xf32, #tpu.memory_space<vmem>>[vector<16xi32>, vector<16xi32>, vector<16xi32>], vector<16xf32>,
        %add3A_2411 = arith.addi %get3A_2094, %and3A_2408 : vector<16xi32>
        %gather3A_2412 = tpu.vector_load_idx %arg14[%broadcast_in_dim3A_2069, %add3A_2082, %add3A_2411] : memref<2x128x128xf32, #tpu.memory_space<vmem>>[vector<16xi32>, vector<16xi32>, vector<16xi32>], vector<16xf32>,
        %mul3A_2413 = arith.mulf %gather3A_2410, %gather3A_2412 : vector<16xf32>
        %add3A_2414 = arith.addf %add3A_2354, %mul3A_2413 : vector<16xf32>
        %mul3A_2415 = arith.constant 32 : i32
        %mul3A_2416 = arith.muli %scan3A_2126, %mul3A_2415 : i32
        %add3A_2417 = arith.constant 19 : i32
        %add3A_2418 = arith.addi %mul3A_2416, %add3A_2417 : i32
        %add3A_2419 = vector.broadcast %add3A_2418 : i32 to vector<16xi32>
        %add3A_2420 = arith.addi %iota3A, %add3A_2419 : vector<16xi32>
        %and3A_2421 = arith.constant 63 : i32
        %and3A_2422 = vector.broadcast %and3A_2421 : i32 to vector<16xi32>
        %and3A_2423 = arith.andi %add3A_2420, %and3A_2422 : vector<16xi32>
        %add3A_2424 = arith.addi %get3A_2088, %and3A_2423 : vector<16xi32>
        %gather3A_2425 = tpu.vector_load_idx %arg13[%broadcast_in_dim3A_2069, %add3A_2082, %add3A_2424] : memref<2x128x128xf32, #tpu.memory_space<vmem>>[vector<16xi32>, vector<16xi32>, vector<16xi32>], vector<16xf32>,
        %add3A_2426 = arith.addi %get3A_2094, %and3A_2423 : vector<16xi32>
        %gather3A_2427 = tpu.vector_load_idx %arg14[%broadcast_in_dim3A_2069, %add3A_2082, %add3A_2426] : memref<2x128x128xf32, #tpu.memory_space<vmem>>[vector<16xi32>, vector<16xi32>, vector<16xi32>], vector<16xf32>,
        %mul3A_2428 = arith.mulf %gather3A_2425, %gather3A_2427 : vector<16xf32>
        %add3A_2429 = arith.addf %add3A_2369, %mul3A_2428 : vector<16xf32>
        %mul3A_2430 = arith.constant 32 : i32
        %mul3A_2431 = arith.muli %scan3A_2126, %mul3A_2430 : i32
        %add3A_2432 = arith.constant 20 : i32
        %add3A_2433 = arith.addi %mul3A_2431, %add3A_2432 : i32
        %add3A_2434 = vector.broadcast %add3A_2433 : i32 to vector<16xi32>
        %add3A_2435 = arith.addi %iota3A, %add3A_2434 : vector<16xi32>
        %and3A_2436 = arith.constant 63 : i32
        %and3A_2437 = vector.broadcast %and3A_2436 : i32 to vector<16xi32>
        %and3A_2438 = arith.andi %add3A_2435, %and3A_2437 : vector<16xi32>
        %add3A_2439 = arith.addi %get3A_2088, %and3A_2438 : vector<16xi32>
        %gather3A_2440 = tpu.vector_load_idx %arg13[%broadcast_in_dim3A_2069, %add3A_2082, %add3A_2439] : memref<2x128x128xf32, #tpu.memory_space<vmem>>[vector<16xi32>, vector<16xi32>, vector<16xi32>], vector<16xf32>,
        %add3A_2441 = arith.addi %get3A_2094, %and3A_2438 : vector<16xi32>
        %gather3A_2442 = tpu.vector_load_idx %arg14[%broadcast_in_dim3A_2069, %add3A_2082, %add3A_2441] : memref<2x128x128xf32, #tpu.memory_space<vmem>>[vector<16xi32>, vector<16xi32>, vector<16xi32>], vector<16xf32>,
        %mul3A_2443 = arith.mulf %gather3A_2440, %gather3A_2442 : vector<16xf32>
        %add3A_2444 = arith.addf %add3A_2384, %mul3A_2443 : vector<16xf32>
        %mul3A_2445 = arith.constant 32 : i32
        %mul3A_2446 = arith.muli %scan3A_2126, %mul3A_2445 : i32
        %add3A_2447 = arith.constant 21 : i32
        %add3A_2448 = arith.addi %mul3A_2446, %add3A_2447 : i32
        %add3A_2449 = vector.broadcast %add3A_2448 : i32 to vector<16xi32>
        %add3A_2450 = arith.addi %iota3A, %add3A_2449 : vector<16xi32>
        %and3A_2451 = arith.constant 63 : i32
        %and3A_2452 = vector.broadcast %and3A_2451 : i32 to vector<16xi32>
        %and3A_2453 = arith.andi %add3A_2450, %and3A_2452 : vector<16xi32>
        %add3A_2454 = arith.addi %get3A_2088, %and3A_2453 : vector<16xi32>
        %gather3A_2455 = tpu.vector_load_idx %arg13[%broadcast_in_dim3A_2069, %add3A_2082, %add3A_2454] : memref<2x128x128xf32, #tpu.memory_space<vmem>>[vector<16xi32>, vector<16xi32>, vector<16xi32>], vector<16xf32>,
        %add3A_2456 = arith.addi %get3A_2094, %and3A_2453 : vector<16xi32>
        %gather3A_2457 = tpu.vector_load_idx %arg14[%broadcast_in_dim3A_2069, %add3A_2082, %add3A_2456] : memref<2x128x128xf32, #tpu.memory_space<vmem>>[vector<16xi32>, vector<16xi32>, vector<16xi32>], vector<16xf32>,
        %mul3A_2458 = arith.mulf %gather3A_2455, %gather3A_2457 : vector<16xf32>
        %add3A_2459 = arith.addf %add3A_2399, %mul3A_2458 : vector<16xf32>
        %mul3A_2460 = arith.constant 32 : i32
        %mul3A_2461 = arith.muli %scan3A_2126, %mul3A_2460 : i32
        %add3A_2462 = arith.constant 22 : i32
        %add3A_2463 = arith.addi %mul3A_2461, %add3A_2462 : i32
        %add3A_2464 = vector.broadcast %add3A_2463 : i32 to vector<16xi32>
        %add3A_2465 = arith.addi %iota3A, %add3A_2464 : vector<16xi32>
        %and3A_2466 = arith.constant 63 : i32
        %and3A_2467 = vector.broadcast %and3A_2466 : i32 to vector<16xi32>
        %and3A_2468 = arith.andi %add3A_2465, %and3A_2467 : vector<16xi32>
        %add3A_2469 = arith.addi %get3A_2088, %and3A_2468 : vector<16xi32>
        %gather3A_2470 = tpu.vector_load_idx %arg13[%broadcast_in_dim3A_2069, %add3A_2082, %add3A_2469] : memref<2x128x128xf32, #tpu.memory_space<vmem>>[vector<16xi32>, vector<16xi32>, vector<16xi32>], vector<16xf32>,
        %add3A_2471 = arith.addi %get3A_2094, %and3A_2468 : vector<16xi32>
        %gather3A_2472 = tpu.vector_load_idx %arg14[%broadcast_in_dim3A_2069, %add3A_2082, %add3A_2471] : memref<2x128x128xf32, #tpu.memory_space<vmem>>[vector<16xi32>, vector<16xi32>, vector<16xi32>], vector<16xf32>,
        %mul3A_2473 = arith.mulf %gather3A_2470, %gather3A_2472 : vector<16xf32>
        %add3A_2474 = arith.addf %add3A_2414, %mul3A_2473 : vector<16xf32>
        %mul3A_2475 = arith.constant 32 : i32
        %mul3A_2476 = arith.muli %scan3A_2126, %mul3A_2475 : i32
        %add3A_2477 = arith.constant 23 : i32
        %add3A_2478 = arith.addi %mul3A_2476, %add3A_2477 : i32
        %add3A_2479 = vector.broadcast %add3A_2478 : i32 to vector<16xi32>
        %add3A_2480 = arith.addi %iota3A, %add3A_2479 : vector<16xi32>
        %and3A_2481 = arith.constant 63 : i32
        %and3A_2482 = vector.broadcast %and3A_2481 : i32 to vector<16xi32>
        %and3A_2483 = arith.andi %add3A_2480, %and3A_2482 : vector<16xi32>
        %add3A_2484 = arith.addi %get3A_2088, %and3A_2483 : vector<16xi32>
        %gather3A_2485 = tpu.vector_load_idx %arg13[%broadcast_in_dim3A_2069, %add3A_2082, %add3A_2484] : memref<2x128x128xf32, #tpu.memory_space<vmem>>[vector<16xi32>, vector<16xi32>, vector<16xi32>], vector<16xf32>,
        %add3A_2486 = arith.addi %get3A_2094, %and3A_2483 : vector<16xi32>
        %gather3A_2487 = tpu.vector_load_idx %arg14[%broadcast_in_dim3A_2069, %add3A_2082, %add3A_2486] : memref<2x128x128xf32, #tpu.memory_space<vmem>>[vector<16xi32>, vector<16xi32>, vector<16xi32>], vector<16xf32>,
        %mul3A_2488 = arith.mulf %gather3A_2485, %gather3A_2487 : vector<16xf32>
        %add3A_2489 = arith.addf %add3A_2429, %mul3A_2488 : vector<16xf32>
        %mul3A_2490 = arith.constant 32 : i32
        %mul3A_2491 = arith.muli %scan3A_2126, %mul3A_2490 : i32
        %add3A_2492 = arith.constant 24 : i32
        %add3A_2493 = arith.addi %mul3A_2491, %add3A_2492 : i32
        %add3A_2494 = vector.broadcast %add3A_2493 : i32 to vector<16xi32>
        %add3A_2495 = arith.addi %iota3A, %add3A_2494 : vector<16xi32>
        %and3A_2496 = arith.constant 63 : i32
        %and3A_2497 = vector.broadcast %and3A_2496 : i32 to vector<16xi32>
        %and3A_2498 = arith.andi %add3A_2495, %and3A_2497 : vector<16xi32>
        %add3A_2499 = arith.addi %get3A_2088, %and3A_2498 : vector<16xi32>
        %gather3A_2500 = tpu.vector_load_idx %arg13[%broadcast_in_dim3A_2069, %add3A_2082, %add3A_2499] : memref<2x128x128xf32, #tpu.memory_space<vmem>>[vector<16xi32>, vector<16xi32>, vector<16xi32>], vector<16xf32>,
        %add3A_2501 = arith.addi %get3A_2094, %and3A_2498 : vector<16xi32>
        %gather3A_2502 = tpu.vector_load_idx %arg14[%broadcast_in_dim3A_2069, %add3A_2082, %add3A_2501] : memref<2x128x128xf32, #tpu.memory_space<vmem>>[vector<16xi32>, vector<16xi32>, vector<16xi32>], vector<16xf32>,
        %mul3A_2503 = arith.mulf %gather3A_2500, %gather3A_2502 : vector<16xf32>
        %add3A_2504 = arith.addf %add3A_2444, %mul3A_2503 : vector<16xf32>
        %mul3A_2505 = arith.constant 32 : i32
        %mul3A_2506 = arith.muli %scan3A_2126, %mul3A_2505 : i32
        %add3A_2507 = arith.constant 25 : i32
        %add3A_2508 = arith.addi %mul3A_2506, %add3A_2507 : i32
        %add3A_2509 = vector.broadcast %add3A_2508 : i32 to vector<16xi32>
        %add3A_2510 = arith.addi %iota3A, %add3A_2509 : vector<16xi32>
        %and3A_2511 = arith.constant 63 : i32
        %and3A_2512 = vector.broadcast %and3A_2511 : i32 to vector<16xi32>
        %and3A_2513 = arith.andi %add3A_2510, %and3A_2512 : vector<16xi32>
        %add3A_2514 = arith.addi %get3A_2088, %and3A_2513 : vector<16xi32>
        %gather3A_2515 = tpu.vector_load_idx %arg13[%broadcast_in_dim3A_2069, %add3A_2082, %add3A_2514] : memref<2x128x128xf32, #tpu.memory_space<vmem>>[vector<16xi32>, vector<16xi32>, vector<16xi32>], vector<16xf32>,
        %add3A_2516 = arith.addi %get3A_2094, %and3A_2513 : vector<16xi32>
        %gather3A_2517 = tpu.vector_load_idx %arg14[%broadcast_in_dim3A_2069, %add3A_2082, %add3A_2516] : memref<2x128x128xf32, #tpu.memory_space<vmem>>[vector<16xi32>, vector<16xi32>, vector<16xi32>], vector<16xf32>,
        %mul3A_2518 = arith.mulf %gather3A_2515, %gather3A_2517 : vector<16xf32>
        %add3A_2519 = arith.addf %add3A_2459, %mul3A_2518 : vector<16xf32>
        %mul3A_2520 = arith.constant 32 : i32
        %mul3A_2521 = arith.muli %scan3A_2126, %mul3A_2520 : i32
        %add3A_2522 = arith.constant 26 : i32
        %add3A_2523 = arith.addi %mul3A_2521, %add3A_2522 : i32
        %add3A_2524 = vector.broadcast %add3A_2523 : i32 to vector<16xi32>
        %add3A_2525 = arith.addi %iota3A, %add3A_2524 : vector<16xi32>
        %and3A_2526 = arith.constant 63 : i32
        %and3A_2527 = vector.broadcast %and3A_2526 : i32 to vector<16xi32>
        %and3A_2528 = arith.andi %add3A_2525, %and3A_2527 : vector<16xi32>
        %add3A_2529 = arith.addi %get3A_2088, %and3A_2528 : vector<16xi32>
        %gather3A_2530 = tpu.vector_load_idx %arg13[%broadcast_in_dim3A_2069, %add3A_2082, %add3A_2529] : memref<2x128x128xf32, #tpu.memory_space<vmem>>[vector<16xi32>, vector<16xi32>, vector<16xi32>], vector<16xf32>,
        %add3A_2531 = arith.addi %get3A_2094, %and3A_2528 : vector<16xi32>
        %gather3A_2532 = tpu.vector_load_idx %arg14[%broadcast_in_dim3A_2069, %add3A_2082, %add3A_2531] : memref<2x128x128xf32, #tpu.memory_space<vmem>>[vector<16xi32>, vector<16xi32>, vector<16xi32>], vector<16xf32>,
        %mul3A_2533 = arith.mulf %gather3A_2530, %gather3A_2532 : vector<16xf32>
        %add3A_2534 = arith.addf %add3A_2474, %mul3A_2533 : vector<16xf32>
        %mul3A_2535 = arith.constant 32 : i32
        %mul3A_2536 = arith.muli %scan3A_2126, %mul3A_2535 : i32
        %add3A_2537 = arith.constant 27 : i32
        %add3A_2538 = arith.addi %mul3A_2536, %add3A_2537 : i32
        %add3A_2539 = vector.broadcast %add3A_2538 : i32 to vector<16xi32>
        %add3A_2540 = arith.addi %iota3A, %add3A_2539 : vector<16xi32>
        %and3A_2541 = arith.constant 63 : i32
        %and3A_2542 = vector.broadcast %and3A_2541 : i32 to vector<16xi32>
        %and3A_2543 = arith.andi %add3A_2540, %and3A_2542 : vector<16xi32>
        %add3A_2544 = arith.addi %get3A_2088, %and3A_2543 : vector<16xi32>
        %gather3A_2545 = tpu.vector_load_idx %arg13[%broadcast_in_dim3A_2069, %add3A_2082, %add3A_2544] : memref<2x128x128xf32, #tpu.memory_space<vmem>>[vector<16xi32>, vector<16xi32>, vector<16xi32>], vector<16xf32>,
        %add3A_2546 = arith.addi %get3A_2094, %and3A_2543 : vector<16xi32>
        %gather3A_2547 = tpu.vector_load_idx %arg14[%broadcast_in_dim3A_2069, %add3A_2082, %add3A_2546] : memref<2x128x128xf32, #tpu.memory_space<vmem>>[vector<16xi32>, vector<16xi32>, vector<16xi32>], vector<16xf32>,
        %mul3A_2548 = arith.mulf %gather3A_2545, %gather3A_2547 : vector<16xf32>
        %add3A_2549 = arith.addf %add3A_2489, %mul3A_2548 : vector<16xf32>
        %mul3A_2550 = arith.constant 32 : i32
        %mul3A_2551 = arith.muli %scan3A_2126, %mul3A_2550 : i32
        %add3A_2552 = arith.constant 28 : i32
        %add3A_2553 = arith.addi %mul3A_2551, %add3A_2552 : i32
        %add3A_2554 = vector.broadcast %add3A_2553 : i32 to vector<16xi32>
        %add3A_2555 = arith.addi %iota3A, %add3A_2554 : vector<16xi32>
        %and3A_2556 = arith.constant 63 : i32
        %and3A_2557 = vector.broadcast %and3A_2556 : i32 to vector<16xi32>
        %and3A_2558 = arith.andi %add3A_2555, %and3A_2557 : vector<16xi32>
        %add3A_2559 = arith.addi %get3A_2088, %and3A_2558 : vector<16xi32>
        %gather3A_2560 = tpu.vector_load_idx %arg13[%broadcast_in_dim3A_2069, %add3A_2082, %add3A_2559] : memref<2x128x128xf32, #tpu.memory_space<vmem>>[vector<16xi32>, vector<16xi32>, vector<16xi32>], vector<16xf32>,
        %add3A_2561 = arith.addi %get3A_2094, %and3A_2558 : vector<16xi32>
        %gather3A_2562 = tpu.vector_load_idx %arg14[%broadcast_in_dim3A_2069, %add3A_2082, %add3A_2561] : memref<2x128x128xf32, #tpu.memory_space<vmem>>[vector<16xi32>, vector<16xi32>, vector<16xi32>], vector<16xf32>,
        %mul3A_2563 = arith.mulf %gather3A_2560, %gather3A_2562 : vector<16xf32>
        %add3A_2564 = arith.addf %add3A_2504, %mul3A_2563 : vector<16xf32>
        %mul3A_2565 = arith.constant 32 : i32
        %mul3A_2566 = arith.muli %scan3A_2126, %mul3A_2565 : i32
        %add3A_2567 = arith.constant 29 : i32
        %add3A_2568 = arith.addi %mul3A_2566, %add3A_2567 : i32
        %add3A_2569 = vector.broadcast %add3A_2568 : i32 to vector<16xi32>
        %add3A_2570 = arith.addi %iota3A, %add3A_2569 : vector<16xi32>
        %and3A_2571 = arith.constant 63 : i32
        %and3A_2572 = vector.broadcast %and3A_2571 : i32 to vector<16xi32>
        %and3A_2573 = arith.andi %add3A_2570, %and3A_2572 : vector<16xi32>
        %add3A_2574 = arith.addi %get3A_2088, %and3A_2573 : vector<16xi32>
        %gather3A_2575 = tpu.vector_load_idx %arg13[%broadcast_in_dim3A_2069, %add3A_2082, %add3A_2574] : memref<2x128x128xf32, #tpu.memory_space<vmem>>[vector<16xi32>, vector<16xi32>, vector<16xi32>], vector<16xf32>,
        %add3A_2576 = arith.addi %get3A_2094, %and3A_2573 : vector<16xi32>
        %gather3A_2577 = tpu.vector_load_idx %arg14[%broadcast_in_dim3A_2069, %add3A_2082, %add3A_2576] : memref<2x128x128xf32, #tpu.memory_space<vmem>>[vector<16xi32>, vector<16xi32>, vector<16xi32>], vector<16xf32>,
        %mul3A_2578 = arith.mulf %gather3A_2575, %gather3A_2577 : vector<16xf32>
        %add3A_2579 = arith.addf %add3A_2519, %mul3A_2578 : vector<16xf32>
        %mul3A_2580 = arith.constant 32 : i32
        %mul3A_2581 = arith.muli %scan3A_2126, %mul3A_2580 : i32
        %add3A_2582 = arith.constant 30 : i32
        %add3A_2583 = arith.addi %mul3A_2581, %add3A_2582 : i32
        %add3A_2584 = vector.broadcast %add3A_2583 : i32 to vector<16xi32>
        %add3A_2585 = arith.addi %iota3A, %add3A_2584 : vector<16xi32>
        %and3A_2586 = arith.constant 63 : i32
        %and3A_2587 = vector.broadcast %and3A_2586 : i32 to vector<16xi32>
        %and3A_2588 = arith.andi %add3A_2585, %and3A_2587 : vector<16xi32>
        %add3A_2589 = arith.addi %get3A_2088, %and3A_2588 : vector<16xi32>
        %gather3A_2590 = tpu.vector_load_idx %arg13[%broadcast_in_dim3A_2069, %add3A_2082, %add3A_2589] : memref<2x128x128xf32, #tpu.memory_space<vmem>>[vector<16xi32>, vector<16xi32>, vector<16xi32>], vector<16xf32>,
        %add3A_2591 = arith.addi %get3A_2094, %and3A_2588 : vector<16xi32>
        %gather3A_2592 = tpu.vector_load_idx %arg14[%broadcast_in_dim3A_2069, %add3A_2082, %add3A_2591] : memref<2x128x128xf32, #tpu.memory_space<vmem>>[vector<16xi32>, vector<16xi32>, vector<16xi32>], vector<16xf32>,
        %mul3A_2593 = arith.mulf %gather3A_2590, %gather3A_2592 : vector<16xf32>
        %add3A_2594 = arith.addf %add3A_2534, %mul3A_2593 : vector<16xf32>
        %mul3A_2595 = arith.constant 32 : i32
        %mul3A_2596 = arith.muli %scan3A_2126, %mul3A_2595 : i32
        %add3A_2597 = arith.constant 31 : i32
        %add3A_2598 = arith.addi %mul3A_2596, %add3A_2597 : i32
        %add3A_2599 = vector.broadcast %add3A_2598 : i32 to vector<16xi32>
        %add3A_2600 = arith.addi %iota3A, %add3A_2599 : vector<16xi32>
        %and3A_2601 = arith.constant 63 : i32
        %and3A_2602 = vector.broadcast %and3A_2601 : i32 to vector<16xi32>
        %and3A_2603 = arith.andi %add3A_2600, %and3A_2602 : vector<16xi32>
        %add3A_2604 = arith.addi %get3A_2088, %and3A_2603 : vector<16xi32>
        %gather3A_2605 = tpu.vector_load_idx %arg13[%broadcast_in_dim3A_2069, %add3A_2082, %add3A_2604] : memref<2x128x128xf32, #tpu.memory_space<vmem>>[vector<16xi32>, vector<16xi32>, vector<16xi32>], vector<16xf32>,
        %add3A_2606 = arith.addi %get3A_2094, %and3A_2603 : vector<16xi32>
        %gather3A_2607 = tpu.vector_load_idx %arg14[%broadcast_in_dim3A_2069, %add3A_2082, %add3A_2606] : memref<2x128x128xf32, #tpu.memory_space<vmem>>[vector<16xi32>, vector<16xi32>, vector<16xi32>], vector<16xf32>,
        %mul3A_2608 = arith.mulf %gather3A_2605, %gather3A_2607 : vector<16xf32>
        %add3A_2609 = arith.addf %add3A_2549, %mul3A_2608 : vector<16xf32>
        scf.yield %add3A_2564, %add3A_2579, %add3A_2594, %add3A_2609 : vector<16xf32>, vector<16xf32>, vector<16xf32>, vector<16xf32>
      }
      %scan3A_2108 = arith.constant 2 : i32
      %add3A_2109 = arith.addf %scan3A_2107#0, %scan3A_2107#1 : vector<16xf32>
      %add3A_2110 = arith.addf %scan3A_2107#2, %scan3A_2107#3 : vector<16xf32>
      %add3A_2111 = arith.addf %add3A_2109, %add3A_2110 : vector<16xf32>
      %neg3A = arith.constant 0.000000e+00 : f32
      %neg3A_2112 = vector.broadcast %neg3A : f32 to vector<16xf32>
      %neg3A_2113 = arith.subf %neg3A_2112, %add3A_2111 : vector<16xf32>
      %exp3A = math.exp %neg3A_2113 : vector<16xf32>
      %add3A_2114 = arith.constant 1.000000e+00 : f32
      %add3A_2115 = vector.broadcast %add3A_2114 : f32 to vector<16xf32>
      %add3A_2116 = arith.addf %add3A_2115, %exp3A : vector<16xf32>
      %div3A = arith.constant 1.000000e+00 : f32
      %div3A_2117 = vector.broadcast %div3A : f32 to vector<16xf32>
      %div3A_2118 = arith.divf %div3A_2117, %add3A_2116 : vector<16xf32>
      %mul3A_2119 = arith.constant 16 : i32
      %mul3A_2120 = arith.muli %scan3A_2077, %mul3A_2119 : i32
      %add3A_2121 = arith.constant 384 : i32
      %add3A_2122 = arith.addi %add3A_2121, %mul3A_2120 : i32
      %swap3A_2123 = arith.index_cast %add3A_2122 : i32 to index
      %swap3A_2124 = tpu.vector_load %arg15[%swap3A_2123] {strides = array<i32>} : memref<512xf32, #tpu.memory_space<vmem>>, vector<16xf32>,
      tpu.vector_store %arg15[%swap3A_2123], %div3A_2118 {strides = array<i32>} : memref<512xf32, #tpu.memory_space<vmem>>, vector<16xf32>,
      %scan3A_2125 = arith.constant 0 : i32
      scf.yield %scan3A_2125 : i32
    }
    %scan3A_2076 = arith.constant 8 : i32
    "tpu.region"() ({
      %run_scoped3A = tpu.sem_alloc : memref<!tpu.dma_semaphore, #tpu.memory_space<semaphore_mem>>
      %dma_start3A_2077 = tpu.memref_slice %arg6[%mul3A_2] : memref<16384xf32, #tpu.memory_space<hbm>> -> memref<512xf32, #tpu.memory_space<hbm>>
      %dma_start3A_2078 = tpu.memref_slice %arg6[%mul3A_2] : memref<16384xf32, #tpu.memory_space<hbm>> -> memref<512xf32, #tpu.memory_space<hbm>>
      tpu.enqueue_dma source(%arg15 : memref<512xf32, #tpu.memory_space<vmem>>) target(%dma_start3A_2078 : memref<512xf32, #tpu.memory_space<hbm>>) target_semaphore(%run_scoped3A : memref<!tpu.dma_semaphore, #tpu.memory_space<semaphore_mem>>)
      %dma_wait3A_2079 = tpu.memref_slice %arg6[%mul3A_2] : memref<16384xf32, #tpu.memory_space<hbm>> -> memref<512xf32, #tpu.memory_space<hbm>>
      %dma_wait3A_2080 = tpu.memref_slice %arg6[%mul3A_2] : memref<16384xf32, #tpu.memory_space<hbm>> -> memref<512xf32, #tpu.memory_space<hbm>>
      tpu.wait_dma2 semaphore(%run_scoped3A : memref<!tpu.dma_semaphore, #tpu.memory_space<semaphore_mem>>) src(%arg15 : memref<512xf32, #tpu.memory_space<vmem>>) dst(%dma_wait3A_2080 : memref<512xf32, #tpu.memory_space<hbm>>)
      tpu.yield
    }) : () -> ()
    return
  }
}

module attributes {stable_mosaic.version = 14 : i64} {
  func.func @_convert_body(%arg0: i32, %arg1: memref<2x16384xi32, #tpu.memory_space<vmem>>, %arg2: memref<64x8192xf32, #tpu.memory_space<vmem>>, %arg3: memref<64x8192xf32, #tpu.memory_space<vmem>>, %arg4: memref<16384xi32, #tpu.memory_space<vmem>>, %arg5: memref<16384xi32, #tpu.memory_space<vmem>>, %arg6: memref<4096x128xf32, #tpu.memory_space<vmem>>, %arg7: memref<4096x128xf32, #tpu.memory_space<vmem>>) attributes {dimension_semantics = [#tpu.dimension_semantics<arbitrary>], iteration_bounds = array<i64: 13>, scalar_prefetch = 0 : i64, scratch_operands = 0 : i64, tpu.core_type = #tpu.core_type<tc>, window_params = [{pipeline_mode = #tpu.pipeline_mode<synchronous>, transform_indices = @transform_0, window_bounds = array<i64: 2, 16384>}, {transform_indices = @transform_1, window_bounds = array<i64: 64, 8192>}, {transform_indices = @transform_2, window_bounds = array<i64: 64, 8192>}, {pipeline_mode = #tpu.pipeline_mode<synchronous>, transform_indices = @transform_3, window_bounds = array<i64: 16384>}, {pipeline_mode = #tpu.pipeline_mode<synchronous>, transform_indices = @transform_4, window_bounds = array<i64: 16384>}, {transform_indices = @transform_5, window_bounds = array<i64: 4096, 128>}, {transform_indices = @transform_6, window_bounds = array<i64: 4096, 128>}]} {
    %iota3A = tpu.iota {dimensions = array<i32: 0>} : vector<128x128xi32>
    %iota3A_0 = tpu.iota {dimensions = array<i32: 1>} : vector<128x128xi32>
    %eq3A = arith.cmpi eq, %iota3A, %iota3A_0 : vector<128x128xi32>
    %convert_element_type3A = arith.extui %eq3A : vector<128x128xi1> to vector<128x128xi32>
    %convert_element_type3A_1 = arith.sitofp %convert_element_type3A : vector<128x128xi32> to vector<128x128xf32>
    %get3A = arith.constant 0 : index
    %get3A_2 = arith.constant 0 : index
    %get3A_3 = vector.load %arg2[%get3A, %get3A_2] : memref<64x8192xf32, #tpu.memory_space<vmem>>, vector<64x8192xf32>
    %get3A_4 = arith.constant 0 : index
    %get3A_5 = arith.constant 0 : index
    %get3A_6 = vector.load %arg3[%get3A_4, %get3A_5] : memref<64x8192xf32, #tpu.memory_space<vmem>>, vector<64x8192xf32>
    %concatenate3A = tpu.concatenate %get3A_3, %get3A_6 in 0 : vector<64x8192xf32>, vector<64x8192xf32> -> vector<128x8192xf32>
    %dot_general3A = arith.constant dense<0.000000e+00> : vector<8192x128xf32>
    %dot_general3A_7 = tpu.matmul %concatenate3A, %convert_element_type3A_1, %dot_general3A {dimension_numbers = #tpu.dot_dimension_numbers<[0], [0], [1], [1], [0, 1, 1, 1], [], []>, transpose_lhs_hint = true} : vector<128x8192xf32>, vector<128x128xf32>, vector<8192x128xf32> -> vector<8192x128xf32>
    %slice3A = vector.extract_strided_slice %dot_general3A_7 {offsets = [0, 0], sizes = [4096, 64], strides = [1, 1]} : vector<8192x128xf32> to vector<4096x64xf32>
    %swap3A = arith.constant 0 : index
    %swap3A_8 = arith.constant 0 : index
    %swap3A_9 = vector.load %arg6[%swap3A, %swap3A_8] : memref<4096x128xf32, #tpu.memory_space<vmem>>, vector<4096x64xf32>
    tpu.vector_store %arg6[%swap3A, %swap3A_8], %slice3A {strides = array<i32>} : memref<4096x128xf32, #tpu.memory_space<vmem>>, vector<4096x64xf32>,
    %slice3A_10 = vector.extract_strided_slice %dot_general3A_7 {offsets = [4096, 0], sizes = [4096, 64], strides = [1, 1]} : vector<8192x128xf32> to vector<4096x64xf32>
    %swap3A_11 = arith.constant 0 : index
    %swap3A_12 = arith.constant 64 : index
    %swap3A_13 = vector.load %arg6[%swap3A_11, %swap3A_12] : memref<4096x128xf32, #tpu.memory_space<vmem>>, vector<4096x64xf32>
    tpu.vector_store %arg6[%swap3A_11, %swap3A_12], %slice3A_10 {strides = array<i32>} : memref<4096x128xf32, #tpu.memory_space<vmem>>, vector<4096x64xf32>,
    %slice3A_14 = vector.extract_strided_slice %dot_general3A_7 {offsets = [0, 64], sizes = [4096, 64], strides = [1, 1]} : vector<8192x128xf32> to vector<4096x64xf32>
    %swap3A_15 = arith.constant 0 : index
    %swap3A_16 = arith.constant 0 : index
    %swap3A_17 = vector.load %arg7[%swap3A_15, %swap3A_16] : memref<4096x128xf32, #tpu.memory_space<vmem>>, vector<4096x64xf32>
    tpu.vector_store %arg7[%swap3A_15, %swap3A_16], %slice3A_14 {strides = array<i32>} : memref<4096x128xf32, #tpu.memory_space<vmem>>, vector<4096x64xf32>,
    %slice3A_18 = vector.extract_strided_slice %dot_general3A_7 {offsets = [4096, 64], sizes = [4096, 64], strides = [1, 1]} : vector<8192x128xf32> to vector<4096x64xf32>
    %swap3A_19 = arith.constant 0 : index
    %swap3A_20 = arith.constant 64 : index
    %swap3A_21 = vector.load %arg7[%swap3A_19, %swap3A_20] : memref<4096x128xf32, #tpu.memory_space<vmem>>, vector<4096x64xf32>
    tpu.vector_store %arg7[%swap3A_19, %swap3A_20], %slice3A_18 {strides = array<i32>} : memref<4096x128xf32, #tpu.memory_space<vmem>>, vector<4096x64xf32>,
    %eq3A_22 = arith.constant 0 : i32
    %eq3A_23 = arith.cmpi eq, %arg0, %eq3A_22 : i32
    %convert_element_type3A_24 = arith.extui %eq3A_23 : i1 to i32
    %cond3A = arith.constant 0 : i32
    %cond3A_25 = arith.cmpi ne, %convert_element_type3A_24, %cond3A : i32
    scf.if %cond3A_25 {
      %get3A_26 = arith.constant 0 : index
      %get3A_27 = arith.constant 0 : index
      %get3A_28 = vector.load %arg1[%get3A_26, %get3A_27] : memref<2x16384xi32, #tpu.memory_space<vmem>>, vector<1x16384xi32>
      %get3A_29 = vector.shape_cast %get3A_28 : vector<1x16384xi32> to vector<16384xi32>
      %swap3A_30 = arith.constant 0 : index
      %swap3A_31 = vector.load %arg4[%swap3A_30] : memref<16384xi32, #tpu.memory_space<vmem>>, vector<16384xi32>
      tpu.vector_store %arg4[%swap3A_30], %get3A_29 {strides = array<i32>} : memref<16384xi32, #tpu.memory_space<vmem>>, vector<16384xi32>,
      %get3A_32 = arith.constant 1 : index
      %get3A_33 = arith.constant 0 : index
      %get3A_34 = vector.load %arg1[%get3A_32, %get3A_33] : memref<2x16384xi32, #tpu.memory_space<vmem>>, vector<1x16384xi32>
      %get3A_35 = vector.shape_cast %get3A_34 : vector<1x16384xi32> to vector<16384xi32>
      %swap3A_36 = arith.constant 0 : index
      %swap3A_37 = vector.load %arg5[%swap3A_36] : memref<16384xi32, #tpu.memory_space<vmem>>, vector<16384xi32>
      tpu.vector_store %arg5[%swap3A_36], %get3A_35 {strides = array<i32>} : memref<16384xi32, #tpu.memory_space<vmem>>, vector<16384xi32>,
    } else {
    }
    return
  }
  func.func @transform_0(%arg0: i32) -> (i32, i32) {
    %c0_i32 = arith.constant 0 : i32
    %c0_i32_0 = arith.constant 0 : i32
    %c0_i32_1 = arith.constant 0 : i32
    return %c0_i32, %c0_i32_0 : i32, i32
  }
  func.func @transform_1(%arg0: i32) -> (i32, i32) {
    %c0_i32 = arith.constant 0 : i32
    %c0_i32_0 = arith.constant 0 : i32
    return %c0_i32, %arg0 : i32, i32
  }
  func.func @transform_2(%arg0: i32) -> (i32, i32) {
    %c0_i32 = arith.constant 0 : i32
    %c0_i32_0 = arith.constant 0 : i32
    return %c0_i32, %arg0 : i32, i32
  }
  func.func @transform_3(%arg0: i32) -> i32 {
    %c0_i32 = arith.constant 0 : i32
    %c0_i32_0 = arith.constant 0 : i32
    return %c0_i32 : i32
  }
  func.func @transform_4(%arg0: i32) -> i32 {
    %c0_i32 = arith.constant 0 : i32
    %c0_i32_0 = arith.constant 0 : i32
    return %c0_i32 : i32
  }
  func.func @transform_5(%arg0: i32) -> (i32, i32) {
    %c0_i32 = arith.constant 0 : i32
    %c0_i32_0 = arith.constant 0 : i32
    return %arg0, %c0_i32 : i32, i32
  }
  func.func @transform_6(%arg0: i32) -> (i32, i32) {
    %c0_i32 = arith.constant 0 : i32
    %c0_i32_0 = arith.constant 0 : i32
    return %arg0, %c0_i32 : i32, i32
  }
}

</mosaic_0001>

<sc_bundles>
// kernel: kernel.4.cloned.1.call-start
scs
__scs_entry_jumppad:
0x0: {  	(pc) =	sbr.rel $0x88, $3  }
0x1: {  	(tag) =	ssettag $0x0;
	lr =	simm.s32 $0x1  }
0x2: {  	[smem:$0x3F9E] =	sst lr;
	_ =	strace $0xD0000000  }
0x3: {  	_ = 	snop  }
0x4: {  	_ = 	snop  }
0x5: {  	_ = 	snop  }
0x6: {  	_ = 	snop  }
0x7: {  	_ = 	snop  }
__scs_overlays_trampoline_lowered:
0x8: {  	[smem:$0x3FAD] =	sst s0  }
0x9: {  	[smem:$0x3FAE] =	sst s1  }
0xa: {  	[smem:$0x3FAF] =	sst s2  }
0xb: {  	[smem:$0x3FB0] =	sst s3  }
0xc: {  	[smem:$0x3FB1] =	sst s4  }
0xd: {  	[smem:$0x3FB2] =	sst s5  }
0xe: {  	[smem:$0x3FB3] =	sst s6  }
0xf: {  	[smem:$0x3FB4] =	sst s7  }
0x10: {  	[smem:$0x3FB5] =	sst s8  }
0x11: {  	[smem:$0x3FB6] =	sst s9;
	s0 =	simm.s32 @!p0 $0x0  }
0x12: {  	s1 =	sld [smem:$0x3F9C];
	s0 =	simm.s32 @p0 $0x1  }
0x13: {  	[smem:$0x3FB7] =	sst s0;
	s0 =	simm.s32 @!p1 $0x0  }
0x14: {  	s2 =	sld [smem:$0x3F9B];
	s0 =	simm.s32 @p1 $0x1  }
0x15: {  	[smem:$0x3FB8] =	sst s0;
	s0 =	simm.s32 @!p2 $0x0  }
0x16: {  	s3 =	sld [smem:$0x3FDB];
	s0 =	simm.s32 @p2 $0x1  }
0x17: {  	s4 =	simm.s32 $0x1BF5;
	[smem:$0x3FBA] =	sst s0  }
0x18: {  	s0 =	sld [smem:$0x3F9D];
	_ =	swait.ge [sflag:s4], $0x0  }
0x19: {  	s7 =	sld [smem:$0x3F9E]  }
0x1a: {  	s8 =	sadd.s32 $0xFFFFE003, lr  }
0x1b: {  	s9 =	sadd.s32 $0xFFFFFEF7, lr;
	s5 =	simm.s32 $0xFFFFFFFF;
	p2 =	slt.u32 s8, $0xFFFFF086  }
0x1c: {  	p1 =	slt.u32 s9, $0xF7A;
	s5 =	simm.s32 @!p2 $0x0  }
0x1d: {  	s5 =	simm.s32 @p1 $0x1;
	p0 =	seq.s32 s7, s2  }
0x1e: {  	s7 =	smul.u32 @!p0 $0xF7A, s2;
	p2 =	seq.s32 @!p0 s5, $0x0  }
0x1f: {  	s9 =	smul.u32 $0xF7A, s1;
	s8 =	simm.s32 @!p0 $0x1BF5;
	p2 =	por !p2, p0  }
0x20: {  	[sflag:s8] =	ssyncset.s32 @!p0 $0xFFFFF086;
	s6 =	sadd.s32 @!p0 s3, s7;
	s7 =	simm.s32 @!p0 $0x108  }
0x21: {  	s3 =	sadd.s32 s3, s9;
	s6 =	sadd.s32 @!p0 $0x88, s6;
	s7 =	simm.s32 @p2 $0x1082  }
0x22: {  	[simem:s7], [sflag:s8] =	dma.local @!p0 [hbm:s6], $0xF7A  }
0x23: {  	s9 =	sor.u32 $0xD0000000, s2;
	s6 =	simm.s32 $0x108;
	_ =	swait.ge @!p0 [sflag:s8], $0x0  }
0x24: {  	s3 =	sadd.s32 $0x88, s3;
	s6 =	simm.s32 @!p1 $0x1082;
	[sflag:s4] =	ssyncset.s32 $0xFFFFF086  }
0x25: {  	[simem:s6], [sflag:s4] =	dma.local [hbm:s3], $0xF7A  }
0x26: {  	[smem:$0x3F9E] =	sst s1;
	(tag) =	ssettag s2;
	_ =	strace s9  }
0x27: {  	s1 =	sld [smem:$0x3FAE]  }
0x28: {  	s2 =	sld [smem:$0x3FAF]  }
0x29: {  	s4 =	sld [smem:$0x3FB1]  }
0x2a: {  	p0 =	seq.s32 s5, $0x0;
	s5 =	sld [smem:$0x3FB2]  }
0x2b: {  	s6 =	sld [smem:$0x3FB3]  }
0x2c: {  	s7 =	sld [smem:$0x3FB4]  }
0x2d: {  	s3 =	simm.s32 $0x108;
	s8 =	sld [smem:$0x3FB5]  }
0x2e: {  	s3 =	simm.s32 @!p0 $0x1082;
	s9 =	sld [smem:$0x3FB6]  }
0x2f: {  	lr =	sadd.s32 s0, s3;
	s0 =	sld [smem:$0x3FAD]  }
0x30: {  	s3 =	sld [smem:$0x3FB0]  }
0x31: {  	[smem:$0x3FB9] =	sst s10  }
0x32: {  	s10 =	sld [smem:$0x3FB7];
	_ =	sdelay $0x3  }
0x33: {  	p0 =	seq.s32 s10, $0x1;
	s10 =	sld [smem:$0x3FB9];
	_ =	sdelay $0x3  }
0x34: {  	[smem:$0x3FB9] =	sst s10  }
0x35: {  	s10 =	sld [smem:$0x3FB8];
	_ =	sdelay $0x3  }
0x36: {  	p1 =	seq.s32 s10, $0x1;
	s10 =	sld [smem:$0x3FB9];
	_ =	sdelay $0x3  }
0x37: {  	[smem:$0x3FB9] =	sst s10  }
0x38: {  	s10 =	sld [smem:$0x3FBA]  }
0x39: {  	_ = 	snop;
	(pc) =	sbr.ind lr, $3  }
0x3a: {  	_ = 	snop  }
0x3b: {  	_ = 	snop  }
0x3c: {  	p2 =	seq.s32 s10, $0x1;
	s10 =	sld [smem:$0x3FB9]  }
0x3d: {  	_ =	shalt  }
0x3e: {  	_ =	shalt  }
0x3f: {  	_ =	shalt  }
0x40: {  	_ =	shalt  }
0x41: {  	_ =	shalt  }
0x42: {  	_ =	shalt  }
0x43: {  	_ =	shalt  }
0x44: {  	_ =	shalt  }
0x45: {  	_ =	shalt  }
0x46: {  	_ =	shalt  }
0x47: {  	_ =	shalt  }
0x48: {  	_ =	shalt  }
0x49: {  	_ =	shalt  }
0x4a: {  	_ =	shalt  }
0x4b: {  	_ =	shalt  }
0x4c: {  	_ =	shalt  }
0x4d: {  	_ =	shalt  }
0x4e: {  	_ =	shalt  }
0x4f: {  	_ =	shalt  }
0x50: {  	_ =	shalt  }
0x51: {  	_ =	shalt  }
0x52: {  	_ =	shalt  }
0x53: {  	_ =	shalt  }
0x54: {  	_ =	shalt  }
0x55: {  	_ =	shalt  }
0x56: {  	_ =	shalt  }
0x57: {  	_ =	shalt  }
0x58: {  	_ =	shalt  }
0x59: {  	_ =	shalt  }
0x5a: {  	_ =	shalt  }
0x5b: {  	_ =	shalt  }
0x5c: {  	_ =	shalt  }
0x5d: {  	_ =	shalt  }
0x5e: {  	_ =	shalt  }
0x5f: {  	_ =	shalt  }
0x60: {  	_ =	shalt  }
0x61: {  	_ =	shalt  }
0x62: {  	_ =	shalt  }
0x63: {  	_ =	shalt  }
0x64: {  	_ =	shalt  }
0x65: {  	_ =	shalt  }
0x66: {  	_ =	shalt  }
0x67: {  	_ =	shalt  }
0x68: {  	_ =	shalt  }
0x69: {  	_ =	shalt  }
0x6a: {  	_ =	shalt  }
0x6b: {  	_ =	shalt  }
0x6c: {  	_ =	shalt  }
0x6d: {  	_ =	shalt  }
0x6e: {  	_ =	shalt  }
0x6f: {  	_ =	shalt  }
0x70: {  	_ =	shalt  }
0x71: {  	_ =	shalt  }
0x72: {  	_ =	shalt  }
0x73: {  	_ =	shalt  }
0x74: {  	_ =	shalt  }
0x75: {  	_ =	shalt  }
0x76: {  	_ =	shalt  }
0x77: {  	_ =	shalt  }
0x78: {  	_ =	shalt  }
0x79: {  	_ =	shalt  }
0x7a: {  	_ =	shalt  }
0x7b: {  	_ =	shalt  }
0x7c: {  	_ =	shalt  }
0x7d: {  	_ =	shalt  }
0x7e: {  	_ =	shalt  }
0x7f: {  	_ =	shalt  }
0x80: {  	_ =	shalt  }
0x81: {  	_ =	shalt  }
0x82: {  	_ =	shalt  }
0x83: {  	_ =	shalt  }
0x84: {  	_ =	shalt  }
0x85: {  	_ =	shalt  }
0x86: {  	_ =	shalt  }
0x87: {  	_ =	shalt  }
.Lfunc_end0:
.L_simem_size_0:
called_computation_lowered:
.L_overlay_start_0:
0x88: {  	s2 =	sld [smem:$0x3FD9]  }
0x89: {  	s3 =	sld [smem:$0x3FFE];
	_ =	sdelay $0x1  }
0x8a: {  	s1 =	srdreg.scid  }
0x8b: {  	s0 =	sand.u32 $0x1, s1  }
0x8c: {  	s17 =	sshll.u32 s0, $0xA;
	s2 =	sadd.s32 s3, s2  }
0x8d: {  	s2 =	sadd.s32 s2, s17  }
0x8e: {  	[smem:$0x3FC5] =	sst s2  }
0x8f: {  	_ = 	snop  }
0x90: {  	s2 =	sld [smem:$0x3FD0];
	(tm) =	ssettm $0x1  }
0x91: {  	s18 =	sld [smem:$0x3FFB];
	_ =	sdelay $0x3  }
0x92: {  	_ =	strace s18  }
0x93: {  	s3 =	sld [smem:$0x3FFC];
	_ =	sdelay $0x3  }
0x94: {  	_ =	strace s3  }
0x95: {  	s3 =	sld [smem:$0x3FFD];
	_ =	sdelay $0x3  }
0x96: {  	_ =	strace s3  }
0x97: {  	_ =	strace $0x8FFFFFFF  }
0x98: {  	s19 =	sld [smem:$0x3FDB];
	_ =	sdelay $0x1  }
0x99: {  	s4 =	simm.s32 $_scs_section_size  }
0x9a: {  	s5 =	simm.s32 $_size__tile_overlayer_lowered;
	s6 =	simm.s32 $_tile_overlayer_lowered  }
0x9b: {  	s22 =	simm.s32 $0x1BFF;
	s21 =	sshll.u32 s6, $0x1;
	s3 =	sadd.s32 s4, s19  }
0x9c: {  	s7 =	simm.s32 $0x0;
	s20 =	sshll.u32 s5, $0x1;
	s5 =	sadd.s32 s21, s3  }
0x9d: {  	[timem:s7], [sflag:s22] =	dma.local [hbm:s5], s20  }
0x9e: {  	_ =	swait.ge [sflag:s22], s20  }
0x9f: {  	s4 =	ssub.s32 $0x0, s20;
	[sflag:s22] =	ssyncset.done $0x0  }
0xa0: {  	[sflag:s22] =	ssyncadd.s32 s4;
	_ =	sdelay $0x1  }
0xa1: {  	s23 =	simm.s32 $0x1B8B  }
0xa2: {  	_ =	swait.ge [sflag:s23], $0x1  }
0xa3: {  	[sflag:s23] =	ssyncset.done $0x0  }
0xa4: {  	s25 =	simm.s32 $0x1B8E;
	s24 =	sld [smem:$0x3FFE];
	[sflag:s23] =	ssyncadd.s32 $0xFFFFFFFF  }
0xa5: {  	s26 =	simm.s32 $execute0_lowered;
	[smem:$0x3FD2] =	sst s25  }
0xa6: {  	s5 =	sshll.u32 s26, $0x1;
	_ =	strace $0x80000046;
	[dreg:$0x1] =	wrdreg $0xFFFFFFFF  }
0xa7: {  	s28 =	simm.s32 $_size_execute0_lowered;
	s3 =	sadd.s32 s3, s5;
	[dreg:$0x0] =	wrdreg $0x0  }
0xa8: {  	s5 =	sshll.u32 s28, $0x1;
	[dreg:$0x2] =	wrdreg s3  }
0xa9: {  	[dreg:$0x3] =	wrdreg s5  }
0xaa: {  	[dreg:$0x4] =	wrdreg $0xC0  }
0xab: {  	_ =	task [dreg:s7], $0x5FFFF  }
0xac: {  	[dreg:$0x1] =	wrdreg $0xFFFFFFFF  }
0xad: {  	[dreg:$0x0] =	wrdreg $0x60  }
0xae: {  	[dreg:$0x2] =	wrdreg s24  }
0xaf: {  	[dreg:$0x3] =	wrdreg s2  }
0xb0: {  	[dreg:$0x4] =	wrdreg $0x9  }
0xb1: {  	_ =	task.clear_ibuf [dreg:s7], $0x5FFFF;
	_ =	strace $0x90000046  }
0xb2: {  	s29 =	simm.s32 $0x9;
	_ =	strace $0x80000048  }
0xb3: {  	_ =	swait.ge [sflag:s29], $0x1  }
0xb4: {  	[sflag:s29] =	ssyncadd.s32 $0xFFFFFFFF  }
0xb5: {  	_ =	strace $0x90000048  }
0xb6: {  	_ =	sfence  }
0xb7: {  	s30 =	sld [smem:$0x0];
	_ =	sdelay $0x2  }
0xb8: {  	s31 =	sshll.u32 s1, $0xD;
	s1 =	sshrl.u32 s1, $0x2  }
0xb9: {  	s3 =	sand.u32 $0x4000, s31;
	s1 =	sadd.s32 s1, s30  }
0xba: {  	s0 =	sor.u32 s3, s0;
	s1 =	sshll.u32 s1, $0x11  }
0xbb: {  	s0 =	sor.u32 s1, s0  }
0xbc: {  	s0 =	sadd.s32 $0x8F2B, s0  }
0xbd: {  	[sflag:s0] =	ssyncadd.remote.s32 $0x1  }
0xbe: {  	_ =	sfence.sel $0xFFFF  }
0xbf: {  	[dreg:$0x0] =	wrdreg $0xFFFFFFFF;
	(pc) =	sbr.abs _section_cstart, $3  }
0xc0: {  	[dreg:$0x1] =	wrdreg $0xFFFFFFFF  }
0xc1: {  	_ =	task.clear_ibuf [dreg:s7], $0x2FFFF;
	_ =	strace $0x9FFFFFFF  }
0xc2: {  	(tm) =	ssettm $0x7FFFFFFF  }
0xc3: {  	_ =	shalt  }
tec
execute0_lowered:
.L_overlay_start_1:
0x0: {  	(tag) =	ssettag $0x1  }
0x1: {  	s4 =	rddreg [dreg:$0x0]  }
0x2: {  	s7 =	rddreg [dreg:$0x1]  }
0x3: {  	s2 =	srdreg.scid;
	s1 =	stileid.u32  }
0x4: {  	s10 =	simm.s32 $0x200;
	s11 =	simm.s32 $0x80;
	s12 =	simm.s32 $0x400  }
0x5: {  	s13 =	simm.s32 $0xC00;
	s14 =	simm.s32 $0x600;
	s15 =	simm.s32 $0x8C00  }
0x6: {  	s16 =	simm.s32 $0x480;
	s17 =	simm.s32 $0x4C00;
	s18 =	simm.s32 $0x680  }
0x7: {  	s19 =	simm.s32 $0xCC00;
	s20 =	simm.s32 $0x1;
	s21 =	simm.s32 $0x500  }
0x8: {  	s22 =	simm.s32 $0x700;
	s23 =	simm.s32 $0x2;
	s24 =	simm.s32 $0x580  }
0x9: {  	s25 =	simm.s32 $0x780;
	s26 =	simm.s32 $0x10C00;
	s28 =	simm.s32 $0x0  }
0xa: {  	s3 =	sand.u32 $0x1, s2;
	s2 =	simm.s32 $0x0;
	s5 =	sshll.u32 s1, $0x7  }
0xb: {  	s6 =	sshll.u32 s3, $0x6;
	[smem:$0x7FF] =	sst s2;
	s31 =	ssub.s32 $0x2, s3  }
0xc: {  	s3 =	sadd.s32 $0xC00, s4;
	s8 =	sor.u32 s6, s5;
	_ =	strace $0x80000047  }
0xd: {  	s9 =	sshrl.u32 s31, $0x1;
	s6 =	sadd.s32 s8, s4;
	s4 =	sadd.s32 $0xD0C00, s4  }
0xe: {  	s9 =	ssub.s32 s31, s9;
	s7 =	sadd.s32 s7, s8;
	s5 =	sadd.s32 $0x1A0C00, s6  }
0xf: {  	v0 =	vlaneseq.u32;
	s6 =	sadd.s32 $0x1A1400, s6;
	s8 =	smax.u32 s9, $0x1;
	s9 =	simm.s32 $0x3  }
.LBB2_1:
0x10: {  	[tilespmem:s2], [sflag:$0x3] =	stream.linear.gather [hbm4b:s5+s2], $0x200, $0x38;
	[tilespmem:$0x10E00] =	vst v63  }
0x11: {  	_ =	swait.ge [sflag:s9], $0x200  }
0x12: {  	[sflag:s9] =	ssyncset.done $0x0  }
0x13: {  	[sflag:s9] =	ssyncadd.s32 $0xFFFFFE00  }
0x14: {  	[tilespmem:s10], [sflag:$0x3] =	stream.linear.gather [hbm4b:s6+s2], $0x200, $0x38;
	[tilespmem:$0x10E00] =	vst v63  }
0x15: {  	_ =	swait.ge [sflag:s9], $0x200  }
0x16: {  	[sflag:s9] =	ssyncset.done $0x0  }
0x17: {  	[sflag:s9] =	ssyncadd.s32 $0xFFFFFE00  }
0x18: {  	v1 =	vld [tilespmem:$0x0]  }
0x19: {  	v2 =	vld [tilespmem:$0x200];
	_ =	sdelay $0x1  }
0x1a: {  	v3 =	vld [tilespmem:$0x10];
	_ =	sdelay $0x1  }
0x1b: {  	v5 =	vld [tilespmem:$0x210];
	v4 =	vshra.s32 v1, $0x1  }
0x1c: {  	v6 =	vand.u32 $0xFFF, v1;
	v7 =	vshra.s32 v2, $0x1;
	v1 =	vshrl.u32 v1, $0x6  }
0x1d: {  	v21 =	vand.u32 $0xFFF, v2;
	v2 =	vshrl.u32 v2, $0x6;
	v1 =	vand.u32 $0x40, v1  }
0x1e: {  	v23 =	vld [tilespmem:$0x20];
	v24 =	vshra.s32 v3, $0x1;
	v4 =	vand.u32 $0xFFFFF000, v4;
	v2 =	vand.u32 $0x40, v2;
	[tilespmem:$0x800] =	vst v1  }
0x1f: {  	v25 =	vld [tilespmem:$0x220];
	v26 =	vand.u32 $0xFFF, v3;
	v20 =	vand.u32 $0xFFFFF000, v7;
	v4 =	vor.u32 v6, v4;
	[tilespmem:$0xA00] =	vst v2  }
0x20: {  	v8 =	vshra.s32 v5, $0x1;
	v22 =	vor.u32 v21, v20;
	v1 =	vand.u32 $0xFFFFF000, v24;
	[tilespmem:$0x400] =	vst v4  }
0x21: {  	v27 =	vand.u32 $0xFFF, v5;
	v2 =	vand.u32 $0xFFFFF000, v8;
	[tilespmem:$0x600] =	vst v22;
	v1 =	vor.u32 v26, v1  }
0x22: {  	v28 =	vld [tilespmem:$0x30];
	[tilespmem:$0x410] =	vst v1;
	v1 =	vor.u32 v27, v2;
	v2 =	vshrl.u32 v3, $0x6;
	v3 =	vshrl.u32 v5, $0x6  }
0x23: {  	v29 =	vld [tilespmem:$0x230];
	[tilespmem:$0x610] =	vst v1;
	v1 =	vand.u32 $0x40, v2;
	v2 =	vand.u32 $0x40, v3;
	v3 =	vshra.s32 v23, $0x1  }
0x24: {  	v30 =	vshra.s32 v25, $0x1;
	[tilespmem:$0x810] =	vst v1;
	v1 =	vand.u32 $0xFFFFF000, v3;
	v3 =	vand.u32 $0xFFF, v23  }
0x25: {  	[tilespmem:$0xA10] =	vst v2;
	v2 =	vand.u32 $0xFFFFF000, v30;
	v1 =	vor.u32 v3, v1;
	v3 =	vand.u32 $0xFFF, v25  }
0x26: {  	v31 =	vld [tilespmem:$0x40];
	[tilespmem:$0x420] =	vst v1;
	v1 =	vor.u32 v3, v2;
	v2 =	vshrl.u32 v23, $0x6;
	v3 =	vshrl.u32 v25, $0x6  }
0x27: {  	v32 =	vld [tilespmem:$0x240];
	[tilespmem:$0x620] =	vst v1;
	v1 =	vand.u32 $0x40, v2;
	v2 =	vand.u32 $0x40, v3;
	v3 =	vshra.s32 v28, $0x1  }
0x28: {  	v33 =	vshra.s32 v29, $0x1;
	[tilespmem:$0x820] =	vst v1;
	v1 =	vand.u32 $0xFFFFF000, v3;
	v3 =	vand.u32 $0xFFF, v28  }
0x29: {  	[tilespmem:$0xA20] =	vst v2;
	v2 =	vand.u32 $0xFFFFF000, v33;
	v1 =	vor.u32 v3, v1;
	v3 =	vand.u32 $0xFFF, v29  }
0x2a: {  	v34 =	vld [tilespmem:$0x50];
	[tilespmem:$0x430] =	vst v1;
	v1 =	vor.u32 v3, v2;
	v2 =	vshrl.u32 v28, $0x6;
	v3 =	vshrl.u32 v29, $0x6  }
0x2b: {  	v35 =	vld [tilespmem:$0x250];
	[tilespmem:$0x630] =	vst v1;
	v1 =	vand.u32 $0x40, v2;
	v2 =	vand.u32 $0x40, v3;
	v3 =	vshra.s32 v31, $0x1  }
0x2c: {  	v36 =	vshra.s32 v32, $0x1;
	[tilespmem:$0x830] =	vst v1;
	v1 =	vand.u32 $0xFFFFF000, v3;
	v3 =	vand.u32 $0xFFF, v31  }
0x2d: {  	[tilespmem:$0xA30] =	vst v2;
	v2 =	vand.u32 $0xFFFFF000, v36;
	v1 =	vor.u32 v3, v1;
	v3 =	vand.u32 $0xFFF, v32  }
0x2e: {  	v37 =	vld [tilespmem:$0x60];
	[tilespmem:$0x440] =	vst v1;
	v1 =	vor.u32 v3, v2;
	v2 =	vshrl.u32 v31, $0x6;
	v3 =	vshrl.u32 v32, $0x6  }
0x2f: {  	v38 =	vld [tilespmem:$0x260];
	[tilespmem:$0x640] =	vst v1;
	v1 =	vand.u32 $0x40, v2;
	v2 =	vand.u32 $0x40, v3;
	v3 =	vshra.s32 v34, $0x1  }
0x30: {  	v39 =	vshra.s32 v35, $0x1;
	[tilespmem:$0x840] =	vst v1;
	v1 =	vand.u32 $0xFFFFF000, v3;
	v3 =	vand.u32 $0xFFF, v34  }
0x31: {  	[tilespmem:$0xA40] =	vst v2;
	v2 =	vand.u32 $0xFFFFF000, v39;
	v1 =	vor.u32 v3, v1;
	v3 =	vand.u32 $0xFFF, v35  }
0x32: {  	v40 =	vld [tilespmem:$0x70];
	[tilespmem:$0x450] =	vst v1;
	v1 =	vor.u32 v3, v2;
	v2 =	vshrl.u32 v34, $0x6;
	v3 =	vshrl.u32 v35, $0x6  }
0x33: {  	v41 =	vld [tilespmem:$0x270];
	[tilespmem:$0x650] =	vst v1;
	v1 =	vand.u32 $0x40, v2;
	v2 =	vand.u32 $0x40, v3;
	v3 =	vshra.s32 v37, $0x1  }
0x34: {  	v42 =	vshra.s32 v38, $0x1;
	[tilespmem:$0x850] =	vst v1;
	v1 =	vand.u32 $0xFFFFF000, v3;
	v3 =	vand.u32 $0xFFF, v37  }
0x35: {  	[tilespmem:$0xA50] =	vst v2;
	v2 =	vand.u32 $0xFFFFF000, v42;
	v1 =	vor.u32 v3, v1;
	v3 =	vand.u32 $0xFFF, v38  }
0x36: {  	v43 =	vld [tilespmem:$0x80];
	[tilespmem:$0x460] =	vst v1;
	v1 =	vor.u32 v3, v2;
	v2 =	vshrl.u32 v37, $0x6;
	v3 =	vshrl.u32 v38, $0x6  }
0x37: {  	v44 =	vld [tilespmem:$0x280];
	[tilespmem:$0x660] =	vst v1;
	v1 =	vand.u32 $0x40, v2;
	v2 =	vand.u32 $0x40, v3;
	v3 =	vshra.s32 v40, $0x1  }
0x38: {  	v45 =	vshra.s32 v41, $0x1;
	[tilespmem:$0x860] =	vst v1;
	v1 =	vand.u32 $0xFFFFF000, v3;
	v3 =	vand.u32 $0xFFF, v40  }
0x39: {  	[tilespmem:$0xA60] =	vst v2;
	v2 =	vand.u32 $0xFFFFF000, v45;
	v1 =	vor.u32 v3, v1;
	v3 =	vand.u32 $0xFFF, v41  }
0x3a: {  	v46 =	vld [tilespmem:$0x90];
	[tilespmem:$0x470] =	vst v1;
	v1 =	vor.u32 v3, v2;
	v2 =	vshrl.u32 v40, $0x6;
	v3 =	vshrl.u32 v41, $0x6  }
0x3b: {  	v47 =	vld [tilespmem:$0x290];
	[tilespmem:$0x670] =	vst v1;
	v1 =	vand.u32 $0x40, v2;
	v2 =	vand.u32 $0x40, v3;
	v3 =	vshra.s32 v43, $0x1  }
0x3c: {  	v48 =	vshra.s32 v44, $0x1;
	[tilespmem:$0x870] =	vst v1;
	v1 =	vand.u32 $0xFFFFF000, v3;
	v3 =	vand.u32 $0xFFF, v43  }
0x3d: {  	[tilespmem:$0xA70] =	vst v2;
	v2 =	vand.u32 $0xFFFFF000, v48;
	v1 =	vor.u32 v3, v1;
	v3 =	vand.u32 $0xFFF, v44  }
0x3e: {  	v49 =	vld [tilespmem:$0xA0];
	[tilespmem:$0x480] =	vst v1;
	v1 =	vor.u32 v3, v2;
	v2 =	vshrl.u32 v43, $0x6;
	v3 =	vshrl.u32 v44, $0x6  }
0x3f: {  	v50 =	vld [tilespmem:$0x2A0];
	[tilespmem:$0x680] =	vst v1;
	v1 =	vand.u32 $0x40, v2;
	v2 =	vand.u32 $0x40, v3;
	v3 =	vshra.s32 v46, $0x1  }
0x40: {  	v51 =	vshra.s32 v47, $0x1;
	[tilespmem:$0x880] =	vst v1;
	v1 =	vand.u32 $0xFFFFF000, v3;
	v3 =	vand.u32 $0xFFF, v46  }
0x41: {  	[tilespmem:$0xA80] =	vst v2;
	v2 =	vand.u32 $0xFFFFF000, v51;
	v1 =	vor.u32 v3, v1;
	v3 =	vand.u32 $0xFFF, v47  }
0x42: {  	v52 =	vld [tilespmem:$0xB0];
	[tilespmem:$0x490] =	vst v1;
	v1 =	vor.u32 v3, v2;
	v2 =	vshrl.u32 v46, $0x6;
	v3 =	vshrl.u32 v47, $0x6  }
0x43: {  	v53 =	vld [tilespmem:$0x2B0];
	[tilespmem:$0x690] =	vst v1;
	v1 =	vand.u32 $0x40, v2;
	v2 =	vand.u32 $0x40, v3;
	v3 =	vshra.s32 v49, $0x1  }
0x44: {  	v54 =	vshra.s32 v50, $0x1;
	[tilespmem:$0x890] =	vst v1;
	v1 =	vand.u32 $0xFFFFF000, v3;
	v3 =	vand.u32 $0xFFF, v49  }
0x45: {  	[tilespmem:$0xA90] =	vst v2;
	v2 =	vand.u32 $0xFFFFF000, v54;
	v1 =	vor.u32 v3, v1;
	v3 =	vand.u32 $0xFFF, v50  }
0x46: {  	v55 =	vld [tilespmem:$0xC0];
	[tilespmem:$0x4A0] =	vst v1;
	v1 =	vor.u32 v3, v2;
	v2 =	vshrl.u32 v49, $0x6;
	v3 =	vshrl.u32 v50, $0x6  }
0x47: {  	v56 =	vld [tilespmem:$0x2C0];
	[tilespmem:$0x6A0] =	vst v1;
	v1 =	vand.u32 $0x40, v2;
	v2 =	vand.u32 $0x40, v3;
	v3 =	vshra.s32 v52, $0x1  }
0x48: {  	v57 =	vshra.s32 v53, $0x1;
	[tilespmem:$0x8A0] =	vst v1;
	v1 =	vand.u32 $0xFFFFF000, v3;
	v3 =	vand.u32 $0xFFF, v52  }
0x49: {  	[tilespmem:$0xAA0] =	vst v2;
	v2 =	vand.u32 $0xFFFFF000, v57;
	v1 =	vor.u32 v3, v1;
	v3 =	vand.u32 $0xFFF, v53  }
0x4a: {  	v58 =	vld [tilespmem:$0xD0];
	[tilespmem:$0x4B0] =	vst v1;
	v1 =	vor.u32 v3, v2;
	v2 =	vshrl.u32 v52, $0x6;
	v3 =	vshrl.u32 v53, $0x6  }
0x4b: {  	v59 =	vld [tilespmem:$0x2D0];
	[tilespmem:$0x6B0] =	vst v1;
	v1 =	vand.u32 $0x40, v2;
	v2 =	vand.u32 $0x40, v3;
	v3 =	vshra.s32 v55, $0x1  }
0x4c: {  	v60 =	vshra.s32 v56, $0x1;
	[tilespmem:$0x8B0] =	vst v1;
	v1 =	vand.u32 $0xFFFFF000, v3;
	v3 =	vand.u32 $0xFFF, v55  }
0x4d: {  	[tilespmem:$0xAB0] =	vst v2;
	v2 =	vand.u32 $0xFFFFF000, v60;
	v1 =	vor.u32 v3, v1;
	v3 =	vand.u32 $0xFFF, v56  }
0x4e: {  	v61 =	vld [tilespmem:$0xE0];
	[tilespmem:$0x4C0] =	vst v1;
	v1 =	vor.u32 v3, v2;
	v2 =	vshrl.u32 v55, $0x6;
	v3 =	vshrl.u32 v56, $0x6  }
0x4f: {  	v62 =	vld [tilespmem:$0x2E0];
	[tilespmem:$0x6C0] =	vst v1;
	v1 =	vand.u32 $0x40, v2;
	v2 =	vand.u32 $0x40, v3;
	v3 =	vshra.s32 v58, $0x1  }
0x50: {  	v63 =	vshra.s32 v59, $0x1;
	[tilespmem:$0x8C0] =	vst v1;
	v1 =	vand.u32 $0xFFFFF000, v3;
	v3 =	vand.u32 $0xFFF, v58  }
0x51: {  	[tilespmem:$0xAC0] =	vst v2;
	v2 =	vand.u32 $0xFFFFF000, v63;
	v1 =	vor.u32 v3, v1;
	v3 =	vand.u32 $0xFFF, v59  }
0x52: {  	v12 =	vld [tilespmem:$0xF0];
	[tilespmem:$0x4D0] =	vst v1;
	v1 =	vor.u32 v3, v2;
	v2 =	vshrl.u32 v58, $0x6;
	v3 =	vshrl.u32 v59, $0x6  }
0x53: {  	v13 =	vld [tilespmem:$0x2F0];
	[tilespmem:$0x6D0] =	vst v1;
	v1 =	vand.u32 $0x40, v2;
	v2 =	vand.u32 $0x40, v3;
	v3 =	vshra.s32 v61, $0x1  }
0x54: {  	v14 =	vshra.s32 v62, $0x1;
	[tilespmem:$0x8D0] =	vst v1;
	v1 =	vand.u32 $0xFFFFF000, v3;
	v3 =	vand.u32 $0xFFF, v61  }
0x55: {  	[tilespmem:$0xAD0] =	vst v2;
	v2 =	vand.u32 $0xFFFFF000, v14;
	v1 =	vor.u32 v3, v1;
	v3 =	vand.u32 $0xFFF, v62  }
0x56: {  	v15 =	vld [tilespmem:$0x100];
	[tilespmem:$0x4E0] =	vst v1;
	v1 =	vor.u32 v3, v2;
	v2 =	vshrl.u32 v61, $0x6;
	v3 =	vshrl.u32 v62, $0x6  }
0x57: {  	v16 =	vld [tilespmem:$0x300];
	[tilespmem:$0x6E0] =	vst v1;
	v1 =	vand.u32 $0x40, v2;
	v2 =	vand.u32 $0x40, v3;
	v3 =	vshra.s32 v12, $0x1  }
0x58: {  	v17 =	vshra.s32 v13, $0x1;
	[tilespmem:$0x8E0] =	vst v1;
	v1 =	vand.u32 $0xFFFFF000, v3;
	v3 =	vand.u32 $0xFFF, v12  }
0x59: {  	[tilespmem:$0xAE0] =	vst v2;
	v2 =	vand.u32 $0xFFFFF000, v17;
	v1 =	vor.u32 v3, v1;
	v3 =	vand.u32 $0xFFF, v13  }
0x5a: {  	v18 =	vld [tilespmem:$0x110];
	[tilespmem:$0x4F0] =	vst v1;
	v1 =	vor.u32 v3, v2;
	v2 =	vshrl.u32 v12, $0x6;
	v3 =	vshrl.u32 v13, $0x6  }
0x5b: {  	v19 =	vld [tilespmem:$0x310];
	[tilespmem:$0x6F0] =	vst v1;
	v1 =	vand.u32 $0x40, v2;
	v2 =	vand.u32 $0x40, v3;
	v3 =	vshra.s32 v15, $0x1  }
0x5c: {  	v20 =	vshra.s32 v16, $0x1;
	[tilespmem:$0x8F0] =	vst v1;
	v1 =	vand.u32 $0xFFFFF000, v3;
	v3 =	vand.u32 $0xFFF, v15  }
0x5d: {  	[tilespmem:$0xAF0] =	vst v2;
	v2 =	vand.u32 $0xFFFFF000, v20;
	v1 =	vor.u32 v3, v1;
	v3 =	vand.u32 $0xFFF, v16  }
0x5e: {  	v21 =	vld [tilespmem:$0x120];
	[tilespmem:$0x500] =	vst v1;
	v1 =	vor.u32 v3, v2;
	v2 =	vshrl.u32 v15, $0x6;
	v3 =	vshrl.u32 v16, $0x6  }
0x5f: {  	v22 =	vld [tilespmem:$0x320];
	[tilespmem:$0x700] =	vst v1;
	v1 =	vand.u32 $0x40, v2;
	v2 =	vand.u32 $0x40, v3;
	v3 =	vshra.s32 v18, $0x1  }
0x60: {  	v23 =	vshra.s32 v19, $0x1;
	[tilespmem:$0x900] =	vst v1;
	v1 =	vand.u32 $0xFFFFF000, v3;
	v3 =	vand.u32 $0xFFF, v18  }
0x61: {  	[tilespmem:$0xB00] =	vst v2;
	v2 =	vand.u32 $0xFFFFF000, v23;
	v1 =	vor.u32 v3, v1;
	v3 =	vand.u32 $0xFFF, v19  }
0x62: {  	v24 =	vld [tilespmem:$0x130];
	[tilespmem:$0x510] =	vst v1;
	v1 =	vor.u32 v3, v2;
	v2 =	vshrl.u32 v18, $0x6;
	v3 =	vshrl.u32 v19, $0x6  }
0x63: {  	v25 =	vld [tilespmem:$0x330];
	[tilespmem:$0x710] =	vst v1;
	v1 =	vand.u32 $0x40, v2;
	v2 =	vand.u32 $0x40, v3;
	v3 =	vshra.s32 v21, $0x1  }
0x64: {  	v26 =	vshra.s32 v22, $0x1;
	[tilespmem:$0x910] =	vst v1;
	v1 =	vand.u32 $0xFFFFF000, v3;
	v3 =	vand.u32 $0xFFF, v21  }
0x65: {  	[tilespmem:$0xB10] =	vst v2;
	v2 =	vand.u32 $0xFFFFF000, v26;
	v1 =	vor.u32 v3, v1;
	v3 =	vand.u32 $0xFFF, v22  }
0x66: {  	v27 =	vld [tilespmem:$0x140];
	[tilespmem:$0x520] =	vst v1;
	v1 =	vor.u32 v3, v2;
	v2 =	vshrl.u32 v21, $0x6;
	v3 =	vshrl.u32 v22, $0x6  }
0x67: {  	v28 =	vld [tilespmem:$0x340];
	[tilespmem:$0x720] =	vst v1;
	v1 =	vand.u32 $0x40, v2;
	v2 =	vand.u32 $0x40, v3;
	v3 =	vshra.s32 v24, $0x1  }
0x68: {  	v29 =	vshra.s32 v25, $0x1;
	[tilespmem:$0x920] =	vst v1;
	v1 =	vand.u32 $0xFFFFF000, v3;
	v3 =	vand.u32 $0xFFF, v24  }
0x69: {  	[tilespmem:$0xB20] =	vst v2;
	v2 =	vand.u32 $0xFFFFF000, v29;
	v1 =	vor.u32 v3, v1;
	v3 =	vand.u32 $0xFFF, v25  }
0x6a: {  	v30 =	vld [tilespmem:$0x150];
	[tilespmem:$0x530] =	vst v1;
	v1 =	vor.u32 v3, v2;
	v2 =	vshrl.u32 v24, $0x6;
	v3 =	vshrl.u32 v25, $0x6  }
0x6b: {  	v31 =	vld [tilespmem:$0x350];
	[tilespmem:$0x730] =	vst v1;
	v1 =	vand.u32 $0x40, v2;
	v2 =	vand.u32 $0x40, v3;
	v3 =	vshra.s32 v27, $0x1  }
0x6c: {  	v32 =	vshra.s32 v28, $0x1;
	[tilespmem:$0x930] =	vst v1;
	v1 =	vand.u32 $0xFFFFF000, v3;
	v3 =	vand.u32 $0xFFF, v27  }
0x6d: {  	[tilespmem:$0xB30] =	vst v2;
	v2 =	vand.u32 $0xFFFFF000, v32;
	v1 =	vor.u32 v3, v1;
	v3 =	vand.u32 $0xFFF, v28  }
0x6e: {  	v33 =	vld [tilespmem:$0x160];
	[tilespmem:$0x540] =	vst v1;
	v1 =	vor.u32 v3, v2;
	v2 =	vshrl.u32 v27, $0x6;
	v3 =	vshrl.u32 v28, $0x6  }
0x6f: {  	v34 =	vld [tilespmem:$0x360];
	[tilespmem:$0x740] =	vst v1;
	v1 =	vand.u32 $0x40, v2;
	v2 =	vand.u32 $0x40, v3;
	v3 =	vshra.s32 v30, $0x1  }
0x70: {  	v35 =	vshra.s32 v31, $0x1;
	[tilespmem:$0x940] =	vst v1;
	v1 =	vand.u32 $0xFFFFF000, v3;
	v3 =	vand.u32 $0xFFF, v30  }
0x71: {  	[tilespmem:$0xB40] =	vst v2;
	v2 =	vand.u32 $0xFFFFF000, v35;
	v1 =	vor.u32 v3, v1;
	v3 =	vand.u32 $0xFFF, v31  }
0x72: {  	v36 =	vld [tilespmem:$0x170];
	[tilespmem:$0x550] =	vst v1;
	v1 =	vor.u32 v3, v2;
	v2 =	vshrl.u32 v30, $0x6;
	v3 =	vshrl.u32 v31, $0x6  }
0x73: {  	v37 =	vld [tilespmem:$0x370];
	[tilespmem:$0x750] =	vst v1;
	v1 =	vand.u32 $0x40, v2;
	v2 =	vand.u32 $0x40, v3;
	v3 =	vshra.s32 v33, $0x1  }
0x74: {  	v38 =	vshra.s32 v34, $0x1;
	[tilespmem:$0x950] =	vst v1;
	v1 =	vand.u32 $0xFFFFF000, v3;
	v3 =	vand.u32 $0xFFF, v33  }
0x75: {  	[tilespmem:$0xB50] =	vst v2;
	v2 =	vand.u32 $0xFFFFF000, v38;
	v1 =	vor.u32 v3, v1;
	v3 =	vand.u32 $0xFFF, v34  }
0x76: {  	v39 =	vld [tilespmem:$0x180];
	[tilespmem:$0x560] =	vst v1;
	v1 =	vor.u32 v3, v2;
	v2 =	vshrl.u32 v33, $0x6;
	v3 =	vshrl.u32 v34, $0x6  }
0x77: {  	v40 =	vld [tilespmem:$0x380];
	[tilespmem:$0x760] =	vst v1;
	v1 =	vand.u32 $0x40, v2;
	v2 =	vand.u32 $0x40, v3;
	v3 =	vshra.s32 v36, $0x1  }
0x78: {  	v41 =	vshra.s32 v37, $0x1;
	[tilespmem:$0x960] =	vst v1;
	v1 =	vand.u32 $0xFFFFF000, v3;
	v3 =	vand.u32 $0xFFF, v36  }
0x79: {  	[tilespmem:$0xB60] =	vst v2;
	v2 =	vand.u32 $0xFFFFF000, v41;
	v1 =	vor.u32 v3, v1;
	v3 =	vand.u32 $0xFFF, v37  }
0x7a: {  	v42 =	vld [tilespmem:$0x190];
	[tilespmem:$0x570] =	vst v1;
	v1 =	vor.u32 v3, v2;
	v2 =	vshrl.u32 v36, $0x6;
	v3 =	vshrl.u32 v37, $0x6  }
0x7b: {  	v43 =	vld [tilespmem:$0x390];
	[tilespmem:$0x770] =	vst v1;
	v1 =	vand.u32 $0x40, v2;
	v2 =	vand.u32 $0x40, v3;
	v3 =	vshra.s32 v39, $0x1  }
0x7c: {  	v44 =	vshra.s32 v40, $0x1;
	[tilespmem:$0x970] =	vst v1;
	v1 =	vand.u32 $0xFFFFF000, v3;
	v3 =	vand.u32 $0xFFF, v39  }
0x7d: {  	[tilespmem:$0xB70] =	vst v2;
	v2 =	vand.u32 $0xFFFFF000, v44;
	v1 =	vor.u32 v3, v1;
	v3 =	vand.u32 $0xFFF, v40  }
0x7e: {  	v45 =	vld [tilespmem:$0x1A0];
	[tilespmem:$0x580] =	vst v1;
	v1 =	vor.u32 v3, v2;
	v2 =	vshrl.u32 v39, $0x6;
	v3 =	vshrl.u32 v40, $0x6  }
0x7f: {  	v46 =	vld [tilespmem:$0x3A0];
	[tilespmem:$0x780] =	vst v1;
	v1 =	vand.u32 $0x40, v2;
	v2 =	vand.u32 $0x40, v3;
	v3 =	vshra.s32 v42, $0x1  }
0x80: {  	v47 =	vshra.s32 v43, $0x1;
	[tilespmem:$0x980] =	vst v1;
	v1 =	vand.u32 $0xFFFFF000, v3;
	v3 =	vand.u32 $0xFFF, v42  }
0x81: {  	[tilespmem:$0xB80] =	vst v2;
	v2 =	vand.u32 $0xFFFFF000, v47;
	v1 =	vor.u32 v3, v1;
	v3 =	vand.u32 $0xFFF, v43  }
0x82: {  	v48 =	vld [tilespmem:$0x1B0];
	[tilespmem:$0x590] =	vst v1;
	v1 =	vor.u32 v3, v2;
	v2 =	vshrl.u32 v42, $0x6;
	v3 =	vshrl.u32 v43, $0x6  }
0x83: {  	v49 =	vld [tilespmem:$0x3B0];
	[tilespmem:$0x790] =	vst v1;
	v1 =	vand.u32 $0x40, v2;
	v2 =	vand.u32 $0x40, v3;
	v3 =	vshra.s32 v45, $0x1  }
0x84: {  	v50 =	vshra.s32 v46, $0x1;
	[tilespmem:$0x990] =	vst v1;
	v1 =	vand.u32 $0xFFFFF000, v3;
	v3 =	vand.u32 $0xFFF, v45  }
0x85: {  	[tilespmem:$0xB90] =	vst v2;
	v2 =	vand.u32 $0xFFFFF000, v50;
	v1 =	vor.u32 v3, v1;
	v3 =	vand.u32 $0xFFF, v46  }
0x86: {  	v51 =	vld [tilespmem:$0x1C0];
	[tilespmem:$0x5A0] =	vst v1;
	v1 =	vor.u32 v3, v2;
	v2 =	vshrl.u32 v45, $0x6;
	v3 =	vshrl.u32 v46, $0x6  }
0x87: {  	v52 =	vld [tilespmem:$0x3C0];
	[tilespmem:$0x7A0] =	vst v1;
	v1 =	vand.u32 $0x40, v2;
	v2 =	vand.u32 $0x40, v3;
	v3 =	vshra.s32 v48, $0x1  }
0x88: {  	v53 =	vshra.s32 v49, $0x1;
	[tilespmem:$0x9A0] =	vst v1;
	v1 =	vand.u32 $0xFFFFF000, v3;
	v3 =	vand.u32 $0xFFF, v48  }
0x89: {  	[tilespmem:$0xBA0] =	vst v2;
	v2 =	vand.u32 $0xFFFFF000, v53;
	v1 =	vor.u32 v3, v1;
	v3 =	vand.u32 $0xFFF, v49  }
0x8a: {  	v54 =	vld [tilespmem:$0x1D0];
	[tilespmem:$0x5B0] =	vst v1;
	v1 =	vor.u32 v3, v2;
	v2 =	vshrl.u32 v48, $0x6;
	v3 =	vshrl.u32 v49, $0x6  }
0x8b: {  	v55 =	vld [tilespmem:$0x3D0];
	[tilespmem:$0x7B0] =	vst v1;
	v1 =	vand.u32 $0x40, v2;
	v2 =	vand.u32 $0x40, v3;
	v3 =	vshra.s32 v51, $0x1  }
0x8c: {  	v56 =	vshra.s32 v52, $0x1;
	[tilespmem:$0x9B0] =	vst v1;
	v1 =	vand.u32 $0xFFFFF000, v3;
	v3 =	vand.u32 $0xFFF, v51  }
0x8d: {  	[tilespmem:$0xBB0] =	vst v2;
	v2 =	vand.u32 $0xFFFFF000, v56;
	v1 =	vor.u32 v3, v1;
	v3 =	vand.u32 $0xFFF, v52  }
0x8e: {  	v57 =	vld [tilespmem:$0x1E0];
	[tilespmem:$0x5C0] =	vst v1;
	v1 =	vor.u32 v3, v2;
	v2 =	vshrl.u32 v51, $0x6;
	v3 =	vshrl.u32 v52, $0x6  }
0x8f: {  	v58 =	vld [tilespmem:$0x3E0];
	[tilespmem:$0x7C0] =	vst v1;
	v1 =	vand.u32 $0x40, v2;
	v2 =	vand.u32 $0x40, v3;
	v3 =	vshra.s32 v54, $0x1  }
0x90: {  	v59 =	vshra.s32 v55, $0x1;
	[tilespmem:$0x9C0] =	vst v1;
	v1 =	vand.u32 $0xFFFFF000, v3;
	v3 =	vand.u32 $0xFFF, v54  }
0x91: {  	[tilespmem:$0xBC0] =	vst v2;
	v2 =	vand.u32 $0xFFFFF000, v59;
	v1 =	vor.u32 v3, v1;
	v3 =	vand.u32 $0xFFF, v55  }
0x92: {  	v60 =	vld [tilespmem:$0x1F0];
	[tilespmem:$0x5D0] =	vst v1;
	v1 =	vor.u32 v3, v2;
	v2 =	vshrl.u32 v54, $0x6;
	v3 =	vshrl.u32 v55, $0x6  }
0x93: {  	v61 =	vld [tilespmem:$0x3F0];
	[tilespmem:$0x7D0] =	vst v1;
	v1 =	vand.u32 $0x40, v2;
	v2 =	vand.u32 $0x40, v3;
	v3 =	vshra.s32 v57, $0x1  }
0x94: {  	v62 =	vshra.s32 v58, $0x1;
	[tilespmem:$0x9D0] =	vst v1;
	v1 =	vand.u32 $0xFFFFF000, v3;
	v3 =	vand.u32 $0xFFF, v57  }
0x95: {  	[tilespmem:$0xBD0] =	vst v2;
	v2 =	vand.u32 $0xFFFFF000, v62;
	v1 =	vor.u32 v3, v1;
	v3 =	vand.u32 $0xFFF, v58  }
0x96: {  	[tilespmem:$0x5E0] =	vst v1;
	v1 =	vor.u32 v3, v2;
	v2 =	vshrl.u32 v57, $0x6;
	v3 =	vshrl.u32 v58, $0x6  }
0x97: {  	[tilespmem:$0x7E0] =	vst v1;
	v1 =	vand.u32 $0x40, v2;
	v2 =	vand.u32 $0x40, v3;
	v3 =	vshra.s32 v60, $0x1  }
0x98: {  	v63 =	vshra.s32 v61, $0x1;
	[tilespmem:$0x9E0] =	vst v1;
	v1 =	vand.u32 $0xFFFFF000, v3;
	v3 =	vand.u32 $0xFFF, v60  }
0x99: {  	[tilespmem:$0xBE0] =	vst v2;
	v2 =	vand.u32 $0xFFFFF000, v63;
	v1 =	vor.u32 v3, v1;
	v3 =	vand.u32 $0xFFF, v61  }
0x9a: {  	[tilespmem:$0x5F0] =	vst v1;
	v1 =	vor.u32 v3, v2;
	v2 =	vshrl.u32 v60, $0x6  }
0x9b: {  	[tilespmem:$0x7F0] =	vst v1;
	v1 =	vand.u32 $0x40, v2;
	v2 =	vshrl.u32 v61, $0x6  }
0x9c: {  	[tilespmem:$0x9F0] =	vst v1;
	v1 =	vand.u32 $0x40, v2  }
0x9d: {  	[tilespmem:$0xBF0] =	vst v1  }
0x9e: {  	[tilespmem:s13], [sflag:$0x1] =	stream.indirect.gather [hbm4b:s3+s11], $0x80, s12, s11, $0xb8;
	[tilespmem:$0x10E00] =	vst v63  }
0x9f: {  	_ = 	snop  }
0xa0: {  	[tilespmem:s15], [sflag:$0x1] =	stream.indirect.gather [hbm4b:s4+s11], $0x80, s14, s11, $0xb8;
	[tilespmem:$0x10E00] =	vst v63  }
0xa1: {  	_ = 	snop  }
0xa2: {  	[tilespmem:s17], [sflag:$0x2] =	stream.indirect.gather [hbm4b:s3+s11], $0x80, s16, s11, $0xb8;
	[tilespmem:$0x10E00] =	vst v63  }
0xa3: {  	_ = 	snop  }
0xa4: {  	[tilespmem:s19], [sflag:$0x2] =	stream.indirect.gather [hbm4b:s4+s11], $0x80, s18, s11, $0xb8;
	[tilespmem:$0x10E00] =	vst v63  }
0xa5: {  	_ =	swait.ge [sflag:s20], $0x4000  }
0xa6: {  	[sflag:s20] =	ssyncset.done $0x0  }
0xa7: {  	[sflag:s20] =	ssyncadd.s32 $0xFFFFC000  }
0xa8: {  	_ =	swait.ge [sflag:s20], $0x4000  }
0xa9: {  	[sflag:s20] =	ssyncset.done $0x0  }
0xaa: {  	s29 =	simm.s32 $0x0;
	[sflag:s20] =	ssyncadd.s32 $0xFFFFC000  }
.LBB2_2:
0xab: {  	s30 =	sshll.u32 s29, $0x4  }
0xac: {  	v2 =	vld [tilespmem:s30+$0x800]  }
0xad: {  	v3 =	vld [tilespmem:s30+$0xA00];
	_ =	sdelay $0x1  }
0xae: {  	v1 =	vmul.u32 $0x80, v0  }
0xaf: {  	v7 =	vimm.f32 $0.0e+00;
	v8 =	vimm.f32 $0.0e+00;
	v4 =	vmov s30  }
0xb0: {  	v9 =	vimm.f32 $0.0e+00;
	v10 =	vimm.f32 $0.0e+00;
	v4 =	vshll.u32 v4, $0x7  }
0xb1: {  	s31 =	simm.s32 $0x0;
	p0 =	por $0x1, $0x1;
	v4 =	vor.u32 v1, v4;
	v5 =	vadd.s32 v0, v2;
	v6 =	vadd.s32 v0, v3  }
.LBB2_3:
0xb2: {  	v11 =	vor.u32 s31, v0  }
0xb3: {  	s0 =	sor.u32 $0x1, s31;
	v12 =	vadd.s32 v2, v11  }
0xb4: {  	v11 =	vadd.s32 v3, v11;
	v31 =	vadd.s32 s0, v5;
	v15 =	vadd.s32 s0, v6  }
0xb5: {  	v13 =	vand.u32 $0xFFFFFF80, v12;
	v12 =	vand.u32 $0x7F, v12;
	v14 =	vand.u32 $0xFFFFFF80, v11  }
0xb6: {  	s0 =	sor.u32 $0x2, s31;
	v11 =	vand.u32 $0x7F, v11;
	v32 =	vand.u32 $0xFFFFFF80, v31;
	v34 =	vand.u32 $0xFFFFFF80, v15  }
0xb7: {  	v35 =	vand.u32 $0x7F, v15;
	v36 =	vadd.s32 s0, v5;
	v16 =	vadd.s32 s0, v6  }
0xb8: {  	v13 =	vadd.s32 v4, v13;
	v30 =	vadd.s32 v4, v14;
	v14 =	vadd.s32 v4, v32  }
0xb9: {  	s0 =	sor.u32 $0x3, s31;
	v37 =	vand.u32 $0xFFFFFF80, v36;
	v15 =	vand.u32 $0x7F, v36;
	v17 =	vand.u32 $0xFFFFFF80, v16  }
0xba: {  	v16 =	vand.u32 $0x7F, v16;
	v18 =	vadd.s32 s0, v5;
	v41 =	vadd.s32 s0, v6  }
0xbb: {  	v12 =	vor.u32 v12, v13;
	v11 =	vor.u32 v11, v30;
	v13 =	vand.u32 $0x7F, v31  }
0xbc: {  	s0 =	sor.u32 $0x4, s31;
	v17 =	vadd.s32 v4, v17;
	v39 =	vand.u32 $0xFFFFFF80, v18;
	v40 =	vand.u32 $0x7F, v18  }
0xbd: {  	v42 =	vand.u32 $0xFFFFFF80, v41;
	v19 =	vadd.s32 s0, v5;
	v18 =	vand.u32 $0x7F, v41  }
0xbe: {  	v21 =	vadd.s32 s0, v6;
	v33 =	vor.u32 v13, v14;
	v13 =	vadd.s32 v4, v34  }
0xbf: {  	v14 =	vadd.s32 v4, v37;
	v38 =	vor.u32 v16, v17;
	v16 =	vadd.s32 v4, v39  }
0xc0: {  	s0 =	sor.u32 $0x5, s31;
	v17 =	vadd.s32 v4, v42;
	v20 =	vand.u32 $0xFFFFFF80, v19;
	v19 =	vand.u32 $0x7F, v19  }
0xc1: {  	v44 =	vand.u32 $0xFFFFFF80, v21;
	v45 =	vand.u32 $0x7F, v21;
	v46 =	vadd.s32 s0, v5  }
0xc2: {  	v22 =	vadd.s32 s0, v6;
	v13 =	vor.u32 v35, v13;
	v14 =	vor.u32 v15, v14  }
0xc3: {  	v16 =	vor.u32 v40, v16;
	v20 =	vadd.s32 v4, v20;
	v17 =	vor.u32 v18, v17  }
0xc4: {  	s0 =	sor.u32 $0x6, s31;
	v47 =	vand.u32 $0xFFFFFF80, v46;
	v21 =	vand.u32 $0x7F, v46;
	v23 =	vand.u32 $0xFFFFFF80, v22  }
0xc5: {  	v22 =	vand.u32 $0x7F, v22;
	v24 =	vadd.s32 s0, v5;
	v51 =	vadd.s32 s0, v6  }
0xc6: {  	v43 =	vor.u32 v19, v20;
	v19 =	vadd.s32 v4, v44;
	v20 =	vadd.s32 v4, v47  }
0xc7: {  	s0 =	sor.u32 $0x7, s31;
	v23 =	vadd.s32 v4, v23;
	v49 =	vand.u32 $0xFFFFFF80, v24;
	v50 =	vand.u32 $0x7F, v24  }
0xc8: {  	v52 =	vand.u32 $0xFFFFFF80, v51;
	v25 =	vadd.s32 s0, v5;
	v24 =	vand.u32 $0x7F, v51  }
0xc9: {  	v27 =	vadd.s32 s0, v6;
	v19 =	vor.u32 v45, v19;
	v20 =	vor.u32 v21, v20  }
0xca: {  	v48 =	vor.u32 v22, v23;
	v22 =	vadd.s32 v4, v49;
	v23 =	vadd.s32 v4, v52  }
0xcb: {  	s0 =	sor.u32 $0x8, s31;
	v26 =	vand.u32 $0xFFFFFF80, v25;
	v25 =	vand.u32 $0x7F, v25;
	v54 =	vand.u32 $0xFFFFFF80, v27  }
0xcc: {  	v55 =	vand.u32 $0x7F, v27;
	v56 =	vadd.s32 s0, v5;
	v28 =	vadd.s32 s0, v6  }
0xcd: {  	v22 =	vor.u32 v50, v22;
	v26 =	vadd.s32 v4, v26;
	v23 =	vor.u32 v24, v23  }
0xce: {  	s0 =	sor.u32 $0x9, s31;
	v57 =	vand.u32 $0xFFFFFF80, v56;
	v27 =	vand.u32 $0x7F, v56;
	v29 =	vand.u32 $0xFFFFFF80, v28  }
0xcf: {  	v28 =	vand.u32 $0x7F, v28;
	v30 =	vadd.s32 s0, v5;
	v61 =	vadd.s32 s0, v6  }
0xd0: {  	v12 =	vld.idx.msk [tilespmem:v12+s13+$0x0], $0xffff;
	v53 =	vor.u32 v25, v26;
	v25 =	vadd.s32 v4, v54;
	v26 =	vadd.s32 v4, v57  }
0xd1: {  	v11 =	vld.idx.msk [tilespmem:v11+s15+$0x0], $0xffff;
	s0 =	sor.u32 $0xA, s31;
	v29 =	vadd.s32 v4, v29;
	v59 =	vand.u32 $0xFFFFFF80, v30;
	v60 =	vand.u32 $0x7F, v30  }
0xd2: {  	v15 =	vld.idx.msk [tilespmem:v38+s15+$0x0], $0xffff;
	v62 =	vand.u32 $0xFFFFFF80, v61;
	v31 =	vadd.s32 s0, v5;
	v30 =	vand.u32 $0x7F, v61  }
0xd3: {  	v25 =	vor.u32 v55, v25;
	v14 =	vld.idx.msk [tilespmem:v14+s13+$0x0], $0xffff;
	v26 =	vor.u32 v27, v26;
	v58 =	vor.u32 v28, v29  }
0xd4: {  	v28 =	vadd.s32 v4, v59;
	v16 =	vld.idx.msk [tilespmem:v16+s13+$0x0], $0xffff;
	v29 =	vadd.s32 v4, v62;
	v32 =	vand.u32 $0xFFFFFF80, v31  }
0xd5: {  	v17 =	vld.idx.msk [tilespmem:v17+s15+$0x0], $0xffff;
	v31 =	vand.u32 $0x7F, v31;
	v28 =	vor.u32 v60, v28;
	v32 =	vadd.s32 v4, v32  }
0xd6: {  	v29 =	vor.u32 v30, v29;
	v11 =	vmul.f32 v11, v12;
	v12 =	vld.idx.msk [tilespmem:v33+s13+$0x0], $0xffff;
	v33 =	vadd.s32 s0, v6  }
0xd7: {  	v63 =	vor.u32 v31, v32;
	s0 =	sor.u32 $0xB, s31;
	v40 =	vand.u32 $0xFFFFFF80, v33;
	v41 =	vand.u32 $0x7F, v33  }
0xd8: {  	v42 =	vadd.s32 s0, v5;
	v34 =	vadd.s32 s0, v6;
	v31 =	vadd.s32 v4, v40  }
0xd9: {  	v18 =	vld.idx.msk [tilespmem:v43+s13+$0x0], $0xffff;
	s0 =	sor.u32 $0xC, s31;
	v43 =	vand.u32 $0xFFFFFF80, v42;
	v33 =	vand.u32 $0x7F, v42;
	v35 =	vand.u32 $0xFFFFFF80, v34  }
0xda: {  	v34 =	vand.u32 $0x7F, v34;
	v36 =	vadd.s32 s0, v5;
	v47 =	vadd.s32 s0, v6  }
0xdb: {  	v13 =	vld.idx.msk [tilespmem:v13+s15+$0x0], $0xffff;
	v10 =	vadd.f32 v11, v10;
	v11 =	vmul.f32 v15, v14;
	v59 =	vmul.f32 v17, v16  }
0xdc: {  	v19 =	vld.idx.msk [tilespmem:v19+s15+$0x0], $0xffff;
	v31 =	vor.u32 v41, v31;
	v32 =	vadd.s32 v4, v43;
	v35 =	vadd.s32 v4, v35  }
0xdd: {  	v21 =	vld.idx.msk [tilespmem:v48+s15+$0x0], $0xffff;
	s0 =	sor.u32 $0xD, s31;
	v45 =	vand.u32 $0xFFFFFF80, v36;
	v46 =	vand.u32 $0x7F, v36;
	v48 =	vand.u32 $0xFFFFFF80, v47  }
0xde: {  	v20 =	vld.idx.msk [tilespmem:v20+s13+$0x0], $0xffff;
	v37 =	vadd.s32 s0, v5;
	v36 =	vand.u32 $0x7F, v47;
	v39 =	vadd.s32 s0, v6  }
0xdf: {  	v22 =	vld.idx.msk [tilespmem:v22+s13+$0x0], $0xffff;
	v32 =	vor.u32 v33, v32;
	v44 =	vor.u32 v34, v35;
	v34 =	vadd.s32 v4, v45  }
0xe0: {  	v23 =	vld.idx.msk [tilespmem:v23+s15+$0x0], $0xffff;
	s0 =	sor.u32 $0xE, s31;
	v35 =	vadd.s32 v4, v48;
	v38 =	vand.u32 $0xFFFFFF80, v37;
	v37 =	vand.u32 $0x7F, v37  }
0xe1: {  	v24 =	vld.idx.msk [tilespmem:v53+s13+$0x0], $0xffff;
	v50 =	vand.u32 $0xFFFFFF80, v39;
	v51 =	vand.u32 $0x7F, v39;
	v52 =	vadd.s32 s0, v5  }
0xe2: {  	v25 =	vld.idx.msk [tilespmem:v25+s15+$0x0], $0xffff;
	v40 =	vadd.s32 s0, v6;
	v60 =	vmul.f32 v19, v18;
	v8 =	vadd.f32 v11, v8  }
0xe3: {  	v26 =	vld.idx.msk [tilespmem:v26+s13+$0x0], $0xffff;
	v11 =	vmul.f32 v21, v20;
	v7 =	vadd.f32 v59, v7;
	v34 =	vor.u32 v46, v34  }
0xe4: {  	v28 =	vld.idx.msk [tilespmem:v28+s13+$0x0], $0xffff;
	v38 =	vadd.s32 v4, v38;
	v35 =	vor.u32 v36, v35;
	v53 =	vand.u32 $0xFFFFFF80, v52  }
0xe5: {  	v29 =	vld.idx.msk [tilespmem:v29+s15+$0x0], $0xffff;
	s0 =	sor.u32 $0xF, s31;
	v39 =	vand.u32 $0x7F, v52;
	v41 =	vand.u32 $0xFFFFFF80, v40;
	v54 =	vand.u32 $0x7F, v40  }
0xe6: {  	v27 =	vld.idx.msk [tilespmem:v58+s15+$0x0], $0xffff;
	v12 =	vmul.f32 v13, v12;
	v62 =	vmul.f32 v23, v22;
	v36 =	vadd.s32 s0, v6  }
0xe7: {  	v30 =	vld.idx.msk [tilespmem:v63+s13+$0x0], $0xffff;
	v49 =	vor.u32 v37, v38;
	v37 =	vadd.s32 v4, v50;
	v38 =	vadd.s32 v4, v53  }
0xe8: {  	v55 =	vadd.s32 v4, v41;
	v10 =	vadd.f32 v60, v10;
	v37 =	vor.u32 v51, v37;
	v31 =	vld.idx.msk [tilespmem:v31+s15+$0x0], $0xffff  }
0xe9: {  	v15 =	vand.u32 $0x7F, v36;
	v38 =	vor.u32 v39, v38;
	v9 =	vadd.f32 v12, v9;
	v32 =	vld.idx.msk [tilespmem:v32+s13+$0x0], $0xffff  }
0xea: {  	v57 =	vor.u32 v54, v55;
	v24 =	vmul.f32 v25, v24;
	v29 =	vmul.f32 v29, v28;
	v33 =	vld.idx.msk [tilespmem:v44+s15+$0x0], $0xffff  }
0xeb: {  	v9 =	vadd.f32 v11, v9;
	v11 =	vmul.f32 v27, v26;
	v56 =	vld.idx.msk [tilespmem:v34+s13+$0x0], $0xffff;
	v34 =	vadd.s32 s0, v5  }
0xec: {  	v8 =	vadd.f32 v62, v8;
	v7 =	vadd.f32 v24, v7;
	v58 =	vld.idx.msk [tilespmem:v35+s15+$0x0], $0xffff;
	v35 =	vand.u32 $0xFFFFFF80, v34  }
0xed: {  	s0 =	sor.u32 $0x10, s31;
	v11 =	vadd.f32 v11, v10;
	v10 =	vadd.f32 v29, v9;
	v63 =	vld.idx.msk [tilespmem:v37+s15+$0x0], $0xffff;
	v14 =	vadd.s32 v4, v35  }
0xee: {  	v25 =	vld.idx.msk [tilespmem:v38+s13+$0x0], $0xffff;
	v37 =	vand.u32 $0xFFFFFF80, v36;
	v38 =	vor.u32 s0, v0;
	s0 =	sor.u32 $0x11, s31;
	v31 =	vmul.f32 v31, v30  }
0xef: {  	v39 =	vadd.s32 v2, v38;
	v16 =	vadd.s32 v3, v38;
	v41 =	vadd.s32 s0, v0  }
0xf0: {  	v33 =	vmul.f32 v33, v32;
	v40 =	vand.u32 $0xFFFFFF80, v39;
	v17 =	vand.u32 $0x7F, v39  }
0xf1: {  	s0 =	sor.u32 $0x12, s31;
	v42 =	vand.u32 $0xFFFFFF80, v16;
	v18 =	vand.u32 $0x3F, v41;
	v16 =	vand.u32 $0x7F, v16  }
0xf2: {  	v61 =	vld.idx.msk [tilespmem:v49+s13+$0x0], $0xffff;
	v45 =	vadd.s32 s0, v0;
	v13 =	vmul.f32 v58, v56;
	v9 =	vadd.f32 v31, v8  }
0xf3: {  	v27 =	vld.idx.msk [tilespmem:v57+s15+$0x0], $0xffff;
	s0 =	sor.u32 $0x13, s31;
	v43 =	vadd.s32 v2, v18;
	v18 =	vadd.s32 v3, v18;
	v20 =	vand.u32 $0x3F, v45  }
0xf4: {  	v49 =	vadd.s32 s0, v0;
	v8 =	vadd.f32 v33, v7;
	v44 =	vand.u32 $0xFFFFFF80, v43  }
0xf5: {  	v19 =	vand.u32 $0x7F, v43;
	v46 =	vand.u32 $0xFFFFFF80, v18;
	v18 =	vand.u32 $0x7F, v18  }
0xf6: {  	s0 =	sor.u32 $0x14, s31;
	v47 =	vadd.s32 v2, v20;
	v20 =	vadd.s32 v3, v20;
	v22 =	vand.u32 $0x3F, v49  }
0xf7: {  	v53 =	vadd.s32 s0, v0;
	v7 =	vadd.f32 v13, v11;
	v12 =	vmul.f32 v63, v61  }
0xf8: {  	v11 =	vmul.f32 v27, v25;
	v13 =	vand.u32 $0x7F, v34;
	v48 =	vand.u32 $0xFFFFFF80, v47  }
0xf9: {  	v21 =	vand.u32 $0x7F, v47;
	v50 =	vand.u32 $0xFFFFFF80, v20;
	v20 =	vand.u32 $0x7F, v20  }
0xfa: {  	s0 =	sor.u32 $0x15, s31;
	v51 =	vadd.s32 v2, v22;
	v22 =	vadd.s32 v3, v22;
	v24 =	vand.u32 $0x3F, v53  }
0xfb: {  	v57 =	vadd.s32 s0, v0;
	v13 =	vor.u32 v13, v14;
	v14 =	vadd.s32 v4, v37  }
0xfc: {  	v52 =	vand.u32 $0xFFFFFF80, v51;
	v23 =	vand.u32 $0x7F, v51;
	v54 =	vand.u32 $0xFFFFFF80, v22  }
0xfd: {  	s0 =	sor.u32 $0x16, s31;
	v22 =	vand.u32 $0x7F, v22;
	v55 =	vadd.s32 v2, v24;
	v24 =	vadd.s32 v3, v24  }
0xfe: {  	v26 =	vand.u32 $0x3F, v57;
	v61 =	vadd.s32 s0, v0;
	v14 =	vor.u32 v15, v14  }
0xff: {  	v15 =	vadd.s32 v4, v40;
	v56 =	vand.u32 $0xFFFFFF80, v55;
	v25 =	vand.u32 $0x7F, v55  }
0x100: {  	s0 =	sor.u32 $0x17, s31;
	v58 =	vand.u32 $0xFFFFFF80, v24;
	v24 =	vand.u32 $0x7F, v24;
	v59 =	vadd.s32 v2, v26  }
0x101: {  	v26 =	vadd.s32 v3, v26;
	v28 =	vand.u32 $0x3F, v61;
	v33 =	vadd.s32 s0, v0  }
0x102: {  	v15 =	vor.u32 v17, v15;
	v17 =	vadd.s32 v4, v42;
	v60 =	vand.u32 $0xFFFFFF80, v59  }
0x103: {  	v27 =	vand.u32 $0x7F, v59;
	v62 =	vand.u32 $0xFFFFFF80, v26;
	v26 =	vand.u32 $0x7F, v26  }
0x104: {  	s0 =	sor.u32 $0x18, s31;
	v63 =	vadd.s32 v2, v28;
	v28 =	vadd.s32 v3, v28;
	v30 =	vand.u32 $0x3F, v33  }
0x105: {  	v37 =	vadd.s32 s0, v0;
	v16 =	vor.u32 v16, v17;
	v17 =	vadd.s32 v4, v44  }
0x106: {  	v32 =	vand.u32 $0xFFFFFF80, v63;
	v29 =	vand.u32 $0x7F, v63;
	v34 =	vand.u32 $0xFFFFFF80, v28  }
0x107: {  	v28 =	vand.u32 $0x7F, v28;
	v17 =	vor.u32 v19, v17;
	v19 =	vadd.s32 v4, v46  }
0x108: {  	v35 =	vadd.s32 v2, v30;
	v18 =	vor.u32 v18, v19;
	v19 =	vadd.s32 v4, v48  }
0x109: {  	s0 =	sor.u32 $0x19, s31;
	v30 =	vadd.s32 v3, v30;
	v19 =	vor.u32 v21, v19;
	v21 =	vadd.s32 v4, v50  }
0x10a: {  	v41 =	vadd.s32 s0, v0;
	v20 =	vor.u32 v20, v21;
	v21 =	vadd.s32 v4, v52  }
0x10b: {  	v36 =	vand.u32 $0xFFFFFF80, v35;
	v21 =	vor.u32 v23, v21;
	v23 =	vadd.s32 v4, v54  }
0x10c: {  	v31 =	vand.u32 $0x7F, v35;
	v22 =	vor.u32 v22, v23;
	v23 =	vadd.s32 v4, v56  }
0x10d: {  	v38 =	vand.u32 $0xFFFFFF80, v30;
	v23 =	vor.u32 v25, v23;
	v25 =	vadd.s32 v4, v58  }
0x10e: {  	s0 =	sor.u32 $0x1A, s31;
	v30 =	vand.u32 $0x7F, v30;
	v24 =	vor.u32 v24, v25;
	v25 =	vadd.s32 v4, v60  }
0x10f: {  	v45 =	vadd.s32 s0, v0;
	s0 =	sor.u32 $0x1B, s31;
	v25 =	vor.u32 v27, v25;
	v27 =	vadd.s32 v4, v62  }
0x110: {  	v49 =	vadd.s32 s0, v0;
	s0 =	sor.u32 $0x1C, s31;
	v26 =	vor.u32 v26, v27;
	v27 =	vadd.s32 v4, v32  }
0x111: {  	v53 =	vadd.s32 s0, v0;
	v32 =	vand.u32 $0x3F, v37;
	v27 =	vor.u32 v29, v27  }
0x112: {  	v29 =	vadd.s32 v4, v34;
	v39 =	vadd.s32 v2, v32;
	v32 =	vadd.s32 v3, v32  }
0x113: {  	v34 =	vand.u32 $0x3F, v41;
	v28 =	vor.u32 v28, v29;
	v29 =	vadd.s32 v4, v36  }
0x114: {  	v40 =	vand.u32 $0xFFFFFF80, v39;
	v33 =	vand.u32 $0x7F, v39;
	v42 =	vand.u32 $0xFFFFFF80, v32  }
0x115: {  	v32 =	vand.u32 $0x7F, v32;
	v43 =	vadd.s32 v2, v34;
	v34 =	vadd.s32 v3, v34  }
0x116: {  	v13 =	vld.idx.msk [tilespmem:v13+s13+$0x0], $0xffff;
	v36 =	vand.u32 $0x3F, v45;
	v29 =	vor.u32 v31, v29;
	v31 =	vadd.s32 v4, v38  }
0x117: {  	v14 =	vld.idx.msk [tilespmem:v14+s15+$0x0], $0xffff;
	v44 =	vand.u32 $0xFFFFFF80, v43;
	v35 =	vand.u32 $0x7F, v43;
	v46 =	vand.u32 $0xFFFFFF80, v34  }
0x118: {  	v15 =	vld.idx.msk [tilespmem:v15+s13+$0x0], $0xffff;
	v34 =	vand.u32 $0x7F, v34;
	v47 =	vadd.s32 v2, v36;
	v36 =	vadd.s32 v3, v36  }
0x119: {  	v16 =	vld.idx.msk [tilespmem:v16+s15+$0x0], $0xffff;
	v38 =	vand.u32 $0x3F, v49;
	v30 =	vor.u32 v30, v31;
	v31 =	vadd.s32 v4, v40  }
0x11a: {  	v17 =	vld.idx.msk [tilespmem:v17+s13+$0x0], $0xffff;
	v48 =	vand.u32 $0xFFFFFF80, v47;
	v37 =	vand.u32 $0x7F, v47;
	v50 =	vand.u32 $0xFFFFFF80, v36  }
0x11b: {  	v18 =	vld.idx.msk [tilespmem:v18+s15+$0x0], $0xffff;
	v36 =	vand.u32 $0x7F, v36;
	v51 =	vadd.s32 v2, v38;
	v38 =	vadd.s32 v3, v38  }
0x11c: {  	v19 =	vld.idx.msk [tilespmem:v19+s13+$0x0], $0xffff;
	v40 =	vand.u32 $0x3F, v53;
	v31 =	vor.u32 v33, v31;
	v33 =	vadd.s32 v4, v42  }
0x11d: {  	v20 =	vld.idx.msk [tilespmem:v20+s15+$0x0], $0xffff;
	v52 =	vand.u32 $0xFFFFFF80, v51;
	v39 =	vand.u32 $0x7F, v51;
	v54 =	vand.u32 $0xFFFFFF80, v38  }
0x11e: {  	s0 =	sor.u32 $0x1D, s31;
	v21 =	vld.idx.msk [tilespmem:v21+s13+$0x0], $0xffff;
	v38 =	vand.u32 $0x7F, v38;
	v55 =	vadd.s32 v2, v40;
	v40 =	vadd.s32 v3, v40  }
0x11f: {  	v22 =	vld.idx.msk [tilespmem:v22+s15+$0x0], $0xffff;
	v42 =	vadd.s32 s0, v0;
	v32 =	vor.u32 v32, v33;
	v33 =	vadd.s32 v4, v44  }
0x120: {  	v23 =	vld.idx.msk [tilespmem:v23+s13+$0x0], $0xffff;
	s0 =	sor.u32 $0x1E, s31;
	v56 =	vand.u32 $0xFFFFFF80, v55;
	v41 =	vand.u32 $0x7F, v55;
	v57 =	vand.u32 $0xFFFFFF80, v40  }
0x121: {  	v24 =	vld.idx.msk [tilespmem:v24+s15+$0x0], $0xffff;
	v42 =	vand.u32 $0x3F, v42;
	v40 =	vand.u32 $0x7F, v40;
	v44 =	vadd.s32 s0, v0  }
0x122: {  	v25 =	vld.idx.msk [tilespmem:v25+s13+$0x0], $0xffff;
	s0 =	sor.u32 $0x1F, s31;
	v33 =	vor.u32 v35, v33;
	v35 =	vadd.s32 v4, v46;
	v43 =	vadd.s32 v2, v42  }
0x123: {  	v26 =	vld.idx.msk [tilespmem:v26+s15+$0x0], $0xffff;
	v42 =	vadd.s32 v3, v42;
	v44 =	vand.u32 $0x3F, v44;
	v46 =	vadd.s32 s0, v0  }
0x124: {  	v27 =	vld.idx.msk [tilespmem:v27+s13+$0x0], $0xffff;
	v34 =	vor.u32 v34, v35;
	v35 =	vadd.s32 v4, v48;
	v58 =	vand.u32 $0xFFFFFF80, v43  }
0x125: {  	v28 =	vld.idx.msk [tilespmem:v28+s15+$0x0], $0xffff;
	v43 =	vand.u32 $0x7F, v43;
	v59 =	vand.u32 $0xFFFFFF80, v42;
	v42 =	vand.u32 $0x7F, v42  }
0x126: {  	v29 =	vld.idx.msk [tilespmem:v29+s13+$0x0], $0xffff;
	v45 =	vadd.s32 v2, v44;
	v44 =	vadd.s32 v3, v44;
	v46 =	vand.u32 $0x3F, v46  }
0x127: {  	v35 =	vor.u32 v37, v35;
	v37 =	vadd.s32 v4, v50;
	v30 =	vld.idx.msk [tilespmem:v30+s15+$0x0], $0xffff;
	v47 =	vadd.s32 v2, v46  }
0x128: {  	v46 =	vadd.s32 v3, v46;
	v36 =	vor.u32 v36, v37;
	v37 =	vadd.s32 v4, v52;
	v31 =	vld.idx.msk [tilespmem:v31+s13+$0x0], $0xffff  }
0x129: {  	v48 =	vand.u32 $0xFFFFFF80, v46;
	v37 =	vor.u32 v39, v37;
	v39 =	vadd.s32 v4, v54;
	v32 =	vld.idx.msk [tilespmem:v32+s15+$0x0], $0xffff  }
0x12a: {  	v46 =	vand.u32 $0x7F, v46;
	v63 =	vadd.s32 v4, v48;
	v38 =	vor.u32 v38, v39;
	v33 =	vld.idx.msk [tilespmem:v33+s13+$0x0], $0xffff  }
0x12b: {  	v60 =	vand.u32 $0xFFFFFF80, v45;
	v39 =	vadd.s32 v4, v56;
	v49 =	vor.u32 v46, v63;
	v34 =	vld.idx.msk [tilespmem:v34+s15+$0x0], $0xffff  }
0x12c: {  	v45 =	vand.u32 $0x7F, v45;
	v39 =	vor.u32 v41, v39;
	v41 =	vadd.s32 v4, v57;
	v35 =	vld.idx.msk [tilespmem:v35+s13+$0x0], $0xffff  }
0x12d: {  	v61 =	vand.u32 $0xFFFFFF80, v44;
	v40 =	vor.u32 v40, v41;
	v41 =	vadd.s32 v4, v58;
	v36 =	vld.idx.msk [tilespmem:v36+s15+$0x0], $0xffff  }
0x12e: {  	v44 =	vand.u32 $0x7F, v44;
	v41 =	vor.u32 v43, v41;
	v43 =	vadd.s32 v4, v59;
	v37 =	vld.idx.msk [tilespmem:v37+s13+$0x0], $0xffff  }
0x12f: {  	v62 =	vand.u32 $0xFFFFFF80, v47;
	v42 =	vor.u32 v42, v43;
	v43 =	vadd.s32 v4, v60;
	v38 =	vld.idx.msk [tilespmem:v38+s15+$0x0], $0xffff  }
0x130: {  	v48 =	vmul.f32 v14, v13;
	v43 =	vor.u32 v45, v43;
	v45 =	vadd.s32 v4, v61;
	v13 =	vld.idx.msk [tilespmem:v49+s15+$0x0], $0xffff  }
0x131: {  	v47 =	vand.u32 $0x7F, v47;
	v44 =	vor.u32 v44, v45;
	v39 =	vld.idx.msk [tilespmem:v39+s13+$0x0], $0xffff;
	v45 =	vadd.s32 v4, v62  }
0x132: {  	v9 =	vadd.f32 v11, v9;
	v11 =	vmul.f32 v16, v15;
	v45 =	vor.u32 v47, v45;
	v40 =	vld.idx.msk [tilespmem:v40+s15+$0x0], $0xffff  }
0x133: {  	v10 =	vadd.f32 v12, v10;
	v53 =	vmul.f32 v20, v19;
	v50 =	vld.idx.msk [tilespmem:v41+s13+$0x0], $0xffff  }
0x134: {  	v7 =	vadd.f32 v11, v7;
	v51 =	vmul.f32 v18, v17;
	v11 =	vmul.f32 v24, v23;
	v52 =	vld.idx.msk [tilespmem:v42+s15+$0x0], $0xffff  }
0x135: {  	v9 =	vadd.f32 v53, v9;
	v54 =	vmul.f32 v22, v21;
	v8 =	vadd.f32 v48, v8;
	v55 =	vld.idx.msk [tilespmem:v43+s13+$0x0], $0xffff  }
0x136: {  	v10 =	vadd.f32 v51, v10;
	v7 =	vadd.f32 v11, v7;
	v57 =	vmul.f32 v26, v25;
	v56 =	vld.idx.msk [tilespmem:v44+s15+$0x0], $0xffff  }
0x137: {  	v11 =	vmul.f32 v28, v27;
	v8 =	vadd.f32 v54, v8;
	v59 =	vmul.f32 v30, v29;
	v58 =	vld.idx.msk [tilespmem:v45+s13+$0x0], $0xffff  }
0x138: {  	v10 =	vadd.f32 v57, v10;
	v60 =	vmul.f32 v32, v31;
	v61 =	vmul.f32 v34, v33  }
0x139: {  	p1 =	por p0, p0;
	v9 =	vadd.f32 v11, v9;
	v8 =	vadd.f32 v59, v8;
	v11 =	vmul.f32 v36, v35  }
.Ltmp0:
0x13a: {  	v7 =	vadd.f32 v60, v7;
	v62 =	vadd.f32 v61, v10;
	v10 =	vmul.f32 v38, v37;
	(pc) =	sbr.rel @p1 .LBB2_3-.Ltmp0, $4  }
0x13b: {  	v11 =	vadd.f32 v11, v9;
	v9 =	vmul.f32 v40, v39;
	v14 =	vmul.f32 v52, v50  }
0x13c: {  	v63 =	vadd.f32 v10, v8;
	v8 =	vmul.f32 v56, v55;
	v13 =	vmul.f32 v13, v58  }
0x13d: {  	v10 =	vadd.f32 v9, v7;
	v9 =	vadd.f32 v14, v62  }
0x13e: {  	p0 =	por $0x0, $0x0;
	s31 =	simm.s32 $0x20;
	v8 =	vadd.f32 v8, v11;
	v7 =	vadd.f32 v13, v63  }
0x13f: {  	_ = 	snop  }
0x140: {  	v2 =	vadd.f32 v9, v10;
	v3 =	vadd.f32 v7, v8;
	_ =	sdelay $0x1  }
0x141: {  	v2 =	vadd.f32 v3, v2;
	_ =	sdelay $0x1  }
0x142: {  	v2 =	vsub.f32 $0.0e+00, v2;
	_ =	sdelay $0x1  }
0x143: {  	v2 =	vmul.f32 $1.442695020e+00, v2;
	_ =	sdelay $0x1  }
0x144: {  	(erf) = vpow2.f32 v2;
	_ =	sdelay $0x8  }
0x145: {  	v2 =	vpop (erf)  }
0x146: {  	v2 =	vadd.f32 $1.000000000e+00, v2;
	_ =	sdelay $0x1  }
0x147: {  	(erf) = vrcp.f32 v2;
	_ =	sdelay $0x3  }
0x148: {  	s29 =	sadd.s32 $0x1, s29  }
0x149: {  	p0 =	sne.s32 s29, $0x8  }
.Ltmp1:
0x14a: {  	_ = 	snop;
	(pc) =	sbr.rel @p0 .LBB2_2-.Ltmp1, $3  }
0x14b: {  	_ =	sdelay $0x1  }
0x14c: {  	v2 =	vpop (erf)  }
0x14d: {  	[tilespmem:s30+$0x10C00] =	vst v2  }
0x14e: {  	[tilespmem:s13], [sflag:$0x1] =	stream.indirect.gather [hbm4b:s3+s11], $0x80, s21, s11, $0xb8;
	[tilespmem:$0x10E00] =	vst v63  }
0x14f: {  	_ = 	snop  }
0x150: {  	[tilespmem:s15], [sflag:$0x1] =	stream.indirect.gather [hbm4b:s4+s11], $0x80, s22, s11, $0xb8;
	[tilespmem:$0x10E00] =	vst v63  }
0x151: {  	_ =	swait.ge [sflag:s23], $0x4000  }
0x152: {  	[sflag:s23] =	ssyncset.done $0x0  }
0x153: {  	[sflag:s23] =	ssyncadd.s32 $0xFFFFC000  }
0x154: {  	_ =	swait.ge [sflag:s23], $0x4000  }
0x155: {  	[sflag:s23] =	ssyncset.done $0x0  }
0x156: {  	s29 =	simm.s32 $0x0;
	[sflag:s23] =	ssyncadd.s32 $0xFFFFC000  }
.LBB2_6:
0x157: {  	s0 =	sshll.u32 s29, $0x4  }
0x158: {  	v2 =	vld [tilespmem:s0+$0x880]  }
0x159: {  	v3 =	vld [tilespmem:s0+$0xA80];
	_ =	sdelay $0x1  }
0x15a: {  	v4 =	vmov s0  }
0x15b: {  	v7 =	vimm.f32 $0.0e+00;
	v8 =	vimm.f32 $0.0e+00;
	v4 =	vshll.u32 v4, $0x7  }
0x15c: {  	v9 =	vimm.f32 $0.0e+00;
	v10 =	vimm.f32 $0.0e+00;
	v4 =	vor.u32 v1, v4  }
0x15d: {  	p0 =	por $0x1, $0x1;
	s31 =	simm.s32 $0x0;
	s30 =	sor.u32 $0x80, s0;
	v4 =	vadd.s32 $0x4000, v4;
	v5 =	vadd.s32 v0, v2;
	v6 =	vadd.s32 v0, v3  }
.LBB2_7:
0x15e: {  	v11 =	vor.u32 s31, v0  }
0x15f: {  	s0 =	sor.u32 $0x1, s31;
	v12 =	vadd.s32 v2, v11  }
0x160: {  	v11 =	vadd.s32 v3, v11;
	v31 =	vadd.s32 s0, v5;
	v15 =	vadd.s32 s0, v6  }
0x161: {  	v13 =	vand.u32 $0xFFFFFF80, v12;
	v12 =	vand.u32 $0x7F, v12;
	v14 =	vand.u32 $0xFFFFFF80, v11  }
0x162: {  	s0 =	sor.u32 $0x2, s31;
	v11 =	vand.u32 $0x7F, v11;
	v32 =	vand.u32 $0xFFFFFF80, v31;
	v34 =	vand.u32 $0xFFFFFF80, v15  }
0x163: {  	v35 =	vand.u32 $0x7F, v15;
	v36 =	vadd.s32 s0, v5;
	v16 =	vadd.s32 s0, v6  }
0x164: {  	v13 =	vadd.s32 v4, v13;
	v30 =	vadd.s32 v4, v14;
	v14 =	vadd.s32 v4, v32  }
0x165: {  	s0 =	sor.u32 $0x3, s31;
	v37 =	vand.u32 $0xFFFFFF80, v36;
	v15 =	vand.u32 $0x7F, v36;
	v17 =	vand.u32 $0xFFFFFF80, v16  }
0x166: {  	v16 =	vand.u32 $0x7F, v16;
	v18 =	vadd.s32 s0, v5;
	v41 =	vadd.s32 s0, v6  }
0x167: {  	v12 =	vor.u32 v12, v13;
	v11 =	vor.u32 v11, v30;
	v13 =	vand.u32 $0x7F, v31  }
0x168: {  	s0 =	sor.u32 $0x4, s31;
	v17 =	vadd.s32 v4, v17;
	v39 =	vand.u32 $0xFFFFFF80, v18;
	v40 =	vand.u32 $0x7F, v18  }
0x169: {  	v42 =	vand.u32 $0xFFFFFF80, v41;
	v19 =	vadd.s32 s0, v5;
	v18 =	vand.u32 $0x7F, v41  }
0x16a: {  	v21 =	vadd.s32 s0, v6;
	v33 =	vor.u32 v13, v14;
	v13 =	vadd.s32 v4, v34  }
0x16b: {  	v14 =	vadd.s32 v4, v37;
	v38 =	vor.u32 v16, v17;
	v16 =	vadd.s32 v4, v39  }
0x16c: {  	s0 =	sor.u32 $0x5, s31;
	v17 =	vadd.s32 v4, v42;
	v20 =	vand.u32 $0xFFFFFF80, v19;
	v19 =	vand.u32 $0x7F, v19  }
0x16d: {  	v44 =	vand.u32 $0xFFFFFF80, v21;
	v45 =	vand.u32 $0x7F, v21;
	v46 =	vadd.s32 s0, v5  }
0x16e: {  	v22 =	vadd.s32 s0, v6;
	v13 =	vor.u32 v35, v13;
	v14 =	vor.u32 v15, v14  }
0x16f: {  	v16 =	vor.u32 v40, v16;
	v20 =	vadd.s32 v4, v20;
	v17 =	vor.u32 v18, v17  }
0x170: {  	s0 =	sor.u32 $0x6, s31;
	v47 =	vand.u32 $0xFFFFFF80, v46;
	v21 =	vand.u32 $0x7F, v46;
	v23 =	vand.u32 $0xFFFFFF80, v22  }
0x171: {  	v22 =	vand.u32 $0x7F, v22;
	v24 =	vadd.s32 s0, v5;
	v51 =	vadd.s32 s0, v6  }
0x172: {  	v43 =	vor.u32 v19, v20;
	v19 =	vadd.s32 v4, v44;
	v20 =	vadd.s32 v4, v47  }
0x173: {  	s0 =	sor.u32 $0x7, s31;
	v23 =	vadd.s32 v4, v23;
	v49 =	vand.u32 $0xFFFFFF80, v24;
	v50 =	vand.u32 $0x7F, v24  }
0x174: {  	v52 =	vand.u32 $0xFFFFFF80, v51;
	v25 =	vadd.s32 s0, v5;
	v24 =	vand.u32 $0x7F, v51  }
0x175: {  	v27 =	vadd.s32 s0, v6;
	v19 =	vor.u32 v45, v19;
	v20 =	vor.u32 v21, v20  }
0x176: {  	v48 =	vor.u32 v22, v23;
	v22 =	vadd.s32 v4, v49;
	v23 =	vadd.s32 v4, v52  }
0x177: {  	s0 =	sor.u32 $0x8, s31;
	v26 =	vand.u32 $0xFFFFFF80, v25;
	v25 =	vand.u32 $0x7F, v25;
	v54 =	vand.u32 $0xFFFFFF80, v27  }
0x178: {  	v55 =	vand.u32 $0x7F, v27;
	v56 =	vadd.s32 s0, v5;
	v28 =	vadd.s32 s0, v6  }
0x179: {  	v22 =	vor.u32 v50, v22;
	v26 =	vadd.s32 v4, v26;
	v23 =	vor.u32 v24, v23  }
0x17a: {  	s0 =	sor.u32 $0x9, s31;
	v57 =	vand.u32 $0xFFFFFF80, v56;
	v27 =	vand.u32 $0x7F, v56;
	v29 =	vand.u32 $0xFFFFFF80, v28  }
0x17b: {  	v28 =	vand.u32 $0x7F, v28;
	v30 =	vadd.s32 s0, v5;
	v61 =	vadd.s32 s0, v6  }
0x17c: {  	v12 =	vld.idx.msk [tilespmem:v12+s13+$0x0], $0xffff;
	v53 =	vor.u32 v25, v26;
	v25 =	vadd.s32 v4, v54;
	v26 =	vadd.s32 v4, v57  }
0x17d: {  	v11 =	vld.idx.msk [tilespmem:v11+s15+$0x0], $0xffff;
	s0 =	sor.u32 $0xA, s31;
	v29 =	vadd.s32 v4, v29;
	v59 =	vand.u32 $0xFFFFFF80, v30;
	v60 =	vand.u32 $0x7F, v30  }
0x17e: {  	v15 =	vld.idx.msk [tilespmem:v38+s15+$0x0], $0xffff;
	v62 =	vand.u32 $0xFFFFFF80, v61;
	v31 =	vadd.s32 s0, v5;
	v30 =	vand.u32 $0x7F, v61  }
0x17f: {  	v25 =	vor.u32 v55, v25;
	v14 =	vld.idx.msk [tilespmem:v14+s13+$0x0], $0xffff;
	v26 =	vor.u32 v27, v26;
	v58 =	vor.u32 v28, v29  }
0x180: {  	v28 =	vadd.s32 v4, v59;
	v16 =	vld.idx.msk [tilespmem:v16+s13+$0x0], $0xffff;
	v29 =	vadd.s32 v4, v62;
	v32 =	vand.u32 $0xFFFFFF80, v31  }
0x181: {  	v17 =	vld.idx.msk [tilespmem:v17+s15+$0x0], $0xffff;
	v31 =	vand.u32 $0x7F, v31;
	v28 =	vor.u32 v60, v28;
	v32 =	vadd.s32 v4, v32  }
0x182: {  	v29 =	vor.u32 v30, v29;
	v11 =	vmul.f32 v11, v12;
	v12 =	vld.idx.msk [tilespmem:v33+s13+$0x0], $0xffff;
	v33 =	vadd.s32 s0, v6  }
0x183: {  	v63 =	vor.u32 v31, v32;
	s0 =	sor.u32 $0xB, s31;
	v40 =	vand.u32 $0xFFFFFF80, v33;
	v41 =	vand.u32 $0x7F, v33  }
0x184: {  	v42 =	vadd.s32 s0, v5;
	v34 =	vadd.s32 s0, v6;
	v31 =	vadd.s32 v4, v40  }
0x185: {  	v18 =	vld.idx.msk [tilespmem:v43+s13+$0x0], $0xffff;
	s0 =	sor.u32 $0xC, s31;
	v43 =	vand.u32 $0xFFFFFF80, v42;
	v33 =	vand.u32 $0x7F, v42;
	v35 =	vand.u32 $0xFFFFFF80, v34  }
0x186: {  	v34 =	vand.u32 $0x7F, v34;
	v36 =	vadd.s32 s0, v5;
	v47 =	vadd.s32 s0, v6  }
0x187: {  	v13 =	vld.idx.msk [tilespmem:v13+s15+$0x0], $0xffff;
	v10 =	vadd.f32 v11, v10;
	v11 =	vmul.f32 v15, v14;
	v59 =	vmul.f32 v17, v16  }
0x188: {  	v19 =	vld.idx.msk [tilespmem:v19+s15+$0x0], $0xffff;
	v31 =	vor.u32 v41, v31;
	v32 =	vadd.s32 v4, v43;
	v35 =	vadd.s32 v4, v35  }
0x189: {  	v21 =	vld.idx.msk [tilespmem:v48+s15+$0x0], $0xffff;
	s0 =	sor.u32 $0xD, s31;
	v45 =	vand.u32 $0xFFFFFF80, v36;
	v46 =	vand.u32 $0x7F, v36;
	v48 =	vand.u32 $0xFFFFFF80, v47  }
0x18a: {  	v20 =	vld.idx.msk [tilespmem:v20+s13+$0x0], $0xffff;
	v37 =	vadd.s32 s0, v5;
	v36 =	vand.u32 $0x7F, v47;
	v39 =	vadd.s32 s0, v6  }
0x18b: {  	v22 =	vld.idx.msk [tilespmem:v22+s13+$0x0], $0xffff;
	v32 =	vor.u32 v33, v32;
	v44 =	vor.u32 v34, v35;
	v34 =	vadd.s32 v4, v45  }
0x18c: {  	v23 =	vld.idx.msk [tilespmem:v23+s15+$0x0], $0xffff;
	s0 =	sor.u32 $0xE, s31;
	v35 =	vadd.s32 v4, v48;
	v38 =	vand.u32 $0xFFFFFF80, v37;
	v37 =	vand.u32 $0x7F, v37  }
0x18d: {  	v24 =	vld.idx.msk [tilespmem:v53+s13+$0x0], $0xffff;
	v50 =	vand.u32 $0xFFFFFF80, v39;
	v51 =	vand.u32 $0x7F, v39;
	v52 =	vadd.s32 s0, v5  }
0x18e: {  	v25 =	vld.idx.msk [tilespmem:v25+s15+$0x0], $0xffff;
	v40 =	vadd.s32 s0, v6;
	v60 =	vmul.f32 v19, v18;
	v8 =	vadd.f32 v11, v8  }
0x18f: {  	v26 =	vld.idx.msk [tilespmem:v26+s13+$0x0], $0xffff;
	v11 =	vmul.f32 v21, v20;
	v7 =	vadd.f32 v59, v7;
	v34 =	vor.u32 v46, v34  }
0x190: {  	v28 =	vld.idx.msk [tilespmem:v28+s13+$0x0], $0xffff;
	v38 =	vadd.s32 v4, v38;
	v35 =	vor.u32 v36, v35;
	v53 =	vand.u32 $0xFFFFFF80, v52  }
0x191: {  	v29 =	vld.idx.msk [tilespmem:v29+s15+$0x0], $0xffff;
	s0 =	sor.u32 $0xF, s31;
	v39 =	vand.u32 $0x7F, v52;
	v41 =	vand.u32 $0xFFFFFF80, v40;
	v54 =	vand.u32 $0x7F, v40  }
0x192: {  	v27 =	vld.idx.msk [tilespmem:v58+s15+$0x0], $0xffff;
	v12 =	vmul.f32 v13, v12;
	v62 =	vmul.f32 v23, v22;
	v36 =	vadd.s32 s0, v6  }
0x193: {  	v30 =	vld.idx.msk [tilespmem:v63+s13+$0x0], $0xffff;
	v49 =	vor.u32 v37, v38;
	v37 =	vadd.s32 v4, v50;
	v38 =	vadd.s32 v4, v53  }
0x194: {  	v55 =	vadd.s32 v4, v41;
	v10 =	vadd.f32 v60, v10;
	v37 =	vor.u32 v51, v37;
	v31 =	vld.idx.msk [tilespmem:v31+s15+$0x0], $0xffff  }
0x195: {  	v15 =	vand.u32 $0x7F, v36;
	v38 =	vor.u32 v39, v38;
	v9 =	vadd.f32 v12, v9;
	v32 =	vld.idx.msk [tilespmem:v32+s13+$0x0], $0xffff  }
0x196: {  	v57 =	vor.u32 v54, v55;
	v24 =	vmul.f32 v25, v24;
	v29 =	vmul.f32 v29, v28;
	v33 =	vld.idx.msk [tilespmem:v44+s15+$0x0], $0xffff  }
0x197: {  	v9 =	vadd.f32 v11, v9;
	v11 =	vmul.f32 v27, v26;
	v56 =	vld.idx.msk [tilespmem:v34+s13+$0x0], $0xffff;
	v34 =	vadd.s32 s0, v5  }
0x198: {  	v8 =	vadd.f32 v62, v8;
	v7 =	vadd.f32 v24, v7;
	v58 =	vld.idx.msk [tilespmem:v35+s15+$0x0], $0xffff;
	v35 =	vand.u32 $0xFFFFFF80, v34  }
0x199: {  	s0 =	sor.u32 $0x10, s31;
	v11 =	vadd.f32 v11, v10;
	v10 =	vadd.f32 v29, v9;
	v63 =	vld.idx.msk [tilespmem:v37+s15+$0x0], $0xffff;
	v14 =	vadd.s32 v4, v35  }
0x19a: {  	v25 =	vld.idx.msk [tilespmem:v38+s13+$0x0], $0xffff;
	v37 =	vand.u32 $0xFFFFFF80, v36;
	v38 =	vor.u32 s0, v0;
	s0 =	sor.u32 $0x11, s31;
	v31 =	vmul.f32 v31, v30  }
0x19b: {  	v39 =	vadd.s32 v2, v38;
	v16 =	vadd.s32 v3, v38;
	v41 =	vadd.s32 s0, v0  }
0x19c: {  	v33 =	vmul.f32 v33, v32;
	v40 =	vand.u32 $0xFFFFFF80, v39;
	v17 =	vand.u32 $0x7F, v39  }
0x19d: {  	s0 =	sor.u32 $0x12, s31;
	v42 =	vand.u32 $0xFFFFFF80, v16;
	v18 =	vand.u32 $0x3F, v41;
	v16 =	vand.u32 $0x7F, v16  }
0x19e: {  	v61 =	vld.idx.msk [tilespmem:v49+s13+$0x0], $0xffff;
	v45 =	vadd.s32 s0, v0;
	v13 =	vmul.f32 v58, v56;
	v9 =	vadd.f32 v31, v8  }
0x19f: {  	v27 =	vld.idx.msk [tilespmem:v57+s15+$0x0], $0xffff;
	s0 =	sor.u32 $0x13, s31;
	v43 =	vadd.s32 v2, v18;
	v18 =	vadd.s32 v3, v18;
	v20 =	vand.u32 $0x3F, v45  }
0x1a0: {  	v49 =	vadd.s32 s0, v0;
	v8 =	vadd.f32 v33, v7;
	v44 =	vand.u32 $0xFFFFFF80, v43  }
0x1a1: {  	v19 =	vand.u32 $0x7F, v43;
	v46 =	vand.u32 $0xFFFFFF80, v18;
	v18 =	vand.u32 $0x7F, v18  }
0x1a2: {  	s0 =	sor.u32 $0x14, s31;
	v47 =	vadd.s32 v2, v20;
	v20 =	vadd.s32 v3, v20;
	v22 =	vand.u32 $0x3F, v49  }
0x1a3: {  	v53 =	vadd.s32 s0, v0;
	v7 =	vadd.f32 v13, v11;
	v12 =	vmul.f32 v63, v61  }
0x1a4: {  	v11 =	vmul.f32 v27, v25;
	v13 =	vand.u32 $0x7F, v34;
	v48 =	vand.u32 $0xFFFFFF80, v47  }
0x1a5: {  	v21 =	vand.u32 $0x7F, v47;
	v50 =	vand.u32 $0xFFFFFF80, v20;
	v20 =	vand.u32 $0x7F, v20  }
0x1a6: {  	s0 =	sor.u32 $0x15, s31;
	v51 =	vadd.s32 v2, v22;
	v22 =	vadd.s32 v3, v22;
	v24 =	vand.u32 $0x3F, v53  }
0x1a7: {  	v57 =	vadd.s32 s0, v0;
	v13 =	vor.u32 v13, v14;
	v14 =	vadd.s32 v4, v37  }
0x1a8: {  	v52 =	vand.u32 $0xFFFFFF80, v51;
	v23 =	vand.u32 $0x7F, v51;
	v54 =	vand.u32 $0xFFFFFF80, v22  }
0x1a9: {  	s0 =	sor.u32 $0x16, s31;
	v22 =	vand.u32 $0x7F, v22;
	v55 =	vadd.s32 v2, v24;
	v24 =	vadd.s32 v3, v24  }
0x1aa: {  	v26 =	vand.u32 $0x3F, v57;
	v61 =	vadd.s32 s0, v0;
	v14 =	vor.u32 v15, v14  }
0x1ab: {  	v15 =	vadd.s32 v4, v40;
	v56 =	vand.u32 $0xFFFFFF80, v55;
	v25 =	vand.u32 $0x7F, v55  }
0x1ac: {  	s0 =	sor.u32 $0x17, s31;
	v58 =	vand.u32 $0xFFFFFF80, v24;
	v24 =	vand.u32 $0x7F, v24;
	v59 =	vadd.s32 v2, v26  }
0x1ad: {  	v26 =	vadd.s32 v3, v26;
	v28 =	vand.u32 $0x3F, v61;
	v33 =	vadd.s32 s0, v0  }
0x1ae: {  	v15 =	vor.u32 v17, v15;
	v17 =	vadd.s32 v4, v42;
	v60 =	vand.u32 $0xFFFFFF80, v59  }
0x1af: {  	v27 =	vand.u32 $0x7F, v59;
	v62 =	vand.u32 $0xFFFFFF80, v26;
	v26 =	vand.u32 $0x7F, v26  }
0x1b0: {  	s0 =	sor.u32 $0x18, s31;
	v63 =	vadd.s32 v2, v28;
	v28 =	vadd.s32 v3, v28;
	v30 =	vand.u32 $0x3F, v33  }
0x1b1: {  	v37 =	vadd.s32 s0, v0;
	v16 =	vor.u32 v16, v17;
	v17 =	vadd.s32 v4, v44  }
0x1b2: {  	v32 =	vand.u32 $0xFFFFFF80, v63;
	v29 =	vand.u32 $0x7F, v63;
	v34 =	vand.u32 $0xFFFFFF80, v28  }
0x1b3: {  	v28 =	vand.u32 $0x7F, v28;
	v17 =	vor.u32 v19, v17;
	v19 =	vadd.s32 v4, v46  }
0x1b4: {  	v35 =	vadd.s32 v2, v30;
	v18 =	vor.u32 v18, v19;
	v19 =	vadd.s32 v4, v48  }
0x1b5: {  	s0 =	sor.u32 $0x19, s31;
	v30 =	vadd.s32 v3, v30;
	v19 =	vor.u32 v21, v19;
	v21 =	vadd.s32 v4, v50  }
0x1b6: {  	v41 =	vadd.s32 s0, v0;
	v20 =	vor.u32 v20, v21;
	v21 =	vadd.s32 v4, v52  }
0x1b7: {  	v36 =	vand.u32 $0xFFFFFF80, v35;
	v21 =	vor.u32 v23, v21;
	v23 =	vadd.s32 v4, v54  }
0x1b8: {  	v31 =	vand.u32 $0x7F, v35;
	v22 =	vor.u32 v22, v23;
	v23 =	vadd.s32 v4, v56  }
0x1b9: {  	v38 =	vand.u32 $0xFFFFFF80, v30;
	v23 =	vor.u32 v25, v23;
	v25 =	vadd.s32 v4, v58  }
0x1ba: {  	s0 =	sor.u32 $0x1A, s31;
	v30 =	vand.u32 $0x7F, v30;
	v24 =	vor.u32 v24, v25;
	v25 =	vadd.s32 v4, v60  }
0x1bb: {  	v45 =	vadd.s32 s0, v0;
	s0 =	sor.u32 $0x1B, s31;
	v25 =	vor.u32 v27, v25;
	v27 =	vadd.s32 v4, v62  }
0x1bc: {  	v49 =	vadd.s32 s0, v0;
	s0 =	sor.u32 $0x1C, s31;
	v26 =	vor.u32 v26, v27;
	v27 =	vadd.s32 v4, v32  }
0x1bd: {  	v53 =	vadd.s32 s0, v0;
	v32 =	vand.u32 $0x3F, v37;
	v27 =	vor.u32 v29, v27  }
0x1be: {  	v29 =	vadd.s32 v4, v34;
	v39 =	vadd.s32 v2, v32;
	v32 =	vadd.s32 v3, v32  }
0x1bf: {  	v34 =	vand.u32 $0x3F, v41;
	v28 =	vor.u32 v28, v29;
	v29 =	vadd.s32 v4, v36  }
0x1c0: {  	v40 =	vand.u32 $0xFFFFFF80, v39;
	v33 =	vand.u32 $0x7F, v39;
	v42 =	vand.u32 $0xFFFFFF80, v32  }
0x1c1: {  	v32 =	vand.u32 $0x7F, v32;
	v43 =	vadd.s32 v2, v34;
	v34 =	vadd.s32 v3, v34  }
0x1c2: {  	v13 =	vld.idx.msk [tilespmem:v13+s13+$0x0], $0xffff;
	v36 =	vand.u32 $0x3F, v45;
	v29 =	vor.u32 v31, v29;
	v31 =	vadd.s32 v4, v38  }
0x1c3: {  	v14 =	vld.idx.msk [tilespmem:v14+s15+$0x0], $0xffff;
	v44 =	vand.u32 $0xFFFFFF80, v43;
	v35 =	vand.u32 $0x7F, v43;
	v46 =	vand.u32 $0xFFFFFF80, v34  }
0x1c4: {  	v15 =	vld.idx.msk [tilespmem:v15+s13+$0x0], $0xffff;
	v34 =	vand.u32 $0x7F, v34;
	v47 =	vadd.s32 v2, v36;
	v36 =	vadd.s32 v3, v36  }
0x1c5: {  	v16 =	vld.idx.msk [tilespmem:v16+s15+$0x0], $0xffff;
	v38 =	vand.u32 $0x3F, v49;
	v30 =	vor.u32 v30, v31;
	v31 =	vadd.s32 v4, v40  }
0x1c6: {  	v17 =	vld.idx.msk [tilespmem:v17+s13+$0x0], $0xffff;
	v48 =	vand.u32 $0xFFFFFF80, v47;
	v37 =	vand.u32 $0x7F, v47;
	v50 =	vand.u32 $0xFFFFFF80, v36  }
0x1c7: {  	v18 =	vld.idx.msk [tilespmem:v18+s15+$0x0], $0xffff;
	v36 =	vand.u32 $0x7F, v36;
	v51 =	vadd.s32 v2, v38;
	v38 =	vadd.s32 v3, v38  }
0x1c8: {  	v19 =	vld.idx.msk [tilespmem:v19+s13+$0x0], $0xffff;
	v40 =	vand.u32 $0x3F, v53;
	v31 =	vor.u32 v33, v31;
	v33 =	vadd.s32 v4, v42  }
0x1c9: {  	v20 =	vld.idx.msk [tilespmem:v20+s15+$0x0], $0xffff;
	v52 =	vand.u32 $0xFFFFFF80, v51;
	v39 =	vand.u32 $0x7F, v51;
	v54 =	vand.u32 $0xFFFFFF80, v38  }
0x1ca: {  	s0 =	sor.u32 $0x1D, s31;
	v21 =	vld.idx.msk [tilespmem:v21+s13+$0x0], $0xffff;
	v38 =	vand.u32 $0x7F, v38;
	v55 =	vadd.s32 v2, v40;
	v40 =	vadd.s32 v3, v40  }
0x1cb: {  	v22 =	vld.idx.msk [tilespmem:v22+s15+$0x0], $0xffff;
	v42 =	vadd.s32 s0, v0;
	v32 =	vor.u32 v32, v33;
	v33 =	vadd.s32 v4, v44  }
0x1cc: {  	v23 =	vld.idx.msk [tilespmem:v23+s13+$0x0], $0xffff;
	s0 =	sor.u32 $0x1E, s31;
	v56 =	vand.u32 $0xFFFFFF80, v55;
	v41 =	vand.u32 $0x7F, v55;
	v57 =	vand.u32 $0xFFFFFF80, v40  }
0x1cd: {  	v24 =	vld.idx.msk [tilespmem:v24+s15+$0x0], $0xffff;
	v42 =	vand.u32 $0x3F, v42;
	v40 =	vand.u32 $0x7F, v40;
	v44 =	vadd.s32 s0, v0  }
0x1ce: {  	v25 =	vld.idx.msk [tilespmem:v25+s13+$0x0], $0xffff;
	s0 =	sor.u32 $0x1F, s31;
	v33 =	vor.u32 v35, v33;
	v35 =	vadd.s32 v4, v46;
	v43 =	vadd.s32 v2, v42  }
0x1cf: {  	v26 =	vld.idx.msk [tilespmem:v26+s15+$0x0], $0xffff;
	v42 =	vadd.s32 v3, v42;
	v44 =	vand.u32 $0x3F, v44;
	v46 =	vadd.s32 s0, v0  }
0x1d0: {  	v27 =	vld.idx.msk [tilespmem:v27+s13+$0x0], $0xffff;
	v34 =	vor.u32 v34, v35;
	v35 =	vadd.s32 v4, v48;
	v58 =	vand.u32 $0xFFFFFF80, v43  }
0x1d1: {  	v28 =	vld.idx.msk [tilespmem:v28+s15+$0x0], $0xffff;
	v43 =	vand.u32 $0x7F, v43;
	v59 =	vand.u32 $0xFFFFFF80, v42;
	v42 =	vand.u32 $0x7F, v42  }
0x1d2: {  	v29 =	vld.idx.msk [tilespmem:v29+s13+$0x0], $0xffff;
	v45 =	vadd.s32 v2, v44;
	v44 =	vadd.s32 v3, v44;
	v46 =	vand.u32 $0x3F, v46  }
0x1d3: {  	v35 =	vor.u32 v37, v35;
	v37 =	vadd.s32 v4, v50;
	v30 =	vld.idx.msk [tilespmem:v30+s15+$0x0], $0xffff;
	v47 =	vadd.s32 v2, v46  }
0x1d4: {  	v46 =	vadd.s32 v3, v46;
	v36 =	vor.u32 v36, v37;
	v37 =	vadd.s32 v4, v52;
	v31 =	vld.idx.msk [tilespmem:v31+s13+$0x0], $0xffff  }
0x1d5: {  	v48 =	vand.u32 $0xFFFFFF80, v46;
	v37 =	vor.u32 v39, v37;
	v39 =	vadd.s32 v4, v54;
	v32 =	vld.idx.msk [tilespmem:v32+s15+$0x0], $0xffff  }
0x1d6: {  	v46 =	vand.u32 $0x7F, v46;
	v63 =	vadd.s32 v4, v48;
	v38 =	vor.u32 v38, v39;
	v33 =	vld.idx.msk [tilespmem:v33+s13+$0x0], $0xffff  }
0x1d7: {  	v60 =	vand.u32 $0xFFFFFF80, v45;
	v39 =	vadd.s32 v4, v56;
	v49 =	vor.u32 v46, v63;
	v34 =	vld.idx.msk [tilespmem:v34+s15+$0x0], $0xffff  }
0x1d8: {  	v45 =	vand.u32 $0x7F, v45;
	v39 =	vor.u32 v41, v39;
	v41 =	vadd.s32 v4, v57;
	v35 =	vld.idx.msk [tilespmem:v35+s13+$0x0], $0xffff  }
0x1d9: {  	v61 =	vand.u32 $0xFFFFFF80, v44;
	v40 =	vor.u32 v40, v41;
	v41 =	vadd.s32 v4, v58;
	v36 =	vld.idx.msk [tilespmem:v36+s15+$0x0], $0xffff  }
0x1da: {  	v44 =	vand.u32 $0x7F, v44;
	v41 =	vor.u32 v43, v41;
	v43 =	vadd.s32 v4, v59;
	v37 =	vld.idx.msk [tilespmem:v37+s13+$0x0], $0xffff  }
0x1db: {  	v62 =	vand.u32 $0xFFFFFF80, v47;
	v42 =	vor.u32 v42, v43;
	v43 =	vadd.s32 v4, v60;
	v38 =	vld.idx.msk [tilespmem:v38+s15+$0x0], $0xffff  }
0x1dc: {  	v48 =	vmul.f32 v14, v13;
	v43 =	vor.u32 v45, v43;
	v45 =	vadd.s32 v4, v61;
	v13 =	vld.idx.msk [tilespmem:v49+s15+$0x0], $0xffff  }
0x1dd: {  	v47 =	vand.u32 $0x7F, v47;
	v44 =	vor.u32 v44, v45;
	v39 =	vld.idx.msk [tilespmem:v39+s13+$0x0], $0xffff;
	v45 =	vadd.s32 v4, v62  }
0x1de: {  	v9 =	vadd.f32 v11, v9;
	v11 =	vmul.f32 v16, v15;
	v45 =	vor.u32 v47, v45;
	v40 =	vld.idx.msk [tilespmem:v40+s15+$0x0], $0xffff  }
0x1df: {  	v10 =	vadd.f32 v12, v10;
	v53 =	vmul.f32 v20, v19;
	v50 =	vld.idx.msk [tilespmem:v41+s13+$0x0], $0xffff  }
0x1e0: {  	v7 =	vadd.f32 v11, v7;
	v51 =	vmul.f32 v18, v17;
	v11 =	vmul.f32 v24, v23;
	v52 =	vld.idx.msk [tilespmem:v42+s15+$0x0], $0xffff  }
0x1e1: {  	v9 =	vadd.f32 v53, v9;
	v54 =	vmul.f32 v22, v21;
	v8 =	vadd.f32 v48, v8;
	v55 =	vld.idx.msk [tilespmem:v43+s13+$0x0], $0xffff  }
0x1e2: {  	v10 =	vadd.f32 v51, v10;
	v7 =	vadd.f32 v11, v7;
	v57 =	vmul.f32 v26, v25;
	v56 =	vld.idx.msk [tilespmem:v44+s15+$0x0], $0xffff  }
0x1e3: {  	v11 =	vmul.f32 v28, v27;
	v8 =	vadd.f32 v54, v8;
	v59 =	vmul.f32 v30, v29;
	v58 =	vld.idx.msk [tilespmem:v45+s13+$0x0], $0xffff  }
0x1e4: {  	v10 =	vadd.f32 v57, v10;
	v60 =	vmul.f32 v32, v31;
	v61 =	vmul.f32 v34, v33  }
0x1e5: {  	p1 =	por p0, p0;
	v9 =	vadd.f32 v11, v9;
	v8 =	vadd.f32 v59, v8;
	v11 =	vmul.f32 v36, v35  }
.Ltmp2:
0x1e6: {  	v7 =	vadd.f32 v60, v7;
	v62 =	vadd.f32 v61, v10;
	v10 =	vmul.f32 v38, v37;
	(pc) =	sbr.rel @p1 .LBB2_7-.Ltmp2, $4  }
0x1e7: {  	v11 =	vadd.f32 v11, v9;
	v9 =	vmul.f32 v40, v39;
	v14 =	vmul.f32 v52, v50  }
0x1e8: {  	v63 =	vadd.f32 v10, v8;
	v8 =	vmul.f32 v56, v55;
	v13 =	vmul.f32 v13, v58  }
0x1e9: {  	v10 =	vadd.f32 v9, v7;
	v9 =	vadd.f32 v14, v62  }
0x1ea: {  	p0 =	por $0x0, $0x0;
	s31 =	simm.s32 $0x20;
	v8 =	vadd.f32 v8, v11;
	v7 =	vadd.f32 v13, v63  }
0x1eb: {  	_ = 	snop  }
0x1ec: {  	v2 =	vadd.f32 v9, v10;
	v3 =	vadd.f32 v7, v8;
	_ =	sdelay $0x1  }
0x1ed: {  	v2 =	vadd.f32 v3, v2;
	_ =	sdelay $0x1  }
0x1ee: {  	v2 =	vsub.f32 $0.0e+00, v2;
	_ =	sdelay $0x1  }
0x1ef: {  	v2 =	vmul.f32 $1.442695020e+00, v2;
	_ =	sdelay $0x1  }
0x1f0: {  	(erf) = vpow2.f32 v2;
	_ =	sdelay $0x8  }
0x1f1: {  	v2 =	vpop (erf)  }
0x1f2: {  	v2 =	vadd.f32 $1.000000000e+00, v2;
	_ =	sdelay $0x1  }
0x1f3: {  	(erf) = vrcp.f32 v2;
	_ =	sdelay $0x3  }
0x1f4: {  	s29 =	sadd.s32 $0x1, s29  }
0x1f5: {  	p0 =	sne.s32 s29, $0x8  }
.Ltmp3:
0x1f6: {  	_ = 	snop;
	(pc) =	sbr.rel @p0 .LBB2_6-.Ltmp3, $3  }
0x1f7: {  	_ =	sdelay $0x1  }
0x1f8: {  	v2 =	vpop (erf)  }
0x1f9: {  	[tilespmem:s30+$0x10C00] =	vst v2  }
0x1fa: {  	[tilespmem:s17], [sflag:$0x2] =	stream.indirect.gather [hbm4b:s3+s11], $0x80, s24, s11, $0xb8;
	[tilespmem:$0x10E00] =	vst v63  }
0x1fb: {  	_ = 	snop  }
0x1fc: {  	[tilespmem:s19], [sflag:$0x2] =	stream.indirect.gather [hbm4b:s4+s11], $0x80, s25, s11, $0xb8;
	[tilespmem:$0x10E00] =	vst v63  }
0x1fd: {  	_ =	swait.ge [sflag:s20], $0x4000  }
0x1fe: {  	[sflag:s20] =	ssyncset.done $0x0  }
0x1ff: {  	[sflag:s20] =	ssyncadd.s32 $0xFFFFC000  }
0x200: {  	_ =	swait.ge [sflag:s20], $0x4000  }
0x201: {  	[sflag:s20] =	ssyncset.done $0x0  }
0x202: {  	s29 =	simm.s32 $0x0;
	[sflag:s20] =	ssyncadd.s32 $0xFFFFC000  }
.LBB2_10:
0x203: {  	s0 =	sshll.u32 s29, $0x4  }
0x204: {  	v2 =	vld [tilespmem:s0+$0x900]  }
0x205: {  	v3 =	vld [tilespmem:s0+$0xB00];
	_ =	sdelay $0x2  }
0x206: {  	v7 =	vimm.f32 $0.0e+00;
	v8 =	vimm.f32 $0.0e+00;
	v4 =	vmov s0  }
0x207: {  	v9 =	vimm.f32 $0.0e+00;
	v10 =	vimm.f32 $0.0e+00;
	v4 =	vshll.u32 v4, $0x7  }
0x208: {  	p0 =	por $0x1, $0x1;
	s31 =	simm.s32 $0x0;
	s30 =	sor.u32 $0x100, s0;
	v4 =	vor.u32 v1, v4;
	v5 =	vadd.s32 v0, v2;
	v6 =	vadd.s32 v0, v3  }
.LBB2_11:
0x209: {  	v11 =	vor.u32 s31, v0  }
0x20a: {  	s0 =	sor.u32 $0x1, s31;
	v12 =	vadd.s32 v2, v11  }
0x20b: {  	v11 =	vadd.s32 v3, v11;
	v31 =	vadd.s32 s0, v5;
	v15 =	vadd.s32 s0, v6  }
0x20c: {  	v13 =	vand.u32 $0xFFFFFF80, v12;
	v12 =	vand.u32 $0x7F, v12;
	v14 =	vand.u32 $0xFFFFFF80, v11  }
0x20d: {  	s0 =	sor.u32 $0x2, s31;
	v11 =	vand.u32 $0x7F, v11;
	v32 =	vand.u32 $0xFFFFFF80, v31;
	v34 =	vand.u32 $0xFFFFFF80, v15  }
0x20e: {  	v35 =	vand.u32 $0x7F, v15;
	v36 =	vadd.s32 s0, v5;
	v16 =	vadd.s32 s0, v6  }
0x20f: {  	v13 =	vadd.s32 v4, v13;
	v30 =	vadd.s32 v4, v14;
	v14 =	vadd.s32 v4, v32  }
0x210: {  	s0 =	sor.u32 $0x3, s31;
	v37 =	vand.u32 $0xFFFFFF80, v36;
	v15 =	vand.u32 $0x7F, v36;
	v17 =	vand.u32 $0xFFFFFF80, v16  }
0x211: {  	v16 =	vand.u32 $0x7F, v16;
	v18 =	vadd.s32 s0, v5;
	v41 =	vadd.s32 s0, v6  }
0x212: {  	v12 =	vor.u32 v12, v13;
	v11 =	vor.u32 v11, v30;
	v13 =	vand.u32 $0x7F, v31  }
0x213: {  	s0 =	sor.u32 $0x4, s31;
	v17 =	vadd.s32 v4, v17;
	v39 =	vand.u32 $0xFFFFFF80, v18;
	v40 =	vand.u32 $0x7F, v18  }
0x214: {  	v42 =	vand.u32 $0xFFFFFF80, v41;
	v19 =	vadd.s32 s0, v5;
	v18 =	vand.u32 $0x7F, v41  }
0x215: {  	v21 =	vadd.s32 s0, v6;
	v33 =	vor.u32 v13, v14;
	v13 =	vadd.s32 v4, v34  }
0x216: {  	v14 =	vadd.s32 v4, v37;
	v38 =	vor.u32 v16, v17;
	v16 =	vadd.s32 v4, v39  }
0x217: {  	s0 =	sor.u32 $0x5, s31;
	v17 =	vadd.s32 v4, v42;
	v20 =	vand.u32 $0xFFFFFF80, v19;
	v19 =	vand.u32 $0x7F, v19  }
0x218: {  	v44 =	vand.u32 $0xFFFFFF80, v21;
	v45 =	vand.u32 $0x7F, v21;
	v46 =	vadd.s32 s0, v5  }
0x219: {  	v22 =	vadd.s32 s0, v6;
	v13 =	vor.u32 v35, v13;
	v14 =	vor.u32 v15, v14  }
0x21a: {  	v16 =	vor.u32 v40, v16;
	v20 =	vadd.s32 v4, v20;
	v17 =	vor.u32 v18, v17  }
0x21b: {  	s0 =	sor.u32 $0x6, s31;
	v47 =	vand.u32 $0xFFFFFF80, v46;
	v21 =	vand.u32 $0x7F, v46;
	v23 =	vand.u32 $0xFFFFFF80, v22  }
0x21c: {  	v22 =	vand.u32 $0x7F, v22;
	v24 =	vadd.s32 s0, v5;
	v51 =	vadd.s32 s0, v6  }
0x21d: {  	v43 =	vor.u32 v19, v20;
	v19 =	vadd.s32 v4, v44;
	v20 =	vadd.s32 v4, v47  }
0x21e: {  	s0 =	sor.u32 $0x7, s31;
	v23 =	vadd.s32 v4, v23;
	v49 =	vand.u32 $0xFFFFFF80, v24;
	v50 =	vand.u32 $0x7F, v24  }
0x21f: {  	v52 =	vand.u32 $0xFFFFFF80, v51;
	v25 =	vadd.s32 s0, v5;
	v24 =	vand.u32 $0x7F, v51  }
0x220: {  	v27 =	vadd.s32 s0, v6;
	v19 =	vor.u32 v45, v19;
	v20 =	vor.u32 v21, v20  }
0x221: {  	v48 =	vor.u32 v22, v23;
	v22 =	vadd.s32 v4, v49;
	v23 =	vadd.s32 v4, v52  }
0x222: {  	s0 =	sor.u32 $0x8, s31;
	v26 =	vand.u32 $0xFFFFFF80, v25;
	v25 =	vand.u32 $0x7F, v25;
	v54 =	vand.u32 $0xFFFFFF80, v27  }
0x223: {  	v55 =	vand.u32 $0x7F, v27;
	v56 =	vadd.s32 s0, v5;
	v28 =	vadd.s32 s0, v6  }
0x224: {  	v22 =	vor.u32 v50, v22;
	v26 =	vadd.s32 v4, v26;
	v23 =	vor.u32 v24, v23  }
0x225: {  	s0 =	sor.u32 $0x9, s31;
	v57 =	vand.u32 $0xFFFFFF80, v56;
	v27 =	vand.u32 $0x7F, v56;
	v29 =	vand.u32 $0xFFFFFF80, v28  }
0x226: {  	v28 =	vand.u32 $0x7F, v28;
	v30 =	vadd.s32 s0, v5;
	v61 =	vadd.s32 s0, v6  }
0x227: {  	v12 =	vld.idx.msk [tilespmem:v12+s13+$0x0], $0xffff;
	v53 =	vor.u32 v25, v26;
	v25 =	vadd.s32 v4, v54;
	v26 =	vadd.s32 v4, v57  }
0x228: {  	v11 =	vld.idx.msk [tilespmem:v11+s15+$0x0], $0xffff;
	s0 =	sor.u32 $0xA, s31;
	v29 =	vadd.s32 v4, v29;
	v59 =	vand.u32 $0xFFFFFF80, v30;
	v60 =	vand.u32 $0x7F, v30  }
0x229: {  	v15 =	vld.idx.msk [tilespmem:v38+s15+$0x0], $0xffff;
	v62 =	vand.u32 $0xFFFFFF80, v61;
	v31 =	vadd.s32 s0, v5;
	v30 =	vand.u32 $0x7F, v61  }
0x22a: {  	v25 =	vor.u32 v55, v25;
	v14 =	vld.idx.msk [tilespmem:v14+s13+$0x0], $0xffff;
	v26 =	vor.u32 v27, v26;
	v58 =	vor.u32 v28, v29  }
0x22b: {  	v28 =	vadd.s32 v4, v59;
	v16 =	vld.idx.msk [tilespmem:v16+s13+$0x0], $0xffff;
	v29 =	vadd.s32 v4, v62;
	v32 =	vand.u32 $0xFFFFFF80, v31  }
0x22c: {  	v17 =	vld.idx.msk [tilespmem:v17+s15+$0x0], $0xffff;
	v31 =	vand.u32 $0x7F, v31;
	v28 =	vor.u32 v60, v28;
	v32 =	vadd.s32 v4, v32  }
0x22d: {  	v29 =	vor.u32 v30, v29;
	v11 =	vmul.f32 v11, v12;
	v12 =	vld.idx.msk [tilespmem:v33+s13+$0x0], $0xffff;
	v33 =	vadd.s32 s0, v6  }
0x22e: {  	v63 =	vor.u32 v31, v32;
	s0 =	sor.u32 $0xB, s31;
	v40 =	vand.u32 $0xFFFFFF80, v33;
	v41 =	vand.u32 $0x7F, v33  }
0x22f: {  	v42 =	vadd.s32 s0, v5;
	v34 =	vadd.s32 s0, v6;
	v31 =	vadd.s32 v4, v40  }
0x230: {  	v18 =	vld.idx.msk [tilespmem:v43+s13+$0x0], $0xffff;
	s0 =	sor.u32 $0xC, s31;
	v43 =	vand.u32 $0xFFFFFF80, v42;
	v33 =	vand.u32 $0x7F, v42;
	v35 =	vand.u32 $0xFFFFFF80, v34  }
0x231: {  	v34 =	vand.u32 $0x7F, v34;
	v36 =	vadd.s32 s0, v5;
	v47 =	vadd.s32 s0, v6  }
0x232: {  	v13 =	vld.idx.msk [tilespmem:v13+s15+$0x0], $0xffff;
	v10 =	vadd.f32 v11, v10;
	v11 =	vmul.f32 v15, v14;
	v59 =	vmul.f32 v17, v16  }
0x233: {  	v19 =	vld.idx.msk [tilespmem:v19+s15+$0x0], $0xffff;
	v31 =	vor.u32 v41, v31;
	v32 =	vadd.s32 v4, v43;
	v35 =	vadd.s32 v4, v35  }
0x234: {  	v21 =	vld.idx.msk [tilespmem:v48+s15+$0x0], $0xffff;
	s0 =	sor.u32 $0xD, s31;
	v45 =	vand.u32 $0xFFFFFF80, v36;
	v46 =	vand.u32 $0x7F, v36;
	v48 =	vand.u32 $0xFFFFFF80, v47  }
0x235: {  	v20 =	vld.idx.msk [tilespmem:v20+s13+$0x0], $0xffff;
	v37 =	vadd.s32 s0, v5;
	v36 =	vand.u32 $0x7F, v47;
	v39 =	vadd.s32 s0, v6  }
0x236: {  	v22 =	vld.idx.msk [tilespmem:v22+s13+$0x0], $0xffff;
	v32 =	vor.u32 v33, v32;
	v44 =	vor.u32 v34, v35;
	v34 =	vadd.s32 v4, v45  }
0x237: {  	v23 =	vld.idx.msk [tilespmem:v23+s15+$0x0], $0xffff;
	s0 =	sor.u32 $0xE, s31;
	v35 =	vadd.s32 v4, v48;
	v38 =	vand.u32 $0xFFFFFF80, v37;
	v37 =	vand.u32 $0x7F, v37  }
0x238: {  	v24 =	vld.idx.msk [tilespmem:v53+s13+$0x0], $0xffff;
	v50 =	vand.u32 $0xFFFFFF80, v39;
	v51 =	vand.u32 $0x7F, v39;
	v52 =	vadd.s32 s0, v5  }
0x239: {  	v25 =	vld.idx.msk [tilespmem:v25+s15+$0x0], $0xffff;
	v40 =	vadd.s32 s0, v6;
	v60 =	vmul.f32 v19, v18;
	v8 =	vadd.f32 v11, v8  }
0x23a: {  	v26 =	vld.idx.msk [tilespmem:v26+s13+$0x0], $0xffff;
	v11 =	vmul.f32 v21, v20;
	v7 =	vadd.f32 v59, v7;
	v34 =	vor.u32 v46, v34  }
0x23b: {  	v28 =	vld.idx.msk [tilespmem:v28+s13+$0x0], $0xffff;
	v38 =	vadd.s32 v4, v38;
	v35 =	vor.u32 v36, v35;
	v53 =	vand.u32 $0xFFFFFF80, v52  }
0x23c: {  	v29 =	vld.idx.msk [tilespmem:v29+s15+$0x0], $0xffff;
	s0 =	sor.u32 $0xF, s31;
	v39 =	vand.u32 $0x7F, v52;
	v41 =	vand.u32 $0xFFFFFF80, v40;
	v54 =	vand.u32 $0x7F, v40  }
0x23d: {  	v27 =	vld.idx.msk [tilespmem:v58+s15+$0x0], $0xffff;
	v12 =	vmul.f32 v13, v12;
	v62 =	vmul.f32 v23, v22;
	v36 =	vadd.s32 s0, v6  }
0x23e: {  	v30 =	vld.idx.msk [tilespmem:v63+s13+$0x0], $0xffff;
	v49 =	vor.u32 v37, v38;
	v37 =	vadd.s32 v4, v50;
	v38 =	vadd.s32 v4, v53  }
0x23f: {  	v55 =	vadd.s32 v4, v41;
	v10 =	vadd.f32 v60, v10;
	v37 =	vor.u32 v51, v37;
	v31 =	vld.idx.msk [tilespmem:v31+s15+$0x0], $0xffff  }
0x240: {  	v15 =	vand.u32 $0x7F, v36;
	v38 =	vor.u32 v39, v38;
	v9 =	vadd.f32 v12, v9;
	v32 =	vld.idx.msk [tilespmem:v32+s13+$0x0], $0xffff  }
0x241: {  	v57 =	vor.u32 v54, v55;
	v24 =	vmul.f32 v25, v24;
	v29 =	vmul.f32 v29, v28;
	v33 =	vld.idx.msk [tilespmem:v44+s15+$0x0], $0xffff  }
0x242: {  	v9 =	vadd.f32 v11, v9;
	v11 =	vmul.f32 v27, v26;
	v56 =	vld.idx.msk [tilespmem:v34+s13+$0x0], $0xffff;
	v34 =	vadd.s32 s0, v5  }
0x243: {  	v8 =	vadd.f32 v62, v8;
	v7 =	vadd.f32 v24, v7;
	v58 =	vld.idx.msk [tilespmem:v35+s15+$0x0], $0xffff;
	v35 =	vand.u32 $0xFFFFFF80, v34  }
0x244: {  	s0 =	sor.u32 $0x10, s31;
	v11 =	vadd.f32 v11, v10;
	v10 =	vadd.f32 v29, v9;
	v63 =	vld.idx.msk [tilespmem:v37+s15+$0x0], $0xffff;
	v14 =	vadd.s32 v4, v35  }
0x245: {  	v25 =	vld.idx.msk [tilespmem:v38+s13+$0x0], $0xffff;
	v37 =	vand.u32 $0xFFFFFF80, v36;
	v38 =	vor.u32 s0, v0;
	s0 =	sor.u32 $0x11, s31;
	v31 =	vmul.f32 v31, v30  }
0x246: {  	v39 =	vadd.s32 v2, v38;
	v16 =	vadd.s32 v3, v38;
	v41 =	vadd.s32 s0, v0  }
0x247: {  	v33 =	vmul.f32 v33, v32;
	v40 =	vand.u32 $0xFFFFFF80, v39;
	v17 =	vand.u32 $0x7F, v39  }
0x248: {  	s0 =	sor.u32 $0x12, s31;
	v42 =	vand.u32 $0xFFFFFF80, v16;
	v18 =	vand.u32 $0x3F, v41;
	v16 =	vand.u32 $0x7F, v16  }
0x249: {  	v61 =	vld.idx.msk [tilespmem:v49+s13+$0x0], $0xffff;
	v45 =	vadd.s32 s0, v0;
	v13 =	vmul.f32 v58, v56;
	v9 =	vadd.f32 v31, v8  }
0x24a: {  	v27 =	vld.idx.msk [tilespmem:v57+s15+$0x0], $0xffff;
	s0 =	sor.u32 $0x13, s31;
	v43 =	vadd.s32 v2, v18;
	v18 =	vadd.s32 v3, v18;
	v20 =	vand.u32 $0x3F, v45  }
0x24b: {  	v49 =	vadd.s32 s0, v0;
	v8 =	vadd.f32 v33, v7;
	v44 =	vand.u32 $0xFFFFFF80, v43  }
0x24c: {  	v19 =	vand.u32 $0x7F, v43;
	v46 =	vand.u32 $0xFFFFFF80, v18;
	v18 =	vand.u32 $0x7F, v18  }
0x24d: {  	s0 =	sor.u32 $0x14, s31;
	v47 =	vadd.s32 v2, v20;
	v20 =	vadd.s32 v3, v20;
	v22 =	vand.u32 $0x3F, v49  }
0x24e: {  	v53 =	vadd.s32 s0, v0;
	v7 =	vadd.f32 v13, v11;
	v12 =	vmul.f32 v63, v61  }
0x24f: {  	v11 =	vmul.f32 v27, v25;
	v13 =	vand.u32 $0x7F, v34;
	v48 =	vand.u32 $0xFFFFFF80, v47  }
0x250: {  	v21 =	vand.u32 $0x7F, v47;
	v50 =	vand.u32 $0xFFFFFF80, v20;
	v20 =	vand.u32 $0x7F, v20  }
0x251: {  	s0 =	sor.u32 $0x15, s31;
	v51 =	vadd.s32 v2, v22;
	v22 =	vadd.s32 v3, v22;
	v24 =	vand.u32 $0x3F, v53  }
0x252: {  	v57 =	vadd.s32 s0, v0;
	v13 =	vor.u32 v13, v14;
	v14 =	vadd.s32 v4, v37  }
0x253: {  	v52 =	vand.u32 $0xFFFFFF80, v51;
	v23 =	vand.u32 $0x7F, v51;
	v54 =	vand.u32 $0xFFFFFF80, v22  }
0x254: {  	s0 =	sor.u32 $0x16, s31;
	v22 =	vand.u32 $0x7F, v22;
	v55 =	vadd.s32 v2, v24;
	v24 =	vadd.s32 v3, v24  }
0x255: {  	v26 =	vand.u32 $0x3F, v57;
	v61 =	vadd.s32 s0, v0;
	v14 =	vor.u32 v15, v14  }
0x256: {  	v15 =	vadd.s32 v4, v40;
	v56 =	vand.u32 $0xFFFFFF80, v55;
	v25 =	vand.u32 $0x7F, v55  }
0x257: {  	s0 =	sor.u32 $0x17, s31;
	v58 =	vand.u32 $0xFFFFFF80, v24;
	v24 =	vand.u32 $0x7F, v24;
	v59 =	vadd.s32 v2, v26  }
0x258: {  	v26 =	vadd.s32 v3, v26;
	v28 =	vand.u32 $0x3F, v61;
	v33 =	vadd.s32 s0, v0  }
0x259: {  	v15 =	vor.u32 v17, v15;
	v17 =	vadd.s32 v4, v42;
	v60 =	vand.u32 $0xFFFFFF80, v59  }
0x25a: {  	v27 =	vand.u32 $0x7F, v59;
	v62 =	vand.u32 $0xFFFFFF80, v26;
	v26 =	vand.u32 $0x7F, v26  }
0x25b: {  	s0 =	sor.u32 $0x18, s31;
	v63 =	vadd.s32 v2, v28;
	v28 =	vadd.s32 v3, v28;
	v30 =	vand.u32 $0x3F, v33  }
0x25c: {  	v37 =	vadd.s32 s0, v0;
	v16 =	vor.u32 v16, v17;
	v17 =	vadd.s32 v4, v44  }
0x25d: {  	v32 =	vand.u32 $0xFFFFFF80, v63;
	v29 =	vand.u32 $0x7F, v63;
	v34 =	vand.u32 $0xFFFFFF80, v28  }
0x25e: {  	v28 =	vand.u32 $0x7F, v28;
	v17 =	vor.u32 v19, v17;
	v19 =	vadd.s32 v4, v46  }
0x25f: {  	v35 =	vadd.s32 v2, v30;
	v18 =	vor.u32 v18, v19;
	v19 =	vadd.s32 v4, v48  }
0x260: {  	s0 =	sor.u32 $0x19, s31;
	v30 =	vadd.s32 v3, v30;
	v19 =	vor.u32 v21, v19;
	v21 =	vadd.s32 v4, v50  }
0x261: {  	v41 =	vadd.s32 s0, v0;
	v20 =	vor.u32 v20, v21;
	v21 =	vadd.s32 v4, v52  }
0x262: {  	v36 =	vand.u32 $0xFFFFFF80, v35;
	v21 =	vor.u32 v23, v21;
	v23 =	vadd.s32 v4, v54  }
0x263: {  	v31 =	vand.u32 $0x7F, v35;
	v22 =	vor.u32 v22, v23;
	v23 =	vadd.s32 v4, v56  }
0x264: {  	v38 =	vand.u32 $0xFFFFFF80, v30;
	v23 =	vor.u32 v25, v23;
	v25 =	vadd.s32 v4, v58  }
0x265: {  	s0 =	sor.u32 $0x1A, s31;
	v30 =	vand.u32 $0x7F, v30;
	v24 =	vor.u32 v24, v25;
	v25 =	vadd.s32 v4, v60  }
0x266: {  	v45 =	vadd.s32 s0, v0;
	s0 =	sor.u32 $0x1B, s31;
	v25 =	vor.u32 v27, v25;
	v27 =	vadd.s32 v4, v62  }
0x267: {  	v49 =	vadd.s32 s0, v0;
	s0 =	sor.u32 $0x1C, s31;
	v26 =	vor.u32 v26, v27;
	v27 =	vadd.s32 v4, v32  }
0x268: {  	v53 =	vadd.s32 s0, v0;
	v32 =	vand.u32 $0x3F, v37;
	v27 =	vor.u32 v29, v27  }
0x269: {  	v29 =	vadd.s32 v4, v34;
	v39 =	vadd.s32 v2, v32;
	v32 =	vadd.s32 v3, v32  }
0x26a: {  	v34 =	vand.u32 $0x3F, v41;
	v28 =	vor.u32 v28, v29;
	v29 =	vadd.s32 v4, v36  }
0x26b: {  	v40 =	vand.u32 $0xFFFFFF80, v39;
	v33 =	vand.u32 $0x7F, v39;
	v42 =	vand.u32 $0xFFFFFF80, v32  }
0x26c: {  	v32 =	vand.u32 $0x7F, v32;
	v43 =	vadd.s32 v2, v34;
	v34 =	vadd.s32 v3, v34  }
0x26d: {  	v13 =	vld.idx.msk [tilespmem:v13+s13+$0x0], $0xffff;
	v36 =	vand.u32 $0x3F, v45;
	v29 =	vor.u32 v31, v29;
	v31 =	vadd.s32 v4, v38  }
0x26e: {  	v14 =	vld.idx.msk [tilespmem:v14+s15+$0x0], $0xffff;
	v44 =	vand.u32 $0xFFFFFF80, v43;
	v35 =	vand.u32 $0x7F, v43;
	v46 =	vand.u32 $0xFFFFFF80, v34  }
0x26f: {  	v15 =	vld.idx.msk [tilespmem:v15+s13+$0x0], $0xffff;
	v34 =	vand.u32 $0x7F, v34;
	v47 =	vadd.s32 v2, v36;
	v36 =	vadd.s32 v3, v36  }
0x270: {  	v16 =	vld.idx.msk [tilespmem:v16+s15+$0x0], $0xffff;
	v38 =	vand.u32 $0x3F, v49;
	v30 =	vor.u32 v30, v31;
	v31 =	vadd.s32 v4, v40  }
0x271: {  	v17 =	vld.idx.msk [tilespmem:v17+s13+$0x0], $0xffff;
	v48 =	vand.u32 $0xFFFFFF80, v47;
	v37 =	vand.u32 $0x7F, v47;
	v50 =	vand.u32 $0xFFFFFF80, v36  }
0x272: {  	v18 =	vld.idx.msk [tilespmem:v18+s15+$0x0], $0xffff;
	v36 =	vand.u32 $0x7F, v36;
	v51 =	vadd.s32 v2, v38;
	v38 =	vadd.s32 v3, v38  }
0x273: {  	v19 =	vld.idx.msk [tilespmem:v19+s13+$0x0], $0xffff;
	v40 =	vand.u32 $0x3F, v53;
	v31 =	vor.u32 v33, v31;
	v33 =	vadd.s32 v4, v42  }
0x274: {  	v20 =	vld.idx.msk [tilespmem:v20+s15+$0x0], $0xffff;
	v52 =	vand.u32 $0xFFFFFF80, v51;
	v39 =	vand.u32 $0x7F, v51;
	v54 =	vand.u32 $0xFFFFFF80, v38  }
0x275: {  	s0 =	sor.u32 $0x1D, s31;
	v21 =	vld.idx.msk [tilespmem:v21+s13+$0x0], $0xffff;
	v38 =	vand.u32 $0x7F, v38;
	v55 =	vadd.s32 v2, v40;
	v40 =	vadd.s32 v3, v40  }
0x276: {  	v22 =	vld.idx.msk [tilespmem:v22+s15+$0x0], $0xffff;
	v42 =	vadd.s32 s0, v0;
	v32 =	vor.u32 v32, v33;
	v33 =	vadd.s32 v4, v44  }
0x277: {  	v23 =	vld.idx.msk [tilespmem:v23+s13+$0x0], $0xffff;
	s0 =	sor.u32 $0x1E, s31;
	v56 =	vand.u32 $0xFFFFFF80, v55;
	v41 =	vand.u32 $0x7F, v55;
	v57 =	vand.u32 $0xFFFFFF80, v40  }
0x278: {  	v24 =	vld.idx.msk [tilespmem:v24+s15+$0x0], $0xffff;
	v42 =	vand.u32 $0x3F, v42;
	v40 =	vand.u32 $0x7F, v40;
	v44 =	vadd.s32 s0, v0  }
0x279: {  	v25 =	vld.idx.msk [tilespmem:v25+s13+$0x0], $0xffff;
	s0 =	sor.u32 $0x1F, s31;
	v33 =	vor.u32 v35, v33;
	v35 =	vadd.s32 v4, v46;
	v43 =	vadd.s32 v2, v42  }
0x27a: {  	v26 =	vld.idx.msk [tilespmem:v26+s15+$0x0], $0xffff;
	v42 =	vadd.s32 v3, v42;
	v44 =	vand.u32 $0x3F, v44;
	v46 =	vadd.s32 s0, v0  }
0x27b: {  	v27 =	vld.idx.msk [tilespmem:v27+s13+$0x0], $0xffff;
	v34 =	vor.u32 v34, v35;
	v35 =	vadd.s32 v4, v48;
	v58 =	vand.u32 $0xFFFFFF80, v43  }
0x27c: {  	v28 =	vld.idx.msk [tilespmem:v28+s15+$0x0], $0xffff;
	v43 =	vand.u32 $0x7F, v43;
	v59 =	vand.u32 $0xFFFFFF80, v42;
	v42 =	vand.u32 $0x7F, v42  }
0x27d: {  	v29 =	vld.idx.msk [tilespmem:v29+s13+$0x0], $0xffff;
	v45 =	vadd.s32 v2, v44;
	v44 =	vadd.s32 v3, v44;
	v46 =	vand.u32 $0x3F, v46  }
0x27e: {  	v35 =	vor.u32 v37, v35;
	v37 =	vadd.s32 v4, v50;
	v30 =	vld.idx.msk [tilespmem:v30+s15+$0x0], $0xffff;
	v47 =	vadd.s32 v2, v46  }
0x27f: {  	v46 =	vadd.s32 v3, v46;
	v36 =	vor.u32 v36, v37;
	v37 =	vadd.s32 v4, v52;
	v31 =	vld.idx.msk [tilespmem:v31+s13+$0x0], $0xffff  }
0x280: {  	v48 =	vand.u32 $0xFFFFFF80, v46;
	v37 =	vor.u32 v39, v37;
	v39 =	vadd.s32 v4, v54;
	v32 =	vld.idx.msk [tilespmem:v32+s15+$0x0], $0xffff  }
0x281: {  	v46 =	vand.u32 $0x7F, v46;
	v63 =	vadd.s32 v4, v48;
	v38 =	vor.u32 v38, v39;
	v33 =	vld.idx.msk [tilespmem:v33+s13+$0x0], $0xffff  }
0x282: {  	v60 =	vand.u32 $0xFFFFFF80, v45;
	v39 =	vadd.s32 v4, v56;
	v49 =	vor.u32 v46, v63;
	v34 =	vld.idx.msk [tilespmem:v34+s15+$0x0], $0xffff  }
0x283: {  	v45 =	vand.u32 $0x7F, v45;
	v39 =	vor.u32 v41, v39;
	v41 =	vadd.s32 v4, v57;
	v35 =	vld.idx.msk [tilespmem:v35+s13+$0x0], $0xffff  }
0x284: {  	v61 =	vand.u32 $0xFFFFFF80, v44;
	v40 =	vor.u32 v40, v41;
	v41 =	vadd.s32 v4, v58;
	v36 =	vld.idx.msk [tilespmem:v36+s15+$0x0], $0xffff  }
0x285: {  	v44 =	vand.u32 $0x7F, v44;
	v41 =	vor.u32 v43, v41;
	v43 =	vadd.s32 v4, v59;
	v37 =	vld.idx.msk [tilespmem:v37+s13+$0x0], $0xffff  }
0x286: {  	v62 =	vand.u32 $0xFFFFFF80, v47;
	v42 =	vor.u32 v42, v43;
	v43 =	vadd.s32 v4, v60;
	v38 =	vld.idx.msk [tilespmem:v38+s15+$0x0], $0xffff  }
0x287: {  	v48 =	vmul.f32 v14, v13;
	v43 =	vor.u32 v45, v43;
	v45 =	vadd.s32 v4, v61;
	v13 =	vld.idx.msk [tilespmem:v49+s15+$0x0], $0xffff  }
0x288: {  	v47 =	vand.u32 $0x7F, v47;
	v44 =	vor.u32 v44, v45;
	v39 =	vld.idx.msk [tilespmem:v39+s13+$0x0], $0xffff;
	v45 =	vadd.s32 v4, v62  }
0x289: {  	v9 =	vadd.f32 v11, v9;
	v11 =	vmul.f32 v16, v15;
	v45 =	vor.u32 v47, v45;
	v40 =	vld.idx.msk [tilespmem:v40+s15+$0x0], $0xffff  }
0x28a: {  	v10 =	vadd.f32 v12, v10;
	v53 =	vmul.f32 v20, v19;
	v50 =	vld.idx.msk [tilespmem:v41+s13+$0x0], $0xffff  }
0x28b: {  	v7 =	vadd.f32 v11, v7;
	v51 =	vmul.f32 v18, v17;
	v11 =	vmul.f32 v24, v23;
	v52 =	vld.idx.msk [tilespmem:v42+s15+$0x0], $0xffff  }
0x28c: {  	v9 =	vadd.f32 v53, v9;
	v54 =	vmul.f32 v22, v21;
	v8 =	vadd.f32 v48, v8;
	v55 =	vld.idx.msk [tilespmem:v43+s13+$0x0], $0xffff  }
0x28d: {  	v10 =	vadd.f32 v51, v10;
	v7 =	vadd.f32 v11, v7;
	v57 =	vmul.f32 v26, v25;
	v56 =	vld.idx.msk [tilespmem:v44+s15+$0x0], $0xffff  }
0x28e: {  	v11 =	vmul.f32 v28, v27;
	v8 =	vadd.f32 v54, v8;
	v59 =	vmul.f32 v30, v29;
	v58 =	vld.idx.msk [tilespmem:v45+s13+$0x0], $0xffff  }
0x28f: {  	v10 =	vadd.f32 v57, v10;
	v60 =	vmul.f32 v32, v31;
	v61 =	vmul.f32 v34, v33  }
0x290: {  	p1 =	por p0, p0;
	v9 =	vadd.f32 v11, v9;
	v8 =	vadd.f32 v59, v8;
	v11 =	vmul.f32 v36, v35  }
.Ltmp4:
0x291: {  	v7 =	vadd.f32 v60, v7;
	v62 =	vadd.f32 v61, v10;
	v10 =	vmul.f32 v38, v37;
	(pc) =	sbr.rel @p1 .LBB2_11-.Ltmp4, $4  }
0x292: {  	v11 =	vadd.f32 v11, v9;
	v9 =	vmul.f32 v40, v39;
	v14 =	vmul.f32 v52, v50  }
0x293: {  	v63 =	vadd.f32 v10, v8;
	v8 =	vmul.f32 v56, v55;
	v13 =	vmul.f32 v13, v58  }
0x294: {  	v10 =	vadd.f32 v9, v7;
	v9 =	vadd.f32 v14, v62  }
0x295: {  	p0 =	por $0x0, $0x0;
	s31 =	simm.s32 $0x20;
	v8 =	vadd.f32 v8, v11;
	v7 =	vadd.f32 v13, v63  }
0x296: {  	_ = 	snop  }
0x297: {  	v2 =	vadd.f32 v9, v10;
	v3 =	vadd.f32 v7, v8;
	_ =	sdelay $0x1  }
0x298: {  	v2 =	vadd.f32 v3, v2;
	_ =	sdelay $0x1  }
0x299: {  	v2 =	vsub.f32 $0.0e+00, v2;
	_ =	sdelay $0x1  }
0x29a: {  	v2 =	vmul.f32 $1.442695020e+00, v2;
	_ =	sdelay $0x1  }
0x29b: {  	(erf) = vpow2.f32 v2;
	_ =	sdelay $0x8  }
0x29c: {  	v2 =	vpop (erf)  }
0x29d: {  	v2 =	vadd.f32 $1.000000000e+00, v2;
	_ =	sdelay $0x1  }
0x29e: {  	(erf) = vrcp.f32 v2;
	_ =	sdelay $0x3  }
0x29f: {  	s29 =	sadd.s32 $0x1, s29  }
0x2a0: {  	p0 =	sne.s32 s29, $0x8  }
.Ltmp5:
0x2a1: {  	_ = 	snop;
	(pc) =	sbr.rel @p0 .LBB2_10-.Ltmp5, $3  }
0x2a2: {  	_ =	sdelay $0x1  }
0x2a3: {  	v2 =	vpop (erf)  }
0x2a4: {  	[tilespmem:s30+$0x10C00] =	vst v2  }
0x2a5: {  	_ =	swait.ge [sflag:s23], $0x4000  }
0x2a6: {  	[sflag:s23] =	ssyncset.done $0x0  }
0x2a7: {  	[sflag:s23] =	ssyncadd.s32 $0xFFFFC000  }
0x2a8: {  	_ =	swait.ge [sflag:s23], $0x4000  }
0x2a9: {  	[sflag:s23] =	ssyncset.done $0x0  }
0x2aa: {  	s29 =	simm.s32 $0x0;
	[sflag:s23] =	ssyncadd.s32 $0xFFFFC000  }
.LBB2_14:
0x2ab: {  	s0 =	sshll.u32 s29, $0x4  }
0x2ac: {  	v2 =	vld [tilespmem:s0+$0x980]  }
0x2ad: {  	v3 =	vld [tilespmem:s0+$0xB80];
	_ =	sdelay $0x1  }
0x2ae: {  	v4 =	vmov s0  }
0x2af: {  	v7 =	vimm.f32 $0.0e+00;
	v8 =	vimm.f32 $0.0e+00;
	v4 =	vshll.u32 v4, $0x7  }
0x2b0: {  	v9 =	vimm.f32 $0.0e+00;
	v10 =	vimm.f32 $0.0e+00;
	v4 =	vor.u32 v1, v4  }
0x2b1: {  	p0 =	por $0x1, $0x1;
	s31 =	simm.s32 $0x0;
	s30 =	sor.u32 $0x180, s0;
	v4 =	vadd.s32 $0x4000, v4;
	v5 =	vadd.s32 v0, v2;
	v6 =	vadd.s32 v0, v3  }
.LBB2_15:
0x2b2: {  	v11 =	vor.u32 s31, v0  }
0x2b3: {  	s0 =	sor.u32 $0x1, s31;
	v12 =	vadd.s32 v2, v11  }
0x2b4: {  	v11 =	vadd.s32 v3, v11;
	v31 =	vadd.s32 s0, v5;
	v15 =	vadd.s32 s0, v6  }
0x2b5: {  	v13 =	vand.u32 $0xFFFFFF80, v12;
	v12 =	vand.u32 $0x7F, v12;
	v14 =	vand.u32 $0xFFFFFF80, v11  }
0x2b6: {  	s0 =	sor.u32 $0x2, s31;
	v11 =	vand.u32 $0x7F, v11;
	v32 =	vand.u32 $0xFFFFFF80, v31;
	v34 =	vand.u32 $0xFFFFFF80, v15  }
0x2b7: {  	v35 =	vand.u32 $0x7F, v15;
	v36 =	vadd.s32 s0, v5;
	v16 =	vadd.s32 s0, v6  }
0x2b8: {  	v13 =	vadd.s32 v4, v13;
	v30 =	vadd.s32 v4, v14;
	v14 =	vadd.s32 v4, v32  }
0x2b9: {  	s0 =	sor.u32 $0x3, s31;
	v37 =	vand.u32 $0xFFFFFF80, v36;
	v15 =	vand.u32 $0x7F, v36;
	v17 =	vand.u32 $0xFFFFFF80, v16  }
0x2ba: {  	v16 =	vand.u32 $0x7F, v16;
	v18 =	vadd.s32 s0, v5;
	v41 =	vadd.s32 s0, v6  }
0x2bb: {  	v12 =	vor.u32 v12, v13;
	v11 =	vor.u32 v11, v30;
	v13 =	vand.u32 $0x7F, v31  }
0x2bc: {  	s0 =	sor.u32 $0x4, s31;
	v17 =	vadd.s32 v4, v17;
	v39 =	vand.u32 $0xFFFFFF80, v18;
	v40 =	vand.u32 $0x7F, v18  }
0x2bd: {  	v42 =	vand.u32 $0xFFFFFF80, v41;
	v19 =	vadd.s32 s0, v5;
	v18 =	vand.u32 $0x7F, v41  }
0x2be: {  	v21 =	vadd.s32 s0, v6;
	v33 =	vor.u32 v13, v14;
	v13 =	vadd.s32 v4, v34  }
0x2bf: {  	v14 =	vadd.s32 v4, v37;
	v38 =	vor.u32 v16, v17;
	v16 =	vadd.s32 v4, v39  }
0x2c0: {  	s0 =	sor.u32 $0x5, s31;
	v17 =	vadd.s32 v4, v42;
	v20 =	vand.u32 $0xFFFFFF80, v19;
	v19 =	vand.u32 $0x7F, v19  }
0x2c1: {  	v44 =	vand.u32 $0xFFFFFF80, v21;
	v45 =	vand.u32 $0x7F, v21;
	v46 =	vadd.s32 s0, v5  }
0x2c2: {  	v22 =	vadd.s32 s0, v6;
	v13 =	vor.u32 v35, v13;
	v14 =	vor.u32 v15, v14  }
0x2c3: {  	v16 =	vor.u32 v40, v16;
	v20 =	vadd.s32 v4, v20;
	v17 =	vor.u32 v18, v17  }
0x2c4: {  	s0 =	sor.u32 $0x6, s31;
	v47 =	vand.u32 $0xFFFFFF80, v46;
	v21 =	vand.u32 $0x7F, v46;
	v23 =	vand.u32 $0xFFFFFF80, v22  }
0x2c5: {  	v22 =	vand.u32 $0x7F, v22;
	v24 =	vadd.s32 s0, v5;
	v51 =	vadd.s32 s0, v6  }
0x2c6: {  	v43 =	vor.u32 v19, v20;
	v19 =	vadd.s32 v4, v44;
	v20 =	vadd.s32 v4, v47  }
0x2c7: {  	s0 =	sor.u32 $0x7, s31;
	v23 =	vadd.s32 v4, v23;
	v49 =	vand.u32 $0xFFFFFF80, v24;
	v50 =	vand.u32 $0x7F, v24  }
0x2c8: {  	v52 =	vand.u32 $0xFFFFFF80, v51;
	v25 =	vadd.s32 s0, v5;
	v24 =	vand.u32 $0x7F, v51  }
0x2c9: {  	v27 =	vadd.s32 s0, v6;
	v19 =	vor.u32 v45, v19;
	v20 =	vor.u32 v21, v20  }
0x2ca: {  	v48 =	vor.u32 v22, v23;
	v22 =	vadd.s32 v4, v49;
	v23 =	vadd.s32 v4, v52  }
0x2cb: {  	s0 =	sor.u32 $0x8, s31;
	v26 =	vand.u32 $0xFFFFFF80, v25;
	v25 =	vand.u32 $0x7F, v25;
	v54 =	vand.u32 $0xFFFFFF80, v27  }
0x2cc: {  	v55 =	vand.u32 $0x7F, v27;
	v56 =	vadd.s32 s0, v5;
	v28 =	vadd.s32 s0, v6  }
0x2cd: {  	v22 =	vor.u32 v50, v22;
	v26 =	vadd.s32 v4, v26;
	v23 =	vor.u32 v24, v23  }
0x2ce: {  	s0 =	sor.u32 $0x9, s31;
	v57 =	vand.u32 $0xFFFFFF80, v56;
	v27 =	vand.u32 $0x7F, v56;
	v29 =	vand.u32 $0xFFFFFF80, v28  }
0x2cf: {  	v28 =	vand.u32 $0x7F, v28;
	v30 =	vadd.s32 s0, v5;
	v61 =	vadd.s32 s0, v6  }
0x2d0: {  	v12 =	vld.idx.msk [tilespmem:v12+s13+$0x0], $0xffff;
	v53 =	vor.u32 v25, v26;
	v25 =	vadd.s32 v4, v54;
	v26 =	vadd.s32 v4, v57  }
0x2d1: {  	v11 =	vld.idx.msk [tilespmem:v11+s15+$0x0], $0xffff;
	s0 =	sor.u32 $0xA, s31;
	v29 =	vadd.s32 v4, v29;
	v59 =	vand.u32 $0xFFFFFF80, v30;
	v60 =	vand.u32 $0x7F, v30  }
0x2d2: {  	v15 =	vld.idx.msk [tilespmem:v38+s15+$0x0], $0xffff;
	v62 =	vand.u32 $0xFFFFFF80, v61;
	v31 =	vadd.s32 s0, v5;
	v30 =	vand.u32 $0x7F, v61  }
0x2d3: {  	v25 =	vor.u32 v55, v25;
	v14 =	vld.idx.msk [tilespmem:v14+s13+$0x0], $0xffff;
	v26 =	vor.u32 v27, v26;
	v58 =	vor.u32 v28, v29  }
0x2d4: {  	v28 =	vadd.s32 v4, v59;
	v16 =	vld.idx.msk [tilespmem:v16+s13+$0x0], $0xffff;
	v29 =	vadd.s32 v4, v62;
	v32 =	vand.u32 $0xFFFFFF80, v31  }
0x2d5: {  	v17 =	vld.idx.msk [tilespmem:v17+s15+$0x0], $0xffff;
	v31 =	vand.u32 $0x7F, v31;
	v28 =	vor.u32 v60, v28;
	v32 =	vadd.s32 v4, v32  }
0x2d6: {  	v29 =	vor.u32 v30, v29;
	v11 =	vmul.f32 v11, v12;
	v12 =	vld.idx.msk [tilespmem:v33+s13+$0x0], $0xffff;
	v33 =	vadd.s32 s0, v6  }
0x2d7: {  	v63 =	vor.u32 v31, v32;
	s0 =	sor.u32 $0xB, s31;
	v40 =	vand.u32 $0xFFFFFF80, v33;
	v41 =	vand.u32 $0x7F, v33  }
0x2d8: {  	v42 =	vadd.s32 s0, v5;
	v34 =	vadd.s32 s0, v6;
	v31 =	vadd.s32 v4, v40  }
0x2d9: {  	v18 =	vld.idx.msk [tilespmem:v43+s13+$0x0], $0xffff;
	s0 =	sor.u32 $0xC, s31;
	v43 =	vand.u32 $0xFFFFFF80, v42;
	v33 =	vand.u32 $0x7F, v42;
	v35 =	vand.u32 $0xFFFFFF80, v34  }
0x2da: {  	v34 =	vand.u32 $0x7F, v34;
	v36 =	vadd.s32 s0, v5;
	v47 =	vadd.s32 s0, v6  }
0x2db: {  	v13 =	vld.idx.msk [tilespmem:v13+s15+$0x0], $0xffff;
	v10 =	vadd.f32 v11, v10;
	v11 =	vmul.f32 v15, v14;
	v59 =	vmul.f32 v17, v16  }
0x2dc: {  	v19 =	vld.idx.msk [tilespmem:v19+s15+$0x0], $0xffff;
	v31 =	vor.u32 v41, v31;
	v32 =	vadd.s32 v4, v43;
	v35 =	vadd.s32 v4, v35  }
0x2dd: {  	v21 =	vld.idx.msk [tilespmem:v48+s15+$0x0], $0xffff;
	s0 =	sor.u32 $0xD, s31;
	v45 =	vand.u32 $0xFFFFFF80, v36;
	v46 =	vand.u32 $0x7F, v36;
	v48 =	vand.u32 $0xFFFFFF80, v47  }
0x2de: {  	v20 =	vld.idx.msk [tilespmem:v20+s13+$0x0], $0xffff;
	v37 =	vadd.s32 s0, v5;
	v36 =	vand.u32 $0x7F, v47;
	v39 =	vadd.s32 s0, v6  }
0x2df: {  	v22 =	vld.idx.msk [tilespmem:v22+s13+$0x0], $0xffff;
	v32 =	vor.u32 v33, v32;
	v44 =	vor.u32 v34, v35;
	v34 =	vadd.s32 v4, v45  }
0x2e0: {  	v23 =	vld.idx.msk [tilespmem:v23+s15+$0x0], $0xffff;
	s0 =	sor.u32 $0xE, s31;
	v35 =	vadd.s32 v4, v48;
	v38 =	vand.u32 $0xFFFFFF80, v37;
	v37 =	vand.u32 $0x7F, v37  }
0x2e1: {  	v24 =	vld.idx.msk [tilespmem:v53+s13+$0x0], $0xffff;
	v50 =	vand.u32 $0xFFFFFF80, v39;
	v51 =	vand.u32 $0x7F, v39;
	v52 =	vadd.s32 s0, v5  }
0x2e2: {  	v25 =	vld.idx.msk [tilespmem:v25+s15+$0x0], $0xffff;
	v40 =	vadd.s32 s0, v6;
	v60 =	vmul.f32 v19, v18;
	v8 =	vadd.f32 v11, v8  }
0x2e3: {  	v26 =	vld.idx.msk [tilespmem:v26+s13+$0x0], $0xffff;
	v11 =	vmul.f32 v21, v20;
	v7 =	vadd.f32 v59, v7;
	v34 =	vor.u32 v46, v34  }
0x2e4: {  	v28 =	vld.idx.msk [tilespmem:v28+s13+$0x0], $0xffff;
	v38 =	vadd.s32 v4, v38;
	v35 =	vor.u32 v36, v35;
	v53 =	vand.u32 $0xFFFFFF80, v52  }
0x2e5: {  	v29 =	vld.idx.msk [tilespmem:v29+s15+$0x0], $0xffff;
	s0 =	sor.u32 $0xF, s31;
	v39 =	vand.u32 $0x7F, v52;
	v41 =	vand.u32 $0xFFFFFF80, v40;
	v54 =	vand.u32 $0x7F, v40  }
0x2e6: {  	v27 =	vld.idx.msk [tilespmem:v58+s15+$0x0], $0xffff;
	v12 =	vmul.f32 v13, v12;
	v62 =	vmul.f32 v23, v22;
	v36 =	vadd.s32 s0, v6  }
0x2e7: {  	v30 =	vld.idx.msk [tilespmem:v63+s13+$0x0], $0xffff;
	v49 =	vor.u32 v37, v38;
	v37 =	vadd.s32 v4, v50;
	v38 =	vadd.s32 v4, v53  }
0x2e8: {  	v55 =	vadd.s32 v4, v41;
	v10 =	vadd.f32 v60, v10;
	v37 =	vor.u32 v51, v37;
	v31 =	vld.idx.msk [tilespmem:v31+s15+$0x0], $0xffff  }
0x2e9: {  	v15 =	vand.u32 $0x7F, v36;
	v38 =	vor.u32 v39, v38;
	v9 =	vadd.f32 v12, v9;
	v32 =	vld.idx.msk [tilespmem:v32+s13+$0x0], $0xffff  }
0x2ea: {  	v57 =	vor.u32 v54, v55;
	v24 =	vmul.f32 v25, v24;
	v29 =	vmul.f32 v29, v28;
	v33 =	vld.idx.msk [tilespmem:v44+s15+$0x0], $0xffff  }
0x2eb: {  	v9 =	vadd.f32 v11, v9;
	v11 =	vmul.f32 v27, v26;
	v56 =	vld.idx.msk [tilespmem:v34+s13+$0x0], $0xffff;
	v34 =	vadd.s32 s0, v5  }
0x2ec: {  	v8 =	vadd.f32 v62, v8;
	v7 =	vadd.f32 v24, v7;
	v58 =	vld.idx.msk [tilespmem:v35+s15+$0x0], $0xffff;
	v35 =	vand.u32 $0xFFFFFF80, v34  }
0x2ed: {  	s0 =	sor.u32 $0x10, s31;
	v11 =	vadd.f32 v11, v10;
	v10 =	vadd.f32 v29, v9;
	v63 =	vld.idx.msk [tilespmem:v37+s15+$0x0], $0xffff;
	v14 =	vadd.s32 v4, v35  }
0x2ee: {  	v25 =	vld.idx.msk [tilespmem:v38+s13+$0x0], $0xffff;
	v37 =	vand.u32 $0xFFFFFF80, v36;
	v38 =	vor.u32 s0, v0;
	s0 =	sor.u32 $0x11, s31;
	v31 =	vmul.f32 v31, v30  }
0x2ef: {  	v39 =	vadd.s32 v2, v38;
	v16 =	vadd.s32 v3, v38;
	v41 =	vadd.s32 s0, v0  }
0x2f0: {  	v33 =	vmul.f32 v33, v32;
	v40 =	vand.u32 $0xFFFFFF80, v39;
	v17 =	vand.u32 $0x7F, v39  }
0x2f1: {  	s0 =	sor.u32 $0x12, s31;
	v42 =	vand.u32 $0xFFFFFF80, v16;
	v18 =	vand.u32 $0x3F, v41;
	v16 =	vand.u32 $0x7F, v16  }
0x2f2: {  	v61 =	vld.idx.msk [tilespmem:v49+s13+$0x0], $0xffff;
	v45 =	vadd.s32 s0, v0;
	v13 =	vmul.f32 v58, v56;
	v9 =	vadd.f32 v31, v8  }
0x2f3: {  	v27 =	vld.idx.msk [tilespmem:v57+s15+$0x0], $0xffff;
	s0 =	sor.u32 $0x13, s31;
	v43 =	vadd.s32 v2, v18;
	v18 =	vadd.s32 v3, v18;
	v20 =	vand.u32 $0x3F, v45  }
0x2f4: {  	v49 =	vadd.s32 s0, v0;
	v8 =	vadd.f32 v33, v7;
	v44 =	vand.u32 $0xFFFFFF80, v43  }
0x2f5: {  	v19 =	vand.u32 $0x7F, v43;
	v46 =	vand.u32 $0xFFFFFF80, v18;
	v18 =	vand.u32 $0x7F, v18  }
0x2f6: {  	s0 =	sor.u32 $0x14, s31;
	v47 =	vadd.s32 v2, v20;
	v20 =	vadd.s32 v3, v20;
	v22 =	vand.u32 $0x3F, v49  }
0x2f7: {  	v53 =	vadd.s32 s0, v0;
	v7 =	vadd.f32 v13, v11;
	v12 =	vmul.f32 v63, v61  }
0x2f8: {  	v11 =	vmul.f32 v27, v25;
	v13 =	vand.u32 $0x7F, v34;
	v48 =	vand.u32 $0xFFFFFF80, v47  }
0x2f9: {  	v21 =	vand.u32 $0x7F, v47;
	v50 =	vand.u32 $0xFFFFFF80, v20;
	v20 =	vand.u32 $0x7F, v20  }
0x2fa: {  	s0 =	sor.u32 $0x15, s31;
	v51 =	vadd.s32 v2, v22;
	v22 =	vadd.s32 v3, v22;
	v24 =	vand.u32 $0x3F, v53  }
0x2fb: {  	v57 =	vadd.s32 s0, v0;
	v13 =	vor.u32 v13, v14;
	v14 =	vadd.s32 v4, v37  }
0x2fc: {  	v52 =	vand.u32 $0xFFFFFF80, v51;
	v23 =	vand.u32 $0x7F, v51;
	v54 =	vand.u32 $0xFFFFFF80, v22  }
0x2fd: {  	s0 =	sor.u32 $0x16, s31;
	v22 =	vand.u32 $0x7F, v22;
	v55 =	vadd.s32 v2, v24;
	v24 =	vadd.s32 v3, v24  }
0x2fe: {  	v26 =	vand.u32 $0x3F, v57;
	v61 =	vadd.s32 s0, v0;
	v14 =	vor.u32 v15, v14  }
0x2ff: {  	v15 =	vadd.s32 v4, v40;
	v56 =	vand.u32 $0xFFFFFF80, v55;
	v25 =	vand.u32 $0x7F, v55  }
0x300: {  	s0 =	sor.u32 $0x17, s31;
	v58 =	vand.u32 $0xFFFFFF80, v24;
	v24 =	vand.u32 $0x7F, v24;
	v59 =	vadd.s32 v2, v26  }
0x301: {  	v26 =	vadd.s32 v3, v26;
	v28 =	vand.u32 $0x3F, v61;
	v33 =	vadd.s32 s0, v0  }
0x302: {  	v15 =	vor.u32 v17, v15;
	v17 =	vadd.s32 v4, v42;
	v60 =	vand.u32 $0xFFFFFF80, v59  }
0x303: {  	v27 =	vand.u32 $0x7F, v59;
	v62 =	vand.u32 $0xFFFFFF80, v26;
	v26 =	vand.u32 $0x7F, v26  }
0x304: {  	s0 =	sor.u32 $0x18, s31;
	v63 =	vadd.s32 v2, v28;
	v28 =	vadd.s32 v3, v28;
	v30 =	vand.u32 $0x3F, v33  }
0x305: {  	v37 =	vadd.s32 s0, v0;
	v16 =	vor.u32 v16, v17;
	v17 =	vadd.s32 v4, v44  }
0x306: {  	v32 =	vand.u32 $0xFFFFFF80, v63;
	v29 =	vand.u32 $0x7F, v63;
	v34 =	vand.u32 $0xFFFFFF80, v28  }
0x307: {  	v28 =	vand.u32 $0x7F, v28;
	v17 =	vor.u32 v19, v17;
	v19 =	vadd.s32 v4, v46  }
0x308: {  	v35 =	vadd.s32 v2, v30;
	v18 =	vor.u32 v18, v19;
	v19 =	vadd.s32 v4, v48  }
0x309: {  	s0 =	sor.u32 $0x19, s31;
	v30 =	vadd.s32 v3, v30;
	v19 =	vor.u32 v21, v19;
	v21 =	vadd.s32 v4, v50  }
0x30a: {  	v41 =	vadd.s32 s0, v0;
	v20 =	vor.u32 v20, v21;
	v21 =	vadd.s32 v4, v52  }
0x30b: {  	v36 =	vand.u32 $0xFFFFFF80, v35;
	v21 =	vor.u32 v23, v21;
	v23 =	vadd.s32 v4, v54  }
0x30c: {  	v31 =	vand.u32 $0x7F, v35;
	v22 =	vor.u32 v22, v23;
	v23 =	vadd.s32 v4, v56  }
0x30d: {  	v38 =	vand.u32 $0xFFFFFF80, v30;
	v23 =	vor.u32 v25, v23;
	v25 =	vadd.s32 v4, v58  }
0x30e: {  	s0 =	sor.u32 $0x1A, s31;
	v30 =	vand.u32 $0x7F, v30;
	v24 =	vor.u32 v24, v25;
	v25 =	vadd.s32 v4, v60  }
0x30f: {  	v45 =	vadd.s32 s0, v0;
	s0 =	sor.u32 $0x1B, s31;
	v25 =	vor.u32 v27, v25;
	v27 =	vadd.s32 v4, v62  }
0x310: {  	v49 =	vadd.s32 s0, v0;
	s0 =	sor.u32 $0x1C, s31;
	v26 =	vor.u32 v26, v27;
	v27 =	vadd.s32 v4, v32  }
0x311: {  	v53 =	vadd.s32 s0, v0;
	v32 =	vand.u32 $0x3F, v37;
	v27 =	vor.u32 v29, v27  }
0x312: {  	v29 =	vadd.s32 v4, v34;
	v39 =	vadd.s32 v2, v32;
	v32 =	vadd.s32 v3, v32  }
0x313: {  	v34 =	vand.u32 $0x3F, v41;
	v28 =	vor.u32 v28, v29;
	v29 =	vadd.s32 v4, v36  }
0x314: {  	v40 =	vand.u32 $0xFFFFFF80, v39;
	v33 =	vand.u32 $0x7F, v39;
	v42 =	vand.u32 $0xFFFFFF80, v32  }
0x315: {  	v32 =	vand.u32 $0x7F, v32;
	v43 =	vadd.s32 v2, v34;
	v34 =	vadd.s32 v3, v34  }
0x316: {  	v13 =	vld.idx.msk [tilespmem:v13+s13+$0x0], $0xffff;
	v36 =	vand.u32 $0x3F, v45;
	v29 =	vor.u32 v31, v29;
	v31 =	vadd.s32 v4, v38  }
0x317: {  	v14 =	vld.idx.msk [tilespmem:v14+s15+$0x0], $0xffff;
	v44 =	vand.u32 $0xFFFFFF80, v43;
	v35 =	vand.u32 $0x7F, v43;
	v46 =	vand.u32 $0xFFFFFF80, v34  }
0x318: {  	v15 =	vld.idx.msk [tilespmem:v15+s13+$0x0], $0xffff;
	v34 =	vand.u32 $0x7F, v34;
	v47 =	vadd.s32 v2, v36;
	v36 =	vadd.s32 v3, v36  }
0x319: {  	v16 =	vld.idx.msk [tilespmem:v16+s15+$0x0], $0xffff;
	v38 =	vand.u32 $0x3F, v49;
	v30 =	vor.u32 v30, v31;
	v31 =	vadd.s32 v4, v40  }
0x31a: {  	v17 =	vld.idx.msk [tilespmem:v17+s13+$0x0], $0xffff;
	v48 =	vand.u32 $0xFFFFFF80, v47;
	v37 =	vand.u32 $0x7F, v47;
	v50 =	vand.u32 $0xFFFFFF80, v36  }
0x31b: {  	v18 =	vld.idx.msk [tilespmem:v18+s15+$0x0], $0xffff;
	v36 =	vand.u32 $0x7F, v36;
	v51 =	vadd.s32 v2, v38;
	v38 =	vadd.s32 v3, v38  }
0x31c: {  	v19 =	vld.idx.msk [tilespmem:v19+s13+$0x0], $0xffff;
	v40 =	vand.u32 $0x3F, v53;
	v31 =	vor.u32 v33, v31;
	v33 =	vadd.s32 v4, v42  }
0x31d: {  	v20 =	vld.idx.msk [tilespmem:v20+s15+$0x0], $0xffff;
	v52 =	vand.u32 $0xFFFFFF80, v51;
	v39 =	vand.u32 $0x7F, v51;
	v54 =	vand.u32 $0xFFFFFF80, v38  }
0x31e: {  	s0 =	sor.u32 $0x1D, s31;
	v21 =	vld.idx.msk [tilespmem:v21+s13+$0x0], $0xffff;
	v38 =	vand.u32 $0x7F, v38;
	v55 =	vadd.s32 v2, v40;
	v40 =	vadd.s32 v3, v40  }
0x31f: {  	v22 =	vld.idx.msk [tilespmem:v22+s15+$0x0], $0xffff;
	v42 =	vadd.s32 s0, v0;
	v32 =	vor.u32 v32, v33;
	v33 =	vadd.s32 v4, v44  }
0x320: {  	v23 =	vld.idx.msk [tilespmem:v23+s13+$0x0], $0xffff;
	s0 =	sor.u32 $0x1E, s31;
	v56 =	vand.u32 $0xFFFFFF80, v55;
	v41 =	vand.u32 $0x7F, v55;
	v57 =	vand.u32 $0xFFFFFF80, v40  }
0x321: {  	v24 =	vld.idx.msk [tilespmem:v24+s15+$0x0], $0xffff;
	v42 =	vand.u32 $0x3F, v42;
	v40 =	vand.u32 $0x7F, v40;
	v44 =	vadd.s32 s0, v0  }
0x322: {  	v25 =	vld.idx.msk [tilespmem:v25+s13+$0x0], $0xffff;
	s0 =	sor.u32 $0x1F, s31;
	v33 =	vor.u32 v35, v33;
	v35 =	vadd.s32 v4, v46;
	v43 =	vadd.s32 v2, v42  }
0x323: {  	v26 =	vld.idx.msk [tilespmem:v26+s15+$0x0], $0xffff;
	v42 =	vadd.s32 v3, v42;
	v44 =	vand.u32 $0x3F, v44;
	v46 =	vadd.s32 s0, v0  }
0x324: {  	v27 =	vld.idx.msk [tilespmem:v27+s13+$0x0], $0xffff;
	v34 =	vor.u32 v34, v35;
	v35 =	vadd.s32 v4, v48;
	v58 =	vand.u32 $0xFFFFFF80, v43  }
0x325: {  	v28 =	vld.idx.msk [tilespmem:v28+s15+$0x0], $0xffff;
	v43 =	vand.u32 $0x7F, v43;
	v59 =	vand.u32 $0xFFFFFF80, v42;
	v42 =	vand.u32 $0x7F, v42  }
0x326: {  	v29 =	vld.idx.msk [tilespmem:v29+s13+$0x0], $0xffff;
	v45 =	vadd.s32 v2, v44;
	v44 =	vadd.s32 v3, v44;
	v46 =	vand.u32 $0x3F, v46  }
0x327: {  	v35 =	vor.u32 v37, v35;
	v37 =	vadd.s32 v4, v50;
	v30 =	vld.idx.msk [tilespmem:v30+s15+$0x0], $0xffff;
	v47 =	vadd.s32 v2, v46  }
0x328: {  	v46 =	vadd.s32 v3, v46;
	v36 =	vor.u32 v36, v37;
	v37 =	vadd.s32 v4, v52;
	v31 =	vld.idx.msk [tilespmem:v31+s13+$0x0], $0xffff  }
0x329: {  	v48 =	vand.u32 $0xFFFFFF80, v46;
	v37 =	vor.u32 v39, v37;
	v39 =	vadd.s32 v4, v54;
	v32 =	vld.idx.msk [tilespmem:v32+s15+$0x0], $0xffff  }
0x32a: {  	v46 =	vand.u32 $0x7F, v46;
	v63 =	vadd.s32 v4, v48;
	v38 =	vor.u32 v38, v39;
	v33 =	vld.idx.msk [tilespmem:v33+s13+$0x0], $0xffff  }
0x32b: {  	v60 =	vand.u32 $0xFFFFFF80, v45;
	v39 =	vadd.s32 v4, v56;
	v49 =	vor.u32 v46, v63;
	v34 =	vld.idx.msk [tilespmem:v34+s15+$0x0], $0xffff  }
0x32c: {  	v45 =	vand.u32 $0x7F, v45;
	v39 =	vor.u32 v41, v39;
	v41 =	vadd.s32 v4, v57;
	v35 =	vld.idx.msk [tilespmem:v35+s13+$0x0], $0xffff  }
0x32d: {  	v61 =	vand.u32 $0xFFFFFF80, v44;
	v40 =	vor.u32 v40, v41;
	v41 =	vadd.s32 v4, v58;
	v36 =	vld.idx.msk [tilespmem:v36+s15+$0x0], $0xffff  }
0x32e: {  	v44 =	vand.u32 $0x7F, v44;
	v41 =	vor.u32 v43, v41;
	v43 =	vadd.s32 v4, v59;
	v37 =	vld.idx.msk [tilespmem:v37+s13+$0x0], $0xffff  }
0x32f: {  	v62 =	vand.u32 $0xFFFFFF80, v47;
	v42 =	vor.u32 v42, v43;
	v43 =	vadd.s32 v4, v60;
	v38 =	vld.idx.msk [tilespmem:v38+s15+$0x0], $0xffff  }
0x330: {  	v48 =	vmul.f32 v14, v13;
	v43 =	vor.u32 v45, v43;
	v45 =	vadd.s32 v4, v61;
	v13 =	vld.idx.msk [tilespmem:v49+s15+$0x0], $0xffff  }
0x331: {  	v47 =	vand.u32 $0x7F, v47;
	v44 =	vor.u32 v44, v45;
	v39 =	vld.idx.msk [tilespmem:v39+s13+$0x0], $0xffff;
	v45 =	vadd.s32 v4, v62  }
0x332: {  	v9 =	vadd.f32 v11, v9;
	v11 =	vmul.f32 v16, v15;
	v45 =	vor.u32 v47, v45;
	v40 =	vld.idx.msk [tilespmem:v40+s15+$0x0], $0xffff  }
0x333: {  	v10 =	vadd.f32 v12, v10;
	v53 =	vmul.f32 v20, v19;
	v50 =	vld.idx.msk [tilespmem:v41+s13+$0x0], $0xffff  }
0x334: {  	v7 =	vadd.f32 v11, v7;
	v51 =	vmul.f32 v18, v17;
	v11 =	vmul.f32 v24, v23;
	v52 =	vld.idx.msk [tilespmem:v42+s15+$0x0], $0xffff  }
0x335: {  	v9 =	vadd.f32 v53, v9;
	v54 =	vmul.f32 v22, v21;
	v8 =	vadd.f32 v48, v8;
	v55 =	vld.idx.msk [tilespmem:v43+s13+$0x0], $0xffff  }
0x336: {  	v10 =	vadd.f32 v51, v10;
	v7 =	vadd.f32 v11, v7;
	v57 =	vmul.f32 v26, v25;
	v56 =	vld.idx.msk [tilespmem:v44+s15+$0x0], $0xffff  }
0x337: {  	v11 =	vmul.f32 v28, v27;
	v8 =	vadd.f32 v54, v8;
	v59 =	vmul.f32 v30, v29;
	v58 =	vld.idx.msk [tilespmem:v45+s13+$0x0], $0xffff  }
0x338: {  	v10 =	vadd.f32 v57, v10;
	v60 =	vmul.f32 v32, v31;
	v61 =	vmul.f32 v34, v33  }
0x339: {  	p1 =	por p0, p0;
	v9 =	vadd.f32 v11, v9;
	v8 =	vadd.f32 v59, v8;
	v11 =	vmul.f32 v36, v35  }
.Ltmp6:
0x33a: {  	v7 =	vadd.f32 v60, v7;
	v62 =	vadd.f32 v61, v10;
	v10 =	vmul.f32 v38, v37;
	(pc) =	sbr.rel @p1 .LBB2_15-.Ltmp6, $4  }
0x33b: {  	v11 =	vadd.f32 v11, v9;
	v9 =	vmul.f32 v40, v39;
	v14 =	vmul.f32 v52, v50  }
0x33c: {  	v63 =	vadd.f32 v10, v8;
	v8 =	vmul.f32 v56, v55;
	v13 =	vmul.f32 v13, v58  }
0x33d: {  	v10 =	vadd.f32 v9, v7;
	v9 =	vadd.f32 v14, v62  }
0x33e: {  	p0 =	por $0x0, $0x0;
	s31 =	simm.s32 $0x20;
	v8 =	vadd.f32 v8, v11;
	v7 =	vadd.f32 v13, v63  }
0x33f: {  	_ = 	snop  }
0x340: {  	v2 =	vadd.f32 v9, v10;
	v3 =	vadd.f32 v7, v8;
	_ =	sdelay $0x1  }
0x341: {  	v2 =	vadd.f32 v3, v2;
	_ =	sdelay $0x1  }
0x342: {  	v2 =	vsub.f32 $0.0e+00, v2;
	_ =	sdelay $0x1  }
0x343: {  	v2 =	vmul.f32 $1.442695020e+00, v2;
	_ =	sdelay $0x1  }
0x344: {  	(erf) = vpow2.f32 v2;
	_ =	sdelay $0x8  }
0x345: {  	v2 =	vpop (erf)  }
0x346: {  	v2 =	vadd.f32 $1.000000000e+00, v2;
	_ =	sdelay $0x1  }
0x347: {  	(erf) = vrcp.f32 v2;
	_ =	sdelay $0x3  }
0x348: {  	s29 =	sadd.s32 $0x1, s29  }
0x349: {  	p0 =	sne.s32 s29, $0x8  }
.Ltmp7:
0x34a: {  	_ = 	snop;
	(pc) =	sbr.rel @p0 .LBB2_14-.Ltmp7, $3  }
0x34b: {  	_ =	sdelay $0x1  }
0x34c: {  	v2 =	vpop (erf)  }
0x34d: {  	[tilespmem:s30+$0x10C00] =	vst v2  }
0x34e: {  	s28 =	sadd.s32 $0x1, s28  }
0x34f: {  	p0 =	sne.s32 s28, s8  }
.Ltmp8:
0x350: {  	_ = 	snop;
	(pc) =	sbr.rel @p0 .LBB2_1-.Ltmp8, $4  }
0x351: {  	[hbm4b:s7+s2] =	stream.linear.scatter [tilespmem:s26], [sflag:$0x3], $0x200, $0x38;
	[tilespmem:$0x10E00] =	vst v63  }
0x352: {  	_ =	swait.ge [sflag:s9], $0x200  }
0x353: {  	[sflag:s9] =	ssyncset.done $0x0  }
0x354: {  	[sflag:s9] =	ssyncadd.s32 $0xFFFFFE00  }
0x355: {  	_ =	sfence.sel $0x180000  }
0x356: {  	[bflag:$0x0] =	sbarrier.arrive $0xFFFF  }
0x357: {  	_ =	strace $0x90000047  }
0x358: {  	[bflag:$0x2] =	sbarrier.arrive $0xFFFF  }
0x359: {  	p0 =	sne.s32 s1, $0x0;
	s0 =	rddreg [dreg:$0x2]  }
0x35a: {  	s0 =	sadd.s32 @!p0 $0x100000, s0  }
0x35b: {  	[sflag:s0] =	ssyncadd.tile.s32 @!p0 $0x1;
	_ =	shalt  }
.Lfunc_end2:
_tile_overlayer_lowered:
.L_overlay_start_2:
0x35c: {  	(tag) =	ssettag $0x2  }
0x35d: {  	s0 =	rddreg [dreg:$0x0];
	s2 =	stileid.u32  }
0x35e: {  	s1 =	rddreg [dreg:$0x1];
	p0 =	sne.s32 s2, $0x0  }
0x35f: {  	s3 =	rddreg [dreg:$0x2];
	[bflag:$0x3] =	sbarrier.arrive $0xFFFF;
	s2 =	simm.s32 @!p0 $0x1C03  }
0x360: {  	[timem:s3], [sflag:s2] =	dma.local @!p0 [hbm:s0], s1  }
0x361: {  	s0 =	simm.s32 @!p0 $0x3  }
0x362: {  	_ =	swait.ge @!p0 [sflag:s0], s1  }
0x363: {  	s1 =	ssub.s32 @!p0 $0x0, s1;
	[sflag:s0] =	ssyncset.done @!p0 $0x0  }
0x364: {  	[sflag:s0] =	ssyncadd.s32 @!p0 s1  }
0x365: {  	[bflag:$0x3] =	sbarrier.arrive $0xFFFF  }
0x366: {  	_ =	shalt  }

</sc_bundles>
